<compile_context>
chip_gen: v7x
topology: tpu7x:2x2x1
jax: 0.10.2.dev20260603
libtpu: 0.0.44.dev20260713+nightly
codegen_flags: <defaults>
</compile_context>

<pallas_src>
import functools

import jax
import jax.numpy as jnp
from jax import lax
from jax.experimental import pallas as pl
from jax.experimental.pallas import tpu as pltpu
from jax.experimental.pallas import tpu_sc as plsc

N = 10000
E = 160000
IN = 128
HID = 16
H = 16
C = 16
OUT = 128
NB = 64
NEG = 0.1

NC = 2
NS = 16
NW = NC * NS
K = 128
NCHUNK = E // K
NPAD = 10240
ZR = NPAD // NS

RB = 1000
NRB = N // RB

_f32 = jnp.float32



def _enc_body(xb, w1, b1, w2, b2, ob):
    t = jnp.maximum(
        jnp.dot(xb[...], w1[...], preferred_element_type=_f32) + b1[...], 0.0)
    ob[...] = jnp.dot(t, w2[...], preferred_element_type=_f32) + b2[...]


def _encoder(hcat, w1t, b1, w2t, b2):
    kin = hcat.shape[1]
    return pl.pallas_call(
        _enc_body,
        grid=(NRB,),
        in_specs=[
            pl.BlockSpec((RB, kin), lambda i: (i, 0)),
            pl.BlockSpec((kin, HID), lambda i: (0, 0)),
            pl.BlockSpec((1, HID), lambda i: (0, 0)),
            pl.BlockSpec((HID, HID), lambda i: (0, 0)),
            pl.BlockSpec((1, HID), lambda i: (0, 0)),
        ],
        out_specs=pl.BlockSpec((RB, HID), lambda i: (i, 0)),
        out_shape=jax.ShapeDtypeStruct((N, HID), _f32),
    )(hcat, w1t, b1, w2t, b2)


def _pre_first_body(hb, wc, al, ar, xl_o, al_o, ar_o):
    xl = jnp.dot(hb[...], wc[...], preferred_element_type=_f32)
    xl_o[...] = xl
    al_o[...] = jnp.dot(xl, al[...], preferred_element_type=_f32)
    ar_o[...] = jnp.dot(xl, ar[...], preferred_element_type=_f32)


def _pre_next_body(p0b, p1b, wc, al, ar, xl_o, al_o, ar_o):
    h = jnp.maximum(p0b[...] + p1b[...], 0.0)
    xl = jnp.dot(h, wc[...], preferred_element_type=_f32)
    xl_o[...] = xl
    al_o[...] = jnp.dot(xl, al[...], preferred_element_type=_f32)
    ar_o[...] = jnp.dot(xl, ar[...], preferred_element_type=_f32)


def _pre_specs(n_h_inputs):
    in_specs = [pl.BlockSpec((RB, HID), lambda i: (i, 0))] * n_h_inputs + [
        pl.BlockSpec((HID, H * C), lambda i: (0, 0)),
        pl.BlockSpec((H * C, H), lambda i: (0, 0)),
        pl.BlockSpec((H * C, H), lambda i: (0, 0)),
    ]
    out_specs = [
        pl.BlockSpec((RB, H * C), lambda i: (i, 0)),
        pl.BlockSpec((RB, H), lambda i: (i, 0)),
        pl.BlockSpec((RB, H), lambda i: (i, 0)),
    ]
    out_shape = [
        jax.ShapeDtypeStruct((N, H * C), _f32),
        jax.ShapeDtypeStruct((N, H), _f32),
        jax.ShapeDtypeStruct((N, H), _f32),
    ]
    return in_specs, out_specs, out_shape


def _pre_first(h, wct, almat, armat):
    ins, outs, oshape = _pre_specs(1)
    return pl.pallas_call(
        _pre_first_body, grid=(NRB,), in_specs=ins, out_specs=outs,
        out_shape=oshape)(h, wct, almat, armat)


def _pre_next(p0, p1, wct, almat, armat):
    ins, outs, oshape = _pre_specs(2)
    return pl.pallas_call(
        _pre_next_body, grid=(NRB,), in_specs=ins, out_specs=outs,
        out_shape=oshape)(p0, p1, wct, almat, armat)


def _dec_body(p0b, p1b, bb, w1, b1, w2, b2, ob):
    i = pl.program_id(0)
    h = jnp.maximum(p0b[...] + p1b[...], 0.0)
    t = jnp.maximum(
        jnp.dot(h, w1[...], preferred_element_type=_f32) + b1[...], 0.0)
    y = jnp.dot(t, w2[...], preferred_element_type=_f32) + b2[...]
    bidx = bb[0]
    oh = (lax.broadcasted_iota(jnp.int32, (NB, RB), 0) == bidx).astype(_f32)
    contrib = jnp.dot(oh, y, preferred_element_type=_f32)

    @pl.when(i == 0)
    def _():
        ob[...] = contrib

    @pl.when(i > 0)
    def _():
        ob[...] = ob[...] + contrib


def _decoder(p0, p1, batch3, w1t, b1, w2t, b2):
    return pl.pallas_call(
        _dec_body,
        grid=(NRB,),
        in_specs=[
            pl.BlockSpec((RB, HID), lambda i: (i, 0)),
            pl.BlockSpec((RB, HID), lambda i: (i, 0)),
            pl.BlockSpec((1, 1, RB), lambda i: (i, 0, 0)),
            pl.BlockSpec((HID, HID // 2), lambda i: (0, 0)),
            pl.BlockSpec((1, HID // 2), lambda i: (0, 0)),
            pl.BlockSpec((HID // 2, OUT), lambda i: (0, 0)),
            pl.BlockSpec((1, OUT), lambda i: (0, 0)),
        ],
        out_specs=pl.BlockSpec((NB, OUT), lambda i: (0, 0)),
        out_shape=jax.ShapeDtypeStruct((NB, OUT), _f32),
        compiler_params=pltpu.CompilerParams(
            dimension_semantics=("arbitrary",)),
    )(p0, p1, batch3, w1t, b1, w2t, b2)



_MESH = plsc.VectorSubcoreMesh(core_axis_name="c", subcore_axis_name="s")


@functools.partial(
    pl.kernel,
    out_type=(
        jax.ShapeDtypeStruct((E, H), _f32),
        jax.ShapeDtypeStruct((NC, NPAD, H), _f32),
    ),
    mesh=_MESH,
    compiler_params=pltpu.CompilerParams(use_tc_tiling_on_sc=False),
    scratch_types=[
        pltpu.VMEM((K,), jnp.int32),
        pltpu.VMEM((K,), jnp.int32),
        pltpu.VMEM((K, H), _f32),
        pltpu.VMEM((K, H), _f32),
        pltpu.VMEM_SHARED((NPAD, H), _f32),
        pltpu.VMEM_SHARED((NPAD, H), _f32),
        pltpu.VMEM_SHARED((NPAD, H), _f32),
    ],
)
def _sc_pass_a(al_hbm, ar_hbm, src_hbm, dst_hbm, zeros_hbm,
               ex_hbm, den_hbm,
               idx_s, idx_d, abuf, ebuf, al_sh, ar_sh, den_sh):
    cid = lax.axis_index("c")
    sid = lax.axis_index("s")
    wid = sid * NC + cid
    stripe = pl.ds(sid * ZR, ZR)

    pltpu.sync_copy(al_hbm.at[stripe], al_sh.at[stripe])
    pltpu.sync_copy(ar_hbm.at[stripe], ar_sh.at[stripe])
    pltpu.sync_copy(zeros_hbm.at[stripe], den_sh.at[stripe])
    plsc.subcore_barrier()

    nch = NCHUNK // NW + jnp.where(wid < (NCHUNK % NW), 1, 0)

    def chunk(j, carry):
        base = (wid + NW * j) * K
        pltpu.sync_copy(src_hbm.at[pl.ds(base, K)], idx_s)
        pltpu.sync_copy(dst_hbm.at[pl.ds(base, K)], idx_d)
        pltpu.sync_copy(al_sh.at[idx_s], abuf)
        pltpu.sync_copy(ar_sh.at[idx_d], ebuf)

        @plsc.parallel_loop(0, K, unroll=8)
        def edge(e):
            v = abuf[e] + ebuf[e]
            v = jnp.maximum(v, v * NEG)
            ebuf[e] = jnp.exp(v)

        pltpu.sync_copy(ebuf, ex_hbm.at[pl.ds(base, K)])
        pltpu.sync_copy(ebuf, den_sh.at[idx_d], add=True)
        return carry

    lax.fori_loop(0, nch, chunk, 0)
    plsc.subcore_barrier()
    pltpu.sync_copy(den_sh.at[stripe], den_hbm.at[cid, stripe])


@functools.partial(
    pl.kernel,
    out_type=jax.ShapeDtypeStruct((NC, NPAD, C), _f32),
    mesh=_MESH,
    compiler_params=pltpu.CompilerParams(use_tc_tiling_on_sc=False),
    scratch_types=[
        pltpu.VMEM((K,), jnp.int32),
        pltpu.VMEM((K,), jnp.int32),
        pltpu.VMEM((K, H), _f32),
        pltpu.VMEM((K, H), _f32),
        pltpu.VMEM((K, H * C), _f32),
        pltpu.VMEM((K, C), _f32),
        pltpu.VMEM((ZR, H), _f32),
        pltpu.VMEM((ZR, H), _f32),
        pltpu.SemaphoreType.DMA,
        pltpu.VMEM_SHARED((NPAD, H), _f32),
        pltpu.VMEM_SHARED((NPAD, C), _f32),
    ],
)
def _sc_pass_b(xl_hbm, ex_hbm, den0_hbm, den1_hbm, src_hbm, dst_hbm,
               zeros_hbm, out_hbm,
               idx_s, idx_d, exbuf, dbuf, xlb, mb, v0, v1,
               sem1, den_sh, out_sh):
    cid = lax.axis_index("c")
    sid = lax.axis_index("s")
    wid = sid * NC + cid
    stripe = pl.ds(sid * ZR, ZR)

    pltpu.sync_copy(den0_hbm.at[stripe], v0)
    pltpu.sync_copy(den1_hbm.at[stripe], v1)

    @plsc.parallel_loop(0, ZR, unroll=8)
    def addrow(e):
        v0[e] = (1.0 / H) / (v0[e] + v1[e] + 1e-16)

    pltpu.sync_copy(v0, den_sh.at[stripe])
    pltpu.sync_copy(zeros_hbm.at[stripe], out_sh.at[stripe])
    plsc.subcore_barrier()

    nch = NCHUNK // NW + jnp.where(wid < (NCHUNK % NW), 1, 0)

    def chunk(j, carry):
        base = (wid + NW * j) * K
        pltpu.sync_copy(src_hbm.at[pl.ds(base, K)], idx_s)
        pltpu.sync_copy(dst_hbm.at[pl.ds(base, K)], idx_d)
        g1 = pltpu.async_copy(xl_hbm.at[idx_s], xlb, sem1)
        pltpu.sync_copy(ex_hbm.at[pl.ds(base, K)], exbuf)
        pltpu.sync_copy(den_sh.at[idx_d], dbuf)
        g1.wait()

        @plsc.parallel_loop(0, K, unroll=4)
        def edge(e):
            w = exbuf[e] * dbuf[e]
            acc = w[0] * xlb[e, pl.ds(0, C)]
            for h in range(1, H):
                acc = acc + w[h] * xlb[e, pl.ds(h * C, C)]
            mb[e] = acc

        pltpu.sync_copy(mb, out_sh.at[idx_d], add=True)
        return carry

    lax.fori_loop(0, nch, chunk, 0)
    plsc.subcore_barrier()
    pltpu.sync_copy(out_sh.at[stripe], out_hbm.at[cid, stripe])



def _alpha_mat(a):
    a2 = a.reshape(H, C)
    eye = jnp.eye(H, dtype=_f32)
    return (a2[:, :, None] * eye[:, None, :]).reshape(H * C, H)


def kernel(x, pos, edge_index, batch, W1, b1, W2, b2,
           Wc0, al0, ar0, Wc1, al1, ar1, Wc2, al2, ar2,
           Wl1, bl1, Wl2, bl2):
    src = edge_index[0]
    dst = edge_index[1]
    pad = jnp.zeros((N, 5), _f32)
    hcat = jnp.concatenate([x, pos, pad], axis=1)
    w1t = jnp.concatenate([W1.T, jnp.zeros((5, HID), _f32)], axis=0)
    h = _encoder(hcat, w1t, b1.reshape(1, -1), W2.T, b2.reshape(1, -1))

    zeros_nh = jnp.zeros((NPAD, H), _f32)
    zpad_h = jnp.zeros((NPAD - N, H), _f32)
    p0 = p1 = None
    for li, (Wc, al, ar) in enumerate(
            ((Wc0, al0, ar0), (Wc1, al1, ar1), (Wc2, al2, ar2))):
        almat = _alpha_mat(al)
        armat = _alpha_mat(ar)
        if li == 0:
            xl, a_l, a_r = _pre_first(h, Wc.T, almat, armat)
        else:
            xl, a_l, a_r = _pre_next(p0, p1, Wc.T, almat, armat)
        a_l = jnp.concatenate([a_l, zpad_h], axis=0)
        a_r = jnp.concatenate([a_r, zpad_h], axis=0)
        ex, den2 = _sc_pass_a(a_l, a_r, src, dst, zeros_nh)
        p01 = _sc_pass_b(xl, ex, den2[0], den2[1], src, dst, zeros_nh)
        p0, p1 = p01[0, :N], p01[1, :N]

    batch3 = batch.reshape(NRB, 1, RB)
    return _decoder(p0, p1, batch3, Wl1.T, bl1.reshape(1, -1),
                    Wl2.T, bl2.reshape(1, -1))

# --- scband reference (transcript-rebuilt; emitter-appended) ---
"""Pipeline reference for scband-gatnet-34995393528533 (READ-ONLY COPY).

The authoritative reference and input builder live on the scoring server;
editing this copy changes nothing except your own understanding.
"""

import jax, jax.numpy as jnp
import numpy as np

N = 10000
E = 160000
IN = 128
HID = 16
H = 16
C = 16
OUT = 128
NB = 64
NEG_SLOPE = 0.1


def setup_inputs(seed: int = 0) -> dict:
    key = jax.random.key(seed)
    ks = [jax.random.fold_in(key, i) for i in range(32)]
    x = jax.random.normal(ks[0], (N, IN), dtype=jnp.float32)
    pos = jax.random.normal(ks[1], (N, 3), dtype=jnp.float32)
    edge_index = jax.random.randint(ks[2], (2, E), 0, N, dtype=jnp.int32)
    batch = jnp.sort(jax.random.randint(ks[3], (N,), 0, NB, dtype=jnp.int32))

    def glorot(k, shape):
        fan_in = shape[-1]
        fan_out = int(np.prod(shape[:-1]))
        limit = float(np.sqrt(6.0 / (fan_in + fan_out)))
        return jax.random.uniform(k, shape, dtype=jnp.float32, minval=-limit, maxval=limit)

    inp = {
        'x': x, 'pos': pos, 'edge_index': edge_index, 'batch': batch,
        'W1': glorot(ks[4], (HID, IN + 3)), 'b1': jnp.zeros((HID,), jnp.float32),
        'W2': glorot(ks[5], (HID, HID)), 'b2': jnp.zeros((HID,), jnp.float32),
        'Wc0': glorot(ks[6], (H * C, HID)), 'al0': glorot(ks[7], (1, H, C)), 'ar0': glorot(ks[8], (1, H, C)),
        'Wc1': glorot(ks[9], (H * C, HID)), 'al1': glorot(ks[10], (1, H, C)), 'ar1': glorot(ks[11], (1, H, C)),
        'Wc2': glorot(ks[12], (H * C, HID)), 'al2': glorot(ks[13], (1, H, C)), 'ar2': glorot(ks[14], (1, H, C)),
        'Wl1': glorot(ks[15], (HID // 2, HID)), 'bl1': jnp.zeros((HID // 2,), jnp.float32),
        'Wl2': glorot(ks[16], (OUT, HID // 2)), 'bl2': jnp.zeros((OUT,), jnp.float32),
    }
    return inp


def _gat_conv(h, Wc, al, ar, src, dst):
    # lin_l == lin_r (shared), node_dim=0, aggr='add'
    xl = (h @ Wc.T).reshape(-1, H, C)  # [N, H, C]
    alpha_l = (xl * al).sum(axis=-1)   # [N, H]
    alpha_r = (xl * ar).sum(axis=-1)   # [N, H]
    alpha = alpha_l[src] + alpha_r[dst]          # [E, H] (alpha_j + alpha_i)
    alpha = jax.nn.leaky_relu(alpha, NEG_SLOPE)
    # segment softmax over destination index
    amax = jax.ops.segment_max(alpha, dst, num_segments=N)
    amax = jnp.where(jnp.isfinite(amax), amax, 0.0)
    ex = jnp.exp(alpha - amax[dst])
    den = jax.ops.segment_sum(ex, dst, num_segments=N)
    w = ex / (den[dst] + 1e-16)                  # [E, H]
    msg = xl[src] * w[:, :, None]                # [E, H, C]
    out = jax.ops.segment_sum(msg, dst, num_segments=N)  # [N, H, C]
    return out.mean(axis=1)                      # [N, C] (== hidden)


def reference(x, pos, edge_index, batch, W1, b1, W2, b2,
              Wc0, al0, ar0, Wc1, al1, ar1, Wc2, al2, ar2,
              Wl1, bl1, Wl2, bl2):
    src = edge_index[0]
    dst = edge_index[1]
    h = jnp.concatenate([x, pos], axis=1)
    h = jax.nn.relu(h @ W1.T + b1)
    h = h @ W2.T + b2
    for Wc, al, ar in ((Wc0, al0, ar0), (Wc1, al1, ar1), (Wc2, al2, ar2)):
        h = jax.nn.relu(_gat_conv(h, Wc, al, ar, src, dst))
    h = jax.nn.relu(h @ Wl1.T + bl1)
    h = h @ Wl2.T + bl2
    out = jax.ops.segment_sum(h, batch, num_segments=NB)  # readout='add'
    return out

if __name__ == "__main__":
    import jax
    _d = setup_inputs()
    print(jax.jit(kernel)(*tuple(_d.values())))

</pallas_src>

<mosaic_0001>
#map = affine_map<(d0, d1) -> (0, 0)>
#map1 = affine_map<(d0, d1) -> (0)>
#map2 = affine_map<(d0, d1) -> (0, 0, 0)>
module attributes {stable_mosaic.version = 14 : i64} {
  func.func @_sc_pass_a(%arg0: i32, %arg1: i32, %arg2: memref<10240x16xf32, #tpu.memory_space<hbm>>, %arg3: memref<10240x16xf32, #tpu.memory_space<hbm>>, %arg4: memref<160000xi32, #tpu.memory_space<hbm>>, %arg5: memref<160000xi32, #tpu.memory_space<hbm>>, %arg6: memref<10240x16xf32, #tpu.memory_space<hbm>>, %arg7: memref<160000x16xf32, #tpu.memory_space<hbm>>, %arg8: memref<2x10240x16xf32, #tpu.memory_space<hbm>>, %arg9: memref<128xi32, #tpu.memory_space<vmem>>, %arg10: memref<128xi32, #tpu.memory_space<vmem>>, %arg11: memref<128x16xf32, #tpu.memory_space<vmem>>, %arg12: memref<128x16xf32, #tpu.memory_space<vmem>>, %arg13: memref<10240x16xf32, #tpu.memory_space<vmem_shared>>, %arg14: memref<10240x16xf32, #tpu.memory_space<vmem_shared>>, %arg15: memref<10240x16xf32, #tpu.memory_space<vmem_shared>>) attributes {dimension_semantics = [#tpu.dimension_semantics<core_parallel>, #tpu.dimension_semantics<subcore_parallel>], iteration_bounds = array<i64: 2, 16>, scalar_prefetch = 0 : i64, scratch_operands = 7 : i64, tpu.core_type = #tpu.core_type<sc_vector_subcore>, window_params = [{transform_indices = #map}, {transform_indices = #map}, {transform_indices = #map1}, {transform_indices = #map1}, {transform_indices = #map}, {transform_indices = #map}, {transform_indices = #map2}]} {
    %mul3A = arith.constant 2 : i32
    %mul3A_0 = arith.muli %arg1, %mul3A : i32
    %add3A = arith.addi %mul3A_0, %arg0 : i32
    %mul3A_1 = arith.constant 640 : i32
    %mul3A_2 = arith.muli %arg1, %mul3A_1 : i32
    "tpu.region"() ({
      %run_scoped3A = tpu.sem_alloc : memref<!tpu.dma_semaphore, #tpu.memory_space<semaphore_mem>>
      %dma_start3A = arith.constant 0 : i32
      %dma_start3A_17 = tpu.memref_slice %arg13[%mul3A_2, %dma_start3A] : memref<10240x16xf32, #tpu.memory_space<vmem_shared>> -> memref<640x16xf32, #tpu.memory_space<vmem_shared>>
      %dma_start3A_18 = arith.constant 0 : i32
      %dma_start3A_19 = tpu.memref_slice %arg2[%mul3A_2, %dma_start3A_18] : memref<10240x16xf32, #tpu.memory_space<hbm>> -> memref<640x16xf32, #tpu.memory_space<hbm>>
      tpu.enqueue_dma source(%dma_start3A_19 : memref<640x16xf32, #tpu.memory_space<hbm>>) target(%dma_start3A_17 : memref<640x16xf32, #tpu.memory_space<vmem_shared>>) target_semaphore(%run_scoped3A : memref<!tpu.dma_semaphore, #tpu.memory_space<semaphore_mem>>)
      %dma_wait3A = arith.constant 0 : i32
      %dma_wait3A_20 = tpu.memref_slice %arg13[%mul3A_2, %dma_wait3A] : memref<10240x16xf32, #tpu.memory_space<vmem_shared>> -> memref<640x16xf32, #tpu.memory_space<vmem_shared>>
      %dma_wait3A_21 = arith.constant 0 : i32
      %dma_wait3A_22 = tpu.memref_slice %arg2[%mul3A_2, %dma_wait3A_21] : memref<10240x16xf32, #tpu.memory_space<hbm>> -> memref<640x16xf32, #tpu.memory_space<hbm>>
      tpu.wait_dma2 semaphore(%run_scoped3A : memref<!tpu.dma_semaphore, #tpu.memory_space<semaphore_mem>>) src(%dma_wait3A_22 : memref<640x16xf32, #tpu.memory_space<hbm>>) dst(%dma_wait3A_20 : memref<640x16xf32, #tpu.memory_space<vmem_shared>>)
      tpu.yield
    }) : () -> ()
    "tpu.region"() ({
      %run_scoped3A = tpu.sem_alloc : memref<!tpu.dma_semaphore, #tpu.memory_space<semaphore_mem>>
      %dma_start3A = arith.constant 0 : i32
      %dma_start3A_17 = tpu.memref_slice %arg14[%mul3A_2, %dma_start3A] : memref<10240x16xf32, #tpu.memory_space<vmem_shared>> -> memref<640x16xf32, #tpu.memory_space<vmem_shared>>
      %dma_start3A_18 = arith.constant 0 : i32
      %dma_start3A_19 = tpu.memref_slice %arg3[%mul3A_2, %dma_start3A_18] : memref<10240x16xf32, #tpu.memory_space<hbm>> -> memref<640x16xf32, #tpu.memory_space<hbm>>
      tpu.enqueue_dma source(%dma_start3A_19 : memref<640x16xf32, #tpu.memory_space<hbm>>) target(%dma_start3A_17 : memref<640x16xf32, #tpu.memory_space<vmem_shared>>) target_semaphore(%run_scoped3A : memref<!tpu.dma_semaphore, #tpu.memory_space<semaphore_mem>>)
      %dma_wait3A = arith.constant 0 : i32
      %dma_wait3A_20 = tpu.memref_slice %arg14[%mul3A_2, %dma_wait3A] : memref<10240x16xf32, #tpu.memory_space<vmem_shared>> -> memref<640x16xf32, #tpu.memory_space<vmem_shared>>
      %dma_wait3A_21 = arith.constant 0 : i32
      %dma_wait3A_22 = tpu.memref_slice %arg3[%mul3A_2, %dma_wait3A_21] : memref<10240x16xf32, #tpu.memory_space<hbm>> -> memref<640x16xf32, #tpu.memory_space<hbm>>
      tpu.wait_dma2 semaphore(%run_scoped3A : memref<!tpu.dma_semaphore, #tpu.memory_space<semaphore_mem>>) src(%dma_wait3A_22 : memref<640x16xf32, #tpu.memory_space<hbm>>) dst(%dma_wait3A_20 : memref<640x16xf32, #tpu.memory_space<vmem_shared>>)
      tpu.yield
    }) : () -> ()
    "tpu.region"() ({
      %run_scoped3A = tpu.sem_alloc : memref<!tpu.dma_semaphore, #tpu.memory_space<semaphore_mem>>
      %dma_start3A = arith.constant 0 : i32
      %dma_start3A_17 = tpu.memref_slice %arg15[%mul3A_2, %dma_start3A] : memref<10240x16xf32, #tpu.memory_space<vmem_shared>> -> memref<640x16xf32, #tpu.memory_space<vmem_shared>>
      %dma_start3A_18 = arith.constant 0 : i32
      %dma_start3A_19 = tpu.memref_slice %arg6[%mul3A_2, %dma_start3A_18] : memref<10240x16xf32, #tpu.memory_space<hbm>> -> memref<640x16xf32, #tpu.memory_space<hbm>>
      tpu.enqueue_dma source(%dma_start3A_19 : memref<640x16xf32, #tpu.memory_space<hbm>>) target(%dma_start3A_17 : memref<640x16xf32, #tpu.memory_space<vmem_shared>>) target_semaphore(%run_scoped3A : memref<!tpu.dma_semaphore, #tpu.memory_space<semaphore_mem>>)
      %dma_wait3A = arith.constant 0 : i32
      %dma_wait3A_20 = tpu.memref_slice %arg15[%mul3A_2, %dma_wait3A] : memref<10240x16xf32, #tpu.memory_space<vmem_shared>> -> memref<640x16xf32, #tpu.memory_space<vmem_shared>>
      %dma_wait3A_21 = arith.constant 0 : i32
      %dma_wait3A_22 = tpu.memref_slice %arg6[%mul3A_2, %dma_wait3A_21] : memref<10240x16xf32, #tpu.memory_space<hbm>> -> memref<640x16xf32, #tpu.memory_space<hbm>>
      tpu.wait_dma2 semaphore(%run_scoped3A : memref<!tpu.dma_semaphore, #tpu.memory_space<semaphore_mem>>) src(%dma_wait3A_22 : memref<640x16xf32, #tpu.memory_space<hbm>>) dst(%dma_wait3A_20 : memref<640x16xf32, #tpu.memory_space<vmem_shared>>)
      tpu.yield
    }) : () -> ()
    %barrier3A = arith.constant 0 : index
    tpu.barrier barrier_id(%barrier3A)
    %lt3A = arith.constant 2 : i32
    %lt3A_3 = arith.cmpi slt, %add3A, %lt3A : i32
    %jit3A = arith.constant 1 : i32
    %jit3A_4 = arith.constant 0 : i32
    %select_n3A = arith.select %lt3A_3, %jit3A, %jit3A_4 : i32
    %add3A_5 = arith.constant 39 : i32
    %add3A_6 = arith.addi %add3A_5, %select_n3A : i32
    %while3A = arith.constant 0 : i32
    %while3A_7 = arith.constant 0 : i32
    %while3A_8 = arith.subi %add3A_6, %while3A_7 : i32
    %while3A_9 = arith.addi %while3A_7, %while3A_8 : i32
    %while3A_10 = arith.constant 1 : i32
    %while3A_11 = arith.divsi %while3A_8, %while3A_10 : i32
    %while3A_12 = arith.muli %while3A_11, %while3A_10 : i32
    %while3A_13 = arith.addi %while3A_7, %while3A_12 : i32
    %while3A_14 = arith.constant 1 : i32
    scf.for %while3A_17 = %while3A_7 to %while3A_13 step %while3A_14  : i32 {
      %mul3A_18 = arith.constant 32 : i32
      %mul3A_19 = arith.muli %mul3A_18, %while3A_17 : i32
      %add3A_20 = arith.addi %add3A, %mul3A_19 : i32
      %mul3A_21 = arith.constant 128 : i32
      %mul3A_22 = arith.muli %add3A_20, %mul3A_21 : i32
      "tpu.region"() ({
        %run_scoped3A = tpu.sem_alloc : memref<!tpu.dma_semaphore, #tpu.memory_space<semaphore_mem>>
        %dma_start3A = tpu.memref_slice %arg4[%mul3A_22] : memref<160000xi32, #tpu.memory_space<hbm>> -> memref<128xi32, #tpu.memory_space<hbm>>
        %dma_start3A_25 = tpu.memref_slice %arg4[%mul3A_22] : memref<160000xi32, #tpu.memory_space<hbm>> -> memref<128xi32, #tpu.memory_space<hbm>>
        tpu.enqueue_dma source(%dma_start3A_25 : memref<128xi32, #tpu.memory_space<hbm>>) target(%arg9 : memref<128xi32, #tpu.memory_space<vmem>>) target_semaphore(%run_scoped3A : memref<!tpu.dma_semaphore, #tpu.memory_space<semaphore_mem>>)
        %dma_wait3A = tpu.memref_slice %arg4[%mul3A_22] : memref<160000xi32, #tpu.memory_space<hbm>> -> memref<128xi32, #tpu.memory_space<hbm>>
        %dma_wait3A_26 = tpu.memref_slice %arg4[%mul3A_22] : memref<160000xi32, #tpu.memory_space<hbm>> -> memref<128xi32, #tpu.memory_space<hbm>>
        tpu.wait_dma2 semaphore(%run_scoped3A : memref<!tpu.dma_semaphore, #tpu.memory_space<semaphore_mem>>) src(%dma_wait3A_26 : memref<128xi32, #tpu.memory_space<hbm>>) dst(%arg9 : memref<128xi32, #tpu.memory_space<vmem>>)
        tpu.yield
      }) : () -> ()
      "tpu.region"() ({
        %run_scoped3A = tpu.sem_alloc : memref<!tpu.dma_semaphore, #tpu.memory_space<semaphore_mem>>
        %dma_start3A = tpu.memref_slice %arg5[%mul3A_22] : memref<160000xi32, #tpu.memory_space<hbm>> -> memref<128xi32, #tpu.memory_space<hbm>>
        %dma_start3A_25 = tpu.memref_slice %arg5[%mul3A_22] : memref<160000xi32, #tpu.memory_space<hbm>> -> memref<128xi32, #tpu.memory_space<hbm>>
        tpu.enqueue_dma source(%dma_start3A_25 : memref<128xi32, #tpu.memory_space<hbm>>) target(%arg10 : memref<128xi32, #tpu.memory_space<vmem>>) target_semaphore(%run_scoped3A : memref<!tpu.dma_semaphore, #tpu.memory_space<semaphore_mem>>)
        %dma_wait3A = tpu.memref_slice %arg5[%mul3A_22] : memref<160000xi32, #tpu.memory_space<hbm>> -> memref<128xi32, #tpu.memory_space<hbm>>
        %dma_wait3A_26 = tpu.memref_slice %arg5[%mul3A_22] : memref<160000xi32, #tpu.memory_space<hbm>> -> memref<128xi32, #tpu.memory_space<hbm>>
        tpu.wait_dma2 semaphore(%run_scoped3A : memref<!tpu.dma_semaphore, #tpu.memory_space<semaphore_mem>>) src(%dma_wait3A_26 : memref<128xi32, #tpu.memory_space<hbm>>) dst(%arg10 : memref<128xi32, #tpu.memory_space<vmem>>)
        tpu.yield
      }) : () -> ()
      "tpu.region"() ({
        %run_scoped3A = tpu.sem_alloc : memref<!tpu.dma_semaphore, #tpu.memory_space<semaphore_mem>>
        %dma_start3A = arith.constant 0 : i32
        %dma_start3A_25 = arith.constant 0 : i32
        %dma_start3A_26 = tpu.memref_slice %arg13[%dma_start3A, %dma_start3A_25] : memref<10240x16xf32, #tpu.memory_space<vmem_shared>> -> memref<10240x16xf32, #tpu.memory_space<vmem_shared>>
        tpu.enqueue_indirect_dma source(%dma_start3A_26 : memref<10240x16xf32, #tpu.memory_space<vmem_shared>>) target(%arg11 : memref<128x16xf32, #tpu.memory_space<vmem>>) offsets(%arg9 : memref<128xi32, #tpu.memory_space<vmem>>) semaphore(%run_scoped3A : memref<!tpu.dma_semaphore, #tpu.memory_space<semaphore_mem>>)
        %dma_wait3A = arith.constant 0 : i32
        %dma_wait3A_27 = arith.constant 0 : i32
        %dma_wait3A_28 = tpu.memref_slice %arg13[%dma_wait3A, %dma_wait3A_27] : memref<10240x16xf32, #tpu.memory_space<vmem_shared>> -> memref<10240x16xf32, #tpu.memory_space<vmem_shared>>
        tpu.wait_indirect_dma semaphore(%run_scoped3A : memref<!tpu.dma_semaphore, #tpu.memory_space<semaphore_mem>>) src(%dma_wait3A_28 : memref<10240x16xf32, #tpu.memory_space<vmem_shared>>) dst(%arg11 : memref<128x16xf32, #tpu.memory_space<vmem>>)
        tpu.yield
      }) : () -> ()
      "tpu.region"() ({
        %run_scoped3A = tpu.sem_alloc : memref<!tpu.dma_semaphore, #tpu.memory_space<semaphore_mem>>
        %dma_start3A = arith.constant 0 : i32
        %dma_start3A_25 = arith.constant 0 : i32
        %dma_start3A_26 = tpu.memref_slice %arg14[%dma_start3A, %dma_start3A_25] : memref<10240x16xf32, #tpu.memory_space<vmem_shared>> -> memref<10240x16xf32, #tpu.memory_space<vmem_shared>>
        tpu.enqueue_indirect_dma source(%dma_start3A_26 : memref<10240x16xf32, #tpu.memory_space<vmem_shared>>) target(%arg12 : memref<128x16xf32, #tpu.memory_space<vmem>>) offsets(%arg10 : memref<128xi32, #tpu.memory_space<vmem>>) semaphore(%run_scoped3A : memref<!tpu.dma_semaphore, #tpu.memory_space<semaphore_mem>>)
        %dma_wait3A = arith.constant 0 : i32
        %dma_wait3A_27 = arith.constant 0 : i32
        %dma_wait3A_28 = tpu.memref_slice %arg14[%dma_wait3A, %dma_wait3A_27] : memref<10240x16xf32, #tpu.memory_space<vmem_shared>> -> memref<10240x16xf32, #tpu.memory_space<vmem_shared>>
        tpu.wait_indirect_dma semaphore(%run_scoped3A : memref<!tpu.dma_semaphore, #tpu.memory_space<semaphore_mem>>) src(%dma_wait3A_28 : memref<10240x16xf32, #tpu.memory_space<vmem_shared>>) dst(%arg12 : memref<128x16xf32, #tpu.memory_space<vmem>>)
        tpu.yield
      }) : () -> ()
      %parallel_loop3A = arith.constant 0 : i32
      %parallel_loop3A_23 = arith.constant 128 : i32
      %parallel_loop3A_24 = arith.constant 1 : i32
      scf.for %parallel_loop3A_25 = %parallel_loop3A to %parallel_loop3A_23 step %parallel_loop3A_24  : i32 {
        %parallel_loop3A_26 = arith.index_cast %parallel_loop3A_25 : i32 to index
        %parallel_loop3A_27 = arith.constant 0 : index
        %parallel_loop3A_28 = tpu.vector_load %arg11[%parallel_loop3A_26, %parallel_loop3A_27] {strides = array<i32>} : memref<128x16xf32, #tpu.memory_space<vmem>>, vector<1x16xf32>,
        %parallel_loop3A_29 = vector.shape_cast %parallel_loop3A_28 : vector<1x16xf32> to vector<16xf32>
        %parallel_loop3A_30 = arith.index_cast %parallel_loop3A_25 : i32 to index
        %parallel_loop3A_31 = arith.constant 0 : index
        %parallel_loop3A_32 = tpu.vector_load %arg12[%parallel_loop3A_30, %parallel_loop3A_31] {strides = array<i32>} : memref<128x16xf32, #tpu.memory_space<vmem>>, vector<1x16xf32>,
        %parallel_loop3A_33 = vector.shape_cast %parallel_loop3A_32 : vector<1x16xf32> to vector<16xf32>
        %parallel_loop3A_34 = arith.addf %parallel_loop3A_29, %parallel_loop3A_33 : vector<16xf32>
        %parallel_loop3A_35 = arith.constant 1.000000e-01 : f32
        %parallel_loop3A_36 = vector.broadcast %parallel_loop3A_35 : f32 to vector<16xf32>
        %parallel_loop3A_37 = arith.mulf %parallel_loop3A_34, %parallel_loop3A_36 : vector<16xf32>
        %parallel_loop3A_38 = arith.maximumf %parallel_loop3A_34, %parallel_loop3A_37 : vector<16xf32>
        %parallel_loop3A_39 = math.exp %parallel_loop3A_38 : vector<16xf32>
        %parallel_loop3A_40 = arith.index_cast %parallel_loop3A_25 : i32 to index
        %parallel_loop3A_41 = arith.constant 0 : index
        %parallel_loop3A_42 = tpu.vector_load %arg12[%parallel_loop3A_40, %parallel_loop3A_41] {strides = array<i32>} : memref<128x16xf32, #tpu.memory_space<vmem>>, vector<1x16xf32>,
        %parallel_loop3A_43 = vector.shape_cast %parallel_loop3A_42 : vector<1x16xf32> to vector<16xf32>
        %parallel_loop3A_44 = vector.shape_cast %parallel_loop3A_39 : vector<16xf32> to vector<1x16xf32>
        tpu.vector_store %arg12[%parallel_loop3A_40, %parallel_loop3A_41], %parallel_loop3A_44 {strides = array<i32>} : memref<128x16xf32, #tpu.memory_space<vmem>>, vector<1x16xf32>,
      } {sc.loop_unroll_factor = 8 : i64, sc.parallel_access}
      "tpu.region"() ({
        %run_scoped3A = tpu.sem_alloc : memref<!tpu.dma_semaphore, #tpu.memory_space<semaphore_mem>>
        %dma_start3A = arith.constant 0 : i32
        %dma_start3A_25 = tpu.memref_slice %arg7[%mul3A_22, %dma_start3A] : memref<160000x16xf32, #tpu.memory_space<hbm>> -> memref<128x16xf32, #tpu.memory_space<hbm>>
        %dma_start3A_26 = arith.constant 0 : i32
        %dma_start3A_27 = tpu.memref_slice %arg7[%mul3A_22, %dma_start3A_26] : memref<160000x16xf32, #tpu.memory_space<hbm>> -> memref<128x16xf32, #tpu.memory_space<hbm>>
        tpu.enqueue_dma source(%arg12 : memref<128x16xf32, #tpu.memory_space<vmem>>) target(%dma_start3A_27 : memref<128x16xf32, #tpu.memory_space<hbm>>) target_semaphore(%run_scoped3A : memref<!tpu.dma_semaphore, #tpu.memory_space<semaphore_mem>>)
        %dma_wait3A = arith.constant 0 : i32
        %dma_wait3A_28 = tpu.memref_slice %arg7[%mul3A_22, %dma_wait3A] : memref<160000x16xf32, #tpu.memory_space<hbm>> -> memref<128x16xf32, #tpu.memory_space<hbm>>
        %dma_wait3A_29 = arith.constant 0 : i32
        %dma_wait3A_30 = tpu.memref_slice %arg7[%mul3A_22, %dma_wait3A_29] : memref<160000x16xf32, #tpu.memory_space<hbm>> -> memref<128x16xf32, #tpu.memory_space<hbm>>
        tpu.wait_dma2 semaphore(%run_scoped3A : memref<!tpu.dma_semaphore, #tpu.memory_space<semaphore_mem>>) src(%arg12 : memref<128x16xf32, #tpu.memory_space<vmem>>) dst(%dma_wait3A_30 : memref<128x16xf32, #tpu.memory_space<hbm>>)
        tpu.yield
      }) : () -> ()
      "tpu.region"() ({
        %run_scoped3A = tpu.sem_alloc : memref<!tpu.dma_semaphore, #tpu.memory_space<semaphore_mem>>
        %dma_start3A = arith.constant 0 : i32
        %dma_start3A_25 = arith.constant 0 : i32
        %dma_start3A_26 = tpu.memref_slice %arg15[%dma_start3A, %dma_start3A_25] : memref<10240x16xf32, #tpu.memory_space<vmem_shared>> -> memref<10240x16xf32, #tpu.memory_space<vmem_shared>>
        tpu.enqueue_indirect_dma source(%arg12 : memref<128x16xf32, #tpu.memory_space<vmem>>) target(%dma_start3A_26 : memref<10240x16xf32, #tpu.memory_space<vmem_shared>>) offsets(%arg10 : memref<128xi32, #tpu.memory_space<vmem>>) semaphore(%run_scoped3A : memref<!tpu.dma_semaphore, #tpu.memory_space<semaphore_mem>>) {add = true}
        %dma_wait3A = arith.constant 0 : i32
        %dma_wait3A_27 = arith.constant 0 : i32
        %dma_wait3A_28 = tpu.memref_slice %arg15[%dma_wait3A, %dma_wait3A_27] : memref<10240x16xf32, #tpu.memory_space<vmem_shared>> -> memref<10240x16xf32, #tpu.memory_space<vmem_shared>>
        tpu.wait_indirect_dma semaphore(%run_scoped3A : memref<!tpu.dma_semaphore, #tpu.memory_space<semaphore_mem>>) src(%arg12 : memref<128x16xf32, #tpu.memory_space<vmem>>) dst(%dma_wait3A_28 : memref<10240x16xf32, #tpu.memory_space<vmem_shared>>)
        tpu.yield
      }) : () -> ()
    }
    %while3A_15 = arith.constant 1 : i32
    scf.for %while3A_17 = %while3A_13 to %while3A_9 step %while3A_15  : i32 {
      %mul3A_18 = arith.constant 32 : i32
      %mul3A_19 = arith.muli %mul3A_18, %while3A_17 : i32
      %add3A_20 = arith.addi %add3A, %mul3A_19 : i32
      %mul3A_21 = arith.constant 128 : i32
      %mul3A_22 = arith.muli %add3A_20, %mul3A_21 : i32
      "tpu.region"() ({
        %run_scoped3A = tpu.sem_alloc : memref<!tpu.dma_semaphore, #tpu.memory_space<semaphore_mem>>
        %dma_start3A = tpu.memref_slice %arg4[%mul3A_22] : memref<160000xi32, #tpu.memory_space<hbm>> -> memref<128xi32, #tpu.memory_space<hbm>>
        %dma_start3A_25 = tpu.memref_slice %arg4[%mul3A_22] : memref<160000xi32, #tpu.memory_space<hbm>> -> memref<128xi32, #tpu.memory_space<hbm>>
        tpu.enqueue_dma source(%dma_start3A_25 : memref<128xi32, #tpu.memory_space<hbm>>) target(%arg9 : memref<128xi32, #tpu.memory_space<vmem>>) target_semaphore(%run_scoped3A : memref<!tpu.dma_semaphore, #tpu.memory_space<semaphore_mem>>)
        %dma_wait3A = tpu.memref_slice %arg4[%mul3A_22] : memref<160000xi32, #tpu.memory_space<hbm>> -> memref<128xi32, #tpu.memory_space<hbm>>
        %dma_wait3A_26 = tpu.memref_slice %arg4[%mul3A_22] : memref<160000xi32, #tpu.memory_space<hbm>> -> memref<128xi32, #tpu.memory_space<hbm>>
        tpu.wait_dma2 semaphore(%run_scoped3A : memref<!tpu.dma_semaphore, #tpu.memory_space<semaphore_mem>>) src(%dma_wait3A_26 : memref<128xi32, #tpu.memory_space<hbm>>) dst(%arg9 : memref<128xi32, #tpu.memory_space<vmem>>)
        tpu.yield
      }) : () -> ()
      "tpu.region"() ({
        %run_scoped3A = tpu.sem_alloc : memref<!tpu.dma_semaphore, #tpu.memory_space<semaphore_mem>>
        %dma_start3A = tpu.memref_slice %arg5[%mul3A_22] : memref<160000xi32, #tpu.memory_space<hbm>> -> memref<128xi32, #tpu.memory_space<hbm>>
        %dma_start3A_25 = tpu.memref_slice %arg5[%mul3A_22] : memref<160000xi32, #tpu.memory_space<hbm>> -> memref<128xi32, #tpu.memory_space<hbm>>
        tpu.enqueue_dma source(%dma_start3A_25 : memref<128xi32, #tpu.memory_space<hbm>>) target(%arg10 : memref<128xi32, #tpu.memory_space<vmem>>) target_semaphore(%run_scoped3A : memref<!tpu.dma_semaphore, #tpu.memory_space<semaphore_mem>>)
        %dma_wait3A = tpu.memref_slice %arg5[%mul3A_22] : memref<160000xi32, #tpu.memory_space<hbm>> -> memref<128xi32, #tpu.memory_space<hbm>>
        %dma_wait3A_26 = tpu.memref_slice %arg5[%mul3A_22] : memref<160000xi32, #tpu.memory_space<hbm>> -> memref<128xi32, #tpu.memory_space<hbm>>
        tpu.wait_dma2 semaphore(%run_scoped3A : memref<!tpu.dma_semaphore, #tpu.memory_space<semaphore_mem>>) src(%dma_wait3A_26 : memref<128xi32, #tpu.memory_space<hbm>>) dst(%arg10 : memref<128xi32, #tpu.memory_space<vmem>>)
        tpu.yield
      }) : () -> ()
      "tpu.region"() ({
        %run_scoped3A = tpu.sem_alloc : memref<!tpu.dma_semaphore, #tpu.memory_space<semaphore_mem>>
        %dma_start3A = arith.constant 0 : i32
        %dma_start3A_25 = arith.constant 0 : i32
        %dma_start3A_26 = tpu.memref_slice %arg13[%dma_start3A, %dma_start3A_25] : memref<10240x16xf32, #tpu.memory_space<vmem_shared>> -> memref<10240x16xf32, #tpu.memory_space<vmem_shared>>
        tpu.enqueue_indirect_dma source(%dma_start3A_26 : memref<10240x16xf32, #tpu.memory_space<vmem_shared>>) target(%arg11 : memref<128x16xf32, #tpu.memory_space<vmem>>) offsets(%arg9 : memref<128xi32, #tpu.memory_space<vmem>>) semaphore(%run_scoped3A : memref<!tpu.dma_semaphore, #tpu.memory_space<semaphore_mem>>)
        %dma_wait3A = arith.constant 0 : i32
        %dma_wait3A_27 = arith.constant 0 : i32
        %dma_wait3A_28 = tpu.memref_slice %arg13[%dma_wait3A, %dma_wait3A_27] : memref<10240x16xf32, #tpu.memory_space<vmem_shared>> -> memref<10240x16xf32, #tpu.memory_space<vmem_shared>>
        tpu.wait_indirect_dma semaphore(%run_scoped3A : memref<!tpu.dma_semaphore, #tpu.memory_space<semaphore_mem>>) src(%dma_wait3A_28 : memref<10240x16xf32, #tpu.memory_space<vmem_shared>>) dst(%arg11 : memref<128x16xf32, #tpu.memory_space<vmem>>)
        tpu.yield
      }) : () -> ()
      "tpu.region"() ({
        %run_scoped3A = tpu.sem_alloc : memref<!tpu.dma_semaphore, #tpu.memory_space<semaphore_mem>>
        %dma_start3A = arith.constant 0 : i32
        %dma_start3A_25 = arith.constant 0 : i32
        %dma_start3A_26 = tpu.memref_slice %arg14[%dma_start3A, %dma_start3A_25] : memref<10240x16xf32, #tpu.memory_space<vmem_shared>> -> memref<10240x16xf32, #tpu.memory_space<vmem_shared>>
        tpu.enqueue_indirect_dma source(%dma_start3A_26 : memref<10240x16xf32, #tpu.memory_space<vmem_shared>>) target(%arg12 : memref<128x16xf32, #tpu.memory_space<vmem>>) offsets(%arg10 : memref<128xi32, #tpu.memory_space<vmem>>) semaphore(%run_scoped3A : memref<!tpu.dma_semaphore, #tpu.memory_space<semaphore_mem>>)
        %dma_wait3A = arith.constant 0 : i32
        %dma_wait3A_27 = arith.constant 0 : i32
        %dma_wait3A_28 = tpu.memref_slice %arg14[%dma_wait3A, %dma_wait3A_27] : memref<10240x16xf32, #tpu.memory_space<vmem_shared>> -> memref<10240x16xf32, #tpu.memory_space<vmem_shared>>
        tpu.wait_indirect_dma semaphore(%run_scoped3A : memref<!tpu.dma_semaphore, #tpu.memory_space<semaphore_mem>>) src(%dma_wait3A_28 : memref<10240x16xf32, #tpu.memory_space<vmem_shared>>) dst(%arg12 : memref<128x16xf32, #tpu.memory_space<vmem>>)
        tpu.yield
      }) : () -> ()
      %parallel_loop3A = arith.constant 0 : i32
      %parallel_loop3A_23 = arith.constant 128 : i32
      %parallel_loop3A_24 = arith.constant 1 : i32
      scf.for %parallel_loop3A_25 = %parallel_loop3A to %parallel_loop3A_23 step %parallel_loop3A_24  : i32 {
        %parallel_loop3A_26 = arith.index_cast %parallel_loop3A_25 : i32 to index
        %parallel_loop3A_27 = arith.constant 0 : index
        %parallel_loop3A_28 = tpu.vector_load %arg11[%parallel_loop3A_26, %parallel_loop3A_27] {strides = array<i32>} : memref<128x16xf32, #tpu.memory_space<vmem>>, vector<1x16xf32>,
        %parallel_loop3A_29 = vector.shape_cast %parallel_loop3A_28 : vector<1x16xf32> to vector<16xf32>
        %parallel_loop3A_30 = arith.index_cast %parallel_loop3A_25 : i32 to index
        %parallel_loop3A_31 = arith.constant 0 : index
        %parallel_loop3A_32 = tpu.vector_load %arg12[%parallel_loop3A_30, %parallel_loop3A_31] {strides = array<i32>} : memref<128x16xf32, #tpu.memory_space<vmem>>, vector<1x16xf32>,
        %parallel_loop3A_33 = vector.shape_cast %parallel_loop3A_32 : vector<1x16xf32> to vector<16xf32>
        %parallel_loop3A_34 = arith.addf %parallel_loop3A_29, %parallel_loop3A_33 : vector<16xf32>
        %parallel_loop3A_35 = arith.constant 1.000000e-01 : f32
        %parallel_loop3A_36 = vector.broadcast %parallel_loop3A_35 : f32 to vector<16xf32>
        %parallel_loop3A_37 = arith.mulf %parallel_loop3A_34, %parallel_loop3A_36 : vector<16xf32>
        %parallel_loop3A_38 = arith.maximumf %parallel_loop3A_34, %parallel_loop3A_37 : vector<16xf32>
        %parallel_loop3A_39 = math.exp %parallel_loop3A_38 : vector<16xf32>
        %parallel_loop3A_40 = arith.index_cast %parallel_loop3A_25 : i32 to index
        %parallel_loop3A_41 = arith.constant 0 : index
        %parallel_loop3A_42 = tpu.vector_load %arg12[%parallel_loop3A_40, %parallel_loop3A_41] {strides = array<i32>} : memref<128x16xf32, #tpu.memory_space<vmem>>, vector<1x16xf32>,
        %parallel_loop3A_43 = vector.shape_cast %parallel_loop3A_42 : vector<1x16xf32> to vector<16xf32>
        %parallel_loop3A_44 = vector.shape_cast %parallel_loop3A_39 : vector<16xf32> to vector<1x16xf32>
        tpu.vector_store %arg12[%parallel_loop3A_40, %parallel_loop3A_41], %parallel_loop3A_44 {strides = array<i32>} : memref<128x16xf32, #tpu.memory_space<vmem>>, vector<1x16xf32>,
      } {sc.loop_unroll_factor = 8 : i64, sc.parallel_access}
      "tpu.region"() ({
        %run_scoped3A = tpu.sem_alloc : memref<!tpu.dma_semaphore, #tpu.memory_space<semaphore_mem>>
        %dma_start3A = arith.constant 0 : i32
        %dma_start3A_25 = tpu.memref_slice %arg7[%mul3A_22, %dma_start3A] : memref<160000x16xf32, #tpu.memory_space<hbm>> -> memref<128x16xf32, #tpu.memory_space<hbm>>
        %dma_start3A_26 = arith.constant 0 : i32
        %dma_start3A_27 = tpu.memref_slice %arg7[%mul3A_22, %dma_start3A_26] : memref<160000x16xf32, #tpu.memory_space<hbm>> -> memref<128x16xf32, #tpu.memory_space<hbm>>
        tpu.enqueue_dma source(%arg12 : memref<128x16xf32, #tpu.memory_space<vmem>>) target(%dma_start3A_27 : memref<128x16xf32, #tpu.memory_space<hbm>>) target_semaphore(%run_scoped3A : memref<!tpu.dma_semaphore, #tpu.memory_space<semaphore_mem>>)
        %dma_wait3A = arith.constant 0 : i32
        %dma_wait3A_28 = tpu.memref_slice %arg7[%mul3A_22, %dma_wait3A] : memref<160000x16xf32, #tpu.memory_space<hbm>> -> memref<128x16xf32, #tpu.memory_space<hbm>>
        %dma_wait3A_29 = arith.constant 0 : i32
        %dma_wait3A_30 = tpu.memref_slice %arg7[%mul3A_22, %dma_wait3A_29] : memref<160000x16xf32, #tpu.memory_space<hbm>> -> memref<128x16xf32, #tpu.memory_space<hbm>>
        tpu.wait_dma2 semaphore(%run_scoped3A : memref<!tpu.dma_semaphore, #tpu.memory_space<semaphore_mem>>) src(%arg12 : memref<128x16xf32, #tpu.memory_space<vmem>>) dst(%dma_wait3A_30 : memref<128x16xf32, #tpu.memory_space<hbm>>)
        tpu.yield
      }) : () -> ()
      "tpu.region"() ({
        %run_scoped3A = tpu.sem_alloc : memref<!tpu.dma_semaphore, #tpu.memory_space<semaphore_mem>>
        %dma_start3A = arith.constant 0 : i32
        %dma_start3A_25 = arith.constant 0 : i32
        %dma_start3A_26 = tpu.memref_slice %arg15[%dma_start3A, %dma_start3A_25] : memref<10240x16xf32, #tpu.memory_space<vmem_shared>> -> memref<10240x16xf32, #tpu.memory_space<vmem_shared>>
        tpu.enqueue_indirect_dma source(%arg12 : memref<128x16xf32, #tpu.memory_space<vmem>>) target(%dma_start3A_26 : memref<10240x16xf32, #tpu.memory_space<vmem_shared>>) offsets(%arg10 : memref<128xi32, #tpu.memory_space<vmem>>) semaphore(%run_scoped3A : memref<!tpu.dma_semaphore, #tpu.memory_space<semaphore_mem>>) {add = true}
        %dma_wait3A = arith.constant 0 : i32
        %dma_wait3A_27 = arith.constant 0 : i32
        %dma_wait3A_28 = tpu.memref_slice %arg15[%dma_wait3A, %dma_wait3A_27] : memref<10240x16xf32, #tpu.memory_space<vmem_shared>> -> memref<10240x16xf32, #tpu.memory_space<vmem_shared>>
        tpu.wait_indirect_dma semaphore(%run_scoped3A : memref<!tpu.dma_semaphore, #tpu.memory_space<semaphore_mem>>) src(%arg12 : memref<128x16xf32, #tpu.memory_space<vmem>>) dst(%dma_wait3A_28 : memref<10240x16xf32, #tpu.memory_space<vmem_shared>>)
        tpu.yield
      }) : () -> ()
    }
    %barrier3A_16 = arith.constant 0 : index
    tpu.barrier barrier_id(%barrier3A_16)
    "tpu.region"() ({
      %run_scoped3A = tpu.sem_alloc : memref<!tpu.dma_semaphore, #tpu.memory_space<semaphore_mem>>
      %dma_start3A = arith.constant 0 : i32
      %dma_start3A_17 = tpu.memref_slice %arg8[%arg0, %mul3A_2, %dma_start3A] : memref<2x10240x16xf32, #tpu.memory_space<hbm>> -> memref<1x640x16xf32, #tpu.memory_space<hbm>>
      %dma_start3A_18 = tpu.memref_squeeze %dma_start3A_17 : memref<1x640x16xf32, #tpu.memory_space<hbm>> -> memref<640x16xf32, #tpu.memory_space<hbm>>
      %dma_start3A_19 = arith.constant 0 : i32
      %dma_start3A_20 = tpu.memref_slice %arg15[%mul3A_2, %dma_start3A_19] : memref<10240x16xf32, #tpu.memory_space<vmem_shared>> -> memref<640x16xf32, #tpu.memory_space<vmem_shared>>
      tpu.enqueue_dma source(%dma_start3A_20 : memref<640x16xf32, #tpu.memory_space<vmem_shared>>) target(%dma_start3A_18 : memref<640x16xf32, #tpu.memory_space<hbm>>) target_semaphore(%run_scoped3A : memref<!tpu.dma_semaphore, #tpu.memory_space<semaphore_mem>>)
      %dma_wait3A = arith.constant 0 : i32
      %dma_wait3A_21 = tpu.memref_slice %arg8[%arg0, %mul3A_2, %dma_wait3A] : memref<2x10240x16xf32, #tpu.memory_space<hbm>> -> memref<1x640x16xf32, #tpu.memory_space<hbm>>
      %dma_wait3A_22 = tpu.memref_squeeze %dma_wait3A_21 : memref<1x640x16xf32, #tpu.memory_space<hbm>> -> memref<640x16xf32, #tpu.memory_space<hbm>>
      %dma_wait3A_23 = arith.constant 0 : i32
      %dma_wait3A_24 = tpu.memref_slice %arg15[%mul3A_2, %dma_wait3A_23] : memref<10240x16xf32, #tpu.memory_space<vmem_shared>> -> memref<640x16xf32, #tpu.memory_space<vmem_shared>>
      tpu.wait_dma2 semaphore(%run_scoped3A : memref<!tpu.dma_semaphore, #tpu.memory_space<semaphore_mem>>) src(%dma_wait3A_24 : memref<640x16xf32, #tpu.memory_space<vmem_shared>>) dst(%dma_wait3A_22 : memref<640x16xf32, #tpu.memory_space<hbm>>)
      tpu.yield
    }) : () -> ()
    return
  }
}

#map = affine_map<(d0, d1) -> (0, 0)>
#map1 = affine_map<(d0, d1) -> (0)>
#map2 = affine_map<(d0, d1) -> (0, 0, 0)>
module attributes {stable_mosaic.version = 14 : i64} {
  func.func @_sc_pass_b(%arg0: i32, %arg1: i32, %arg2: memref<10000x256xf32, #tpu.memory_space<hbm>>, %arg3: memref<160000x16xf32, #tpu.memory_space<hbm>>, %arg4: memref<10240x16xf32, #tpu.memory_space<hbm>>, %arg5: memref<10240x16xf32, #tpu.memory_space<hbm>>, %arg6: memref<160000xi32, #tpu.memory_space<hbm>>, %arg7: memref<160000xi32, #tpu.memory_space<hbm>>, %arg8: memref<10240x16xf32, #tpu.memory_space<hbm>>, %arg9: memref<2x10240x16xf32, #tpu.memory_space<hbm>>, %arg10: memref<128xi32, #tpu.memory_space<vmem>>, %arg11: memref<128xi32, #tpu.memory_space<vmem>>, %arg12: memref<128x16xf32, #tpu.memory_space<vmem>>, %arg13: memref<128x16xf32, #tpu.memory_space<vmem>>, %arg14: memref<128x256xf32, #tpu.memory_space<vmem>>, %arg15: memref<128x16xf32, #tpu.memory_space<vmem>>, %arg16: memref<640x16xf32, #tpu.memory_space<vmem>>, %arg17: memref<640x16xf32, #tpu.memory_space<vmem>>, %arg18: memref<!tpu.dma_semaphore, #tpu.memory_space<semaphore_mem>>, %arg19: memref<10240x16xf32, #tpu.memory_space<vmem_shared>>, %arg20: memref<10240x16xf32, #tpu.memory_space<vmem_shared>>) attributes {dimension_semantics = [#tpu.dimension_semantics<core_parallel>, #tpu.dimension_semantics<subcore_parallel>], iteration_bounds = array<i64: 2, 16>, scalar_prefetch = 0 : i64, scratch_operands = 11 : i64, tpu.core_type = #tpu.core_type<sc_vector_subcore>, window_params = [{transform_indices = #map}, {transform_indices = #map}, {transform_indices = #map}, {transform_indices = #map}, {transform_indices = #map1}, {transform_indices = #map1}, {transform_indices = #map}, {transform_indices = #map2}]} {
    %mul3A = arith.constant 2 : i32
    %mul3A_0 = arith.muli %arg1, %mul3A : i32
    %add3A = arith.addi %mul3A_0, %arg0 : i32
    %mul3A_1 = arith.constant 640 : i32
    %mul3A_2 = arith.muli %arg1, %mul3A_1 : i32
    "tpu.region"() ({
      %run_scoped3A = tpu.sem_alloc : memref<!tpu.dma_semaphore, #tpu.memory_space<semaphore_mem>>
      %dma_start3A = arith.constant 0 : i32
      %dma_start3A_19 = tpu.memref_slice %arg4[%mul3A_2, %dma_start3A] : memref<10240x16xf32, #tpu.memory_space<hbm>> -> memref<640x16xf32, #tpu.memory_space<hbm>>
      %dma_start3A_20 = arith.constant 0 : i32
      %dma_start3A_21 = tpu.memref_slice %arg4[%mul3A_2, %dma_start3A_20] : memref<10240x16xf32, #tpu.memory_space<hbm>> -> memref<640x16xf32, #tpu.memory_space<hbm>>
      tpu.enqueue_dma source(%dma_start3A_21 : memref<640x16xf32, #tpu.memory_space<hbm>>) target(%arg16 : memref<640x16xf32, #tpu.memory_space<vmem>>) target_semaphore(%run_scoped3A : memref<!tpu.dma_semaphore, #tpu.memory_space<semaphore_mem>>)
      %dma_wait3A = arith.constant 0 : i32
      %dma_wait3A_22 = tpu.memref_slice %arg4[%mul3A_2, %dma_wait3A] : memref<10240x16xf32, #tpu.memory_space<hbm>> -> memref<640x16xf32, #tpu.memory_space<hbm>>
      %dma_wait3A_23 = arith.constant 0 : i32
      %dma_wait3A_24 = tpu.memref_slice %arg4[%mul3A_2, %dma_wait3A_23] : memref<10240x16xf32, #tpu.memory_space<hbm>> -> memref<640x16xf32, #tpu.memory_space<hbm>>
      tpu.wait_dma2 semaphore(%run_scoped3A : memref<!tpu.dma_semaphore, #tpu.memory_space<semaphore_mem>>) src(%dma_wait3A_24 : memref<640x16xf32, #tpu.memory_space<hbm>>) dst(%arg16 : memref<640x16xf32, #tpu.memory_space<vmem>>)
      tpu.yield
    }) : () -> ()
    "tpu.region"() ({
      %run_scoped3A = tpu.sem_alloc : memref<!tpu.dma_semaphore, #tpu.memory_space<semaphore_mem>>
      %dma_start3A = arith.constant 0 : i32
      %dma_start3A_19 = tpu.memref_slice %arg5[%mul3A_2, %dma_start3A] : memref<10240x16xf32, #tpu.memory_space<hbm>> -> memref<640x16xf32, #tpu.memory_space<hbm>>
      %dma_start3A_20 = arith.constant 0 : i32
      %dma_start3A_21 = tpu.memref_slice %arg5[%mul3A_2, %dma_start3A_20] : memref<10240x16xf32, #tpu.memory_space<hbm>> -> memref<640x16xf32, #tpu.memory_space<hbm>>
      tpu.enqueue_dma source(%dma_start3A_21 : memref<640x16xf32, #tpu.memory_space<hbm>>) target(%arg17 : memref<640x16xf32, #tpu.memory_space<vmem>>) target_semaphore(%run_scoped3A : memref<!tpu.dma_semaphore, #tpu.memory_space<semaphore_mem>>)
      %dma_wait3A = arith.constant 0 : i32
      %dma_wait3A_22 = tpu.memref_slice %arg5[%mul3A_2, %dma_wait3A] : memref<10240x16xf32, #tpu.memory_space<hbm>> -> memref<640x16xf32, #tpu.memory_space<hbm>>
      %dma_wait3A_23 = arith.constant 0 : i32
      %dma_wait3A_24 = tpu.memref_slice %arg5[%mul3A_2, %dma_wait3A_23] : memref<10240x16xf32, #tpu.memory_space<hbm>> -> memref<640x16xf32, #tpu.memory_space<hbm>>
      tpu.wait_dma2 semaphore(%run_scoped3A : memref<!tpu.dma_semaphore, #tpu.memory_space<semaphore_mem>>) src(%dma_wait3A_24 : memref<640x16xf32, #tpu.memory_space<hbm>>) dst(%arg17 : memref<640x16xf32, #tpu.memory_space<vmem>>)
      tpu.yield
    }) : () -> ()
    %parallel_loop3A = arith.constant 0 : i32
    %parallel_loop3A_3 = arith.constant 640 : i32
    %parallel_loop3A_4 = arith.constant 1 : i32
    scf.for %parallel_loop3A_19 = %parallel_loop3A to %parallel_loop3A_3 step %parallel_loop3A_4  : i32 {
      %parallel_loop3A_20 = arith.index_cast %parallel_loop3A_19 : i32 to index
      %parallel_loop3A_21 = arith.constant 0 : index
      %parallel_loop3A_22 = tpu.vector_load %arg16[%parallel_loop3A_20, %parallel_loop3A_21] {strides = array<i32>} : memref<640x16xf32, #tpu.memory_space<vmem>>, vector<1x16xf32>,
      %parallel_loop3A_23 = vector.shape_cast %parallel_loop3A_22 : vector<1x16xf32> to vector<16xf32>
      %parallel_loop3A_24 = arith.index_cast %parallel_loop3A_19 : i32 to index
      %parallel_loop3A_25 = arith.constant 0 : index
      %parallel_loop3A_26 = tpu.vector_load %arg17[%parallel_loop3A_24, %parallel_loop3A_25] {strides = array<i32>} : memref<640x16xf32, #tpu.memory_space<vmem>>, vector<1x16xf32>,
      %parallel_loop3A_27 = vector.shape_cast %parallel_loop3A_26 : vector<1x16xf32> to vector<16xf32>
      %parallel_loop3A_28 = arith.addf %parallel_loop3A_23, %parallel_loop3A_27 : vector<16xf32>
      %parallel_loop3A_29 = arith.constant 1.000000e-16 : f32
      %parallel_loop3A_30 = vector.broadcast %parallel_loop3A_29 : f32 to vector<16xf32>
      %parallel_loop3A_31 = arith.addf %parallel_loop3A_28, %parallel_loop3A_30 : vector<16xf32>
      %parallel_loop3A_32 = arith.constant 6.250000e-02 : f32
      %parallel_loop3A_33 = vector.broadcast %parallel_loop3A_32 : f32 to vector<16xf32>
      %parallel_loop3A_34 = arith.divf %parallel_loop3A_33, %parallel_loop3A_31 : vector<16xf32>
      %parallel_loop3A_35 = arith.index_cast %parallel_loop3A_19 : i32 to index
      %parallel_loop3A_36 = arith.constant 0 : index
      %parallel_loop3A_37 = tpu.vector_load %arg16[%parallel_loop3A_35, %parallel_loop3A_36] {strides = array<i32>} : memref<640x16xf32, #tpu.memory_space<vmem>>, vector<1x16xf32>,
      %parallel_loop3A_38 = vector.shape_cast %parallel_loop3A_37 : vector<1x16xf32> to vector<16xf32>
      %parallel_loop3A_39 = vector.shape_cast %parallel_loop3A_34 : vector<16xf32> to vector<1x16xf32>
      tpu.vector_store %arg16[%parallel_loop3A_35, %parallel_loop3A_36], %parallel_loop3A_39 {strides = array<i32>} : memref<640x16xf32, #tpu.memory_space<vmem>>, vector<1x16xf32>,
    } {sc.loop_unroll_factor = 8 : i64, sc.parallel_access}
    "tpu.region"() ({
      %run_scoped3A = tpu.sem_alloc : memref<!tpu.dma_semaphore, #tpu.memory_space<semaphore_mem>>
      %dma_start3A = arith.constant 0 : i32
      %dma_start3A_19 = tpu.memref_slice %arg19[%mul3A_2, %dma_start3A] : memref<10240x16xf32, #tpu.memory_space<vmem_shared>> -> memref<640x16xf32, #tpu.memory_space<vmem_shared>>
      %dma_start3A_20 = arith.constant 0 : i32
      %dma_start3A_21 = tpu.memref_slice %arg19[%mul3A_2, %dma_start3A_20] : memref<10240x16xf32, #tpu.memory_space<vmem_shared>> -> memref<640x16xf32, #tpu.memory_space<vmem_shared>>
      tpu.enqueue_dma source(%arg16 : memref<640x16xf32, #tpu.memory_space<vmem>>) target(%dma_start3A_21 : memref<640x16xf32, #tpu.memory_space<vmem_shared>>) target_semaphore(%run_scoped3A : memref<!tpu.dma_semaphore, #tpu.memory_space<semaphore_mem>>)
      %dma_wait3A = arith.constant 0 : i32
      %dma_wait3A_22 = tpu.memref_slice %arg19[%mul3A_2, %dma_wait3A] : memref<10240x16xf32, #tpu.memory_space<vmem_shared>> -> memref<640x16xf32, #tpu.memory_space<vmem_shared>>
      %dma_wait3A_23 = arith.constant 0 : i32
      %dma_wait3A_24 = tpu.memref_slice %arg19[%mul3A_2, %dma_wait3A_23] : memref<10240x16xf32, #tpu.memory_space<vmem_shared>> -> memref<640x16xf32, #tpu.memory_space<vmem_shared>>
      tpu.wait_dma2 semaphore(%run_scoped3A : memref<!tpu.dma_semaphore, #tpu.memory_space<semaphore_mem>>) src(%arg16 : memref<640x16xf32, #tpu.memory_space<vmem>>) dst(%dma_wait3A_24 : memref<640x16xf32, #tpu.memory_space<vmem_shared>>)
      tpu.yield
    }) : () -> ()
    "tpu.region"() ({
      %run_scoped3A = tpu.sem_alloc : memref<!tpu.dma_semaphore, #tpu.memory_space<semaphore_mem>>
      %dma_start3A = arith.constant 0 : i32
      %dma_start3A_19 = tpu.memref_slice %arg20[%mul3A_2, %dma_start3A] : memref<10240x16xf32, #tpu.memory_space<vmem_shared>> -> memref<640x16xf32, #tpu.memory_space<vmem_shared>>
      %dma_start3A_20 = arith.constant 0 : i32
      %dma_start3A_21 = tpu.memref_slice %arg8[%mul3A_2, %dma_start3A_20] : memref<10240x16xf32, #tpu.memory_space<hbm>> -> memref<640x16xf32, #tpu.memory_space<hbm>>
      tpu.enqueue_dma source(%dma_start3A_21 : memref<640x16xf32, #tpu.memory_space<hbm>>) target(%dma_start3A_19 : memref<640x16xf32, #tpu.memory_space<vmem_shared>>) target_semaphore(%run_scoped3A : memref<!tpu.dma_semaphore, #tpu.memory_space<semaphore_mem>>)
      %dma_wait3A = arith.constant 0 : i32
      %dma_wait3A_22 = tpu.memref_slice %arg20[%mul3A_2, %dma_wait3A] : memref<10240x16xf32, #tpu.memory_space<vmem_shared>> -> memref<640x16xf32, #tpu.memory_space<vmem_shared>>
      %dma_wait3A_23 = arith.constant 0 : i32
      %dma_wait3A_24 = tpu.memref_slice %arg8[%mul3A_2, %dma_wait3A_23] : memref<10240x16xf32, #tpu.memory_space<hbm>> -> memref<640x16xf32, #tpu.memory_space<hbm>>
      tpu.wait_dma2 semaphore(%run_scoped3A : memref<!tpu.dma_semaphore, #tpu.memory_space<semaphore_mem>>) src(%dma_wait3A_24 : memref<640x16xf32, #tpu.memory_space<hbm>>) dst(%dma_wait3A_22 : memref<640x16xf32, #tpu.memory_space<vmem_shared>>)
      tpu.yield
    }) : () -> ()
    %barrier3A = arith.constant 0 : index
    tpu.barrier barrier_id(%barrier3A)
    %lt3A = arith.constant 2 : i32
    %lt3A_5 = arith.cmpi slt, %add3A, %lt3A : i32
    %jit3A = arith.constant 1 : i32
    %jit3A_6 = arith.constant 0 : i32
    %select_n3A = arith.select %lt3A_5, %jit3A, %jit3A_6 : i32
    %add3A_7 = arith.constant 39 : i32
    %add3A_8 = arith.addi %add3A_7, %select_n3A : i32
    %while3A = arith.constant 0 : i32
    %while3A_9 = arith.constant 0 : i32
    %while3A_10 = arith.subi %add3A_8, %while3A_9 : i32
    %while3A_11 = arith.addi %while3A_9, %while3A_10 : i32
    %while3A_12 = arith.constant 1 : i32
    %while3A_13 = arith.divsi %while3A_10, %while3A_12 : i32
    %while3A_14 = arith.muli %while3A_13, %while3A_12 : i32
    %while3A_15 = arith.addi %while3A_9, %while3A_14 : i32
    %while3A_16 = arith.constant 1 : i32
    scf.for %while3A_19 = %while3A_9 to %while3A_15 step %while3A_16  : i32 {
      %mul3A_20 = arith.constant 32 : i32
      %mul3A_21 = arith.muli %mul3A_20, %while3A_19 : i32
      %add3A_22 = arith.addi %add3A, %mul3A_21 : i32
      %mul3A_23 = arith.constant 128 : i32
      %mul3A_24 = arith.muli %add3A_22, %mul3A_23 : i32
      "tpu.region"() ({
        %run_scoped3A = tpu.sem_alloc : memref<!tpu.dma_semaphore, #tpu.memory_space<semaphore_mem>>
        %dma_start3A_32 = tpu.memref_slice %arg6[%mul3A_24] : memref<160000xi32, #tpu.memory_space<hbm>> -> memref<128xi32, #tpu.memory_space<hbm>>
        %dma_start3A_33 = tpu.memref_slice %arg6[%mul3A_24] : memref<160000xi32, #tpu.memory_space<hbm>> -> memref<128xi32, #tpu.memory_space<hbm>>
        tpu.enqueue_dma source(%dma_start3A_33 : memref<128xi32, #tpu.memory_space<hbm>>) target(%arg10 : memref<128xi32, #tpu.memory_space<vmem>>) target_semaphore(%run_scoped3A : memref<!tpu.dma_semaphore, #tpu.memory_space<semaphore_mem>>)
        %dma_wait3A_34 = tpu.memref_slice %arg6[%mul3A_24] : memref<160000xi32, #tpu.memory_space<hbm>> -> memref<128xi32, #tpu.memory_space<hbm>>
        %dma_wait3A_35 = tpu.memref_slice %arg6[%mul3A_24] : memref<160000xi32, #tpu.memory_space<hbm>> -> memref<128xi32, #tpu.memory_space<hbm>>
        tpu.wait_dma2 semaphore(%run_scoped3A : memref<!tpu.dma_semaphore, #tpu.memory_space<semaphore_mem>>) src(%dma_wait3A_35 : memref<128xi32, #tpu.memory_space<hbm>>) dst(%arg10 : memref<128xi32, #tpu.memory_space<vmem>>)
        tpu.yield
      }) : () -> ()
      "tpu.region"() ({
        %run_scoped3A = tpu.sem_alloc : memref<!tpu.dma_semaphore, #tpu.memory_space<semaphore_mem>>
        %dma_start3A_32 = tpu.memref_slice %arg7[%mul3A_24] : memref<160000xi32, #tpu.memory_space<hbm>> -> memref<128xi32, #tpu.memory_space<hbm>>
        %dma_start3A_33 = tpu.memref_slice %arg7[%mul3A_24] : memref<160000xi32, #tpu.memory_space<hbm>> -> memref<128xi32, #tpu.memory_space<hbm>>
        tpu.enqueue_dma source(%dma_start3A_33 : memref<128xi32, #tpu.memory_space<hbm>>) target(%arg11 : memref<128xi32, #tpu.memory_space<vmem>>) target_semaphore(%run_scoped3A : memref<!tpu.dma_semaphore, #tpu.memory_space<semaphore_mem>>)
        %dma_wait3A_34 = tpu.memref_slice %arg7[%mul3A_24] : memref<160000xi32, #tpu.memory_space<hbm>> -> memref<128xi32, #tpu.memory_space<hbm>>
        %dma_wait3A_35 = tpu.memref_slice %arg7[%mul3A_24] : memref<160000xi32, #tpu.memory_space<hbm>> -> memref<128xi32, #tpu.memory_space<hbm>>
        tpu.wait_dma2 semaphore(%run_scoped3A : memref<!tpu.dma_semaphore, #tpu.memory_space<semaphore_mem>>) src(%dma_wait3A_35 : memref<128xi32, #tpu.memory_space<hbm>>) dst(%arg11 : memref<128xi32, #tpu.memory_space<vmem>>)
        tpu.yield
      }) : () -> ()
      %dma_start3A = arith.constant 0 : i32
      %dma_start3A_25 = arith.constant 0 : i32
      %dma_start3A_26 = tpu.memref_slice %arg2[%dma_start3A, %dma_start3A_25] : memref<10000x256xf32, #tpu.memory_space<hbm>> -> memref<10000x256xf32, #tpu.memory_space<hbm>>
      tpu.enqueue_indirect_dma source(%dma_start3A_26 : memref<10000x256xf32, #tpu.memory_space<hbm>>) target(%arg14 : memref<128x256xf32, #tpu.memory_space<vmem>>) offsets(%arg10 : memref<128xi32, #tpu.memory_space<vmem>>) semaphore(%arg18 : memref<!tpu.dma_semaphore, #tpu.memory_space<semaphore_mem>>)
      "tpu.region"() ({
        %run_scoped3A = tpu.sem_alloc : memref<!tpu.dma_semaphore, #tpu.memory_space<semaphore_mem>>
        %dma_start3A_32 = arith.constant 0 : i32
        %dma_start3A_33 = tpu.memref_slice %arg3[%mul3A_24, %dma_start3A_32] : memref<160000x16xf32, #tpu.memory_space<hbm>> -> memref<128x16xf32, #tpu.memory_space<hbm>>
        %dma_start3A_34 = arith.constant 0 : i32
        %dma_start3A_35 = tpu.memref_slice %arg3[%mul3A_24, %dma_start3A_34] : memref<160000x16xf32, #tpu.memory_space<hbm>> -> memref<128x16xf32, #tpu.memory_space<hbm>>
        tpu.enqueue_dma source(%dma_start3A_35 : memref<128x16xf32, #tpu.memory_space<hbm>>) target(%arg12 : memref<128x16xf32, #tpu.memory_space<vmem>>) target_semaphore(%run_scoped3A : memref<!tpu.dma_semaphore, #tpu.memory_space<semaphore_mem>>)
        %dma_wait3A_36 = arith.constant 0 : i32
        %dma_wait3A_37 = tpu.memref_slice %arg3[%mul3A_24, %dma_wait3A_36] : memref<160000x16xf32, #tpu.memory_space<hbm>> -> memref<128x16xf32, #tpu.memory_space<hbm>>
        %dma_wait3A_38 = arith.constant 0 : i32
        %dma_wait3A_39 = tpu.memref_slice %arg3[%mul3A_24, %dma_wait3A_38] : memref<160000x16xf32, #tpu.memory_space<hbm>> -> memref<128x16xf32, #tpu.memory_space<hbm>>
        tpu.wait_dma2 semaphore(%run_scoped3A : memref<!tpu.dma_semaphore, #tpu.memory_space<semaphore_mem>>) src(%dma_wait3A_39 : memref<128x16xf32, #tpu.memory_space<hbm>>) dst(%arg12 : memref<128x16xf32, #tpu.memory_space<vmem>>)
        tpu.yield
      }) : () -> ()
      "tpu.region"() ({
        %run_scoped3A = tpu.sem_alloc : memref<!tpu.dma_semaphore, #tpu.memory_space<semaphore_mem>>
        %dma_start3A_32 = arith.constant 0 : i32
        %dma_start3A_33 = arith.constant 0 : i32
        %dma_start3A_34 = tpu.memref_slice %arg19[%dma_start3A_32, %dma_start3A_33] : memref<10240x16xf32, #tpu.memory_space<vmem_shared>> -> memref<10240x16xf32, #tpu.memory_space<vmem_shared>>
        tpu.enqueue_indirect_dma source(%dma_start3A_34 : memref<10240x16xf32, #tpu.memory_space<vmem_shared>>) target(%arg13 : memref<128x16xf32, #tpu.memory_space<vmem>>) offsets(%arg11 : memref<128xi32, #tpu.memory_space<vmem>>) semaphore(%run_scoped3A : memref<!tpu.dma_semaphore, #tpu.memory_space<semaphore_mem>>)
        %dma_wait3A_35 = arith.constant 0 : i32
        %dma_wait3A_36 = arith.constant 0 : i32
        %dma_wait3A_37 = tpu.memref_slice %arg19[%dma_wait3A_35, %dma_wait3A_36] : memref<10240x16xf32, #tpu.memory_space<vmem_shared>> -> memref<10240x16xf32, #tpu.memory_space<vmem_shared>>
        tpu.wait_indirect_dma semaphore(%run_scoped3A : memref<!tpu.dma_semaphore, #tpu.memory_space<semaphore_mem>>) src(%dma_wait3A_37 : memref<10240x16xf32, #tpu.memory_space<vmem_shared>>) dst(%arg13 : memref<128x16xf32, #tpu.memory_space<vmem>>)
        tpu.yield
      }) : () -> ()
      %dma_wait3A = arith.constant 0 : i32
      %dma_wait3A_27 = arith.constant 0 : i32
      %dma_wait3A_28 = tpu.memref_slice %arg2[%dma_wait3A, %dma_wait3A_27] : memref<10000x256xf32, #tpu.memory_space<hbm>> -> memref<10000x256xf32, #tpu.memory_space<hbm>>
      tpu.wait_indirect_dma semaphore(%arg18 : memref<!tpu.dma_semaphore, #tpu.memory_space<semaphore_mem>>) src(%dma_wait3A_28 : memref<10000x256xf32, #tpu.memory_space<hbm>>) dst(%arg14 : memref<128x256xf32, #tpu.memory_space<vmem>>)
      %parallel_loop3A_29 = arith.constant 0 : i32
      %parallel_loop3A_30 = arith.constant 128 : i32
      %parallel_loop3A_31 = arith.constant 1 : i32
      scf.for %parallel_loop3A_32 = %parallel_loop3A_29 to %parallel_loop3A_30 step %parallel_loop3A_31  : i32 {
        %parallel_loop3A_33 = arith.index_cast %parallel_loop3A_32 : i32 to index
        %parallel_loop3A_34 = arith.constant 0 : index
        %parallel_loop3A_35 = tpu.vector_load %arg12[%parallel_loop3A_33, %parallel_loop3A_34] {strides = array<i32>} : memref<128x16xf32, #tpu.memory_space<vmem>>, vector<1x16xf32>,
        %parallel_loop3A_36 = vector.shape_cast %parallel_loop3A_35 : vector<1x16xf32> to vector<16xf32>
        %parallel_loop3A_37 = arith.index_cast %parallel_loop3A_32 : i32 to index
        %parallel_loop3A_38 = arith.constant 0 : index
        %parallel_loop3A_39 = tpu.vector_load %arg13[%parallel_loop3A_37, %parallel_loop3A_38] {strides = array<i32>} : memref<128x16xf32, #tpu.memory_space<vmem>>, vector<1x16xf32>,
        %parallel_loop3A_40 = vector.shape_cast %parallel_loop3A_39 : vector<1x16xf32> to vector<16xf32>
        %parallel_loop3A_41 = arith.mulf %parallel_loop3A_36, %parallel_loop3A_40 : vector<16xf32>
        %parallel_loop3A_42 = vector.extract_strided_slice %parallel_loop3A_41 {offsets = [0], sizes = [1], strides = [1]} : vector<16xf32> to vector<1xf32>
        %parallel_loop3A_43 = vector.extract %parallel_loop3A_42[0] : f32 from vector<1xf32>
        %parallel_loop3A_44 = arith.index_cast %parallel_loop3A_32 : i32 to index
        %parallel_loop3A_45 = arith.constant 0 : index
        %parallel_loop3A_46 = tpu.vector_load %arg14[%parallel_loop3A_44, %parallel_loop3A_45] {strides = array<i32>} : memref<128x256xf32, #tpu.memory_space<vmem>>, vector<1x16xf32>,
        %parallel_loop3A_47 = vector.shape_cast %parallel_loop3A_46 : vector<1x16xf32> to vector<16xf32>
        %parallel_loop3A_48 = vector.broadcast %parallel_loop3A_43 : f32 to vector<16xf32>
        %parallel_loop3A_49 = arith.mulf %parallel_loop3A_48, %parallel_loop3A_47 : vector<16xf32>
        %parallel_loop3A_50 = vector.extract_strided_slice %parallel_loop3A_41 {offsets = [1], sizes = [1], strides = [1]} : vector<16xf32> to vector<1xf32>
        %parallel_loop3A_51 = vector.extract %parallel_loop3A_50[0] : f32 from vector<1xf32>
        %parallel_loop3A_52 = arith.index_cast %parallel_loop3A_32 : i32 to index
        %parallel_loop3A_53 = arith.constant 16 : index
        %parallel_loop3A_54 = tpu.vector_load %arg14[%parallel_loop3A_52, %parallel_loop3A_53] {strides = array<i32>} : memref<128x256xf32, #tpu.memory_space<vmem>>, vector<1x16xf32>,
        %parallel_loop3A_55 = vector.shape_cast %parallel_loop3A_54 : vector<1x16xf32> to vector<16xf32>
        %parallel_loop3A_56 = vector.broadcast %parallel_loop3A_51 : f32 to vector<16xf32>
        %parallel_loop3A_57 = arith.mulf %parallel_loop3A_56, %parallel_loop3A_55 : vector<16xf32>
        %parallel_loop3A_58 = arith.addf %parallel_loop3A_49, %parallel_loop3A_57 : vector<16xf32>
        %parallel_loop3A_59 = vector.extract_strided_slice %parallel_loop3A_41 {offsets = [2], sizes = [1], strides = [1]} : vector<16xf32> to vector<1xf32>
        %parallel_loop3A_60 = vector.extract %parallel_loop3A_59[0] : f32 from vector<1xf32>
        %parallel_loop3A_61 = arith.index_cast %parallel_loop3A_32 : i32 to index
        %parallel_loop3A_62 = arith.constant 32 : index
        %parallel_loop3A_63 = tpu.vector_load %arg14[%parallel_loop3A_61, %parallel_loop3A_62] {strides = array<i32>} : memref<128x256xf32, #tpu.memory_space<vmem>>, vector<1x16xf32>,
        %parallel_loop3A_64 = vector.shape_cast %parallel_loop3A_63 : vector<1x16xf32> to vector<16xf32>
        %parallel_loop3A_65 = vector.broadcast %parallel_loop3A_60 : f32 to vector<16xf32>
        %parallel_loop3A_66 = arith.mulf %parallel_loop3A_65, %parallel_loop3A_64 : vector<16xf32>
        %parallel_loop3A_67 = arith.addf %parallel_loop3A_58, %parallel_loop3A_66 : vector<16xf32>
        %parallel_loop3A_68 = vector.extract_strided_slice %parallel_loop3A_41 {offsets = [3], sizes = [1], strides = [1]} : vector<16xf32> to vector<1xf32>
        %parallel_loop3A_69 = vector.extract %parallel_loop3A_68[0] : f32 from vector<1xf32>
        %parallel_loop3A_70 = arith.index_cast %parallel_loop3A_32 : i32 to index
        %parallel_loop3A_71 = arith.constant 48 : index
        %parallel_loop3A_72 = tpu.vector_load %arg14[%parallel_loop3A_70, %parallel_loop3A_71] {strides = array<i32>} : memref<128x256xf32, #tpu.memory_space<vmem>>, vector<1x16xf32>,
        %parallel_loop3A_73 = vector.shape_cast %parallel_loop3A_72 : vector<1x16xf32> to vector<16xf32>
        %parallel_loop3A_74 = vector.broadcast %parallel_loop3A_69 : f32 to vector<16xf32>
        %parallel_loop3A_75 = arith.mulf %parallel_loop3A_74, %parallel_loop3A_73 : vector<16xf32>
        %parallel_loop3A_76 = arith.addf %parallel_loop3A_67, %parallel_loop3A_75 : vector<16xf32>
        %parallel_loop3A_77 = vector.extract_strided_slice %parallel_loop3A_41 {offsets = [4], sizes = [1], strides = [1]} : vector<16xf32> to vector<1xf32>
        %parallel_loop3A_78 = vector.extract %parallel_loop3A_77[0] : f32 from vector<1xf32>
        %parallel_loop3A_79 = arith.index_cast %parallel_loop3A_32 : i32 to index
        %parallel_loop3A_80 = arith.constant 64 : index
        %parallel_loop3A_81 = tpu.vector_load %arg14[%parallel_loop3A_79, %parallel_loop3A_80] {strides = array<i32>} : memref<128x256xf32, #tpu.memory_space<vmem>>, vector<1x16xf32>,
        %parallel_loop3A_82 = vector.shape_cast %parallel_loop3A_81 : vector<1x16xf32> to vector<16xf32>
        %parallel_loop3A_83 = vector.broadcast %parallel_loop3A_78 : f32 to vector<16xf32>
        %parallel_loop3A_84 = arith.mulf %parallel_loop3A_83, %parallel_loop3A_82 : vector<16xf32>
        %parallel_loop3A_85 = arith.addf %parallel_loop3A_76, %parallel_loop3A_84 : vector<16xf32>
        %parallel_loop3A_86 = vector.extract_strided_slice %parallel_loop3A_41 {offsets = [5], sizes = [1], strides = [1]} : vector<16xf32> to vector<1xf32>
        %parallel_loop3A_87 = vector.extract %parallel_loop3A_86[0] : f32 from vector<1xf32>
        %parallel_loop3A_88 = arith.index_cast %parallel_loop3A_32 : i32 to index
        %parallel_loop3A_89 = arith.constant 80 : index
        %parallel_loop3A_90 = tpu.vector_load %arg14[%parallel_loop3A_88, %parallel_loop3A_89] {strides = array<i32>} : memref<128x256xf32, #tpu.memory_space<vmem>>, vector<1x16xf32>,
        %parallel_loop3A_91 = vector.shape_cast %parallel_loop3A_90 : vector<1x16xf32> to vector<16xf32>
        %parallel_loop3A_92 = vector.broadcast %parallel_loop3A_87 : f32 to vector<16xf32>
        %parallel_loop3A_93 = arith.mulf %parallel_loop3A_92, %parallel_loop3A_91 : vector<16xf32>
        %parallel_loop3A_94 = arith.addf %parallel_loop3A_85, %parallel_loop3A_93 : vector<16xf32>
        %parallel_loop3A_95 = vector.extract_strided_slice %parallel_loop3A_41 {offsets = [6], sizes = [1], strides = [1]} : vector<16xf32> to vector<1xf32>
        %parallel_loop3A_96 = vector.extract %parallel_loop3A_95[0] : f32 from vector<1xf32>
        %parallel_loop3A_97 = arith.index_cast %parallel_loop3A_32 : i32 to index
        %parallel_loop3A_98 = arith.constant 96 : index
        %parallel_loop3A_99 = tpu.vector_load %arg14[%parallel_loop3A_97, %parallel_loop3A_98] {strides = array<i32>} : memref<128x256xf32, #tpu.memory_space<vmem>>, vector<1x16xf32>,
        %parallel_loop3A_100 = vector.shape_cast %parallel_loop3A_99 : vector<1x16xf32> to vector<16xf32>
        %parallel_loop3A_101 = vector.broadcast %parallel_loop3A_96 : f32 to vector<16xf32>
        %parallel_loop3A_102 = arith.mulf %parallel_loop3A_101, %parallel_loop3A_100 : vector<16xf32>
        %parallel_loop3A_103 = arith.addf %parallel_loop3A_94, %parallel_loop3A_102 : vector<16xf32>
        %parallel_loop3A_104 = vector.extract_strided_slice %parallel_loop3A_41 {offsets = [7], sizes = [1], strides = [1]} : vector<16xf32> to vector<1xf32>
        %parallel_loop3A_105 = vector.extract %parallel_loop3A_104[0] : f32 from vector<1xf32>
        %parallel_loop3A_106 = arith.index_cast %parallel_loop3A_32 : i32 to index
        %parallel_loop3A_107 = arith.constant 112 : index
        %parallel_loop3A_108 = tpu.vector_load %arg14[%parallel_loop3A_106, %parallel_loop3A_107] {strides = array<i32>} : memref<128x256xf32, #tpu.memory_space<vmem>>, vector<1x16xf32>,
        %parallel_loop3A_109 = vector.shape_cast %parallel_loop3A_108 : vector<1x16xf32> to vector<16xf32>
        %parallel_loop3A_110 = vector.broadcast %parallel_loop3A_105 : f32 to vector<16xf32>
        %parallel_loop3A_111 = arith.mulf %parallel_loop3A_110, %parallel_loop3A_109 : vector<16xf32>
        %parallel_loop3A_112 = arith.addf %parallel_loop3A_103, %parallel_loop3A_111 : vector<16xf32>
        %parallel_loop3A_113 = vector.extract_strided_slice %parallel_loop3A_41 {offsets = [8], sizes = [1], strides = [1]} : vector<16xf32> to vector<1xf32>
        %parallel_loop3A_114 = vector.extract %parallel_loop3A_113[0] : f32 from vector<1xf32>
        %parallel_loop3A_115 = arith.index_cast %parallel_loop3A_32 : i32 to index
        %parallel_loop3A_116 = arith.constant 128 : index
        %parallel_loop3A_117 = tpu.vector_load %arg14[%parallel_loop3A_115, %parallel_loop3A_116] {strides = array<i32>} : memref<128x256xf32, #tpu.memory_space<vmem>>, vector<1x16xf32>,
        %parallel_loop3A_118 = vector.shape_cast %parallel_loop3A_117 : vector<1x16xf32> to vector<16xf32>
        %parallel_loop3A_119 = vector.broadcast %parallel_loop3A_114 : f32 to vector<16xf32>
        %parallel_loop3A_120 = arith.mulf %parallel_loop3A_119, %parallel_loop3A_118 : vector<16xf32>
        %parallel_loop3A_121 = arith.addf %parallel_loop3A_112, %parallel_loop3A_120 : vector<16xf32>
        %parallel_loop3A_122 = vector.extract_strided_slice %parallel_loop3A_41 {offsets = [9], sizes = [1], strides = [1]} : vector<16xf32> to vector<1xf32>
        %parallel_loop3A_123 = vector.extract %parallel_loop3A_122[0] : f32 from vector<1xf32>
        %parallel_loop3A_124 = arith.index_cast %parallel_loop3A_32 : i32 to index
        %parallel_loop3A_125 = arith.constant 144 : index
        %parallel_loop3A_126 = tpu.vector_load %arg14[%parallel_loop3A_124, %parallel_loop3A_125] {strides = array<i32>} : memref<128x256xf32, #tpu.memory_space<vmem>>, vector<1x16xf32>,
        %parallel_loop3A_127 = vector.shape_cast %parallel_loop3A_126 : vector<1x16xf32> to vector<16xf32>
        %parallel_loop3A_128 = vector.broadcast %parallel_loop3A_123 : f32 to vector<16xf32>
        %parallel_loop3A_129 = arith.mulf %parallel_loop3A_128, %parallel_loop3A_127 : vector<16xf32>
        %parallel_loop3A_130 = arith.addf %parallel_loop3A_121, %parallel_loop3A_129 : vector<16xf32>
        %parallel_loop3A_131 = vector.extract_strided_slice %parallel_loop3A_41 {offsets = [10], sizes = [1], strides = [1]} : vector<16xf32> to vector<1xf32>
        %parallel_loop3A_132 = vector.extract %parallel_loop3A_131[0] : f32 from vector<1xf32>
        %parallel_loop3A_133 = arith.index_cast %parallel_loop3A_32 : i32 to index
        %parallel_loop3A_134 = arith.constant 160 : index
        %parallel_loop3A_135 = tpu.vector_load %arg14[%parallel_loop3A_133, %parallel_loop3A_134] {strides = array<i32>} : memref<128x256xf32, #tpu.memory_space<vmem>>, vector<1x16xf32>,
        %parallel_loop3A_136 = vector.shape_cast %parallel_loop3A_135 : vector<1x16xf32> to vector<16xf32>
        %parallel_loop3A_137 = vector.broadcast %parallel_loop3A_132 : f32 to vector<16xf32>
        %parallel_loop3A_138 = arith.mulf %parallel_loop3A_137, %parallel_loop3A_136 : vector<16xf32>
        %parallel_loop3A_139 = arith.addf %parallel_loop3A_130, %parallel_loop3A_138 : vector<16xf32>
        %parallel_loop3A_140 = vector.extract_strided_slice %parallel_loop3A_41 {offsets = [11], sizes = [1], strides = [1]} : vector<16xf32> to vector<1xf32>
        %parallel_loop3A_141 = vector.extract %parallel_loop3A_140[0] : f32 from vector<1xf32>
        %parallel_loop3A_142 = arith.index_cast %parallel_loop3A_32 : i32 to index
        %parallel_loop3A_143 = arith.constant 176 : index
        %parallel_loop3A_144 = tpu.vector_load %arg14[%parallel_loop3A_142, %parallel_loop3A_143] {strides = array<i32>} : memref<128x256xf32, #tpu.memory_space<vmem>>, vector<1x16xf32>,
        %parallel_loop3A_145 = vector.shape_cast %parallel_loop3A_144 : vector<1x16xf32> to vector<16xf32>
        %parallel_loop3A_146 = vector.broadcast %parallel_loop3A_141 : f32 to vector<16xf32>
        %parallel_loop3A_147 = arith.mulf %parallel_loop3A_146, %parallel_loop3A_145 : vector<16xf32>
        %parallel_loop3A_148 = arith.addf %parallel_loop3A_139, %parallel_loop3A_147 : vector<16xf32>
        %parallel_loop3A_149 = vector.extract_strided_slice %parallel_loop3A_41 {offsets = [12], sizes = [1], strides = [1]} : vector<16xf32> to vector<1xf32>
        %parallel_loop3A_150 = vector.extract %parallel_loop3A_149[0] : f32 from vector<1xf32>
        %parallel_loop3A_151 = arith.index_cast %parallel_loop3A_32 : i32 to index
        %parallel_loop3A_152 = arith.constant 192 : index
        %parallel_loop3A_153 = tpu.vector_load %arg14[%parallel_loop3A_151, %parallel_loop3A_152] {strides = array<i32>} : memref<128x256xf32, #tpu.memory_space<vmem>>, vector<1x16xf32>,
        %parallel_loop3A_154 = vector.shape_cast %parallel_loop3A_153 : vector<1x16xf32> to vector<16xf32>
        %parallel_loop3A_155 = vector.broadcast %parallel_loop3A_150 : f32 to vector<16xf32>
        %parallel_loop3A_156 = arith.mulf %parallel_loop3A_155, %parallel_loop3A_154 : vector<16xf32>
        %parallel_loop3A_157 = arith.addf %parallel_loop3A_148, %parallel_loop3A_156 : vector<16xf32>
        %parallel_loop3A_158 = vector.extract_strided_slice %parallel_loop3A_41 {offsets = [13], sizes = [1], strides = [1]} : vector<16xf32> to vector<1xf32>
        %parallel_loop3A_159 = vector.extract %parallel_loop3A_158[0] : f32 from vector<1xf32>
        %parallel_loop3A_160 = arith.index_cast %parallel_loop3A_32 : i32 to index
        %parallel_loop3A_161 = arith.constant 208 : index
        %parallel_loop3A_162 = tpu.vector_load %arg14[%parallel_loop3A_160, %parallel_loop3A_161] {strides = array<i32>} : memref<128x256xf32, #tpu.memory_space<vmem>>, vector<1x16xf32>,
        %parallel_loop3A_163 = vector.shape_cast %parallel_loop3A_162 : vector<1x16xf32> to vector<16xf32>
        %parallel_loop3A_164 = vector.broadcast %parallel_loop3A_159 : f32 to vector<16xf32>
        %parallel_loop3A_165 = arith.mulf %parallel_loop3A_164, %parallel_loop3A_163 : vector<16xf32>
        %parallel_loop3A_166 = arith.addf %parallel_loop3A_157, %parallel_loop3A_165 : vector<16xf32>
        %parallel_loop3A_167 = vector.extract_strided_slice %parallel_loop3A_41 {offsets = [14], sizes = [1], strides = [1]} : vector<16xf32> to vector<1xf32>
        %parallel_loop3A_168 = vector.extract %parallel_loop3A_167[0] : f32 from vector<1xf32>
        %parallel_loop3A_169 = arith.index_cast %parallel_loop3A_32 : i32 to index
        %parallel_loop3A_170 = arith.constant 224 : index
        %parallel_loop3A_171 = tpu.vector_load %arg14[%parallel_loop3A_169, %parallel_loop3A_170] {strides = array<i32>} : memref<128x256xf32, #tpu.memory_space<vmem>>, vector<1x16xf32>,
        %parallel_loop3A_172 = vector.shape_cast %parallel_loop3A_171 : vector<1x16xf32> to vector<16xf32>
        %parallel_loop3A_173 = vector.broadcast %parallel_loop3A_168 : f32 to vector<16xf32>
        %parallel_loop3A_174 = arith.mulf %parallel_loop3A_173, %parallel_loop3A_172 : vector<16xf32>
        %parallel_loop3A_175 = arith.addf %parallel_loop3A_166, %parallel_loop3A_174 : vector<16xf32>
        %parallel_loop3A_176 = vector.extract_strided_slice %parallel_loop3A_41 {offsets = [15], sizes = [1], strides = [1]} : vector<16xf32> to vector<1xf32>
        %parallel_loop3A_177 = vector.extract %parallel_loop3A_176[0] : f32 from vector<1xf32>
        %parallel_loop3A_178 = arith.index_cast %parallel_loop3A_32 : i32 to index
        %parallel_loop3A_179 = arith.constant 240 : index
        %parallel_loop3A_180 = tpu.vector_load %arg14[%parallel_loop3A_178, %parallel_loop3A_179] {strides = array<i32>} : memref<128x256xf32, #tpu.memory_space<vmem>>, vector<1x16xf32>,
        %parallel_loop3A_181 = vector.shape_cast %parallel_loop3A_180 : vector<1x16xf32> to vector<16xf32>
        %parallel_loop3A_182 = vector.broadcast %parallel_loop3A_177 : f32 to vector<16xf32>
        %parallel_loop3A_183 = arith.mulf %parallel_loop3A_182, %parallel_loop3A_181 : vector<16xf32>
        %parallel_loop3A_184 = arith.addf %parallel_loop3A_175, %parallel_loop3A_183 : vector<16xf32>
        %parallel_loop3A_185 = arith.index_cast %parallel_loop3A_32 : i32 to index
        %parallel_loop3A_186 = arith.constant 0 : index
        %parallel_loop3A_187 = tpu.vector_load %arg15[%parallel_loop3A_185, %parallel_loop3A_186] {strides = array<i32>} : memref<128x16xf32, #tpu.memory_space<vmem>>, vector<1x16xf32>,
        %parallel_loop3A_188 = vector.shape_cast %parallel_loop3A_187 : vector<1x16xf32> to vector<16xf32>
        %parallel_loop3A_189 = vector.shape_cast %parallel_loop3A_184 : vector<16xf32> to vector<1x16xf32>
        tpu.vector_store %arg15[%parallel_loop3A_185, %parallel_loop3A_186], %parallel_loop3A_189 {strides = array<i32>} : memref<128x16xf32, #tpu.memory_space<vmem>>, vector<1x16xf32>,
      } {sc.loop_unroll_factor = 4 : i64, sc.parallel_access}
      "tpu.region"() ({
        %run_scoped3A = tpu.sem_alloc : memref<!tpu.dma_semaphore, #tpu.memory_space<semaphore_mem>>
        %dma_start3A_32 = arith.constant 0 : i32
        %dma_start3A_33 = arith.constant 0 : i32
        %dma_start3A_34 = tpu.memref_slice %arg20[%dma_start3A_32, %dma_start3A_33] : memref<10240x16xf32, #tpu.memory_space<vmem_shared>> -> memref<10240x16xf32, #tpu.memory_space<vmem_shared>>
        tpu.enqueue_indirect_dma source(%arg15 : memref<128x16xf32, #tpu.memory_space<vmem>>) target(%dma_start3A_34 : memref<10240x16xf32, #tpu.memory_space<vmem_shared>>) offsets(%arg11 : memref<128xi32, #tpu.memory_space<vmem>>) semaphore(%run_scoped3A : memref<!tpu.dma_semaphore, #tpu.memory_space<semaphore_mem>>) {add = true}
        %dma_wait3A_35 = arith.constant 0 : i32
        %dma_wait3A_36 = arith.constant 0 : i32
        %dma_wait3A_37 = tpu.memref_slice %arg20[%dma_wait3A_35, %dma_wait3A_36] : memref<10240x16xf32, #tpu.memory_space<vmem_shared>> -> memref<10240x16xf32, #tpu.memory_space<vmem_shared>>
        tpu.wait_indirect_dma semaphore(%run_scoped3A : memref<!tpu.dma_semaphore, #tpu.memory_space<semaphore_mem>>) src(%arg15 : memref<128x16xf32, #tpu.memory_space<vmem>>) dst(%dma_wait3A_37 : memref<10240x16xf32, #tpu.memory_space<vmem_shared>>)
        tpu.yield
      }) : () -> ()
    }
    %while3A_17 = arith.constant 1 : i32
    scf.for %while3A_19 = %while3A_15 to %while3A_11 step %while3A_17  : i32 {
      %mul3A_20 = arith.constant 32 : i32
      %mul3A_21 = arith.muli %mul3A_20, %while3A_19 : i32
      %add3A_22 = arith.addi %add3A, %mul3A_21 : i32
      %mul3A_23 = arith.constant 128 : i32
      %mul3A_24 = arith.muli %add3A_22, %mul3A_23 : i32
      "tpu.region"() ({
        %run_scoped3A = tpu.sem_alloc : memref<!tpu.dma_semaphore, #tpu.memory_space<semaphore_mem>>
        %dma_start3A_32 = tpu.memref_slice %arg6[%mul3A_24] : memref<160000xi32, #tpu.memory_space<hbm>> -> memref<128xi32, #tpu.memory_space<hbm>>
        %dma_start3A_33 = tpu.memref_slice %arg6[%mul3A_24] : memref<160000xi32, #tpu.memory_space<hbm>> -> memref<128xi32, #tpu.memory_space<hbm>>
        tpu.enqueue_dma source(%dma_start3A_33 : memref<128xi32, #tpu.memory_space<hbm>>) target(%arg10 : memref<128xi32, #tpu.memory_space<vmem>>) target_semaphore(%run_scoped3A : memref<!tpu.dma_semaphore, #tpu.memory_space<semaphore_mem>>)
        %dma_wait3A_34 = tpu.memref_slice %arg6[%mul3A_24] : memref<160000xi32, #tpu.memory_space<hbm>> -> memref<128xi32, #tpu.memory_space<hbm>>
        %dma_wait3A_35 = tpu.memref_slice %arg6[%mul3A_24] : memref<160000xi32, #tpu.memory_space<hbm>> -> memref<128xi32, #tpu.memory_space<hbm>>
        tpu.wait_dma2 semaphore(%run_scoped3A : memref<!tpu.dma_semaphore, #tpu.memory_space<semaphore_mem>>) src(%dma_wait3A_35 : memref<128xi32, #tpu.memory_space<hbm>>) dst(%arg10 : memref<128xi32, #tpu.memory_space<vmem>>)
        tpu.yield
      }) : () -> ()
      "tpu.region"() ({
        %run_scoped3A = tpu.sem_alloc : memref<!tpu.dma_semaphore, #tpu.memory_space<semaphore_mem>>
        %dma_start3A_32 = tpu.memref_slice %arg7[%mul3A_24] : memref<160000xi32, #tpu.memory_space<hbm>> -> memref<128xi32, #tpu.memory_space<hbm>>
        %dma_start3A_33 = tpu.memref_slice %arg7[%mul3A_24] : memref<160000xi32, #tpu.memory_space<hbm>> -> memref<128xi32, #tpu.memory_space<hbm>>
        tpu.enqueue_dma source(%dma_start3A_33 : memref<128xi32, #tpu.memory_space<hbm>>) target(%arg11 : memref<128xi32, #tpu.memory_space<vmem>>) target_semaphore(%run_scoped3A : memref<!tpu.dma_semaphore, #tpu.memory_space<semaphore_mem>>)
        %dma_wait3A_34 = tpu.memref_slice %arg7[%mul3A_24] : memref<160000xi32, #tpu.memory_space<hbm>> -> memref<128xi32, #tpu.memory_space<hbm>>
        %dma_wait3A_35 = tpu.memref_slice %arg7[%mul3A_24] : memref<160000xi32, #tpu.memory_space<hbm>> -> memref<128xi32, #tpu.memory_space<hbm>>
        tpu.wait_dma2 semaphore(%run_scoped3A : memref<!tpu.dma_semaphore, #tpu.memory_space<semaphore_mem>>) src(%dma_wait3A_35 : memref<128xi32, #tpu.memory_space<hbm>>) dst(%arg11 : memref<128xi32, #tpu.memory_space<vmem>>)
        tpu.yield
      }) : () -> ()
      %dma_start3A = arith.constant 0 : i32
      %dma_start3A_25 = arith.constant 0 : i32
      %dma_start3A_26 = tpu.memref_slice %arg2[%dma_start3A, %dma_start3A_25] : memref<10000x256xf32, #tpu.memory_space<hbm>> -> memref<10000x256xf32, #tpu.memory_space<hbm>>
      tpu.enqueue_indirect_dma source(%dma_start3A_26 : memref<10000x256xf32, #tpu.memory_space<hbm>>) target(%arg14 : memref<128x256xf32, #tpu.memory_space<vmem>>) offsets(%arg10 : memref<128xi32, #tpu.memory_space<vmem>>) semaphore(%arg18 : memref<!tpu.dma_semaphore, #tpu.memory_space<semaphore_mem>>)
      "tpu.region"() ({
        %run_scoped3A = tpu.sem_alloc : memref<!tpu.dma_semaphore, #tpu.memory_space<semaphore_mem>>
        %dma_start3A_32 = arith.constant 0 : i32
        %dma_start3A_33 = tpu.memref_slice %arg3[%mul3A_24, %dma_start3A_32] : memref<160000x16xf32, #tpu.memory_space<hbm>> -> memref<128x16xf32, #tpu.memory_space<hbm>>
        %dma_start3A_34 = arith.constant 0 : i32
        %dma_start3A_35 = tpu.memref_slice %arg3[%mul3A_24, %dma_start3A_34] : memref<160000x16xf32, #tpu.memory_space<hbm>> -> memref<128x16xf32, #tpu.memory_space<hbm>>
        tpu.enqueue_dma source(%dma_start3A_35 : memref<128x16xf32, #tpu.memory_space<hbm>>) target(%arg12 : memref<128x16xf32, #tpu.memory_space<vmem>>) target_semaphore(%run_scoped3A : memref<!tpu.dma_semaphore, #tpu.memory_space<semaphore_mem>>)
        %dma_wait3A_36 = arith.constant 0 : i32
        %dma_wait3A_37 = tpu.memref_slice %arg3[%mul3A_24, %dma_wait3A_36] : memref<160000x16xf32, #tpu.memory_space<hbm>> -> memref<128x16xf32, #tpu.memory_space<hbm>>
        %dma_wait3A_38 = arith.constant 0 : i32
        %dma_wait3A_39 = tpu.memref_slice %arg3[%mul3A_24, %dma_wait3A_38] : memref<160000x16xf32, #tpu.memory_space<hbm>> -> memref<128x16xf32, #tpu.memory_space<hbm>>
        tpu.wait_dma2 semaphore(%run_scoped3A : memref<!tpu.dma_semaphore, #tpu.memory_space<semaphore_mem>>) src(%dma_wait3A_39 : memref<128x16xf32, #tpu.memory_space<hbm>>) dst(%arg12 : memref<128x16xf32, #tpu.memory_space<vmem>>)
        tpu.yield
      }) : () -> ()
      "tpu.region"() ({
        %run_scoped3A = tpu.sem_alloc : memref<!tpu.dma_semaphore, #tpu.memory_space<semaphore_mem>>
        %dma_start3A_32 = arith.constant 0 : i32
        %dma_start3A_33 = arith.constant 0 : i32
        %dma_start3A_34 = tpu.memref_slice %arg19[%dma_start3A_32, %dma_start3A_33] : memref<10240x16xf32, #tpu.memory_space<vmem_shared>> -> memref<10240x16xf32, #tpu.memory_space<vmem_shared>>
        tpu.enqueue_indirect_dma source(%dma_start3A_34 : memref<10240x16xf32, #tpu.memory_space<vmem_shared>>) target(%arg13 : memref<128x16xf32, #tpu.memory_space<vmem>>) offsets(%arg11 : memref<128xi32, #tpu.memory_space<vmem>>) semaphore(%run_scoped3A : memref<!tpu.dma_semaphore, #tpu.memory_space<semaphore_mem>>)
        %dma_wait3A_35 = arith.constant 0 : i32
        %dma_wait3A_36 = arith.constant 0 : i32
        %dma_wait3A_37 = tpu.memref_slice %arg19[%dma_wait3A_35, %dma_wait3A_36] : memref<10240x16xf32, #tpu.memory_space<vmem_shared>> -> memref<10240x16xf32, #tpu.memory_space<vmem_shared>>
        tpu.wait_indirect_dma semaphore(%run_scoped3A : memref<!tpu.dma_semaphore, #tpu.memory_space<semaphore_mem>>) src(%dma_wait3A_37 : memref<10240x16xf32, #tpu.memory_space<vmem_shared>>) dst(%arg13 : memref<128x16xf32, #tpu.memory_space<vmem>>)
        tpu.yield
      }) : () -> ()
      %dma_wait3A = arith.constant 0 : i32
      %dma_wait3A_27 = arith.constant 0 : i32
      %dma_wait3A_28 = tpu.memref_slice %arg2[%dma_wait3A, %dma_wait3A_27] : memref<10000x256xf32, #tpu.memory_space<hbm>> -> memref<10000x256xf32, #tpu.memory_space<hbm>>
      tpu.wait_indirect_dma semaphore(%arg18 : memref<!tpu.dma_semaphore, #tpu.memory_space<semaphore_mem>>) src(%dma_wait3A_28 : memref<10000x256xf32, #tpu.memory_space<hbm>>) dst(%arg14 : memref<128x256xf32, #tpu.memory_space<vmem>>)
      %parallel_loop3A_29 = arith.constant 0 : i32
      %parallel_loop3A_30 = arith.constant 128 : i32
      %parallel_loop3A_31 = arith.constant 1 : i32
      scf.for %parallel_loop3A_32 = %parallel_loop3A_29 to %parallel_loop3A_30 step %parallel_loop3A_31  : i32 {
        %parallel_loop3A_33 = arith.index_cast %parallel_loop3A_32 : i32 to index
        %parallel_loop3A_34 = arith.constant 0 : index
        %parallel_loop3A_35 = tpu.vector_load %arg12[%parallel_loop3A_33, %parallel_loop3A_34] {strides = array<i32>} : memref<128x16xf32, #tpu.memory_space<vmem>>, vector<1x16xf32>,
        %parallel_loop3A_36 = vector.shape_cast %parallel_loop3A_35 : vector<1x16xf32> to vector<16xf32>
        %parallel_loop3A_37 = arith.index_cast %parallel_loop3A_32 : i32 to index
        %parallel_loop3A_38 = arith.constant 0 : index
        %parallel_loop3A_39 = tpu.vector_load %arg13[%parallel_loop3A_37, %parallel_loop3A_38] {strides = array<i32>} : memref<128x16xf32, #tpu.memory_space<vmem>>, vector<1x16xf32>,
        %parallel_loop3A_40 = vector.shape_cast %parallel_loop3A_39 : vector<1x16xf32> to vector<16xf32>
        %parallel_loop3A_41 = arith.mulf %parallel_loop3A_36, %parallel_loop3A_40 : vector<16xf32>
        %parallel_loop3A_42 = vector.extract_strided_slice %parallel_loop3A_41 {offsets = [0], sizes = [1], strides = [1]} : vector<16xf32> to vector<1xf32>
        %parallel_loop3A_43 = vector.extract %parallel_loop3A_42[0] : f32 from vector<1xf32>
        %parallel_loop3A_44 = arith.index_cast %parallel_loop3A_32 : i32 to index
        %parallel_loop3A_45 = arith.constant 0 : index
        %parallel_loop3A_46 = tpu.vector_load %arg14[%parallel_loop3A_44, %parallel_loop3A_45] {strides = array<i32>} : memref<128x256xf32, #tpu.memory_space<vmem>>, vector<1x16xf32>,
        %parallel_loop3A_47 = vector.shape_cast %parallel_loop3A_46 : vector<1x16xf32> to vector<16xf32>
        %parallel_loop3A_48 = vector.broadcast %parallel_loop3A_43 : f32 to vector<16xf32>
        %parallel_loop3A_49 = arith.mulf %parallel_loop3A_48, %parallel_loop3A_47 : vector<16xf32>
        %parallel_loop3A_50 = vector.extract_strided_slice %parallel_loop3A_41 {offsets = [1], sizes = [1], strides = [1]} : vector<16xf32> to vector<1xf32>
        %parallel_loop3A_51 = vector.extract %parallel_loop3A_50[0] : f32 from vector<1xf32>
        %parallel_loop3A_52 = arith.index_cast %parallel_loop3A_32 : i32 to index
        %parallel_loop3A_53 = arith.constant 16 : index
        %parallel_loop3A_54 = tpu.vector_load %arg14[%parallel_loop3A_52, %parallel_loop3A_53] {strides = array<i32>} : memref<128x256xf32, #tpu.memory_space<vmem>>, vector<1x16xf32>,
        %parallel_loop3A_55 = vector.shape_cast %parallel_loop3A_54 : vector<1x16xf32> to vector<16xf32>
        %parallel_loop3A_56 = vector.broadcast %parallel_loop3A_51 : f32 to vector<16xf32>
        %parallel_loop3A_57 = arith.mulf %parallel_loop3A_56, %parallel_loop3A_55 : vector<16xf32>
        %parallel_loop3A_58 = arith.addf %parallel_loop3A_49, %parallel_loop3A_57 : vector<16xf32>
        %parallel_loop3A_59 = vector.extract_strided_slice %parallel_loop3A_41 {offsets = [2], sizes = [1], strides = [1]} : vector<16xf32> to vector<1xf32>
        %parallel_loop3A_60 = vector.extract %parallel_loop3A_59[0] : f32 from vector<1xf32>
        %parallel_loop3A_61 = arith.index_cast %parallel_loop3A_32 : i32 to index
        %parallel_loop3A_62 = arith.constant 32 : index
        %parallel_loop3A_63 = tpu.vector_load %arg14[%parallel_loop3A_61, %parallel_loop3A_62] {strides = array<i32>} : memref<128x256xf32, #tpu.memory_space<vmem>>, vector<1x16xf32>,
        %parallel_loop3A_64 = vector.shape_cast %parallel_loop3A_63 : vector<1x16xf32> to vector<16xf32>
        %parallel_loop3A_65 = vector.broadcast %parallel_loop3A_60 : f32 to vector<16xf32>
        %parallel_loop3A_66 = arith.mulf %parallel_loop3A_65, %parallel_loop3A_64 : vector<16xf32>
        %parallel_loop3A_67 = arith.addf %parallel_loop3A_58, %parallel_loop3A_66 : vector<16xf32>
        %parallel_loop3A_68 = vector.extract_strided_slice %parallel_loop3A_41 {offsets = [3], sizes = [1], strides = [1]} : vector<16xf32> to vector<1xf32>
        %parallel_loop3A_69 = vector.extract %parallel_loop3A_68[0] : f32 from vector<1xf32>
        %parallel_loop3A_70 = arith.index_cast %parallel_loop3A_32 : i32 to index
        %parallel_loop3A_71 = arith.constant 48 : index
        %parallel_loop3A_72 = tpu.vector_load %arg14[%parallel_loop3A_70, %parallel_loop3A_71] {strides = array<i32>} : memref<128x256xf32, #tpu.memory_space<vmem>>, vector<1x16xf32>,
        %parallel_loop3A_73 = vector.shape_cast %parallel_loop3A_72 : vector<1x16xf32> to vector<16xf32>
        %parallel_loop3A_74 = vector.broadcast %parallel_loop3A_69 : f32 to vector<16xf32>
        %parallel_loop3A_75 = arith.mulf %parallel_loop3A_74, %parallel_loop3A_73 : vector<16xf32>
        %parallel_loop3A_76 = arith.addf %parallel_loop3A_67, %parallel_loop3A_75 : vector<16xf32>
        %parallel_loop3A_77 = vector.extract_strided_slice %parallel_loop3A_41 {offsets = [4], sizes = [1], strides = [1]} : vector<16xf32> to vector<1xf32>
        %parallel_loop3A_78 = vector.extract %parallel_loop3A_77[0] : f32 from vector<1xf32>
        %parallel_loop3A_79 = arith.index_cast %parallel_loop3A_32 : i32 to index
        %parallel_loop3A_80 = arith.constant 64 : index
        %parallel_loop3A_81 = tpu.vector_load %arg14[%parallel_loop3A_79, %parallel_loop3A_80] {strides = array<i32>} : memref<128x256xf32, #tpu.memory_space<vmem>>, vector<1x16xf32>,
        %parallel_loop3A_82 = vector.shape_cast %parallel_loop3A_81 : vector<1x16xf32> to vector<16xf32>
        %parallel_loop3A_83 = vector.broadcast %parallel_loop3A_78 : f32 to vector<16xf32>
        %parallel_loop3A_84 = arith.mulf %parallel_loop3A_83, %parallel_loop3A_82 : vector<16xf32>
        %parallel_loop3A_85 = arith.addf %parallel_loop3A_76, %parallel_loop3A_84 : vector<16xf32>
        %parallel_loop3A_86 = vector.extract_strided_slice %parallel_loop3A_41 {offsets = [5], sizes = [1], strides = [1]} : vector<16xf32> to vector<1xf32>
        %parallel_loop3A_87 = vector.extract %parallel_loop3A_86[0] : f32 from vector<1xf32>
        %parallel_loop3A_88 = arith.index_cast %parallel_loop3A_32 : i32 to index
        %parallel_loop3A_89 = arith.constant 80 : index
        %parallel_loop3A_90 = tpu.vector_load %arg14[%parallel_loop3A_88, %parallel_loop3A_89] {strides = array<i32>} : memref<128x256xf32, #tpu.memory_space<vmem>>, vector<1x16xf32>,
        %parallel_loop3A_91 = vector.shape_cast %parallel_loop3A_90 : vector<1x16xf32> to vector<16xf32>
        %parallel_loop3A_92 = vector.broadcast %parallel_loop3A_87 : f32 to vector<16xf32>
        %parallel_loop3A_93 = arith.mulf %parallel_loop3A_92, %parallel_loop3A_91 : vector<16xf32>
        %parallel_loop3A_94 = arith.addf %parallel_loop3A_85, %parallel_loop3A_93 : vector<16xf32>
        %parallel_loop3A_95 = vector.extract_strided_slice %parallel_loop3A_41 {offsets = [6], sizes = [1], strides = [1]} : vector<16xf32> to vector<1xf32>
        %parallel_loop3A_96 = vector.extract %parallel_loop3A_95[0] : f32 from vector<1xf32>
        %parallel_loop3A_97 = arith.index_cast %parallel_loop3A_32 : i32 to index
        %parallel_loop3A_98 = arith.constant 96 : index
        %parallel_loop3A_99 = tpu.vector_load %arg14[%parallel_loop3A_97, %parallel_loop3A_98] {strides = array<i32>} : memref<128x256xf32, #tpu.memory_space<vmem>>, vector<1x16xf32>,
        %parallel_loop3A_100 = vector.shape_cast %parallel_loop3A_99 : vector<1x16xf32> to vector<16xf32>
        %parallel_loop3A_101 = vector.broadcast %parallel_loop3A_96 : f32 to vector<16xf32>
        %parallel_loop3A_102 = arith.mulf %parallel_loop3A_101, %parallel_loop3A_100 : vector<16xf32>
        %parallel_loop3A_103 = arith.addf %parallel_loop3A_94, %parallel_loop3A_102 : vector<16xf32>
        %parallel_loop3A_104 = vector.extract_strided_slice %parallel_loop3A_41 {offsets = [7], sizes = [1], strides = [1]} : vector<16xf32> to vector<1xf32>
        %parallel_loop3A_105 = vector.extract %parallel_loop3A_104[0] : f32 from vector<1xf32>
        %parallel_loop3A_106 = arith.index_cast %parallel_loop3A_32 : i32 to index
        %parallel_loop3A_107 = arith.constant 112 : index
        %parallel_loop3A_108 = tpu.vector_load %arg14[%parallel_loop3A_106, %parallel_loop3A_107] {strides = array<i32>} : memref<128x256xf32, #tpu.memory_space<vmem>>, vector<1x16xf32>,
        %parallel_loop3A_109 = vector.shape_cast %parallel_loop3A_108 : vector<1x16xf32> to vector<16xf32>
        %parallel_loop3A_110 = vector.broadcast %parallel_loop3A_105 : f32 to vector<16xf32>
        %parallel_loop3A_111 = arith.mulf %parallel_loop3A_110, %parallel_loop3A_109 : vector<16xf32>
        %parallel_loop3A_112 = arith.addf %parallel_loop3A_103, %parallel_loop3A_111 : vector<16xf32>
        %parallel_loop3A_113 = vector.extract_strided_slice %parallel_loop3A_41 {offsets = [8], sizes = [1], strides = [1]} : vector<16xf32> to vector<1xf32>
        %parallel_loop3A_114 = vector.extract %parallel_loop3A_113[0] : f32 from vector<1xf32>
        %parallel_loop3A_115 = arith.index_cast %parallel_loop3A_32 : i32 to index
        %parallel_loop3A_116 = arith.constant 128 : index
        %parallel_loop3A_117 = tpu.vector_load %arg14[%parallel_loop3A_115, %parallel_loop3A_116] {strides = array<i32>} : memref<128x256xf32, #tpu.memory_space<vmem>>, vector<1x16xf32>,
        %parallel_loop3A_118 = vector.shape_cast %parallel_loop3A_117 : vector<1x16xf32> to vector<16xf32>
        %parallel_loop3A_119 = vector.broadcast %parallel_loop3A_114 : f32 to vector<16xf32>
        %parallel_loop3A_120 = arith.mulf %parallel_loop3A_119, %parallel_loop3A_118 : vector<16xf32>
        %parallel_loop3A_121 = arith.addf %parallel_loop3A_112, %parallel_loop3A_120 : vector<16xf32>
        %parallel_loop3A_122 = vector.extract_strided_slice %parallel_loop3A_41 {offsets = [9], sizes = [1], strides = [1]} : vector<16xf32> to vector<1xf32>
        %parallel_loop3A_123 = vector.extract %parallel_loop3A_122[0] : f32 from vector<1xf32>
        %parallel_loop3A_124 = arith.index_cast %parallel_loop3A_32 : i32 to index
        %parallel_loop3A_125 = arith.constant 144 : index
        %parallel_loop3A_126 = tpu.vector_load %arg14[%parallel_loop3A_124, %parallel_loop3A_125] {strides = array<i32>} : memref<128x256xf32, #tpu.memory_space<vmem>>, vector<1x16xf32>,
        %parallel_loop3A_127 = vector.shape_cast %parallel_loop3A_126 : vector<1x16xf32> to vector<16xf32>
        %parallel_loop3A_128 = vector.broadcast %parallel_loop3A_123 : f32 to vector<16xf32>
        %parallel_loop3A_129 = arith.mulf %parallel_loop3A_128, %parallel_loop3A_127 : vector<16xf32>
        %parallel_loop3A_130 = arith.addf %parallel_loop3A_121, %parallel_loop3A_129 : vector<16xf32>
        %parallel_loop3A_131 = vector.extract_strided_slice %parallel_loop3A_41 {offsets = [10], sizes = [1], strides = [1]} : vector<16xf32> to vector<1xf32>
        %parallel_loop3A_132 = vector.extract %parallel_loop3A_131[0] : f32 from vector<1xf32>
        %parallel_loop3A_133 = arith.index_cast %parallel_loop3A_32 : i32 to index
        %parallel_loop3A_134 = arith.constant 160 : index
        %parallel_loop3A_135 = tpu.vector_load %arg14[%parallel_loop3A_133, %parallel_loop3A_134] {strides = array<i32>} : memref<128x256xf32, #tpu.memory_space<vmem>>, vector<1x16xf32>,
        %parallel_loop3A_136 = vector.shape_cast %parallel_loop3A_135 : vector<1x16xf32> to vector<16xf32>
        %parallel_loop3A_137 = vector.broadcast %parallel_loop3A_132 : f32 to vector<16xf32>
        %parallel_loop3A_138 = arith.mulf %parallel_loop3A_137, %parallel_loop3A_136 : vector<16xf32>
        %parallel_loop3A_139 = arith.addf %parallel_loop3A_130, %parallel_loop3A_138 : vector<16xf32>
        %parallel_loop3A_140 = vector.extract_strided_slice %parallel_loop3A_41 {offsets = [11], sizes = [1], strides = [1]} : vector<16xf32> to vector<1xf32>
        %parallel_loop3A_141 = vector.extract %parallel_loop3A_140[0] : f32 from vector<1xf32>
        %parallel_loop3A_142 = arith.index_cast %parallel_loop3A_32 : i32 to index
        %parallel_loop3A_143 = arith.constant 176 : index
        %parallel_loop3A_144 = tpu.vector_load %arg14[%parallel_loop3A_142, %parallel_loop3A_143] {strides = array<i32>} : memref<128x256xf32, #tpu.memory_space<vmem>>, vector<1x16xf32>,
        %parallel_loop3A_145 = vector.shape_cast %parallel_loop3A_144 : vector<1x16xf32> to vector<16xf32>
        %parallel_loop3A_146 = vector.broadcast %parallel_loop3A_141 : f32 to vector<16xf32>
        %parallel_loop3A_147 = arith.mulf %parallel_loop3A_146, %parallel_loop3A_145 : vector<16xf32>
        %parallel_loop3A_148 = arith.addf %parallel_loop3A_139, %parallel_loop3A_147 : vector<16xf32>
        %parallel_loop3A_149 = vector.extract_strided_slice %parallel_loop3A_41 {offsets = [12], sizes = [1], strides = [1]} : vector<16xf32> to vector<1xf32>
        %parallel_loop3A_150 = vector.extract %parallel_loop3A_149[0] : f32 from vector<1xf32>
        %parallel_loop3A_151 = arith.index_cast %parallel_loop3A_32 : i32 to index
        %parallel_loop3A_152 = arith.constant 192 : index
        %parallel_loop3A_153 = tpu.vector_load %arg14[%parallel_loop3A_151, %parallel_loop3A_152] {strides = array<i32>} : memref<128x256xf32, #tpu.memory_space<vmem>>, vector<1x16xf32>,
        %parallel_loop3A_154 = vector.shape_cast %parallel_loop3A_153 : vector<1x16xf32> to vector<16xf32>
        %parallel_loop3A_155 = vector.broadcast %parallel_loop3A_150 : f32 to vector<16xf32>
        %parallel_loop3A_156 = arith.mulf %parallel_loop3A_155, %parallel_loop3A_154 : vector<16xf32>
        %parallel_loop3A_157 = arith.addf %parallel_loop3A_148, %parallel_loop3A_156 : vector<16xf32>
        %parallel_loop3A_158 = vector.extract_strided_slice %parallel_loop3A_41 {offsets = [13], sizes = [1], strides = [1]} : vector<16xf32> to vector<1xf32>
        %parallel_loop3A_159 = vector.extract %parallel_loop3A_158[0] : f32 from vector<1xf32>
        %parallel_loop3A_160 = arith.index_cast %parallel_loop3A_32 : i32 to index
        %parallel_loop3A_161 = arith.constant 208 : index
        %parallel_loop3A_162 = tpu.vector_load %arg14[%parallel_loop3A_160, %parallel_loop3A_161] {strides = array<i32>} : memref<128x256xf32, #tpu.memory_space<vmem>>, vector<1x16xf32>,
        %parallel_loop3A_163 = vector.shape_cast %parallel_loop3A_162 : vector<1x16xf32> to vector<16xf32>
        %parallel_loop3A_164 = vector.broadcast %parallel_loop3A_159 : f32 to vector<16xf32>
        %parallel_loop3A_165 = arith.mulf %parallel_loop3A_164, %parallel_loop3A_163 : vector<16xf32>
        %parallel_loop3A_166 = arith.addf %parallel_loop3A_157, %parallel_loop3A_165 : vector<16xf32>
        %parallel_loop3A_167 = vector.extract_strided_slice %parallel_loop3A_41 {offsets = [14], sizes = [1], strides = [1]} : vector<16xf32> to vector<1xf32>
        %parallel_loop3A_168 = vector.extract %parallel_loop3A_167[0] : f32 from vector<1xf32>
        %parallel_loop3A_169 = arith.index_cast %parallel_loop3A_32 : i32 to index
        %parallel_loop3A_170 = arith.constant 224 : index
        %parallel_loop3A_171 = tpu.vector_load %arg14[%parallel_loop3A_169, %parallel_loop3A_170] {strides = array<i32>} : memref<128x256xf32, #tpu.memory_space<vmem>>, vector<1x16xf32>,
        %parallel_loop3A_172 = vector.shape_cast %parallel_loop3A_171 : vector<1x16xf32> to vector<16xf32>
        %parallel_loop3A_173 = vector.broadcast %parallel_loop3A_168 : f32 to vector<16xf32>
        %parallel_loop3A_174 = arith.mulf %parallel_loop3A_173, %parallel_loop3A_172 : vector<16xf32>
        %parallel_loop3A_175 = arith.addf %parallel_loop3A_166, %parallel_loop3A_174 : vector<16xf32>
        %parallel_loop3A_176 = vector.extract_strided_slice %parallel_loop3A_41 {offsets = [15], sizes = [1], strides = [1]} : vector<16xf32> to vector<1xf32>
        %parallel_loop3A_177 = vector.extract %parallel_loop3A_176[0] : f32 from vector<1xf32>
        %parallel_loop3A_178 = arith.index_cast %parallel_loop3A_32 : i32 to index
        %parallel_loop3A_179 = arith.constant 240 : index
        %parallel_loop3A_180 = tpu.vector_load %arg14[%parallel_loop3A_178, %parallel_loop3A_179] {strides = array<i32>} : memref<128x256xf32, #tpu.memory_space<vmem>>, vector<1x16xf32>,
        %parallel_loop3A_181 = vector.shape_cast %parallel_loop3A_180 : vector<1x16xf32> to vector<16xf32>
        %parallel_loop3A_182 = vector.broadcast %parallel_loop3A_177 : f32 to vector<16xf32>
        %parallel_loop3A_183 = arith.mulf %parallel_loop3A_182, %parallel_loop3A_181 : vector<16xf32>
        %parallel_loop3A_184 = arith.addf %parallel_loop3A_175, %parallel_loop3A_183 : vector<16xf32>
        %parallel_loop3A_185 = arith.index_cast %parallel_loop3A_32 : i32 to index
        %parallel_loop3A_186 = arith.constant 0 : index
        %parallel_loop3A_187 = tpu.vector_load %arg15[%parallel_loop3A_185, %parallel_loop3A_186] {strides = array<i32>} : memref<128x16xf32, #tpu.memory_space<vmem>>, vector<1x16xf32>,
        %parallel_loop3A_188 = vector.shape_cast %parallel_loop3A_187 : vector<1x16xf32> to vector<16xf32>
        %parallel_loop3A_189 = vector.shape_cast %parallel_loop3A_184 : vector<16xf32> to vector<1x16xf32>
        tpu.vector_store %arg15[%parallel_loop3A_185, %parallel_loop3A_186], %parallel_loop3A_189 {strides = array<i32>} : memref<128x16xf32, #tpu.memory_space<vmem>>, vector<1x16xf32>,
      } {sc.loop_unroll_factor = 4 : i64, sc.parallel_access}
      "tpu.region"() ({
        %run_scoped3A = tpu.sem_alloc : memref<!tpu.dma_semaphore, #tpu.memory_space<semaphore_mem>>
        %dma_start3A_32 = arith.constant 0 : i32
        %dma_start3A_33 = arith.constant 0 : i32
        %dma_start3A_34 = tpu.memref_slice %arg20[%dma_start3A_32, %dma_start3A_33] : memref<10240x16xf32, #tpu.memory_space<vmem_shared>> -> memref<10240x16xf32, #tpu.memory_space<vmem_shared>>
        tpu.enqueue_indirect_dma source(%arg15 : memref<128x16xf32, #tpu.memory_space<vmem>>) target(%dma_start3A_34 : memref<10240x16xf32, #tpu.memory_space<vmem_shared>>) offsets(%arg11 : memref<128xi32, #tpu.memory_space<vmem>>) semaphore(%run_scoped3A : memref<!tpu.dma_semaphore, #tpu.memory_space<semaphore_mem>>) {add = true}
        %dma_wait3A_35 = arith.constant 0 : i32
        %dma_wait3A_36 = arith.constant 0 : i32
        %dma_wait3A_37 = tpu.memref_slice %arg20[%dma_wait3A_35, %dma_wait3A_36] : memref<10240x16xf32, #tpu.memory_space<vmem_shared>> -> memref<10240x16xf32, #tpu.memory_space<vmem_shared>>
        tpu.wait_indirect_dma semaphore(%run_scoped3A : memref<!tpu.dma_semaphore, #tpu.memory_space<semaphore_mem>>) src(%arg15 : memref<128x16xf32, #tpu.memory_space<vmem>>) dst(%dma_wait3A_37 : memref<10240x16xf32, #tpu.memory_space<vmem_shared>>)
        tpu.yield
      }) : () -> ()
    }
    %barrier3A_18 = arith.constant 0 : index
    tpu.barrier barrier_id(%barrier3A_18)
    "tpu.region"() ({
      %run_scoped3A = tpu.sem_alloc : memref<!tpu.dma_semaphore, #tpu.memory_space<semaphore_mem>>
      %dma_start3A = arith.constant 0 : i32
      %dma_start3A_19 = tpu.memref_slice %arg9[%arg0, %mul3A_2, %dma_start3A] : memref<2x10240x16xf32, #tpu.memory_space<hbm>> -> memref<1x640x16xf32, #tpu.memory_space<hbm>>
      %dma_start3A_20 = tpu.memref_squeeze %dma_start3A_19 : memref<1x640x16xf32, #tpu.memory_space<hbm>> -> memref<640x16xf32, #tpu.memory_space<hbm>>
      %dma_start3A_21 = arith.constant 0 : i32
      %dma_start3A_22 = tpu.memref_slice %arg20[%mul3A_2, %dma_start3A_21] : memref<10240x16xf32, #tpu.memory_space<vmem_shared>> -> memref<640x16xf32, #tpu.memory_space<vmem_shared>>
      tpu.enqueue_dma source(%dma_start3A_22 : memref<640x16xf32, #tpu.memory_space<vmem_shared>>) target(%dma_start3A_20 : memref<640x16xf32, #tpu.memory_space<hbm>>) target_semaphore(%run_scoped3A : memref<!tpu.dma_semaphore, #tpu.memory_space<semaphore_mem>>)
      %dma_wait3A = arith.constant 0 : i32
      %dma_wait3A_23 = tpu.memref_slice %arg9[%arg0, %mul3A_2, %dma_wait3A] : memref<2x10240x16xf32, #tpu.memory_space<hbm>> -> memref<1x640x16xf32, #tpu.memory_space<hbm>>
      %dma_wait3A_24 = tpu.memref_squeeze %dma_wait3A_23 : memref<1x640x16xf32, #tpu.memory_space<hbm>> -> memref<640x16xf32, #tpu.memory_space<hbm>>
      %dma_wait3A_25 = arith.constant 0 : i32
      %dma_wait3A_26 = tpu.memref_slice %arg20[%mul3A_2, %dma_wait3A_25] : memref<10240x16xf32, #tpu.memory_space<vmem_shared>> -> memref<640x16xf32, #tpu.memory_space<vmem_shared>>
      tpu.wait_dma2 semaphore(%run_scoped3A : memref<!tpu.dma_semaphore, #tpu.memory_space<semaphore_mem>>) src(%dma_wait3A_26 : memref<640x16xf32, #tpu.memory_space<vmem_shared>>) dst(%dma_wait3A_24 : memref<640x16xf32, #tpu.memory_space<hbm>>)
      tpu.yield
    }) : () -> ()
    return
  }
}

#map = affine_map<(d0, d1) -> (0, 0)>
#map1 = affine_map<(d0, d1) -> (0)>
#map2 = affine_map<(d0, d1) -> (0, 0, 0)>
module attributes {stable_mosaic.version = 14 : i64} {
  func.func @_sc_pass_b(%arg0: i32, %arg1: i32, %arg2: memref<10000x256xf32, #tpu.memory_space<hbm>>, %arg3: memref<160000x16xf32, #tpu.memory_space<hbm>>, %arg4: memref<10240x16xf32, #tpu.memory_space<hbm>>, %arg5: memref<10240x16xf32, #tpu.memory_space<hbm>>, %arg6: memref<160000xi32, #tpu.memory_space<hbm>>, %arg7: memref<160000xi32, #tpu.memory_space<hbm>>, %arg8: memref<10240x16xf32, #tpu.memory_space<hbm>>, %arg9: memref<2x10240x16xf32, #tpu.memory_space<hbm>>, %arg10: memref<128xi32, #tpu.memory_space<vmem>>, %arg11: memref<128xi32, #tpu.memory_space<vmem>>, %arg12: memref<128x16xf32, #tpu.memory_space<vmem>>, %arg13: memref<128x16xf32, #tpu.memory_space<vmem>>, %arg14: memref<128x256xf32, #tpu.memory_space<vmem>>, %arg15: memref<128x16xf32, #tpu.memory_space<vmem>>, %arg16: memref<640x16xf32, #tpu.memory_space<vmem>>, %arg17: memref<640x16xf32, #tpu.memory_space<vmem>>, %arg18: memref<!tpu.dma_semaphore, #tpu.memory_space<semaphore_mem>>, %arg19: memref<10240x16xf32, #tpu.memory_space<vmem_shared>>, %arg20: memref<10240x16xf32, #tpu.memory_space<vmem_shared>>) attributes {dimension_semantics = [#tpu.dimension_semantics<core_parallel>, #tpu.dimension_semantics<subcore_parallel>], iteration_bounds = array<i64: 2, 16>, scalar_prefetch = 0 : i64, scratch_operands = 11 : i64, tpu.core_type = #tpu.core_type<sc_vector_subcore>, window_params = [{transform_indices = #map}, {transform_indices = #map}, {transform_indices = #map}, {transform_indices = #map}, {transform_indices = #map1}, {transform_indices = #map1}, {transform_indices = #map}, {transform_indices = #map2}]} {
    %mul3A = arith.constant 2 : i32
    %mul3A_0 = arith.muli %arg1, %mul3A : i32
    %add3A = arith.addi %mul3A_0, %arg0 : i32
    %mul3A_1 = arith.constant 640 : i32
    %mul3A_2 = arith.muli %arg1, %mul3A_1 : i32
    "tpu.region"() ({
      %run_scoped3A = tpu.sem_alloc : memref<!tpu.dma_semaphore, #tpu.memory_space<semaphore_mem>>
      %dma_start3A = arith.constant 0 : i32
      %dma_start3A_19 = tpu.memref_slice %arg4[%mul3A_2, %dma_start3A] : memref<10240x16xf32, #tpu.memory_space<hbm>> -> memref<640x16xf32, #tpu.memory_space<hbm>>
      %dma_start3A_20 = arith.constant 0 : i32
      %dma_start3A_21 = tpu.memref_slice %arg4[%mul3A_2, %dma_start3A_20] : memref<10240x16xf32, #tpu.memory_space<hbm>> -> memref<640x16xf32, #tpu.memory_space<hbm>>
      tpu.enqueue_dma source(%dma_start3A_21 : memref<640x16xf32, #tpu.memory_space<hbm>>) target(%arg16 : memref<640x16xf32, #tpu.memory_space<vmem>>) target_semaphore(%run_scoped3A : memref<!tpu.dma_semaphore, #tpu.memory_space<semaphore_mem>>)
      %dma_wait3A = arith.constant 0 : i32
      %dma_wait3A_22 = tpu.memref_slice %arg4[%mul3A_2, %dma_wait3A] : memref<10240x16xf32, #tpu.memory_space<hbm>> -> memref<640x16xf32, #tpu.memory_space<hbm>>
      %dma_wait3A_23 = arith.constant 0 : i32
      %dma_wait3A_24 = tpu.memref_slice %arg4[%mul3A_2, %dma_wait3A_23] : memref<10240x16xf32, #tpu.memory_space<hbm>> -> memref<640x16xf32, #tpu.memory_space<hbm>>
      tpu.wait_dma2 semaphore(%run_scoped3A : memref<!tpu.dma_semaphore, #tpu.memory_space<semaphore_mem>>) src(%dma_wait3A_24 : memref<640x16xf32, #tpu.memory_space<hbm>>) dst(%arg16 : memref<640x16xf32, #tpu.memory_space<vmem>>)
      tpu.yield
    }) : () -> ()
    "tpu.region"() ({
      %run_scoped3A = tpu.sem_alloc : memref<!tpu.dma_semaphore, #tpu.memory_space<semaphore_mem>>
      %dma_start3A = arith.constant 0 : i32
      %dma_start3A_19 = tpu.memref_slice %arg5[%mul3A_2, %dma_start3A] : memref<10240x16xf32, #tpu.memory_space<hbm>> -> memref<640x16xf32, #tpu.memory_space<hbm>>
      %dma_start3A_20 = arith.constant 0 : i32
      %dma_start3A_21 = tpu.memref_slice %arg5[%mul3A_2, %dma_start3A_20] : memref<10240x16xf32, #tpu.memory_space<hbm>> -> memref<640x16xf32, #tpu.memory_space<hbm>>
      tpu.enqueue_dma source(%dma_start3A_21 : memref<640x16xf32, #tpu.memory_space<hbm>>) target(%arg17 : memref<640x16xf32, #tpu.memory_space<vmem>>) target_semaphore(%run_scoped3A : memref<!tpu.dma_semaphore, #tpu.memory_space<semaphore_mem>>)
      %dma_wait3A = arith.constant 0 : i32
      %dma_wait3A_22 = tpu.memref_slice %arg5[%mul3A_2, %dma_wait3A] : memref<10240x16xf32, #tpu.memory_space<hbm>> -> memref<640x16xf32, #tpu.memory_space<hbm>>
      %dma_wait3A_23 = arith.constant 0 : i32
      %dma_wait3A_24 = tpu.memref_slice %arg5[%mul3A_2, %dma_wait3A_23] : memref<10240x16xf32, #tpu.memory_space<hbm>> -> memref<640x16xf32, #tpu.memory_space<hbm>>
      tpu.wait_dma2 semaphore(%run_scoped3A : memref<!tpu.dma_semaphore, #tpu.memory_space<semaphore_mem>>) src(%dma_wait3A_24 : memref<640x16xf32, #tpu.memory_space<hbm>>) dst(%arg17 : memref<640x16xf32, #tpu.memory_space<vmem>>)
      tpu.yield
    }) : () -> ()
    %parallel_loop3A = arith.constant 0 : i32
    %parallel_loop3A_3 = arith.constant 640 : i32
    %parallel_loop3A_4 = arith.constant 1 : i32
    scf.for %parallel_loop3A_19 = %parallel_loop3A to %parallel_loop3A_3 step %parallel_loop3A_4  : i32 {
      %parallel_loop3A_20 = arith.index_cast %parallel_loop3A_19 : i32 to index
      %parallel_loop3A_21 = arith.constant 0 : index
      %parallel_loop3A_22 = tpu.vector_load %arg16[%parallel_loop3A_20, %parallel_loop3A_21] {strides = array<i32>} : memref<640x16xf32, #tpu.memory_space<vmem>>, vector<1x16xf32>,
      %parallel_loop3A_23 = vector.shape_cast %parallel_loop3A_22 : vector<1x16xf32> to vector<16xf32>
      %parallel_loop3A_24 = arith.index_cast %parallel_loop3A_19 : i32 to index
      %parallel_loop3A_25 = arith.constant 0 : index
      %parallel_loop3A_26 = tpu.vector_load %arg17[%parallel_loop3A_24, %parallel_loop3A_25] {strides = array<i32>} : memref<640x16xf32, #tpu.memory_space<vmem>>, vector<1x16xf32>,
      %parallel_loop3A_27 = vector.shape_cast %parallel_loop3A_26 : vector<1x16xf32> to vector<16xf32>
      %parallel_loop3A_28 = arith.addf %parallel_loop3A_23, %parallel_loop3A_27 : vector<16xf32>
      %parallel_loop3A_29 = arith.constant 1.000000e-16 : f32
      %parallel_loop3A_30 = vector.broadcast %parallel_loop3A_29 : f32 to vector<16xf32>
      %parallel_loop3A_31 = arith.addf %parallel_loop3A_28, %parallel_loop3A_30 : vector<16xf32>
      %parallel_loop3A_32 = arith.constant 6.250000e-02 : f32
      %parallel_loop3A_33 = vector.broadcast %parallel_loop3A_32 : f32 to vector<16xf32>
      %parallel_loop3A_34 = arith.divf %parallel_loop3A_33, %parallel_loop3A_31 : vector<16xf32>
      %parallel_loop3A_35 = arith.index_cast %parallel_loop3A_19 : i32 to index
      %parallel_loop3A_36 = arith.constant 0 : index
      %parallel_loop3A_37 = tpu.vector_load %arg16[%parallel_loop3A_35, %parallel_loop3A_36] {strides = array<i32>} : memref<640x16xf32, #tpu.memory_space<vmem>>, vector<1x16xf32>,
      %parallel_loop3A_38 = vector.shape_cast %parallel_loop3A_37 : vector<1x16xf32> to vector<16xf32>
      %parallel_loop3A_39 = vector.shape_cast %parallel_loop3A_34 : vector<16xf32> to vector<1x16xf32>
      tpu.vector_store %arg16[%parallel_loop3A_35, %parallel_loop3A_36], %parallel_loop3A_39 {strides = array<i32>} : memref<640x16xf32, #tpu.memory_space<vmem>>, vector<1x16xf32>,
    } {sc.loop_unroll_factor = 8 : i64, sc.parallel_access}
    "tpu.region"() ({
      %run_scoped3A = tpu.sem_alloc : memref<!tpu.dma_semaphore, #tpu.memory_space<semaphore_mem>>
      %dma_start3A = arith.constant 0 : i32
      %dma_start3A_19 = tpu.memref_slice %arg19[%mul3A_2, %dma_start3A] : memref<10240x16xf32, #tpu.memory_space<vmem_shared>> -> memref<640x16xf32, #tpu.memory_space<vmem_shared>>
      %dma_start3A_20 = arith.constant 0 : i32
      %dma_start3A_21 = tpu.memref_slice %arg19[%mul3A_2, %dma_start3A_20] : memref<10240x16xf32, #tpu.memory_space<vmem_shared>> -> memref<640x16xf32, #tpu.memory_space<vmem_shared>>
      tpu.enqueue_dma source(%arg16 : memref<640x16xf32, #tpu.memory_space<vmem>>) target(%dma_start3A_21 : memref<640x16xf32, #tpu.memory_space<vmem_shared>>) target_semaphore(%run_scoped3A : memref<!tpu.dma_semaphore, #tpu.memory_space<semaphore_mem>>)
      %dma_wait3A = arith.constant 0 : i32
      %dma_wait3A_22 = tpu.memref_slice %arg19[%mul3A_2, %dma_wait3A] : memref<10240x16xf32, #tpu.memory_space<vmem_shared>> -> memref<640x16xf32, #tpu.memory_space<vmem_shared>>
      %dma_wait3A_23 = arith.constant 0 : i32
      %dma_wait3A_24 = tpu.memref_slice %arg19[%mul3A_2, %dma_wait3A_23] : memref<10240x16xf32, #tpu.memory_space<vmem_shared>> -> memref<640x16xf32, #tpu.memory_space<vmem_shared>>
      tpu.wait_dma2 semaphore(%run_scoped3A : memref<!tpu.dma_semaphore, #tpu.memory_space<semaphore_mem>>) src(%arg16 : memref<640x16xf32, #tpu.memory_space<vmem>>) dst(%dma_wait3A_24 : memref<640x16xf32, #tpu.memory_space<vmem_shared>>)
      tpu.yield
    }) : () -> ()
    "tpu.region"() ({
      %run_scoped3A = tpu.sem_alloc : memref<!tpu.dma_semaphore, #tpu.memory_space<semaphore_mem>>
      %dma_start3A = arith.constant 0 : i32
      %dma_start3A_19 = tpu.memref_slice %arg20[%mul3A_2, %dma_start3A] : memref<10240x16xf32, #tpu.memory_space<vmem_shared>> -> memref<640x16xf32, #tpu.memory_space<vmem_shared>>
      %dma_start3A_20 = arith.constant 0 : i32
      %dma_start3A_21 = tpu.memref_slice %arg8[%mul3A_2, %dma_start3A_20] : memref<10240x16xf32, #tpu.memory_space<hbm>> -> memref<640x16xf32, #tpu.memory_space<hbm>>
      tpu.enqueue_dma source(%dma_start3A_21 : memref<640x16xf32, #tpu.memory_space<hbm>>) target(%dma_start3A_19 : memref<640x16xf32, #tpu.memory_space<vmem_shared>>) target_semaphore(%run_scoped3A : memref<!tpu.dma_semaphore, #tpu.memory_space<semaphore_mem>>)
      %dma_wait3A = arith.constant 0 : i32
      %dma_wait3A_22 = tpu.memref_slice %arg20[%mul3A_2, %dma_wait3A] : memref<10240x16xf32, #tpu.memory_space<vmem_shared>> -> memref<640x16xf32, #tpu.memory_space<vmem_shared>>
      %dma_wait3A_23 = arith.constant 0 : i32
      %dma_wait3A_24 = tpu.memref_slice %arg8[%mul3A_2, %dma_wait3A_23] : memref<10240x16xf32, #tpu.memory_space<hbm>> -> memref<640x16xf32, #tpu.memory_space<hbm>>
      tpu.wait_dma2 semaphore(%run_scoped3A : memref<!tpu.dma_semaphore, #tpu.memory_space<semaphore_mem>>) src(%dma_wait3A_24 : memref<640x16xf32, #tpu.memory_space<hbm>>) dst(%dma_wait3A_22 : memref<640x16xf32, #tpu.memory_space<vmem_shared>>)
      tpu.yield
    }) : () -> ()
    %barrier3A = arith.constant 0 : index
    tpu.barrier barrier_id(%barrier3A)
    %lt3A = arith.constant 2 : i32
    %lt3A_5 = arith.cmpi slt, %add3A, %lt3A : i32
    %jit3A = arith.constant 1 : i32
    %jit3A_6 = arith.constant 0 : i32
    %select_n3A = arith.select %lt3A_5, %jit3A, %jit3A_6 : i32
    %add3A_7 = arith.constant 39 : i32
    %add3A_8 = arith.addi %add3A_7, %select_n3A : i32
    %while3A = arith.constant 0 : i32
    %while3A_9 = arith.constant 0 : i32
    %while3A_10 = arith.subi %add3A_8, %while3A_9 : i32
    %while3A_11 = arith.addi %while3A_9, %while3A_10 : i32
    %while3A_12 = arith.constant 1 : i32
    %while3A_13 = arith.divsi %while3A_10, %while3A_12 : i32
    %while3A_14 = arith.muli %while3A_13, %while3A_12 : i32
    %while3A_15 = arith.addi %while3A_9, %while3A_14 : i32
    %while3A_16 = arith.constant 1 : i32
    scf.for %while3A_19 = %while3A_9 to %while3A_15 step %while3A_16  : i32 {
      %mul3A_20 = arith.constant 32 : i32
      %mul3A_21 = arith.muli %mul3A_20, %while3A_19 : i32
      %add3A_22 = arith.addi %add3A, %mul3A_21 : i32
      %mul3A_23 = arith.constant 128 : i32
      %mul3A_24 = arith.muli %add3A_22, %mul3A_23 : i32
      "tpu.region"() ({
        %run_scoped3A = tpu.sem_alloc : memref<!tpu.dma_semaphore, #tpu.memory_space<semaphore_mem>>
        %dma_start3A_32 = tpu.memref_slice %arg6[%mul3A_24] : memref<160000xi32, #tpu.memory_space<hbm>> -> memref<128xi32, #tpu.memory_space<hbm>>
        %dma_start3A_33 = tpu.memref_slice %arg6[%mul3A_24] : memref<160000xi32, #tpu.memory_space<hbm>> -> memref<128xi32, #tpu.memory_space<hbm>>
        tpu.enqueue_dma source(%dma_start3A_33 : memref<128xi32, #tpu.memory_space<hbm>>) target(%arg10 : memref<128xi32, #tpu.memory_space<vmem>>) target_semaphore(%run_scoped3A : memref<!tpu.dma_semaphore, #tpu.memory_space<semaphore_mem>>)
        %dma_wait3A_34 = tpu.memref_slice %arg6[%mul3A_24] : memref<160000xi32, #tpu.memory_space<hbm>> -> memref<128xi32, #tpu.memory_space<hbm>>
        %dma_wait3A_35 = tpu.memref_slice %arg6[%mul3A_24] : memref<160000xi32, #tpu.memory_space<hbm>> -> memref<128xi32, #tpu.memory_space<hbm>>
        tpu.wait_dma2 semaphore(%run_scoped3A : memref<!tpu.dma_semaphore, #tpu.memory_space<semaphore_mem>>) src(%dma_wait3A_35 : memref<128xi32, #tpu.memory_space<hbm>>) dst(%arg10 : memref<128xi32, #tpu.memory_space<vmem>>)
        tpu.yield
      }) : () -> ()
      "tpu.region"() ({
        %run_scoped3A = tpu.sem_alloc : memref<!tpu.dma_semaphore, #tpu.memory_space<semaphore_mem>>
        %dma_start3A_32 = tpu.memref_slice %arg7[%mul3A_24] : memref<160000xi32, #tpu.memory_space<hbm>> -> memref<128xi32, #tpu.memory_space<hbm>>
        %dma_start3A_33 = tpu.memref_slice %arg7[%mul3A_24] : memref<160000xi32, #tpu.memory_space<hbm>> -> memref<128xi32, #tpu.memory_space<hbm>>
        tpu.enqueue_dma source(%dma_start3A_33 : memref<128xi32, #tpu.memory_space<hbm>>) target(%arg11 : memref<128xi32, #tpu.memory_space<vmem>>) target_semaphore(%run_scoped3A : memref<!tpu.dma_semaphore, #tpu.memory_space<semaphore_mem>>)
        %dma_wait3A_34 = tpu.memref_slice %arg7[%mul3A_24] : memref<160000xi32, #tpu.memory_space<hbm>> -> memref<128xi32, #tpu.memory_space<hbm>>
        %dma_wait3A_35 = tpu.memref_slice %arg7[%mul3A_24] : memref<160000xi32, #tpu.memory_space<hbm>> -> memref<128xi32, #tpu.memory_space<hbm>>
        tpu.wait_dma2 semaphore(%run_scoped3A : memref<!tpu.dma_semaphore, #tpu.memory_space<semaphore_mem>>) src(%dma_wait3A_35 : memref<128xi32, #tpu.memory_space<hbm>>) dst(%arg11 : memref<128xi32, #tpu.memory_space<vmem>>)
        tpu.yield
      }) : () -> ()
      %dma_start3A = arith.constant 0 : i32
      %dma_start3A_25 = arith.constant 0 : i32
      %dma_start3A_26 = tpu.memref_slice %arg2[%dma_start3A, %dma_start3A_25] : memref<10000x256xf32, #tpu.memory_space<hbm>> -> memref<10000x256xf32, #tpu.memory_space<hbm>>
      tpu.enqueue_indirect_dma source(%dma_start3A_26 : memref<10000x256xf32, #tpu.memory_space<hbm>>) target(%arg14 : memref<128x256xf32, #tpu.memory_space<vmem>>) offsets(%arg10 : memref<128xi32, #tpu.memory_space<vmem>>) semaphore(%arg18 : memref<!tpu.dma_semaphore, #tpu.memory_space<semaphore_mem>>)
      "tpu.region"() ({
        %run_scoped3A = tpu.sem_alloc : memref<!tpu.dma_semaphore, #tpu.memory_space<semaphore_mem>>
        %dma_start3A_32 = arith.constant 0 : i32
        %dma_start3A_33 = tpu.memref_slice %arg3[%mul3A_24, %dma_start3A_32] : memref<160000x16xf32, #tpu.memory_space<hbm>> -> memref<128x16xf32, #tpu.memory_space<hbm>>
        %dma_start3A_34 = arith.constant 0 : i32
        %dma_start3A_35 = tpu.memref_slice %arg3[%mul3A_24, %dma_start3A_34] : memref<160000x16xf32, #tpu.memory_space<hbm>> -> memref<128x16xf32, #tpu.memory_space<hbm>>
        tpu.enqueue_dma source(%dma_start3A_35 : memref<128x16xf32, #tpu.memory_space<hbm>>) target(%arg12 : memref<128x16xf32, #tpu.memory_space<vmem>>) target_semaphore(%run_scoped3A : memref<!tpu.dma_semaphore, #tpu.memory_space<semaphore_mem>>)
        %dma_wait3A_36 = arith.constant 0 : i32
        %dma_wait3A_37 = tpu.memref_slice %arg3[%mul3A_24, %dma_wait3A_36] : memref<160000x16xf32, #tpu.memory_space<hbm>> -> memref<128x16xf32, #tpu.memory_space<hbm>>
        %dma_wait3A_38 = arith.constant 0 : i32
        %dma_wait3A_39 = tpu.memref_slice %arg3[%mul3A_24, %dma_wait3A_38] : memref<160000x16xf32, #tpu.memory_space<hbm>> -> memref<128x16xf32, #tpu.memory_space<hbm>>
        tpu.wait_dma2 semaphore(%run_scoped3A : memref<!tpu.dma_semaphore, #tpu.memory_space<semaphore_mem>>) src(%dma_wait3A_39 : memref<128x16xf32, #tpu.memory_space<hbm>>) dst(%arg12 : memref<128x16xf32, #tpu.memory_space<vmem>>)
        tpu.yield
      }) : () -> ()
      "tpu.region"() ({
        %run_scoped3A = tpu.sem_alloc : memref<!tpu.dma_semaphore, #tpu.memory_space<semaphore_mem>>
        %dma_start3A_32 = arith.constant 0 : i32
        %dma_start3A_33 = arith.constant 0 : i32
        %dma_start3A_34 = tpu.memref_slice %arg19[%dma_start3A_32, %dma_start3A_33] : memref<10240x16xf32, #tpu.memory_space<vmem_shared>> -> memref<10240x16xf32, #tpu.memory_space<vmem_shared>>
        tpu.enqueue_indirect_dma source(%dma_start3A_34 : memref<10240x16xf32, #tpu.memory_space<vmem_shared>>) target(%arg13 : memref<128x16xf32, #tpu.memory_space<vmem>>) offsets(%arg11 : memref<128xi32, #tpu.memory_space<vmem>>) semaphore(%run_scoped3A : memref<!tpu.dma_semaphore, #tpu.memory_space<semaphore_mem>>)
        %dma_wait3A_35 = arith.constant 0 : i32
        %dma_wait3A_36 = arith.constant 0 : i32
        %dma_wait3A_37 = tpu.memref_slice %arg19[%dma_wait3A_35, %dma_wait3A_36] : memref<10240x16xf32, #tpu.memory_space<vmem_shared>> -> memref<10240x16xf32, #tpu.memory_space<vmem_shared>>
        tpu.wait_indirect_dma semaphore(%run_scoped3A : memref<!tpu.dma_semaphore, #tpu.memory_space<semaphore_mem>>) src(%dma_wait3A_37 : memref<10240x16xf32, #tpu.memory_space<vmem_shared>>) dst(%arg13 : memref<128x16xf32, #tpu.memory_space<vmem>>)
        tpu.yield
      }) : () -> ()
      %dma_wait3A = arith.constant 0 : i32
      %dma_wait3A_27 = arith.constant 0 : i32
      %dma_wait3A_28 = tpu.memref_slice %arg2[%dma_wait3A, %dma_wait3A_27] : memref<10000x256xf32, #tpu.memory_space<hbm>> -> memref<10000x256xf32, #tpu.memory_space<hbm>>
      tpu.wait_indirect_dma semaphore(%arg18 : memref<!tpu.dma_semaphore, #tpu.memory_space<semaphore_mem>>) src(%dma_wait3A_28 : memref<10000x256xf32, #tpu.memory_space<hbm>>) dst(%arg14 : memref<128x256xf32, #tpu.memory_space<vmem>>)
      %parallel_loop3A_29 = arith.constant 0 : i32
      %parallel_loop3A_30 = arith.constant 128 : i32
      %parallel_loop3A_31 = arith.constant 1 : i32
      scf.for %parallel_loop3A_32 = %parallel_loop3A_29 to %parallel_loop3A_30 step %parallel_loop3A_31  : i32 {
        %parallel_loop3A_33 = arith.index_cast %parallel_loop3A_32 : i32 to index
        %parallel_loop3A_34 = arith.constant 0 : index
        %parallel_loop3A_35 = tpu.vector_load %arg12[%parallel_loop3A_33, %parallel_loop3A_34] {strides = array<i32>} : memref<128x16xf32, #tpu.memory_space<vmem>>, vector<1x16xf32>,
        %parallel_loop3A_36 = vector.shape_cast %parallel_loop3A_35 : vector<1x16xf32> to vector<16xf32>
        %parallel_loop3A_37 = arith.index_cast %parallel_loop3A_32 : i32 to index
        %parallel_loop3A_38 = arith.constant 0 : index
        %parallel_loop3A_39 = tpu.vector_load %arg13[%parallel_loop3A_37, %parallel_loop3A_38] {strides = array<i32>} : memref<128x16xf32, #tpu.memory_space<vmem>>, vector<1x16xf32>,
        %parallel_loop3A_40 = vector.shape_cast %parallel_loop3A_39 : vector<1x16xf32> to vector<16xf32>
        %parallel_loop3A_41 = arith.mulf %parallel_loop3A_36, %parallel_loop3A_40 : vector<16xf32>
        %parallel_loop3A_42 = vector.extract_strided_slice %parallel_loop3A_41 {offsets = [0], sizes = [1], strides = [1]} : vector<16xf32> to vector<1xf32>
        %parallel_loop3A_43 = vector.extract %parallel_loop3A_42[0] : f32 from vector<1xf32>
        %parallel_loop3A_44 = arith.index_cast %parallel_loop3A_32 : i32 to index
        %parallel_loop3A_45 = arith.constant 0 : index
        %parallel_loop3A_46 = tpu.vector_load %arg14[%parallel_loop3A_44, %parallel_loop3A_45] {strides = array<i32>} : memref<128x256xf32, #tpu.memory_space<vmem>>, vector<1x16xf32>,
        %parallel_loop3A_47 = vector.shape_cast %parallel_loop3A_46 : vector<1x16xf32> to vector<16xf32>
        %parallel_loop3A_48 = vector.broadcast %parallel_loop3A_43 : f32 to vector<16xf32>
        %parallel_loop3A_49 = arith.mulf %parallel_loop3A_48, %parallel_loop3A_47 : vector<16xf32>
        %parallel_loop3A_50 = vector.extract_strided_slice %parallel_loop3A_41 {offsets = [1], sizes = [1], strides = [1]} : vector<16xf32> to vector<1xf32>
        %parallel_loop3A_51 = vector.extract %parallel_loop3A_50[0] : f32 from vector<1xf32>
        %parallel_loop3A_52 = arith.index_cast %parallel_loop3A_32 : i32 to index
        %parallel_loop3A_53 = arith.constant 16 : index
        %parallel_loop3A_54 = tpu.vector_load %arg14[%parallel_loop3A_52, %parallel_loop3A_53] {strides = array<i32>} : memref<128x256xf32, #tpu.memory_space<vmem>>, vector<1x16xf32>,
        %parallel_loop3A_55 = vector.shape_cast %parallel_loop3A_54 : vector<1x16xf32> to vector<16xf32>
        %parallel_loop3A_56 = vector.broadcast %parallel_loop3A_51 : f32 to vector<16xf32>
        %parallel_loop3A_57 = arith.mulf %parallel_loop3A_56, %parallel_loop3A_55 : vector<16xf32>
        %parallel_loop3A_58 = arith.addf %parallel_loop3A_49, %parallel_loop3A_57 : vector<16xf32>
        %parallel_loop3A_59 = vector.extract_strided_slice %parallel_loop3A_41 {offsets = [2], sizes = [1], strides = [1]} : vector<16xf32> to vector<1xf32>
        %parallel_loop3A_60 = vector.extract %parallel_loop3A_59[0] : f32 from vector<1xf32>
        %parallel_loop3A_61 = arith.index_cast %parallel_loop3A_32 : i32 to index
        %parallel_loop3A_62 = arith.constant 32 : index
        %parallel_loop3A_63 = tpu.vector_load %arg14[%parallel_loop3A_61, %parallel_loop3A_62] {strides = array<i32>} : memref<128x256xf32, #tpu.memory_space<vmem>>, vector<1x16xf32>,
        %parallel_loop3A_64 = vector.shape_cast %parallel_loop3A_63 : vector<1x16xf32> to vector<16xf32>
        %parallel_loop3A_65 = vector.broadcast %parallel_loop3A_60 : f32 to vector<16xf32>
        %parallel_loop3A_66 = arith.mulf %parallel_loop3A_65, %parallel_loop3A_64 : vector<16xf32>
        %parallel_loop3A_67 = arith.addf %parallel_loop3A_58, %parallel_loop3A_66 : vector<16xf32>
        %parallel_loop3A_68 = vector.extract_strided_slice %parallel_loop3A_41 {offsets = [3], sizes = [1], strides = [1]} : vector<16xf32> to vector<1xf32>
        %parallel_loop3A_69 = vector.extract %parallel_loop3A_68[0] : f32 from vector<1xf32>
        %parallel_loop3A_70 = arith.index_cast %parallel_loop3A_32 : i32 to index
        %parallel_loop3A_71 = arith.constant 48 : index
        %parallel_loop3A_72 = tpu.vector_load %arg14[%parallel_loop3A_70, %parallel_loop3A_71] {strides = array<i32>} : memref<128x256xf32, #tpu.memory_space<vmem>>, vector<1x16xf32>,
        %parallel_loop3A_73 = vector.shape_cast %parallel_loop3A_72 : vector<1x16xf32> to vector<16xf32>
        %parallel_loop3A_74 = vector.broadcast %parallel_loop3A_69 : f32 to vector<16xf32>
        %parallel_loop3A_75 = arith.mulf %parallel_loop3A_74, %parallel_loop3A_73 : vector<16xf32>
        %parallel_loop3A_76 = arith.addf %parallel_loop3A_67, %parallel_loop3A_75 : vector<16xf32>
        %parallel_loop3A_77 = vector.extract_strided_slice %parallel_loop3A_41 {offsets = [4], sizes = [1], strides = [1]} : vector<16xf32> to vector<1xf32>
        %parallel_loop3A_78 = vector.extract %parallel_loop3A_77[0] : f32 from vector<1xf32>
        %parallel_loop3A_79 = arith.index_cast %parallel_loop3A_32 : i32 to index
        %parallel_loop3A_80 = arith.constant 64 : index
        %parallel_loop3A_81 = tpu.vector_load %arg14[%parallel_loop3A_79, %parallel_loop3A_80] {strides = array<i32>} : memref<128x256xf32, #tpu.memory_space<vmem>>, vector<1x16xf32>,
        %parallel_loop3A_82 = vector.shape_cast %parallel_loop3A_81 : vector<1x16xf32> to vector<16xf32>
        %parallel_loop3A_83 = vector.broadcast %parallel_loop3A_78 : f32 to vector<16xf32>
        %parallel_loop3A_84 = arith.mulf %parallel_loop3A_83, %parallel_loop3A_82 : vector<16xf32>
        %parallel_loop3A_85 = arith.addf %parallel_loop3A_76, %parallel_loop3A_84 : vector<16xf32>
        %parallel_loop3A_86 = vector.extract_strided_slice %parallel_loop3A_41 {offsets = [5], sizes = [1], strides = [1]} : vector<16xf32> to vector<1xf32>
        %parallel_loop3A_87 = vector.extract %parallel_loop3A_86[0] : f32 from vector<1xf32>
        %parallel_loop3A_88 = arith.index_cast %parallel_loop3A_32 : i32 to index
        %parallel_loop3A_89 = arith.constant 80 : index
        %parallel_loop3A_90 = tpu.vector_load %arg14[%parallel_loop3A_88, %parallel_loop3A_89] {strides = array<i32>} : memref<128x256xf32, #tpu.memory_space<vmem>>, vector<1x16xf32>,
        %parallel_loop3A_91 = vector.shape_cast %parallel_loop3A_90 : vector<1x16xf32> to vector<16xf32>
        %parallel_loop3A_92 = vector.broadcast %parallel_loop3A_87 : f32 to vector<16xf32>
        %parallel_loop3A_93 = arith.mulf %parallel_loop3A_92, %parallel_loop3A_91 : vector<16xf32>
        %parallel_loop3A_94 = arith.addf %parallel_loop3A_85, %parallel_loop3A_93 : vector<16xf32>
        %parallel_loop3A_95 = vector.extract_strided_slice %parallel_loop3A_41 {offsets = [6], sizes = [1], strides = [1]} : vector<16xf32> to vector<1xf32>
        %parallel_loop3A_96 = vector.extract %parallel_loop3A_95[0] : f32 from vector<1xf32>
        %parallel_loop3A_97 = arith.index_cast %parallel_loop3A_32 : i32 to index
        %parallel_loop3A_98 = arith.constant 96 : index
        %parallel_loop3A_99 = tpu.vector_load %arg14[%parallel_loop3A_97, %parallel_loop3A_98] {strides = array<i32>} : memref<128x256xf32, #tpu.memory_space<vmem>>, vector<1x16xf32>,
        %parallel_loop3A_100 = vector.shape_cast %parallel_loop3A_99 : vector<1x16xf32> to vector<16xf32>
        %parallel_loop3A_101 = vector.broadcast %parallel_loop3A_96 : f32 to vector<16xf32>
        %parallel_loop3A_102 = arith.mulf %parallel_loop3A_101, %parallel_loop3A_100 : vector<16xf32>
        %parallel_loop3A_103 = arith.addf %parallel_loop3A_94, %parallel_loop3A_102 : vector<16xf32>
        %parallel_loop3A_104 = vector.extract_strided_slice %parallel_loop3A_41 {offsets = [7], sizes = [1], strides = [1]} : vector<16xf32> to vector<1xf32>
        %parallel_loop3A_105 = vector.extract %parallel_loop3A_104[0] : f32 from vector<1xf32>
        %parallel_loop3A_106 = arith.index_cast %parallel_loop3A_32 : i32 to index
        %parallel_loop3A_107 = arith.constant 112 : index
        %parallel_loop3A_108 = tpu.vector_load %arg14[%parallel_loop3A_106, %parallel_loop3A_107] {strides = array<i32>} : memref<128x256xf32, #tpu.memory_space<vmem>>, vector<1x16xf32>,
        %parallel_loop3A_109 = vector.shape_cast %parallel_loop3A_108 : vector<1x16xf32> to vector<16xf32>
        %parallel_loop3A_110 = vector.broadcast %parallel_loop3A_105 : f32 to vector<16xf32>
        %parallel_loop3A_111 = arith.mulf %parallel_loop3A_110, %parallel_loop3A_109 : vector<16xf32>
        %parallel_loop3A_112 = arith.addf %parallel_loop3A_103, %parallel_loop3A_111 : vector<16xf32>
        %parallel_loop3A_113 = vector.extract_strided_slice %parallel_loop3A_41 {offsets = [8], sizes = [1], strides = [1]} : vector<16xf32> to vector<1xf32>
        %parallel_loop3A_114 = vector.extract %parallel_loop3A_113[0] : f32 from vector<1xf32>
        %parallel_loop3A_115 = arith.index_cast %parallel_loop3A_32 : i32 to index
        %parallel_loop3A_116 = arith.constant 128 : index
        %parallel_loop3A_117 = tpu.vector_load %arg14[%parallel_loop3A_115, %parallel_loop3A_116] {strides = array<i32>} : memref<128x256xf32, #tpu.memory_space<vmem>>, vector<1x16xf32>,
        %parallel_loop3A_118 = vector.shape_cast %parallel_loop3A_117 : vector<1x16xf32> to vector<16xf32>
        %parallel_loop3A_119 = vector.broadcast %parallel_loop3A_114 : f32 to vector<16xf32>
        %parallel_loop3A_120 = arith.mulf %parallel_loop3A_119, %parallel_loop3A_118 : vector<16xf32>
        %parallel_loop3A_121 = arith.addf %parallel_loop3A_112, %parallel_loop3A_120 : vector<16xf32>
        %parallel_loop3A_122 = vector.extract_strided_slice %parallel_loop3A_41 {offsets = [9], sizes = [1], strides = [1]} : vector<16xf32> to vector<1xf32>
        %parallel_loop3A_123 = vector.extract %parallel_loop3A_122[0] : f32 from vector<1xf32>
        %parallel_loop3A_124 = arith.index_cast %parallel_loop3A_32 : i32 to index
        %parallel_loop3A_125 = arith.constant 144 : index
        %parallel_loop3A_126 = tpu.vector_load %arg14[%parallel_loop3A_124, %parallel_loop3A_125] {strides = array<i32>} : memref<128x256xf32, #tpu.memory_space<vmem>>, vector<1x16xf32>,
        %parallel_loop3A_127 = vector.shape_cast %parallel_loop3A_126 : vector<1x16xf32> to vector<16xf32>
        %parallel_loop3A_128 = vector.broadcast %parallel_loop3A_123 : f32 to vector<16xf32>
        %parallel_loop3A_129 = arith.mulf %parallel_loop3A_128, %parallel_loop3A_127 : vector<16xf32>
        %parallel_loop3A_130 = arith.addf %parallel_loop3A_121, %parallel_loop3A_129 : vector<16xf32>
        %parallel_loop3A_131 = vector.extract_strided_slice %parallel_loop3A_41 {offsets = [10], sizes = [1], strides = [1]} : vector<16xf32> to vector<1xf32>
        %parallel_loop3A_132 = vector.extract %parallel_loop3A_131[0] : f32 from vector<1xf32>
        %parallel_loop3A_133 = arith.index_cast %parallel_loop3A_32 : i32 to index
        %parallel_loop3A_134 = arith.constant 160 : index
        %parallel_loop3A_135 = tpu.vector_load %arg14[%parallel_loop3A_133, %parallel_loop3A_134] {strides = array<i32>} : memref<128x256xf32, #tpu.memory_space<vmem>>, vector<1x16xf32>,
        %parallel_loop3A_136 = vector.shape_cast %parallel_loop3A_135 : vector<1x16xf32> to vector<16xf32>
        %parallel_loop3A_137 = vector.broadcast %parallel_loop3A_132 : f32 to vector<16xf32>
        %parallel_loop3A_138 = arith.mulf %parallel_loop3A_137, %parallel_loop3A_136 : vector<16xf32>
        %parallel_loop3A_139 = arith.addf %parallel_loop3A_130, %parallel_loop3A_138 : vector<16xf32>
        %parallel_loop3A_140 = vector.extract_strided_slice %parallel_loop3A_41 {offsets = [11], sizes = [1], strides = [1]} : vector<16xf32> to vector<1xf32>
        %parallel_loop3A_141 = vector.extract %parallel_loop3A_140[0] : f32 from vector<1xf32>
        %parallel_loop3A_142 = arith.index_cast %parallel_loop3A_32 : i32 to index
        %parallel_loop3A_143 = arith.constant 176 : index
        %parallel_loop3A_144 = tpu.vector_load %arg14[%parallel_loop3A_142, %parallel_loop3A_143] {strides = array<i32>} : memref<128x256xf32, #tpu.memory_space<vmem>>, vector<1x16xf32>,
        %parallel_loop3A_145 = vector.shape_cast %parallel_loop3A_144 : vector<1x16xf32> to vector<16xf32>
        %parallel_loop3A_146 = vector.broadcast %parallel_loop3A_141 : f32 to vector<16xf32>
        %parallel_loop3A_147 = arith.mulf %parallel_loop3A_146, %parallel_loop3A_145 : vector<16xf32>
        %parallel_loop3A_148 = arith.addf %parallel_loop3A_139, %parallel_loop3A_147 : vector<16xf32>
        %parallel_loop3A_149 = vector.extract_strided_slice %parallel_loop3A_41 {offsets = [12], sizes = [1], strides = [1]} : vector<16xf32> to vector<1xf32>
        %parallel_loop3A_150 = vector.extract %parallel_loop3A_149[0] : f32 from vector<1xf32>
        %parallel_loop3A_151 = arith.index_cast %parallel_loop3A_32 : i32 to index
        %parallel_loop3A_152 = arith.constant 192 : index
        %parallel_loop3A_153 = tpu.vector_load %arg14[%parallel_loop3A_151, %parallel_loop3A_152] {strides = array<i32>} : memref<128x256xf32, #tpu.memory_space<vmem>>, vector<1x16xf32>,
        %parallel_loop3A_154 = vector.shape_cast %parallel_loop3A_153 : vector<1x16xf32> to vector<16xf32>
        %parallel_loop3A_155 = vector.broadcast %parallel_loop3A_150 : f32 to vector<16xf32>
        %parallel_loop3A_156 = arith.mulf %parallel_loop3A_155, %parallel_loop3A_154 : vector<16xf32>
        %parallel_loop3A_157 = arith.addf %parallel_loop3A_148, %parallel_loop3A_156 : vector<16xf32>
        %parallel_loop3A_158 = vector.extract_strided_slice %parallel_loop3A_41 {offsets = [13], sizes = [1], strides = [1]} : vector<16xf32> to vector<1xf32>
        %parallel_loop3A_159 = vector.extract %parallel_loop3A_158[0] : f32 from vector<1xf32>
        %parallel_loop3A_160 = arith.index_cast %parallel_loop3A_32 : i32 to index
        %parallel_loop3A_161 = arith.constant 208 : index
        %parallel_loop3A_162 = tpu.vector_load %arg14[%parallel_loop3A_160, %parallel_loop3A_161] {strides = array<i32>} : memref<128x256xf32, #tpu.memory_space<vmem>>, vector<1x16xf32>,
        %parallel_loop3A_163 = vector.shape_cast %parallel_loop3A_162 : vector<1x16xf32> to vector<16xf32>
        %parallel_loop3A_164 = vector.broadcast %parallel_loop3A_159 : f32 to vector<16xf32>
        %parallel_loop3A_165 = arith.mulf %parallel_loop3A_164, %parallel_loop3A_163 : vector<16xf32>
        %parallel_loop3A_166 = arith.addf %parallel_loop3A_157, %parallel_loop3A_165 : vector<16xf32>
        %parallel_loop3A_167 = vector.extract_strided_slice %parallel_loop3A_41 {offsets = [14], sizes = [1], strides = [1]} : vector<16xf32> to vector<1xf32>
        %parallel_loop3A_168 = vector.extract %parallel_loop3A_167[0] : f32 from vector<1xf32>
        %parallel_loop3A_169 = arith.index_cast %parallel_loop3A_32 : i32 to index
        %parallel_loop3A_170 = arith.constant 224 : index
        %parallel_loop3A_171 = tpu.vector_load %arg14[%parallel_loop3A_169, %parallel_loop3A_170] {strides = array<i32>} : memref<128x256xf32, #tpu.memory_space<vmem>>, vector<1x16xf32>,
        %parallel_loop3A_172 = vector.shape_cast %parallel_loop3A_171 : vector<1x16xf32> to vector<16xf32>
        %parallel_loop3A_173 = vector.broadcast %parallel_loop3A_168 : f32 to vector<16xf32>
        %parallel_loop3A_174 = arith.mulf %parallel_loop3A_173, %parallel_loop3A_172 : vector<16xf32>
        %parallel_loop3A_175 = arith.addf %parallel_loop3A_166, %parallel_loop3A_174 : vector<16xf32>
        %parallel_loop3A_176 = vector.extract_strided_slice %parallel_loop3A_41 {offsets = [15], sizes = [1], strides = [1]} : vector<16xf32> to vector<1xf32>
        %parallel_loop3A_177 = vector.extract %parallel_loop3A_176[0] : f32 from vector<1xf32>
        %parallel_loop3A_178 = arith.index_cast %parallel_loop3A_32 : i32 to index
        %parallel_loop3A_179 = arith.constant 240 : index
        %parallel_loop3A_180 = tpu.vector_load %arg14[%parallel_loop3A_178, %parallel_loop3A_179] {strides = array<i32>} : memref<128x256xf32, #tpu.memory_space<vmem>>, vector<1x16xf32>,
        %parallel_loop3A_181 = vector.shape_cast %parallel_loop3A_180 : vector<1x16xf32> to vector<16xf32>
        %parallel_loop3A_182 = vector.broadcast %parallel_loop3A_177 : f32 to vector<16xf32>
        %parallel_loop3A_183 = arith.mulf %parallel_loop3A_182, %parallel_loop3A_181 : vector<16xf32>
        %parallel_loop3A_184 = arith.addf %parallel_loop3A_175, %parallel_loop3A_183 : vector<16xf32>
        %parallel_loop3A_185 = arith.index_cast %parallel_loop3A_32 : i32 to index
        %parallel_loop3A_186 = arith.constant 0 : index
        %parallel_loop3A_187 = tpu.vector_load %arg15[%parallel_loop3A_185, %parallel_loop3A_186] {strides = array<i32>} : memref<128x16xf32, #tpu.memory_space<vmem>>, vector<1x16xf32>,
        %parallel_loop3A_188 = vector.shape_cast %parallel_loop3A_187 : vector<1x16xf32> to vector<16xf32>
        %parallel_loop3A_189 = vector.shape_cast %parallel_loop3A_184 : vector<16xf32> to vector<1x16xf32>
        tpu.vector_store %arg15[%parallel_loop3A_185, %parallel_loop3A_186], %parallel_loop3A_189 {strides = array<i32>} : memref<128x16xf32, #tpu.memory_space<vmem>>, vector<1x16xf32>,
      } {sc.loop_unroll_factor = 4 : i64, sc.parallel_access}
      "tpu.region"() ({
        %run_scoped3A = tpu.sem_alloc : memref<!tpu.dma_semaphore, #tpu.memory_space<semaphore_mem>>
        %dma_start3A_32 = arith.constant 0 : i32
        %dma_start3A_33 = arith.constant 0 : i32
        %dma_start3A_34 = tpu.memref_slice %arg20[%dma_start3A_32, %dma_start3A_33] : memref<10240x16xf32, #tpu.memory_space<vmem_shared>> -> memref<10240x16xf32, #tpu.memory_space<vmem_shared>>
        tpu.enqueue_indirect_dma source(%arg15 : memref<128x16xf32, #tpu.memory_space<vmem>>) target(%dma_start3A_34 : memref<10240x16xf32, #tpu.memory_space<vmem_shared>>) offsets(%arg11 : memref<128xi32, #tpu.memory_space<vmem>>) semaphore(%run_scoped3A : memref<!tpu.dma_semaphore, #tpu.memory_space<semaphore_mem>>) {add = true}
        %dma_wait3A_35 = arith.constant 0 : i32
        %dma_wait3A_36 = arith.constant 0 : i32
        %dma_wait3A_37 = tpu.memref_slice %arg20[%dma_wait3A_35, %dma_wait3A_36] : memref<10240x16xf32, #tpu.memory_space<vmem_shared>> -> memref<10240x16xf32, #tpu.memory_space<vmem_shared>>
        tpu.wait_indirect_dma semaphore(%run_scoped3A : memref<!tpu.dma_semaphore, #tpu.memory_space<semaphore_mem>>) src(%arg15 : memref<128x16xf32, #tpu.memory_space<vmem>>) dst(%dma_wait3A_37 : memref<10240x16xf32, #tpu.memory_space<vmem_shared>>)
        tpu.yield
      }) : () -> ()
    }
    %while3A_17 = arith.constant 1 : i32
    scf.for %while3A_19 = %while3A_15 to %while3A_11 step %while3A_17  : i32 {
      %mul3A_20 = arith.constant 32 : i32
      %mul3A_21 = arith.muli %mul3A_20, %while3A_19 : i32
      %add3A_22 = arith.addi %add3A, %mul3A_21 : i32
      %mul3A_23 = arith.constant 128 : i32
      %mul3A_24 = arith.muli %add3A_22, %mul3A_23 : i32
      "tpu.region"() ({
        %run_scoped3A = tpu.sem_alloc : memref<!tpu.dma_semaphore, #tpu.memory_space<semaphore_mem>>
        %dma_start3A_32 = tpu.memref_slice %arg6[%mul3A_24] : memref<160000xi32, #tpu.memory_space<hbm>> -> memref<128xi32, #tpu.memory_space<hbm>>
        %dma_start3A_33 = tpu.memref_slice %arg6[%mul3A_24] : memref<160000xi32, #tpu.memory_space<hbm>> -> memref<128xi32, #tpu.memory_space<hbm>>
        tpu.enqueue_dma source(%dma_start3A_33 : memref<128xi32, #tpu.memory_space<hbm>>) target(%arg10 : memref<128xi32, #tpu.memory_space<vmem>>) target_semaphore(%run_scoped3A : memref<!tpu.dma_semaphore, #tpu.memory_space<semaphore_mem>>)
        %dma_wait3A_34 = tpu.memref_slice %arg6[%mul3A_24] : memref<160000xi32, #tpu.memory_space<hbm>> -> memref<128xi32, #tpu.memory_space<hbm>>
        %dma_wait3A_35 = tpu.memref_slice %arg6[%mul3A_24] : memref<160000xi32, #tpu.memory_space<hbm>> -> memref<128xi32, #tpu.memory_space<hbm>>
        tpu.wait_dma2 semaphore(%run_scoped3A : memref<!tpu.dma_semaphore, #tpu.memory_space<semaphore_mem>>) src(%dma_wait3A_35 : memref<128xi32, #tpu.memory_space<hbm>>) dst(%arg10 : memref<128xi32, #tpu.memory_space<vmem>>)
        tpu.yield
      }) : () -> ()
      "tpu.region"() ({
        %run_scoped3A = tpu.sem_alloc : memref<!tpu.dma_semaphore, #tpu.memory_space<semaphore_mem>>
        %dma_start3A_32 = tpu.memref_slice %arg7[%mul3A_24] : memref<160000xi32, #tpu.memory_space<hbm>> -> memref<128xi32, #tpu.memory_space<hbm>>
        %dma_start3A_33 = tpu.memref_slice %arg7[%mul3A_24] : memref<160000xi32, #tpu.memory_space<hbm>> -> memref<128xi32, #tpu.memory_space<hbm>>
        tpu.enqueue_dma source(%dma_start3A_33 : memref<128xi32, #tpu.memory_space<hbm>>) target(%arg11 : memref<128xi32, #tpu.memory_space<vmem>>) target_semaphore(%run_scoped3A : memref<!tpu.dma_semaphore, #tpu.memory_space<semaphore_mem>>)
        %dma_wait3A_34 = tpu.memref_slice %arg7[%mul3A_24] : memref<160000xi32, #tpu.memory_space<hbm>> -> memref<128xi32, #tpu.memory_space<hbm>>
        %dma_wait3A_35 = tpu.memref_slice %arg7[%mul3A_24] : memref<160000xi32, #tpu.memory_space<hbm>> -> memref<128xi32, #tpu.memory_space<hbm>>
        tpu.wait_dma2 semaphore(%run_scoped3A : memref<!tpu.dma_semaphore, #tpu.memory_space<semaphore_mem>>) src(%dma_wait3A_35 : memref<128xi32, #tpu.memory_space<hbm>>) dst(%arg11 : memref<128xi32, #tpu.memory_space<vmem>>)
        tpu.yield
      }) : () -> ()
      %dma_start3A = arith.constant 0 : i32
      %dma_start3A_25 = arith.constant 0 : i32
      %dma_start3A_26 = tpu.memref_slice %arg2[%dma_start3A, %dma_start3A_25] : memref<10000x256xf32, #tpu.memory_space<hbm>> -> memref<10000x256xf32, #tpu.memory_space<hbm>>
      tpu.enqueue_indirect_dma source(%dma_start3A_26 : memref<10000x256xf32, #tpu.memory_space<hbm>>) target(%arg14 : memref<128x256xf32, #tpu.memory_space<vmem>>) offsets(%arg10 : memref<128xi32, #tpu.memory_space<vmem>>) semaphore(%arg18 : memref<!tpu.dma_semaphore, #tpu.memory_space<semaphore_mem>>)
      "tpu.region"() ({
        %run_scoped3A = tpu.sem_alloc : memref<!tpu.dma_semaphore, #tpu.memory_space<semaphore_mem>>
        %dma_start3A_32 = arith.constant 0 : i32
        %dma_start3A_33 = tpu.memref_slice %arg3[%mul3A_24, %dma_start3A_32] : memref<160000x16xf32, #tpu.memory_space<hbm>> -> memref<128x16xf32, #tpu.memory_space<hbm>>
        %dma_start3A_34 = arith.constant 0 : i32
        %dma_start3A_35 = tpu.memref_slice %arg3[%mul3A_24, %dma_start3A_34] : memref<160000x16xf32, #tpu.memory_space<hbm>> -> memref<128x16xf32, #tpu.memory_space<hbm>>
        tpu.enqueue_dma source(%dma_start3A_35 : memref<128x16xf32, #tpu.memory_space<hbm>>) target(%arg12 : memref<128x16xf32, #tpu.memory_space<vmem>>) target_semaphore(%run_scoped3A : memref<!tpu.dma_semaphore, #tpu.memory_space<semaphore_mem>>)
        %dma_wait3A_36 = arith.constant 0 : i32
        %dma_wait3A_37 = tpu.memref_slice %arg3[%mul3A_24, %dma_wait3A_36] : memref<160000x16xf32, #tpu.memory_space<hbm>> -> memref<128x16xf32, #tpu.memory_space<hbm>>
        %dma_wait3A_38 = arith.constant 0 : i32
        %dma_wait3A_39 = tpu.memref_slice %arg3[%mul3A_24, %dma_wait3A_38] : memref<160000x16xf32, #tpu.memory_space<hbm>> -> memref<128x16xf32, #tpu.memory_space<hbm>>
        tpu.wait_dma2 semaphore(%run_scoped3A : memref<!tpu.dma_semaphore, #tpu.memory_space<semaphore_mem>>) src(%dma_wait3A_39 : memref<128x16xf32, #tpu.memory_space<hbm>>) dst(%arg12 : memref<128x16xf32, #tpu.memory_space<vmem>>)
        tpu.yield
      }) : () -> ()
      "tpu.region"() ({
        %run_scoped3A = tpu.sem_alloc : memref<!tpu.dma_semaphore, #tpu.memory_space<semaphore_mem>>
        %dma_start3A_32 = arith.constant 0 : i32
        %dma_start3A_33 = arith.constant 0 : i32
        %dma_start3A_34 = tpu.memref_slice %arg19[%dma_start3A_32, %dma_start3A_33] : memref<10240x16xf32, #tpu.memory_space<vmem_shared>> -> memref<10240x16xf32, #tpu.memory_space<vmem_shared>>
        tpu.enqueue_indirect_dma source(%dma_start3A_34 : memref<10240x16xf32, #tpu.memory_space<vmem_shared>>) target(%arg13 : memref<128x16xf32, #tpu.memory_space<vmem>>) offsets(%arg11 : memref<128xi32, #tpu.memory_space<vmem>>) semaphore(%run_scoped3A : memref<!tpu.dma_semaphore, #tpu.memory_space<semaphore_mem>>)
        %dma_wait3A_35 = arith.constant 0 : i32
        %dma_wait3A_36 = arith.constant 0 : i32
        %dma_wait3A_37 = tpu.memref_slice %arg19[%dma_wait3A_35, %dma_wait3A_36] : memref<10240x16xf32, #tpu.memory_space<vmem_shared>> -> memref<10240x16xf32, #tpu.memory_space<vmem_shared>>
        tpu.wait_indirect_dma semaphore(%run_scoped3A : memref<!tpu.dma_semaphore, #tpu.memory_space<semaphore_mem>>) src(%dma_wait3A_37 : memref<10240x16xf32, #tpu.memory_space<vmem_shared>>) dst(%arg13 : memref<128x16xf32, #tpu.memory_space<vmem>>)
        tpu.yield
      }) : () -> ()
      %dma_wait3A = arith.constant 0 : i32
      %dma_wait3A_27 = arith.constant 0 : i32
      %dma_wait3A_28 = tpu.memref_slice %arg2[%dma_wait3A, %dma_wait3A_27] : memref<10000x256xf32, #tpu.memory_space<hbm>> -> memref<10000x256xf32, #tpu.memory_space<hbm>>
      tpu.wait_indirect_dma semaphore(%arg18 : memref<!tpu.dma_semaphore, #tpu.memory_space<semaphore_mem>>) src(%dma_wait3A_28 : memref<10000x256xf32, #tpu.memory_space<hbm>>) dst(%arg14 : memref<128x256xf32, #tpu.memory_space<vmem>>)
      %parallel_loop3A_29 = arith.constant 0 : i32
      %parallel_loop3A_30 = arith.constant 128 : i32
      %parallel_loop3A_31 = arith.constant 1 : i32
      scf.for %parallel_loop3A_32 = %parallel_loop3A_29 to %parallel_loop3A_30 step %parallel_loop3A_31  : i32 {
        %parallel_loop3A_33 = arith.index_cast %parallel_loop3A_32 : i32 to index
        %parallel_loop3A_34 = arith.constant 0 : index
        %parallel_loop3A_35 = tpu.vector_load %arg12[%parallel_loop3A_33, %parallel_loop3A_34] {strides = array<i32>} : memref<128x16xf32, #tpu.memory_space<vmem>>, vector<1x16xf32>,
        %parallel_loop3A_36 = vector.shape_cast %parallel_loop3A_35 : vector<1x16xf32> to vector<16xf32>
        %parallel_loop3A_37 = arith.index_cast %parallel_loop3A_32 : i32 to index
        %parallel_loop3A_38 = arith.constant 0 : index
        %parallel_loop3A_39 = tpu.vector_load %arg13[%parallel_loop3A_37, %parallel_loop3A_38] {strides = array<i32>} : memref<128x16xf32, #tpu.memory_space<vmem>>, vector<1x16xf32>,
        %parallel_loop3A_40 = vector.shape_cast %parallel_loop3A_39 : vector<1x16xf32> to vector<16xf32>
        %parallel_loop3A_41 = arith.mulf %parallel_loop3A_36, %parallel_loop3A_40 : vector<16xf32>
        %parallel_loop3A_42 = vector.extract_strided_slice %parallel_loop3A_41 {offsets = [0], sizes = [1], strides = [1]} : vector<16xf32> to vector<1xf32>
        %parallel_loop3A_43 = vector.extract %parallel_loop3A_42[0] : f32 from vector<1xf32>
        %parallel_loop3A_44 = arith.index_cast %parallel_loop3A_32 : i32 to index
        %parallel_loop3A_45 = arith.constant 0 : index
        %parallel_loop3A_46 = tpu.vector_load %arg14[%parallel_loop3A_44, %parallel_loop3A_45] {strides = array<i32>} : memref<128x256xf32, #tpu.memory_space<vmem>>, vector<1x16xf32>,
        %parallel_loop3A_47 = vector.shape_cast %parallel_loop3A_46 : vector<1x16xf32> to vector<16xf32>
        %parallel_loop3A_48 = vector.broadcast %parallel_loop3A_43 : f32 to vector<16xf32>
        %parallel_loop3A_49 = arith.mulf %parallel_loop3A_48, %parallel_loop3A_47 : vector<16xf32>
        %parallel_loop3A_50 = vector.extract_strided_slice %parallel_loop3A_41 {offsets = [1], sizes = [1], strides = [1]} : vector<16xf32> to vector<1xf32>
        %parallel_loop3A_51 = vector.extract %parallel_loop3A_50[0] : f32 from vector<1xf32>
        %parallel_loop3A_52 = arith.index_cast %parallel_loop3A_32 : i32 to index
        %parallel_loop3A_53 = arith.constant 16 : index
        %parallel_loop3A_54 = tpu.vector_load %arg14[%parallel_loop3A_52, %parallel_loop3A_53] {strides = array<i32>} : memref<128x256xf32, #tpu.memory_space<vmem>>, vector<1x16xf32>,
        %parallel_loop3A_55 = vector.shape_cast %parallel_loop3A_54 : vector<1x16xf32> to vector<16xf32>
        %parallel_loop3A_56 = vector.broadcast %parallel_loop3A_51 : f32 to vector<16xf32>
        %parallel_loop3A_57 = arith.mulf %parallel_loop3A_56, %parallel_loop3A_55 : vector<16xf32>
        %parallel_loop3A_58 = arith.addf %parallel_loop3A_49, %parallel_loop3A_57 : vector<16xf32>
        %parallel_loop3A_59 = vector.extract_strided_slice %parallel_loop3A_41 {offsets = [2], sizes = [1], strides = [1]} : vector<16xf32> to vector<1xf32>
        %parallel_loop3A_60 = vector.extract %parallel_loop3A_59[0] : f32 from vector<1xf32>
        %parallel_loop3A_61 = arith.index_cast %parallel_loop3A_32 : i32 to index
        %parallel_loop3A_62 = arith.constant 32 : index
        %parallel_loop3A_63 = tpu.vector_load %arg14[%parallel_loop3A_61, %parallel_loop3A_62] {strides = array<i32>} : memref<128x256xf32, #tpu.memory_space<vmem>>, vector<1x16xf32>,
        %parallel_loop3A_64 = vector.shape_cast %parallel_loop3A_63 : vector<1x16xf32> to vector<16xf32>
        %parallel_loop3A_65 = vector.broadcast %parallel_loop3A_60 : f32 to vector<16xf32>
        %parallel_loop3A_66 = arith.mulf %parallel_loop3A_65, %parallel_loop3A_64 : vector<16xf32>
        %parallel_loop3A_67 = arith.addf %parallel_loop3A_58, %parallel_loop3A_66 : vector<16xf32>
        %parallel_loop3A_68 = vector.extract_strided_slice %parallel_loop3A_41 {offsets = [3], sizes = [1], strides = [1]} : vector<16xf32> to vector<1xf32>
        %parallel_loop3A_69 = vector.extract %parallel_loop3A_68[0] : f32 from vector<1xf32>
        %parallel_loop3A_70 = arith.index_cast %parallel_loop3A_32 : i32 to index
        %parallel_loop3A_71 = arith.constant 48 : index
        %parallel_loop3A_72 = tpu.vector_load %arg14[%parallel_loop3A_70, %parallel_loop3A_71] {strides = array<i32>} : memref<128x256xf32, #tpu.memory_space<vmem>>, vector<1x16xf32>,
        %parallel_loop3A_73 = vector.shape_cast %parallel_loop3A_72 : vector<1x16xf32> to vector<16xf32>
        %parallel_loop3A_74 = vector.broadcast %parallel_loop3A_69 : f32 to vector<16xf32>
        %parallel_loop3A_75 = arith.mulf %parallel_loop3A_74, %parallel_loop3A_73 : vector<16xf32>
        %parallel_loop3A_76 = arith.addf %parallel_loop3A_67, %parallel_loop3A_75 : vector<16xf32>
        %parallel_loop3A_77 = vector.extract_strided_slice %parallel_loop3A_41 {offsets = [4], sizes = [1], strides = [1]} : vector<16xf32> to vector<1xf32>
        %parallel_loop3A_78 = vector.extract %parallel_loop3A_77[0] : f32 from vector<1xf32>
        %parallel_loop3A_79 = arith.index_cast %parallel_loop3A_32 : i32 to index
        %parallel_loop3A_80 = arith.constant 64 : index
        %parallel_loop3A_81 = tpu.vector_load %arg14[%parallel_loop3A_79, %parallel_loop3A_80] {strides = array<i32>} : memref<128x256xf32, #tpu.memory_space<vmem>>, vector<1x16xf32>,
        %parallel_loop3A_82 = vector.shape_cast %parallel_loop3A_81 : vector<1x16xf32> to vector<16xf32>
        %parallel_loop3A_83 = vector.broadcast %parallel_loop3A_78 : f32 to vector<16xf32>
        %parallel_loop3A_84 = arith.mulf %parallel_loop3A_83, %parallel_loop3A_82 : vector<16xf32>
        %parallel_loop3A_85 = arith.addf %parallel_loop3A_76, %parallel_loop3A_84 : vector<16xf32>
        %parallel_loop3A_86 = vector.extract_strided_slice %parallel_loop3A_41 {offsets = [5], sizes = [1], strides = [1]} : vector<16xf32> to vector<1xf32>
        %parallel_loop3A_87 = vector.extract %parallel_loop3A_86[0] : f32 from vector<1xf32>
        %parallel_loop3A_88 = arith.index_cast %parallel_loop3A_32 : i32 to index
        %parallel_loop3A_89 = arith.constant 80 : index
        %parallel_loop3A_90 = tpu.vector_load %arg14[%parallel_loop3A_88, %parallel_loop3A_89] {strides = array<i32>} : memref<128x256xf32, #tpu.memory_space<vmem>>, vector<1x16xf32>,
        %parallel_loop3A_91 = vector.shape_cast %parallel_loop3A_90 : vector<1x16xf32> to vector<16xf32>
        %parallel_loop3A_92 = vector.broadcast %parallel_loop3A_87 : f32 to vector<16xf32>
        %parallel_loop3A_93 = arith.mulf %parallel_loop3A_92, %parallel_loop3A_91 : vector<16xf32>
        %parallel_loop3A_94 = arith.addf %parallel_loop3A_85, %parallel_loop3A_93 : vector<16xf32>
        %parallel_loop3A_95 = vector.extract_strided_slice %parallel_loop3A_41 {offsets = [6], sizes = [1], strides = [1]} : vector<16xf32> to vector<1xf32>
        %parallel_loop3A_96 = vector.extract %parallel_loop3A_95[0] : f32 from vector<1xf32>
        %parallel_loop3A_97 = arith.index_cast %parallel_loop3A_32 : i32 to index
        %parallel_loop3A_98 = arith.constant 96 : index
        %parallel_loop3A_99 = tpu.vector_load %arg14[%parallel_loop3A_97, %parallel_loop3A_98] {strides = array<i32>} : memref<128x256xf32, #tpu.memory_space<vmem>>, vector<1x16xf32>,
        %parallel_loop3A_100 = vector.shape_cast %parallel_loop3A_99 : vector<1x16xf32> to vector<16xf32>
        %parallel_loop3A_101 = vector.broadcast %parallel_loop3A_96 : f32 to vector<16xf32>
        %parallel_loop3A_102 = arith.mulf %parallel_loop3A_101, %parallel_loop3A_100 : vector<16xf32>
        %parallel_loop3A_103 = arith.addf %parallel_loop3A_94, %parallel_loop3A_102 : vector<16xf32>
        %parallel_loop3A_104 = vector.extract_strided_slice %parallel_loop3A_41 {offsets = [7], sizes = [1], strides = [1]} : vector<16xf32> to vector<1xf32>
        %parallel_loop3A_105 = vector.extract %parallel_loop3A_104[0] : f32 from vector<1xf32>
        %parallel_loop3A_106 = arith.index_cast %parallel_loop3A_32 : i32 to index
        %parallel_loop3A_107 = arith.constant 112 : index
        %parallel_loop3A_108 = tpu.vector_load %arg14[%parallel_loop3A_106, %parallel_loop3A_107] {strides = array<i32>} : memref<128x256xf32, #tpu.memory_space<vmem>>, vector<1x16xf32>,
        %parallel_loop3A_109 = vector.shape_cast %parallel_loop3A_108 : vector<1x16xf32> to vector<16xf32>
        %parallel_loop3A_110 = vector.broadcast %parallel_loop3A_105 : f32 to vector<16xf32>
        %parallel_loop3A_111 = arith.mulf %parallel_loop3A_110, %parallel_loop3A_109 : vector<16xf32>
        %parallel_loop3A_112 = arith.addf %parallel_loop3A_103, %parallel_loop3A_111 : vector<16xf32>
        %parallel_loop3A_113 = vector.extract_strided_slice %parallel_loop3A_41 {offsets = [8], sizes = [1], strides = [1]} : vector<16xf32> to vector<1xf32>
        %parallel_loop3A_114 = vector.extract %parallel_loop3A_113[0] : f32 from vector<1xf32>
        %parallel_loop3A_115 = arith.index_cast %parallel_loop3A_32 : i32 to index
        %parallel_loop3A_116 = arith.constant 128 : index
        %parallel_loop3A_117 = tpu.vector_load %arg14[%parallel_loop3A_115, %parallel_loop3A_116] {strides = array<i32>} : memref<128x256xf32, #tpu.memory_space<vmem>>, vector<1x16xf32>,
        %parallel_loop3A_118 = vector.shape_cast %parallel_loop3A_117 : vector<1x16xf32> to vector<16xf32>
        %parallel_loop3A_119 = vector.broadcast %parallel_loop3A_114 : f32 to vector<16xf32>
        %parallel_loop3A_120 = arith.mulf %parallel_loop3A_119, %parallel_loop3A_118 : vector<16xf32>
        %parallel_loop3A_121 = arith.addf %parallel_loop3A_112, %parallel_loop3A_120 : vector<16xf32>
        %parallel_loop3A_122 = vector.extract_strided_slice %parallel_loop3A_41 {offsets = [9], sizes = [1], strides = [1]} : vector<16xf32> to vector<1xf32>
        %parallel_loop3A_123 = vector.extract %parallel_loop3A_122[0] : f32 from vector<1xf32>
        %parallel_loop3A_124 = arith.index_cast %parallel_loop3A_32 : i32 to index
        %parallel_loop3A_125 = arith.constant 144 : index
        %parallel_loop3A_126 = tpu.vector_load %arg14[%parallel_loop3A_124, %parallel_loop3A_125] {strides = array<i32>} : memref<128x256xf32, #tpu.memory_space<vmem>>, vector<1x16xf32>,
        %parallel_loop3A_127 = vector.shape_cast %parallel_loop3A_126 : vector<1x16xf32> to vector<16xf32>
        %parallel_loop3A_128 = vector.broadcast %parallel_loop3A_123 : f32 to vector<16xf32>
        %parallel_loop3A_129 = arith.mulf %parallel_loop3A_128, %parallel_loop3A_127 : vector<16xf32>
        %parallel_loop3A_130 = arith.addf %parallel_loop3A_121, %parallel_loop3A_129 : vector<16xf32>
        %parallel_loop3A_131 = vector.extract_strided_slice %parallel_loop3A_41 {offsets = [10], sizes = [1], strides = [1]} : vector<16xf32> to vector<1xf32>
        %parallel_loop3A_132 = vector.extract %parallel_loop3A_131[0] : f32 from vector<1xf32>
        %parallel_loop3A_133 = arith.index_cast %parallel_loop3A_32 : i32 to index
        %parallel_loop3A_134 = arith.constant 160 : index
        %parallel_loop3A_135 = tpu.vector_load %arg14[%parallel_loop3A_133, %parallel_loop3A_134] {strides = array<i32>} : memref<128x256xf32, #tpu.memory_space<vmem>>, vector<1x16xf32>,
        %parallel_loop3A_136 = vector.shape_cast %parallel_loop3A_135 : vector<1x16xf32> to vector<16xf32>
        %parallel_loop3A_137 = vector.broadcast %parallel_loop3A_132 : f32 to vector<16xf32>
        %parallel_loop3A_138 = arith.mulf %parallel_loop3A_137, %parallel_loop3A_136 : vector<16xf32>
        %parallel_loop3A_139 = arith.addf %parallel_loop3A_130, %parallel_loop3A_138 : vector<16xf32>
        %parallel_loop3A_140 = vector.extract_strided_slice %parallel_loop3A_41 {offsets = [11], sizes = [1], strides = [1]} : vector<16xf32> to vector<1xf32>
        %parallel_loop3A_141 = vector.extract %parallel_loop3A_140[0] : f32 from vector<1xf32>
        %parallel_loop3A_142 = arith.index_cast %parallel_loop3A_32 : i32 to index
        %parallel_loop3A_143 = arith.constant 176 : index
        %parallel_loop3A_144 = tpu.vector_load %arg14[%parallel_loop3A_142, %parallel_loop3A_143] {strides = array<i32>} : memref<128x256xf32, #tpu.memory_space<vmem>>, vector<1x16xf32>,
        %parallel_loop3A_145 = vector.shape_cast %parallel_loop3A_144 : vector<1x16xf32> to vector<16xf32>
        %parallel_loop3A_146 = vector.broadcast %parallel_loop3A_141 : f32 to vector<16xf32>
        %parallel_loop3A_147 = arith.mulf %parallel_loop3A_146, %parallel_loop3A_145 : vector<16xf32>
        %parallel_loop3A_148 = arith.addf %parallel_loop3A_139, %parallel_loop3A_147 : vector<16xf32>
        %parallel_loop3A_149 = vector.extract_strided_slice %parallel_loop3A_41 {offsets = [12], sizes = [1], strides = [1]} : vector<16xf32> to vector<1xf32>
        %parallel_loop3A_150 = vector.extract %parallel_loop3A_149[0] : f32 from vector<1xf32>
        %parallel_loop3A_151 = arith.index_cast %parallel_loop3A_32 : i32 to index
        %parallel_loop3A_152 = arith.constant 192 : index
        %parallel_loop3A_153 = tpu.vector_load %arg14[%parallel_loop3A_151, %parallel_loop3A_152] {strides = array<i32>} : memref<128x256xf32, #tpu.memory_space<vmem>>, vector<1x16xf32>,
        %parallel_loop3A_154 = vector.shape_cast %parallel_loop3A_153 : vector<1x16xf32> to vector<16xf32>
        %parallel_loop3A_155 = vector.broadcast %parallel_loop3A_150 : f32 to vector<16xf32>
        %parallel_loop3A_156 = arith.mulf %parallel_loop3A_155, %parallel_loop3A_154 : vector<16xf32>
        %parallel_loop3A_157 = arith.addf %parallel_loop3A_148, %parallel_loop3A_156 : vector<16xf32>
        %parallel_loop3A_158 = vector.extract_strided_slice %parallel_loop3A_41 {offsets = [13], sizes = [1], strides = [1]} : vector<16xf32> to vector<1xf32>
        %parallel_loop3A_159 = vector.extract %parallel_loop3A_158[0] : f32 from vector<1xf32>
        %parallel_loop3A_160 = arith.index_cast %parallel_loop3A_32 : i32 to index
        %parallel_loop3A_161 = arith.constant 208 : index
        %parallel_loop3A_162 = tpu.vector_load %arg14[%parallel_loop3A_160, %parallel_loop3A_161] {strides = array<i32>} : memref<128x256xf32, #tpu.memory_space<vmem>>, vector<1x16xf32>,
        %parallel_loop3A_163 = vector.shape_cast %parallel_loop3A_162 : vector<1x16xf32> to vector<16xf32>
        %parallel_loop3A_164 = vector.broadcast %parallel_loop3A_159 : f32 to vector<16xf32>
        %parallel_loop3A_165 = arith.mulf %parallel_loop3A_164, %parallel_loop3A_163 : vector<16xf32>
        %parallel_loop3A_166 = arith.addf %parallel_loop3A_157, %parallel_loop3A_165 : vector<16xf32>
        %parallel_loop3A_167 = vector.extract_strided_slice %parallel_loop3A_41 {offsets = [14], sizes = [1], strides = [1]} : vector<16xf32> to vector<1xf32>
        %parallel_loop3A_168 = vector.extract %parallel_loop3A_167[0] : f32 from vector<1xf32>
        %parallel_loop3A_169 = arith.index_cast %parallel_loop3A_32 : i32 to index
        %parallel_loop3A_170 = arith.constant 224 : index
        %parallel_loop3A_171 = tpu.vector_load %arg14[%parallel_loop3A_169, %parallel_loop3A_170] {strides = array<i32>} : memref<128x256xf32, #tpu.memory_space<vmem>>, vector<1x16xf32>,
        %parallel_loop3A_172 = vector.shape_cast %parallel_loop3A_171 : vector<1x16xf32> to vector<16xf32>
        %parallel_loop3A_173 = vector.broadcast %parallel_loop3A_168 : f32 to vector<16xf32>
        %parallel_loop3A_174 = arith.mulf %parallel_loop3A_173, %parallel_loop3A_172 : vector<16xf32>
        %parallel_loop3A_175 = arith.addf %parallel_loop3A_166, %parallel_loop3A_174 : vector<16xf32>
        %parallel_loop3A_176 = vector.extract_strided_slice %parallel_loop3A_41 {offsets = [15], sizes = [1], strides = [1]} : vector<16xf32> to vector<1xf32>
        %parallel_loop3A_177 = vector.extract %parallel_loop3A_176[0] : f32 from vector<1xf32>
        %parallel_loop3A_178 = arith.index_cast %parallel_loop3A_32 : i32 to index
        %parallel_loop3A_179 = arith.constant 240 : index
        %parallel_loop3A_180 = tpu.vector_load %arg14[%parallel_loop3A_178, %parallel_loop3A_179] {strides = array<i32>} : memref<128x256xf32, #tpu.memory_space<vmem>>, vector<1x16xf32>,
        %parallel_loop3A_181 = vector.shape_cast %parallel_loop3A_180 : vector<1x16xf32> to vector<16xf32>
        %parallel_loop3A_182 = vector.broadcast %parallel_loop3A_177 : f32 to vector<16xf32>
        %parallel_loop3A_183 = arith.mulf %parallel_loop3A_182, %parallel_loop3A_181 : vector<16xf32>
        %parallel_loop3A_184 = arith.addf %parallel_loop3A_175, %parallel_loop3A_183 : vector<16xf32>
        %parallel_loop3A_185 = arith.index_cast %parallel_loop3A_32 : i32 to index
        %parallel_loop3A_186 = arith.constant 0 : index
        %parallel_loop3A_187 = tpu.vector_load %arg15[%parallel_loop3A_185, %parallel_loop3A_186] {strides = array<i32>} : memref<128x16xf32, #tpu.memory_space<vmem>>, vector<1x16xf32>,
        %parallel_loop3A_188 = vector.shape_cast %parallel_loop3A_187 : vector<1x16xf32> to vector<16xf32>
        %parallel_loop3A_189 = vector.shape_cast %parallel_loop3A_184 : vector<16xf32> to vector<1x16xf32>
        tpu.vector_store %arg15[%parallel_loop3A_185, %parallel_loop3A_186], %parallel_loop3A_189 {strides = array<i32>} : memref<128x16xf32, #tpu.memory_space<vmem>>, vector<1x16xf32>,
      } {sc.loop_unroll_factor = 4 : i64, sc.parallel_access}
      "tpu.region"() ({
        %run_scoped3A = tpu.sem_alloc : memref<!tpu.dma_semaphore, #tpu.memory_space<semaphore_mem>>
        %dma_start3A_32 = arith.constant 0 : i32
        %dma_start3A_33 = arith.constant 0 : i32
        %dma_start3A_34 = tpu.memref_slice %arg20[%dma_start3A_32, %dma_start3A_33] : memref<10240x16xf32, #tpu.memory_space<vmem_shared>> -> memref<10240x16xf32, #tpu.memory_space<vmem_shared>>
        tpu.enqueue_indirect_dma source(%arg15 : memref<128x16xf32, #tpu.memory_space<vmem>>) target(%dma_start3A_34 : memref<10240x16xf32, #tpu.memory_space<vmem_shared>>) offsets(%arg11 : memref<128xi32, #tpu.memory_space<vmem>>) semaphore(%run_scoped3A : memref<!tpu.dma_semaphore, #tpu.memory_space<semaphore_mem>>) {add = true}
        %dma_wait3A_35 = arith.constant 0 : i32
        %dma_wait3A_36 = arith.constant 0 : i32
        %dma_wait3A_37 = tpu.memref_slice %arg20[%dma_wait3A_35, %dma_wait3A_36] : memref<10240x16xf32, #tpu.memory_space<vmem_shared>> -> memref<10240x16xf32, #tpu.memory_space<vmem_shared>>
        tpu.wait_indirect_dma semaphore(%run_scoped3A : memref<!tpu.dma_semaphore, #tpu.memory_space<semaphore_mem>>) src(%arg15 : memref<128x16xf32, #tpu.memory_space<vmem>>) dst(%dma_wait3A_37 : memref<10240x16xf32, #tpu.memory_space<vmem_shared>>)
        tpu.yield
      }) : () -> ()
    }
    %barrier3A_18 = arith.constant 0 : index
    tpu.barrier barrier_id(%barrier3A_18)
    "tpu.region"() ({
      %run_scoped3A = tpu.sem_alloc : memref<!tpu.dma_semaphore, #tpu.memory_space<semaphore_mem>>
      %dma_start3A = arith.constant 0 : i32
      %dma_start3A_19 = tpu.memref_slice %arg9[%arg0, %mul3A_2, %dma_start3A] : memref<2x10240x16xf32, #tpu.memory_space<hbm>> -> memref<1x640x16xf32, #tpu.memory_space<hbm>>
      %dma_start3A_20 = tpu.memref_squeeze %dma_start3A_19 : memref<1x640x16xf32, #tpu.memory_space<hbm>> -> memref<640x16xf32, #tpu.memory_space<hbm>>
      %dma_start3A_21 = arith.constant 0 : i32
      %dma_start3A_22 = tpu.memref_slice %arg20[%mul3A_2, %dma_start3A_21] : memref<10240x16xf32, #tpu.memory_space<vmem_shared>> -> memref<640x16xf32, #tpu.memory_space<vmem_shared>>
      tpu.enqueue_dma source(%dma_start3A_22 : memref<640x16xf32, #tpu.memory_space<vmem_shared>>) target(%dma_start3A_20 : memref<640x16xf32, #tpu.memory_space<hbm>>) target_semaphore(%run_scoped3A : memref<!tpu.dma_semaphore, #tpu.memory_space<semaphore_mem>>)
      %dma_wait3A = arith.constant 0 : i32
      %dma_wait3A_23 = tpu.memref_slice %arg9[%arg0, %mul3A_2, %dma_wait3A] : memref<2x10240x16xf32, #tpu.memory_space<hbm>> -> memref<1x640x16xf32, #tpu.memory_space<hbm>>
      %dma_wait3A_24 = tpu.memref_squeeze %dma_wait3A_23 : memref<1x640x16xf32, #tpu.memory_space<hbm>> -> memref<640x16xf32, #tpu.memory_space<hbm>>
      %dma_wait3A_25 = arith.constant 0 : i32
      %dma_wait3A_26 = tpu.memref_slice %arg20[%mul3A_2, %dma_wait3A_25] : memref<10240x16xf32, #tpu.memory_space<vmem_shared>> -> memref<640x16xf32, #tpu.memory_space<vmem_shared>>
      tpu.wait_dma2 semaphore(%run_scoped3A : memref<!tpu.dma_semaphore, #tpu.memory_space<semaphore_mem>>) src(%dma_wait3A_26 : memref<640x16xf32, #tpu.memory_space<vmem_shared>>) dst(%dma_wait3A_24 : memref<640x16xf32, #tpu.memory_space<hbm>>)
      tpu.yield
    }) : () -> ()
    return
  }
}

#map = affine_map<(d0, d1) -> (0, 0)>
#map1 = affine_map<(d0, d1) -> (0)>
#map2 = affine_map<(d0, d1) -> (0, 0, 0)>
module attributes {stable_mosaic.version = 14 : i64} {
  func.func @_sc_pass_a(%arg0: i32, %arg1: i32, %arg2: memref<10240x16xf32, #tpu.memory_space<hbm>>, %arg3: memref<10240x16xf32, #tpu.memory_space<hbm>>, %arg4: memref<160000xi32, #tpu.memory_space<hbm>>, %arg5: memref<160000xi32, #tpu.memory_space<hbm>>, %arg6: memref<10240x16xf32, #tpu.memory_space<hbm>>, %arg7: memref<160000x16xf32, #tpu.memory_space<hbm>>, %arg8: memref<2x10240x16xf32, #tpu.memory_space<hbm>>, %arg9: memref<128xi32, #tpu.memory_space<vmem>>, %arg10: memref<128xi32, #tpu.memory_space<vmem>>, %arg11: memref<128x16xf32, #tpu.memory_space<vmem>>, %arg12: memref<128x16xf32, #tpu.memory_space<vmem>>, %arg13: memref<10240x16xf32, #tpu.memory_space<vmem_shared>>, %arg14: memref<10240x16xf32, #tpu.memory_space<vmem_shared>>, %arg15: memref<10240x16xf32, #tpu.memory_space<vmem_shared>>) attributes {dimension_semantics = [#tpu.dimension_semantics<core_parallel>, #tpu.dimension_semantics<subcore_parallel>], iteration_bounds = array<i64: 2, 16>, scalar_prefetch = 0 : i64, scratch_operands = 7 : i64, tpu.core_type = #tpu.core_type<sc_vector_subcore>, window_params = [{transform_indices = #map}, {transform_indices = #map}, {transform_indices = #map1}, {transform_indices = #map1}, {transform_indices = #map}, {transform_indices = #map}, {transform_indices = #map2}]} {
    %mul3A = arith.constant 2 : i32
    %mul3A_0 = arith.muli %arg1, %mul3A : i32
    %add3A = arith.addi %mul3A_0, %arg0 : i32
    %mul3A_1 = arith.constant 640 : i32
    %mul3A_2 = arith.muli %arg1, %mul3A_1 : i32
    "tpu.region"() ({
      %run_scoped3A = tpu.sem_alloc : memref<!tpu.dma_semaphore, #tpu.memory_space<semaphore_mem>>
      %dma_start3A = arith.constant 0 : i32
      %dma_start3A_17 = tpu.memref_slice %arg13[%mul3A_2, %dma_start3A] : memref<10240x16xf32, #tpu.memory_space<vmem_shared>> -> memref<640x16xf32, #tpu.memory_space<vmem_shared>>
      %dma_start3A_18 = arith.constant 0 : i32
      %dma_start3A_19 = tpu.memref_slice %arg2[%mul3A_2, %dma_start3A_18] : memref<10240x16xf32, #tpu.memory_space<hbm>> -> memref<640x16xf32, #tpu.memory_space<hbm>>
      tpu.enqueue_dma source(%dma_start3A_19 : memref<640x16xf32, #tpu.memory_space<hbm>>) target(%dma_start3A_17 : memref<640x16xf32, #tpu.memory_space<vmem_shared>>) target_semaphore(%run_scoped3A : memref<!tpu.dma_semaphore, #tpu.memory_space<semaphore_mem>>)
      %dma_wait3A = arith.constant 0 : i32
      %dma_wait3A_20 = tpu.memref_slice %arg13[%mul3A_2, %dma_wait3A] : memref<10240x16xf32, #tpu.memory_space<vmem_shared>> -> memref<640x16xf32, #tpu.memory_space<vmem_shared>>
      %dma_wait3A_21 = arith.constant 0 : i32
      %dma_wait3A_22 = tpu.memref_slice %arg2[%mul3A_2, %dma_wait3A_21] : memref<10240x16xf32, #tpu.memory_space<hbm>> -> memref<640x16xf32, #tpu.memory_space<hbm>>
      tpu.wait_dma2 semaphore(%run_scoped3A : memref<!tpu.dma_semaphore, #tpu.memory_space<semaphore_mem>>) src(%dma_wait3A_22 : memref<640x16xf32, #tpu.memory_space<hbm>>) dst(%dma_wait3A_20 : memref<640x16xf32, #tpu.memory_space<vmem_shared>>)
      tpu.yield
    }) : () -> ()
    "tpu.region"() ({
      %run_scoped3A = tpu.sem_alloc : memref<!tpu.dma_semaphore, #tpu.memory_space<semaphore_mem>>
      %dma_start3A = arith.constant 0 : i32
      %dma_start3A_17 = tpu.memref_slice %arg14[%mul3A_2, %dma_start3A] : memref<10240x16xf32, #tpu.memory_space<vmem_shared>> -> memref<640x16xf32, #tpu.memory_space<vmem_shared>>
      %dma_start3A_18 = arith.constant 0 : i32
      %dma_start3A_19 = tpu.memref_slice %arg3[%mul3A_2, %dma_start3A_18] : memref<10240x16xf32, #tpu.memory_space<hbm>> -> memref<640x16xf32, #tpu.memory_space<hbm>>
      tpu.enqueue_dma source(%dma_start3A_19 : memref<640x16xf32, #tpu.memory_space<hbm>>) target(%dma_start3A_17 : memref<640x16xf32, #tpu.memory_space<vmem_shared>>) target_semaphore(%run_scoped3A : memref<!tpu.dma_semaphore, #tpu.memory_space<semaphore_mem>>)
      %dma_wait3A = arith.constant 0 : i32
      %dma_wait3A_20 = tpu.memref_slice %arg14[%mul3A_2, %dma_wait3A] : memref<10240x16xf32, #tpu.memory_space<vmem_shared>> -> memref<640x16xf32, #tpu.memory_space<vmem_shared>>
      %dma_wait3A_21 = arith.constant 0 : i32
      %dma_wait3A_22 = tpu.memref_slice %arg3[%mul3A_2, %dma_wait3A_21] : memref<10240x16xf32, #tpu.memory_space<hbm>> -> memref<640x16xf32, #tpu.memory_space<hbm>>
      tpu.wait_dma2 semaphore(%run_scoped3A : memref<!tpu.dma_semaphore, #tpu.memory_space<semaphore_mem>>) src(%dma_wait3A_22 : memref<640x16xf32, #tpu.memory_space<hbm>>) dst(%dma_wait3A_20 : memref<640x16xf32, #tpu.memory_space<vmem_shared>>)
      tpu.yield
    }) : () -> ()
    "tpu.region"() ({
      %run_scoped3A = tpu.sem_alloc : memref<!tpu.dma_semaphore, #tpu.memory_space<semaphore_mem>>
      %dma_start3A = arith.constant 0 : i32
      %dma_start3A_17 = tpu.memref_slice %arg15[%mul3A_2, %dma_start3A] : memref<10240x16xf32, #tpu.memory_space<vmem_shared>> -> memref<640x16xf32, #tpu.memory_space<vmem_shared>>
      %dma_start3A_18 = arith.constant 0 : i32
      %dma_start3A_19 = tpu.memref_slice %arg6[%mul3A_2, %dma_start3A_18] : memref<10240x16xf32, #tpu.memory_space<hbm>> -> memref<640x16xf32, #tpu.memory_space<hbm>>
      tpu.enqueue_dma source(%dma_start3A_19 : memref<640x16xf32, #tpu.memory_space<hbm>>) target(%dma_start3A_17 : memref<640x16xf32, #tpu.memory_space<vmem_shared>>) target_semaphore(%run_scoped3A : memref<!tpu.dma_semaphore, #tpu.memory_space<semaphore_mem>>)
      %dma_wait3A = arith.constant 0 : i32
      %dma_wait3A_20 = tpu.memref_slice %arg15[%mul3A_2, %dma_wait3A] : memref<10240x16xf32, #tpu.memory_space<vmem_shared>> -> memref<640x16xf32, #tpu.memory_space<vmem_shared>>
      %dma_wait3A_21 = arith.constant 0 : i32
      %dma_wait3A_22 = tpu.memref_slice %arg6[%mul3A_2, %dma_wait3A_21] : memref<10240x16xf32, #tpu.memory_space<hbm>> -> memref<640x16xf32, #tpu.memory_space<hbm>>
      tpu.wait_dma2 semaphore(%run_scoped3A : memref<!tpu.dma_semaphore, #tpu.memory_space<semaphore_mem>>) src(%dma_wait3A_22 : memref<640x16xf32, #tpu.memory_space<hbm>>) dst(%dma_wait3A_20 : memref<640x16xf32, #tpu.memory_space<vmem_shared>>)
      tpu.yield
    }) : () -> ()
    %barrier3A = arith.constant 0 : index
    tpu.barrier barrier_id(%barrier3A)
    %lt3A = arith.constant 2 : i32
    %lt3A_3 = arith.cmpi slt, %add3A, %lt3A : i32
    %jit3A = arith.constant 1 : i32
    %jit3A_4 = arith.constant 0 : i32
    %select_n3A = arith.select %lt3A_3, %jit3A, %jit3A_4 : i32
    %add3A_5 = arith.constant 39 : i32
    %add3A_6 = arith.addi %add3A_5, %select_n3A : i32
    %while3A = arith.constant 0 : i32
    %while3A_7 = arith.constant 0 : i32
    %while3A_8 = arith.subi %add3A_6, %while3A_7 : i32
    %while3A_9 = arith.addi %while3A_7, %while3A_8 : i32
    %while3A_10 = arith.constant 1 : i32
    %while3A_11 = arith.divsi %while3A_8, %while3A_10 : i32
    %while3A_12 = arith.muli %while3A_11, %while3A_10 : i32
    %while3A_13 = arith.addi %while3A_7, %while3A_12 : i32
    %while3A_14 = arith.constant 1 : i32
    scf.for %while3A_17 = %while3A_7 to %while3A_13 step %while3A_14  : i32 {
      %mul3A_18 = arith.constant 32 : i32
      %mul3A_19 = arith.muli %mul3A_18, %while3A_17 : i32
      %add3A_20 = arith.addi %add3A, %mul3A_19 : i32
      %mul3A_21 = arith.constant 128 : i32
      %mul3A_22 = arith.muli %add3A_20, %mul3A_21 : i32
      "tpu.region"() ({
        %run_scoped3A = tpu.sem_alloc : memref<!tpu.dma_semaphore, #tpu.memory_space<semaphore_mem>>
        %dma_start3A = tpu.memref_slice %arg4[%mul3A_22] : memref<160000xi32, #tpu.memory_space<hbm>> -> memref<128xi32, #tpu.memory_space<hbm>>
        %dma_start3A_25 = tpu.memref_slice %arg4[%mul3A_22] : memref<160000xi32, #tpu.memory_space<hbm>> -> memref<128xi32, #tpu.memory_space<hbm>>
        tpu.enqueue_dma source(%dma_start3A_25 : memref<128xi32, #tpu.memory_space<hbm>>) target(%arg9 : memref<128xi32, #tpu.memory_space<vmem>>) target_semaphore(%run_scoped3A : memref<!tpu.dma_semaphore, #tpu.memory_space<semaphore_mem>>)
        %dma_wait3A = tpu.memref_slice %arg4[%mul3A_22] : memref<160000xi32, #tpu.memory_space<hbm>> -> memref<128xi32, #tpu.memory_space<hbm>>
        %dma_wait3A_26 = tpu.memref_slice %arg4[%mul3A_22] : memref<160000xi32, #tpu.memory_space<hbm>> -> memref<128xi32, #tpu.memory_space<hbm>>
        tpu.wait_dma2 semaphore(%run_scoped3A : memref<!tpu.dma_semaphore, #tpu.memory_space<semaphore_mem>>) src(%dma_wait3A_26 : memref<128xi32, #tpu.memory_space<hbm>>) dst(%arg9 : memref<128xi32, #tpu.memory_space<vmem>>)
        tpu.yield
      }) : () -> ()
      "tpu.region"() ({
        %run_scoped3A = tpu.sem_alloc : memref<!tpu.dma_semaphore, #tpu.memory_space<semaphore_mem>>
        %dma_start3A = tpu.memref_slice %arg5[%mul3A_22] : memref<160000xi32, #tpu.memory_space<hbm>> -> memref<128xi32, #tpu.memory_space<hbm>>
        %dma_start3A_25 = tpu.memref_slice %arg5[%mul3A_22] : memref<160000xi32, #tpu.memory_space<hbm>> -> memref<128xi32, #tpu.memory_space<hbm>>
        tpu.enqueue_dma source(%dma_start3A_25 : memref<128xi32, #tpu.memory_space<hbm>>) target(%arg10 : memref<128xi32, #tpu.memory_space<vmem>>) target_semaphore(%run_scoped3A : memref<!tpu.dma_semaphore, #tpu.memory_space<semaphore_mem>>)
        %dma_wait3A = tpu.memref_slice %arg5[%mul3A_22] : memref<160000xi32, #tpu.memory_space<hbm>> -> memref<128xi32, #tpu.memory_space<hbm>>
        %dma_wait3A_26 = tpu.memref_slice %arg5[%mul3A_22] : memref<160000xi32, #tpu.memory_space<hbm>> -> memref<128xi32, #tpu.memory_space<hbm>>
        tpu.wait_dma2 semaphore(%run_scoped3A : memref<!tpu.dma_semaphore, #tpu.memory_space<semaphore_mem>>) src(%dma_wait3A_26 : memref<128xi32, #tpu.memory_space<hbm>>) dst(%arg10 : memref<128xi32, #tpu.memory_space<vmem>>)
        tpu.yield
      }) : () -> ()
      "tpu.region"() ({
        %run_scoped3A = tpu.sem_alloc : memref<!tpu.dma_semaphore, #tpu.memory_space<semaphore_mem>>
        %dma_start3A = arith.constant 0 : i32
        %dma_start3A_25 = arith.constant 0 : i32
        %dma_start3A_26 = tpu.memref_slice %arg13[%dma_start3A, %dma_start3A_25] : memref<10240x16xf32, #tpu.memory_space<vmem_shared>> -> memref<10240x16xf32, #tpu.memory_space<vmem_shared>>
        tpu.enqueue_indirect_dma source(%dma_start3A_26 : memref<10240x16xf32, #tpu.memory_space<vmem_shared>>) target(%arg11 : memref<128x16xf32, #tpu.memory_space<vmem>>) offsets(%arg9 : memref<128xi32, #tpu.memory_space<vmem>>) semaphore(%run_scoped3A : memref<!tpu.dma_semaphore, #tpu.memory_space<semaphore_mem>>)
        %dma_wait3A = arith.constant 0 : i32
        %dma_wait3A_27 = arith.constant 0 : i32
        %dma_wait3A_28 = tpu.memref_slice %arg13[%dma_wait3A, %dma_wait3A_27] : memref<10240x16xf32, #tpu.memory_space<vmem_shared>> -> memref<10240x16xf32, #tpu.memory_space<vmem_shared>>
        tpu.wait_indirect_dma semaphore(%run_scoped3A : memref<!tpu.dma_semaphore, #tpu.memory_space<semaphore_mem>>) src(%dma_wait3A_28 : memref<10240x16xf32, #tpu.memory_space<vmem_shared>>) dst(%arg11 : memref<128x16xf32, #tpu.memory_space<vmem>>)
        tpu.yield
      }) : () -> ()
      "tpu.region"() ({
        %run_scoped3A = tpu.sem_alloc : memref<!tpu.dma_semaphore, #tpu.memory_space<semaphore_mem>>
        %dma_start3A = arith.constant 0 : i32
        %dma_start3A_25 = arith.constant 0 : i32
        %dma_start3A_26 = tpu.memref_slice %arg14[%dma_start3A, %dma_start3A_25] : memref<10240x16xf32, #tpu.memory_space<vmem_shared>> -> memref<10240x16xf32, #tpu.memory_space<vmem_shared>>
        tpu.enqueue_indirect_dma source(%dma_start3A_26 : memref<10240x16xf32, #tpu.memory_space<vmem_shared>>) target(%arg12 : memref<128x16xf32, #tpu.memory_space<vmem>>) offsets(%arg10 : memref<128xi32, #tpu.memory_space<vmem>>) semaphore(%run_scoped3A : memref<!tpu.dma_semaphore, #tpu.memory_space<semaphore_mem>>)
        %dma_wait3A = arith.constant 0 : i32
        %dma_wait3A_27 = arith.constant 0 : i32
        %dma_wait3A_28 = tpu.memref_slice %arg14[%dma_wait3A, %dma_wait3A_27] : memref<10240x16xf32, #tpu.memory_space<vmem_shared>> -> memref<10240x16xf32, #tpu.memory_space<vmem_shared>>
        tpu.wait_indirect_dma semaphore(%run_scoped3A : memref<!tpu.dma_semaphore, #tpu.memory_space<semaphore_mem>>) src(%dma_wait3A_28 : memref<10240x16xf32, #tpu.memory_space<vmem_shared>>) dst(%arg12 : memref<128x16xf32, #tpu.memory_space<vmem>>)
        tpu.yield
      }) : () -> ()
      %parallel_loop3A = arith.constant 0 : i32
      %parallel_loop3A_23 = arith.constant 128 : i32
      %parallel_loop3A_24 = arith.constant 1 : i32
      scf.for %parallel_loop3A_25 = %parallel_loop3A to %parallel_loop3A_23 step %parallel_loop3A_24  : i32 {
        %parallel_loop3A_26 = arith.index_cast %parallel_loop3A_25 : i32 to index
        %parallel_loop3A_27 = arith.constant 0 : index
        %parallel_loop3A_28 = tpu.vector_load %arg11[%parallel_loop3A_26, %parallel_loop3A_27] {strides = array<i32>} : memref<128x16xf32, #tpu.memory_space<vmem>>, vector<1x16xf32>,
        %parallel_loop3A_29 = vector.shape_cast %parallel_loop3A_28 : vector<1x16xf32> to vector<16xf32>
        %parallel_loop3A_30 = arith.index_cast %parallel_loop3A_25 : i32 to index
        %parallel_loop3A_31 = arith.constant 0 : index
        %parallel_loop3A_32 = tpu.vector_load %arg12[%parallel_loop3A_30, %parallel_loop3A_31] {strides = array<i32>} : memref<128x16xf32, #tpu.memory_space<vmem>>, vector<1x16xf32>,
        %parallel_loop3A_33 = vector.shape_cast %parallel_loop3A_32 : vector<1x16xf32> to vector<16xf32>
        %parallel_loop3A_34 = arith.addf %parallel_loop3A_29, %parallel_loop3A_33 : vector<16xf32>
        %parallel_loop3A_35 = arith.constant 1.000000e-01 : f32
        %parallel_loop3A_36 = vector.broadcast %parallel_loop3A_35 : f32 to vector<16xf32>
        %parallel_loop3A_37 = arith.mulf %parallel_loop3A_34, %parallel_loop3A_36 : vector<16xf32>
        %parallel_loop3A_38 = arith.maximumf %parallel_loop3A_34, %parallel_loop3A_37 : vector<16xf32>
        %parallel_loop3A_39 = math.exp %parallel_loop3A_38 : vector<16xf32>
        %parallel_loop3A_40 = arith.index_cast %parallel_loop3A_25 : i32 to index
        %parallel_loop3A_41 = arith.constant 0 : index
        %parallel_loop3A_42 = tpu.vector_load %arg12[%parallel_loop3A_40, %parallel_loop3A_41] {strides = array<i32>} : memref<128x16xf32, #tpu.memory_space<vmem>>, vector<1x16xf32>,
        %parallel_loop3A_43 = vector.shape_cast %parallel_loop3A_42 : vector<1x16xf32> to vector<16xf32>
        %parallel_loop3A_44 = vector.shape_cast %parallel_loop3A_39 : vector<16xf32> to vector<1x16xf32>
        tpu.vector_store %arg12[%parallel_loop3A_40, %parallel_loop3A_41], %parallel_loop3A_44 {strides = array<i32>} : memref<128x16xf32, #tpu.memory_space<vmem>>, vector<1x16xf32>,
      } {sc.loop_unroll_factor = 8 : i64, sc.parallel_access}
      "tpu.region"() ({
        %run_scoped3A = tpu.sem_alloc : memref<!tpu.dma_semaphore, #tpu.memory_space<semaphore_mem>>
        %dma_start3A = arith.constant 0 : i32
        %dma_start3A_25 = tpu.memref_slice %arg7[%mul3A_22, %dma_start3A] : memref<160000x16xf32, #tpu.memory_space<hbm>> -> memref<128x16xf32, #tpu.memory_space<hbm>>
        %dma_start3A_26 = arith.constant 0 : i32
        %dma_start3A_27 = tpu.memref_slice %arg7[%mul3A_22, %dma_start3A_26] : memref<160000x16xf32, #tpu.memory_space<hbm>> -> memref<128x16xf32, #tpu.memory_space<hbm>>
        tpu.enqueue_dma source(%arg12 : memref<128x16xf32, #tpu.memory_space<vmem>>) target(%dma_start3A_27 : memref<128x16xf32, #tpu.memory_space<hbm>>) target_semaphore(%run_scoped3A : memref<!tpu.dma_semaphore, #tpu.memory_space<semaphore_mem>>)
        %dma_wait3A = arith.constant 0 : i32
        %dma_wait3A_28 = tpu.memref_slice %arg7[%mul3A_22, %dma_wait3A] : memref<160000x16xf32, #tpu.memory_space<hbm>> -> memref<128x16xf32, #tpu.memory_space<hbm>>
        %dma_wait3A_29 = arith.constant 0 : i32
        %dma_wait3A_30 = tpu.memref_slice %arg7[%mul3A_22, %dma_wait3A_29] : memref<160000x16xf32, #tpu.memory_space<hbm>> -> memref<128x16xf32, #tpu.memory_space<hbm>>
        tpu.wait_dma2 semaphore(%run_scoped3A : memref<!tpu.dma_semaphore, #tpu.memory_space<semaphore_mem>>) src(%arg12 : memref<128x16xf32, #tpu.memory_space<vmem>>) dst(%dma_wait3A_30 : memref<128x16xf32, #tpu.memory_space<hbm>>)
        tpu.yield
      }) : () -> ()
      "tpu.region"() ({
        %run_scoped3A = tpu.sem_alloc : memref<!tpu.dma_semaphore, #tpu.memory_space<semaphore_mem>>
        %dma_start3A = arith.constant 0 : i32
        %dma_start3A_25 = arith.constant 0 : i32
        %dma_start3A_26 = tpu.memref_slice %arg15[%dma_start3A, %dma_start3A_25] : memref<10240x16xf32, #tpu.memory_space<vmem_shared>> -> memref<10240x16xf32, #tpu.memory_space<vmem_shared>>
        tpu.enqueue_indirect_dma source(%arg12 : memref<128x16xf32, #tpu.memory_space<vmem>>) target(%dma_start3A_26 : memref<10240x16xf32, #tpu.memory_space<vmem_shared>>) offsets(%arg10 : memref<128xi32, #tpu.memory_space<vmem>>) semaphore(%run_scoped3A : memref<!tpu.dma_semaphore, #tpu.memory_space<semaphore_mem>>) {add = true}
        %dma_wait3A = arith.constant 0 : i32
        %dma_wait3A_27 = arith.constant 0 : i32
        %dma_wait3A_28 = tpu.memref_slice %arg15[%dma_wait3A, %dma_wait3A_27] : memref<10240x16xf32, #tpu.memory_space<vmem_shared>> -> memref<10240x16xf32, #tpu.memory_space<vmem_shared>>
        tpu.wait_indirect_dma semaphore(%run_scoped3A : memref<!tpu.dma_semaphore, #tpu.memory_space<semaphore_mem>>) src(%arg12 : memref<128x16xf32, #tpu.memory_space<vmem>>) dst(%dma_wait3A_28 : memref<10240x16xf32, #tpu.memory_space<vmem_shared>>)
        tpu.yield
      }) : () -> ()
    }
    %while3A_15 = arith.constant 1 : i32
    scf.for %while3A_17 = %while3A_13 to %while3A_9 step %while3A_15  : i32 {
      %mul3A_18 = arith.constant 32 : i32
      %mul3A_19 = arith.muli %mul3A_18, %while3A_17 : i32
      %add3A_20 = arith.addi %add3A, %mul3A_19 : i32
      %mul3A_21 = arith.constant 128 : i32
      %mul3A_22 = arith.muli %add3A_20, %mul3A_21 : i32
      "tpu.region"() ({
        %run_scoped3A = tpu.sem_alloc : memref<!tpu.dma_semaphore, #tpu.memory_space<semaphore_mem>>
        %dma_start3A = tpu.memref_slice %arg4[%mul3A_22] : memref<160000xi32, #tpu.memory_space<hbm>> -> memref<128xi32, #tpu.memory_space<hbm>>
        %dma_start3A_25 = tpu.memref_slice %arg4[%mul3A_22] : memref<160000xi32, #tpu.memory_space<hbm>> -> memref<128xi32, #tpu.memory_space<hbm>>
        tpu.enqueue_dma source(%dma_start3A_25 : memref<128xi32, #tpu.memory_space<hbm>>) target(%arg9 : memref<128xi32, #tpu.memory_space<vmem>>) target_semaphore(%run_scoped3A : memref<!tpu.dma_semaphore, #tpu.memory_space<semaphore_mem>>)
        %dma_wait3A = tpu.memref_slice %arg4[%mul3A_22] : memref<160000xi32, #tpu.memory_space<hbm>> -> memref<128xi32, #tpu.memory_space<hbm>>
        %dma_wait3A_26 = tpu.memref_slice %arg4[%mul3A_22] : memref<160000xi32, #tpu.memory_space<hbm>> -> memref<128xi32, #tpu.memory_space<hbm>>
        tpu.wait_dma2 semaphore(%run_scoped3A : memref<!tpu.dma_semaphore, #tpu.memory_space<semaphore_mem>>) src(%dma_wait3A_26 : memref<128xi32, #tpu.memory_space<hbm>>) dst(%arg9 : memref<128xi32, #tpu.memory_space<vmem>>)
        tpu.yield
      }) : () -> ()
      "tpu.region"() ({
        %run_scoped3A = tpu.sem_alloc : memref<!tpu.dma_semaphore, #tpu.memory_space<semaphore_mem>>
        %dma_start3A = tpu.memref_slice %arg5[%mul3A_22] : memref<160000xi32, #tpu.memory_space<hbm>> -> memref<128xi32, #tpu.memory_space<hbm>>
        %dma_start3A_25 = tpu.memref_slice %arg5[%mul3A_22] : memref<160000xi32, #tpu.memory_space<hbm>> -> memref<128xi32, #tpu.memory_space<hbm>>
        tpu.enqueue_dma source(%dma_start3A_25 : memref<128xi32, #tpu.memory_space<hbm>>) target(%arg10 : memref<128xi32, #tpu.memory_space<vmem>>) target_semaphore(%run_scoped3A : memref<!tpu.dma_semaphore, #tpu.memory_space<semaphore_mem>>)
        %dma_wait3A = tpu.memref_slice %arg5[%mul3A_22] : memref<160000xi32, #tpu.memory_space<hbm>> -> memref<128xi32, #tpu.memory_space<hbm>>
        %dma_wait3A_26 = tpu.memref_slice %arg5[%mul3A_22] : memref<160000xi32, #tpu.memory_space<hbm>> -> memref<128xi32, #tpu.memory_space<hbm>>
        tpu.wait_dma2 semaphore(%run_scoped3A : memref<!tpu.dma_semaphore, #tpu.memory_space<semaphore_mem>>) src(%dma_wait3A_26 : memref<128xi32, #tpu.memory_space<hbm>>) dst(%arg10 : memref<128xi32, #tpu.memory_space<vmem>>)
        tpu.yield
      }) : () -> ()
      "tpu.region"() ({
        %run_scoped3A = tpu.sem_alloc : memref<!tpu.dma_semaphore, #tpu.memory_space<semaphore_mem>>
        %dma_start3A = arith.constant 0 : i32
        %dma_start3A_25 = arith.constant 0 : i32
        %dma_start3A_26 = tpu.memref_slice %arg13[%dma_start3A, %dma_start3A_25] : memref<10240x16xf32, #tpu.memory_space<vmem_shared>> -> memref<10240x16xf32, #tpu.memory_space<vmem_shared>>
        tpu.enqueue_indirect_dma source(%dma_start3A_26 : memref<10240x16xf32, #tpu.memory_space<vmem_shared>>) target(%arg11 : memref<128x16xf32, #tpu.memory_space<vmem>>) offsets(%arg9 : memref<128xi32, #tpu.memory_space<vmem>>) semaphore(%run_scoped3A : memref<!tpu.dma_semaphore, #tpu.memory_space<semaphore_mem>>)
        %dma_wait3A = arith.constant 0 : i32
        %dma_wait3A_27 = arith.constant 0 : i32
        %dma_wait3A_28 = tpu.memref_slice %arg13[%dma_wait3A, %dma_wait3A_27] : memref<10240x16xf32, #tpu.memory_space<vmem_shared>> -> memref<10240x16xf32, #tpu.memory_space<vmem_shared>>
        tpu.wait_indirect_dma semaphore(%run_scoped3A : memref<!tpu.dma_semaphore, #tpu.memory_space<semaphore_mem>>) src(%dma_wait3A_28 : memref<10240x16xf32, #tpu.memory_space<vmem_shared>>) dst(%arg11 : memref<128x16xf32, #tpu.memory_space<vmem>>)
        tpu.yield
      }) : () -> ()
      "tpu.region"() ({
        %run_scoped3A = tpu.sem_alloc : memref<!tpu.dma_semaphore, #tpu.memory_space<semaphore_mem>>
        %dma_start3A = arith.constant 0 : i32
        %dma_start3A_25 = arith.constant 0 : i32
        %dma_start3A_26 = tpu.memref_slice %arg14[%dma_start3A, %dma_start3A_25] : memref<10240x16xf32, #tpu.memory_space<vmem_shared>> -> memref<10240x16xf32, #tpu.memory_space<vmem_shared>>
        tpu.enqueue_indirect_dma source(%dma_start3A_26 : memref<10240x16xf32, #tpu.memory_space<vmem_shared>>) target(%arg12 : memref<128x16xf32, #tpu.memory_space<vmem>>) offsets(%arg10 : memref<128xi32, #tpu.memory_space<vmem>>) semaphore(%run_scoped3A : memref<!tpu.dma_semaphore, #tpu.memory_space<semaphore_mem>>)
        %dma_wait3A = arith.constant 0 : i32
        %dma_wait3A_27 = arith.constant 0 : i32
        %dma_wait3A_28 = tpu.memref_slice %arg14[%dma_wait3A, %dma_wait3A_27] : memref<10240x16xf32, #tpu.memory_space<vmem_shared>> -> memref<10240x16xf32, #tpu.memory_space<vmem_shared>>
        tpu.wait_indirect_dma semaphore(%run_scoped3A : memref<!tpu.dma_semaphore, #tpu.memory_space<semaphore_mem>>) src(%dma_wait3A_28 : memref<10240x16xf32, #tpu.memory_space<vmem_shared>>) dst(%arg12 : memref<128x16xf32, #tpu.memory_space<vmem>>)
        tpu.yield
      }) : () -> ()
      %parallel_loop3A = arith.constant 0 : i32
      %parallel_loop3A_23 = arith.constant 128 : i32
      %parallel_loop3A_24 = arith.constant 1 : i32
      scf.for %parallel_loop3A_25 = %parallel_loop3A to %parallel_loop3A_23 step %parallel_loop3A_24  : i32 {
        %parallel_loop3A_26 = arith.index_cast %parallel_loop3A_25 : i32 to index
        %parallel_loop3A_27 = arith.constant 0 : index
        %parallel_loop3A_28 = tpu.vector_load %arg11[%parallel_loop3A_26, %parallel_loop3A_27] {strides = array<i32>} : memref<128x16xf32, #tpu.memory_space<vmem>>, vector<1x16xf32>,
        %parallel_loop3A_29 = vector.shape_cast %parallel_loop3A_28 : vector<1x16xf32> to vector<16xf32>
        %parallel_loop3A_30 = arith.index_cast %parallel_loop3A_25 : i32 to index
        %parallel_loop3A_31 = arith.constant 0 : index
        %parallel_loop3A_32 = tpu.vector_load %arg12[%parallel_loop3A_30, %parallel_loop3A_31] {strides = array<i32>} : memref<128x16xf32, #tpu.memory_space<vmem>>, vector<1x16xf32>,
        %parallel_loop3A_33 = vector.shape_cast %parallel_loop3A_32 : vector<1x16xf32> to vector<16xf32>
        %parallel_loop3A_34 = arith.addf %parallel_loop3A_29, %parallel_loop3A_33 : vector<16xf32>
        %parallel_loop3A_35 = arith.constant 1.000000e-01 : f32
        %parallel_loop3A_36 = vector.broadcast %parallel_loop3A_35 : f32 to vector<16xf32>
        %parallel_loop3A_37 = arith.mulf %parallel_loop3A_34, %parallel_loop3A_36 : vector<16xf32>
        %parallel_loop3A_38 = arith.maximumf %parallel_loop3A_34, %parallel_loop3A_37 : vector<16xf32>
        %parallel_loop3A_39 = math.exp %parallel_loop3A_38 : vector<16xf32>
        %parallel_loop3A_40 = arith.index_cast %parallel_loop3A_25 : i32 to index
        %parallel_loop3A_41 = arith.constant 0 : index
        %parallel_loop3A_42 = tpu.vector_load %arg12[%parallel_loop3A_40, %parallel_loop3A_41] {strides = array<i32>} : memref<128x16xf32, #tpu.memory_space<vmem>>, vector<1x16xf32>,
        %parallel_loop3A_43 = vector.shape_cast %parallel_loop3A_42 : vector<1x16xf32> to vector<16xf32>
        %parallel_loop3A_44 = vector.shape_cast %parallel_loop3A_39 : vector<16xf32> to vector<1x16xf32>
        tpu.vector_store %arg12[%parallel_loop3A_40, %parallel_loop3A_41], %parallel_loop3A_44 {strides = array<i32>} : memref<128x16xf32, #tpu.memory_space<vmem>>, vector<1x16xf32>,
      } {sc.loop_unroll_factor = 8 : i64, sc.parallel_access}
      "tpu.region"() ({
        %run_scoped3A = tpu.sem_alloc : memref<!tpu.dma_semaphore, #tpu.memory_space<semaphore_mem>>
        %dma_start3A = arith.constant 0 : i32
        %dma_start3A_25 = tpu.memref_slice %arg7[%mul3A_22, %dma_start3A] : memref<160000x16xf32, #tpu.memory_space<hbm>> -> memref<128x16xf32, #tpu.memory_space<hbm>>
        %dma_start3A_26 = arith.constant 0 : i32
        %dma_start3A_27 = tpu.memref_slice %arg7[%mul3A_22, %dma_start3A_26] : memref<160000x16xf32, #tpu.memory_space<hbm>> -> memref<128x16xf32, #tpu.memory_space<hbm>>
        tpu.enqueue_dma source(%arg12 : memref<128x16xf32, #tpu.memory_space<vmem>>) target(%dma_start3A_27 : memref<128x16xf32, #tpu.memory_space<hbm>>) target_semaphore(%run_scoped3A : memref<!tpu.dma_semaphore, #tpu.memory_space<semaphore_mem>>)
        %dma_wait3A = arith.constant 0 : i32
        %dma_wait3A_28 = tpu.memref_slice %arg7[%mul3A_22, %dma_wait3A] : memref<160000x16xf32, #tpu.memory_space<hbm>> -> memref<128x16xf32, #tpu.memory_space<hbm>>
        %dma_wait3A_29 = arith.constant 0 : i32
        %dma_wait3A_30 = tpu.memref_slice %arg7[%mul3A_22, %dma_wait3A_29] : memref<160000x16xf32, #tpu.memory_space<hbm>> -> memref<128x16xf32, #tpu.memory_space<hbm>>
        tpu.wait_dma2 semaphore(%run_scoped3A : memref<!tpu.dma_semaphore, #tpu.memory_space<semaphore_mem>>) src(%arg12 : memref<128x16xf32, #tpu.memory_space<vmem>>) dst(%dma_wait3A_30 : memref<128x16xf32, #tpu.memory_space<hbm>>)
        tpu.yield
      }) : () -> ()
      "tpu.region"() ({
        %run_scoped3A = tpu.sem_alloc : memref<!tpu.dma_semaphore, #tpu.memory_space<semaphore_mem>>
        %dma_start3A = arith.constant 0 : i32
        %dma_start3A_25 = arith.constant 0 : i32
        %dma_start3A_26 = tpu.memref_slice %arg15[%dma_start3A, %dma_start3A_25] : memref<10240x16xf32, #tpu.memory_space<vmem_shared>> -> memref<10240x16xf32, #tpu.memory_space<vmem_shared>>
        tpu.enqueue_indirect_dma source(%arg12 : memref<128x16xf32, #tpu.memory_space<vmem>>) target(%dma_start3A_26 : memref<10240x16xf32, #tpu.memory_space<vmem_shared>>) offsets(%arg10 : memref<128xi32, #tpu.memory_space<vmem>>) semaphore(%run_scoped3A : memref<!tpu.dma_semaphore, #tpu.memory_space<semaphore_mem>>) {add = true}
        %dma_wait3A = arith.constant 0 : i32
        %dma_wait3A_27 = arith.constant 0 : i32
        %dma_wait3A_28 = tpu.memref_slice %arg15[%dma_wait3A, %dma_wait3A_27] : memref<10240x16xf32, #tpu.memory_space<vmem_shared>> -> memref<10240x16xf32, #tpu.memory_space<vmem_shared>>
        tpu.wait_indirect_dma semaphore(%run_scoped3A : memref<!tpu.dma_semaphore, #tpu.memory_space<semaphore_mem>>) src(%arg12 : memref<128x16xf32, #tpu.memory_space<vmem>>) dst(%dma_wait3A_28 : memref<10240x16xf32, #tpu.memory_space<vmem_shared>>)
        tpu.yield
      }) : () -> ()
    }
    %barrier3A_16 = arith.constant 0 : index
    tpu.barrier barrier_id(%barrier3A_16)
    "tpu.region"() ({
      %run_scoped3A = tpu.sem_alloc : memref<!tpu.dma_semaphore, #tpu.memory_space<semaphore_mem>>
      %dma_start3A = arith.constant 0 : i32
      %dma_start3A_17 = tpu.memref_slice %arg8[%arg0, %mul3A_2, %dma_start3A] : memref<2x10240x16xf32, #tpu.memory_space<hbm>> -> memref<1x640x16xf32, #tpu.memory_space<hbm>>
      %dma_start3A_18 = tpu.memref_squeeze %dma_start3A_17 : memref<1x640x16xf32, #tpu.memory_space<hbm>> -> memref<640x16xf32, #tpu.memory_space<hbm>>
      %dma_start3A_19 = arith.constant 0 : i32
      %dma_start3A_20 = tpu.memref_slice %arg15[%mul3A_2, %dma_start3A_19] : memref<10240x16xf32, #tpu.memory_space<vmem_shared>> -> memref<640x16xf32, #tpu.memory_space<vmem_shared>>
      tpu.enqueue_dma source(%dma_start3A_20 : memref<640x16xf32, #tpu.memory_space<vmem_shared>>) target(%dma_start3A_18 : memref<640x16xf32, #tpu.memory_space<hbm>>) target_semaphore(%run_scoped3A : memref<!tpu.dma_semaphore, #tpu.memory_space<semaphore_mem>>)
      %dma_wait3A = arith.constant 0 : i32
      %dma_wait3A_21 = tpu.memref_slice %arg8[%arg0, %mul3A_2, %dma_wait3A] : memref<2x10240x16xf32, #tpu.memory_space<hbm>> -> memref<1x640x16xf32, #tpu.memory_space<hbm>>
      %dma_wait3A_22 = tpu.memref_squeeze %dma_wait3A_21 : memref<1x640x16xf32, #tpu.memory_space<hbm>> -> memref<640x16xf32, #tpu.memory_space<hbm>>
      %dma_wait3A_23 = arith.constant 0 : i32
      %dma_wait3A_24 = tpu.memref_slice %arg15[%mul3A_2, %dma_wait3A_23] : memref<10240x16xf32, #tpu.memory_space<vmem_shared>> -> memref<640x16xf32, #tpu.memory_space<vmem_shared>>
      tpu.wait_dma2 semaphore(%run_scoped3A : memref<!tpu.dma_semaphore, #tpu.memory_space<semaphore_mem>>) src(%dma_wait3A_24 : memref<640x16xf32, #tpu.memory_space<vmem_shared>>) dst(%dma_wait3A_22 : memref<640x16xf32, #tpu.memory_space<hbm>>)
      tpu.yield
    }) : () -> ()
    return
  }
}

#map = affine_map<(d0, d1) -> (0, 0)>
#map1 = affine_map<(d0, d1) -> (0)>
#map2 = affine_map<(d0, d1) -> (0, 0, 0)>
module attributes {stable_mosaic.version = 14 : i64} {
  func.func @_sc_pass_a(%arg0: i32, %arg1: i32, %arg2: memref<10240x16xf32, #tpu.memory_space<hbm>>, %arg3: memref<10240x16xf32, #tpu.memory_space<hbm>>, %arg4: memref<160000xi32, #tpu.memory_space<hbm>>, %arg5: memref<160000xi32, #tpu.memory_space<hbm>>, %arg6: memref<10240x16xf32, #tpu.memory_space<hbm>>, %arg7: memref<160000x16xf32, #tpu.memory_space<hbm>>, %arg8: memref<2x10240x16xf32, #tpu.memory_space<hbm>>, %arg9: memref<128xi32, #tpu.memory_space<vmem>>, %arg10: memref<128xi32, #tpu.memory_space<vmem>>, %arg11: memref<128x16xf32, #tpu.memory_space<vmem>>, %arg12: memref<128x16xf32, #tpu.memory_space<vmem>>, %arg13: memref<10240x16xf32, #tpu.memory_space<vmem_shared>>, %arg14: memref<10240x16xf32, #tpu.memory_space<vmem_shared>>, %arg15: memref<10240x16xf32, #tpu.memory_space<vmem_shared>>) attributes {dimension_semantics = [#tpu.dimension_semantics<core_parallel>, #tpu.dimension_semantics<subcore_parallel>], iteration_bounds = array<i64: 2, 16>, scalar_prefetch = 0 : i64, scratch_operands = 7 : i64, tpu.core_type = #tpu.core_type<sc_vector_subcore>, window_params = [{transform_indices = #map}, {transform_indices = #map}, {transform_indices = #map1}, {transform_indices = #map1}, {transform_indices = #map}, {transform_indices = #map}, {transform_indices = #map2}]} {
    %mul3A = arith.constant 2 : i32
    %mul3A_0 = arith.muli %arg1, %mul3A : i32
    %add3A = arith.addi %mul3A_0, %arg0 : i32
    %mul3A_1 = arith.constant 640 : i32
    %mul3A_2 = arith.muli %arg1, %mul3A_1 : i32
    "tpu.region"() ({
      %run_scoped3A = tpu.sem_alloc : memref<!tpu.dma_semaphore, #tpu.memory_space<semaphore_mem>>
      %dma_start3A = arith.constant 0 : i32
      %dma_start3A_17 = tpu.memref_slice %arg13[%mul3A_2, %dma_start3A] : memref<10240x16xf32, #tpu.memory_space<vmem_shared>> -> memref<640x16xf32, #tpu.memory_space<vmem_shared>>
      %dma_start3A_18 = arith.constant 0 : i32
      %dma_start3A_19 = tpu.memref_slice %arg2[%mul3A_2, %dma_start3A_18] : memref<10240x16xf32, #tpu.memory_space<hbm>> -> memref<640x16xf32, #tpu.memory_space<hbm>>
      tpu.enqueue_dma source(%dma_start3A_19 : memref<640x16xf32, #tpu.memory_space<hbm>>) target(%dma_start3A_17 : memref<640x16xf32, #tpu.memory_space<vmem_shared>>) target_semaphore(%run_scoped3A : memref<!tpu.dma_semaphore, #tpu.memory_space<semaphore_mem>>)
      %dma_wait3A = arith.constant 0 : i32
      %dma_wait3A_20 = tpu.memref_slice %arg13[%mul3A_2, %dma_wait3A] : memref<10240x16xf32, #tpu.memory_space<vmem_shared>> -> memref<640x16xf32, #tpu.memory_space<vmem_shared>>
      %dma_wait3A_21 = arith.constant 0 : i32
      %dma_wait3A_22 = tpu.memref_slice %arg2[%mul3A_2, %dma_wait3A_21] : memref<10240x16xf32, #tpu.memory_space<hbm>> -> memref<640x16xf32, #tpu.memory_space<hbm>>
      tpu.wait_dma2 semaphore(%run_scoped3A : memref<!tpu.dma_semaphore, #tpu.memory_space<semaphore_mem>>) src(%dma_wait3A_22 : memref<640x16xf32, #tpu.memory_space<hbm>>) dst(%dma_wait3A_20 : memref<640x16xf32, #tpu.memory_space<vmem_shared>>)
      tpu.yield
    }) : () -> ()
    "tpu.region"() ({
      %run_scoped3A = tpu.sem_alloc : memref<!tpu.dma_semaphore, #tpu.memory_space<semaphore_mem>>
      %dma_start3A = arith.constant 0 : i32
      %dma_start3A_17 = tpu.memref_slice %arg14[%mul3A_2, %dma_start3A] : memref<10240x16xf32, #tpu.memory_space<vmem_shared>> -> memref<640x16xf32, #tpu.memory_space<vmem_shared>>
      %dma_start3A_18 = arith.constant 0 : i32
      %dma_start3A_19 = tpu.memref_slice %arg3[%mul3A_2, %dma_start3A_18] : memref<10240x16xf32, #tpu.memory_space<hbm>> -> memref<640x16xf32, #tpu.memory_space<hbm>>
      tpu.enqueue_dma source(%dma_start3A_19 : memref<640x16xf32, #tpu.memory_space<hbm>>) target(%dma_start3A_17 : memref<640x16xf32, #tpu.memory_space<vmem_shared>>) target_semaphore(%run_scoped3A : memref<!tpu.dma_semaphore, #tpu.memory_space<semaphore_mem>>)
      %dma_wait3A = arith.constant 0 : i32
      %dma_wait3A_20 = tpu.memref_slice %arg14[%mul3A_2, %dma_wait3A] : memref<10240x16xf32, #tpu.memory_space<vmem_shared>> -> memref<640x16xf32, #tpu.memory_space<vmem_shared>>
      %dma_wait3A_21 = arith.constant 0 : i32
      %dma_wait3A_22 = tpu.memref_slice %arg3[%mul3A_2, %dma_wait3A_21] : memref<10240x16xf32, #tpu.memory_space<hbm>> -> memref<640x16xf32, #tpu.memory_space<hbm>>
      tpu.wait_dma2 semaphore(%run_scoped3A : memref<!tpu.dma_semaphore, #tpu.memory_space<semaphore_mem>>) src(%dma_wait3A_22 : memref<640x16xf32, #tpu.memory_space<hbm>>) dst(%dma_wait3A_20 : memref<640x16xf32, #tpu.memory_space<vmem_shared>>)
      tpu.yield
    }) : () -> ()
    "tpu.region"() ({
      %run_scoped3A = tpu.sem_alloc : memref<!tpu.dma_semaphore, #tpu.memory_space<semaphore_mem>>
      %dma_start3A = arith.constant 0 : i32
      %dma_start3A_17 = tpu.memref_slice %arg15[%mul3A_2, %dma_start3A] : memref<10240x16xf32, #tpu.memory_space<vmem_shared>> -> memref<640x16xf32, #tpu.memory_space<vmem_shared>>
      %dma_start3A_18 = arith.constant 0 : i32
      %dma_start3A_19 = tpu.memref_slice %arg6[%mul3A_2, %dma_start3A_18] : memref<10240x16xf32, #tpu.memory_space<hbm>> -> memref<640x16xf32, #tpu.memory_space<hbm>>
      tpu.enqueue_dma source(%dma_start3A_19 : memref<640x16xf32, #tpu.memory_space<hbm>>) target(%dma_start3A_17 : memref<640x16xf32, #tpu.memory_space<vmem_shared>>) target_semaphore(%run_scoped3A : memref<!tpu.dma_semaphore, #tpu.memory_space<semaphore_mem>>)
      %dma_wait3A = arith.constant 0 : i32
      %dma_wait3A_20 = tpu.memref_slice %arg15[%mul3A_2, %dma_wait3A] : memref<10240x16xf32, #tpu.memory_space<vmem_shared>> -> memref<640x16xf32, #tpu.memory_space<vmem_shared>>
      %dma_wait3A_21 = arith.constant 0 : i32
      %dma_wait3A_22 = tpu.memref_slice %arg6[%mul3A_2, %dma_wait3A_21] : memref<10240x16xf32, #tpu.memory_space<hbm>> -> memref<640x16xf32, #tpu.memory_space<hbm>>
      tpu.wait_dma2 semaphore(%run_scoped3A : memref<!tpu.dma_semaphore, #tpu.memory_space<semaphore_mem>>) src(%dma_wait3A_22 : memref<640x16xf32, #tpu.memory_space<hbm>>) dst(%dma_wait3A_20 : memref<640x16xf32, #tpu.memory_space<vmem_shared>>)
      tpu.yield
    }) : () -> ()
    %barrier3A = arith.constant 0 : index
    tpu.barrier barrier_id(%barrier3A)
    %lt3A = arith.constant 2 : i32
    %lt3A_3 = arith.cmpi slt, %add3A, %lt3A : i32
    %jit3A = arith.constant 1 : i32
    %jit3A_4 = arith.constant 0 : i32
    %select_n3A = arith.select %lt3A_3, %jit3A, %jit3A_4 : i32
    %add3A_5 = arith.constant 39 : i32
    %add3A_6 = arith.addi %add3A_5, %select_n3A : i32
    %while3A = arith.constant 0 : i32
    %while3A_7 = arith.constant 0 : i32
    %while3A_8 = arith.subi %add3A_6, %while3A_7 : i32
    %while3A_9 = arith.addi %while3A_7, %while3A_8 : i32
    %while3A_10 = arith.constant 1 : i32
    %while3A_11 = arith.divsi %while3A_8, %while3A_10 : i32
    %while3A_12 = arith.muli %while3A_11, %while3A_10 : i32
    %while3A_13 = arith.addi %while3A_7, %while3A_12 : i32
    %while3A_14 = arith.constant 1 : i32
    scf.for %while3A_17 = %while3A_7 to %while3A_13 step %while3A_14  : i32 {
      %mul3A_18 = arith.constant 32 : i32
      %mul3A_19 = arith.muli %mul3A_18, %while3A_17 : i32
      %add3A_20 = arith.addi %add3A, %mul3A_19 : i32
      %mul3A_21 = arith.constant 128 : i32
      %mul3A_22 = arith.muli %add3A_20, %mul3A_21 : i32
      "tpu.region"() ({
        %run_scoped3A = tpu.sem_alloc : memref<!tpu.dma_semaphore, #tpu.memory_space<semaphore_mem>>
        %dma_start3A = tpu.memref_slice %arg4[%mul3A_22] : memref<160000xi32, #tpu.memory_space<hbm>> -> memref<128xi32, #tpu.memory_space<hbm>>
        %dma_start3A_25 = tpu.memref_slice %arg4[%mul3A_22] : memref<160000xi32, #tpu.memory_space<hbm>> -> memref<128xi32, #tpu.memory_space<hbm>>
        tpu.enqueue_dma source(%dma_start3A_25 : memref<128xi32, #tpu.memory_space<hbm>>) target(%arg9 : memref<128xi32, #tpu.memory_space<vmem>>) target_semaphore(%run_scoped3A : memref<!tpu.dma_semaphore, #tpu.memory_space<semaphore_mem>>)
        %dma_wait3A = tpu.memref_slice %arg4[%mul3A_22] : memref<160000xi32, #tpu.memory_space<hbm>> -> memref<128xi32, #tpu.memory_space<hbm>>
        %dma_wait3A_26 = tpu.memref_slice %arg4[%mul3A_22] : memref<160000xi32, #tpu.memory_space<hbm>> -> memref<128xi32, #tpu.memory_space<hbm>>
        tpu.wait_dma2 semaphore(%run_scoped3A : memref<!tpu.dma_semaphore, #tpu.memory_space<semaphore_mem>>) src(%dma_wait3A_26 : memref<128xi32, #tpu.memory_space<hbm>>) dst(%arg9 : memref<128xi32, #tpu.memory_space<vmem>>)
        tpu.yield
      }) : () -> ()
      "tpu.region"() ({
        %run_scoped3A = tpu.sem_alloc : memref<!tpu.dma_semaphore, #tpu.memory_space<semaphore_mem>>
        %dma_start3A = tpu.memref_slice %arg5[%mul3A_22] : memref<160000xi32, #tpu.memory_space<hbm>> -> memref<128xi32, #tpu.memory_space<hbm>>
        %dma_start3A_25 = tpu.memref_slice %arg5[%mul3A_22] : memref<160000xi32, #tpu.memory_space<hbm>> -> memref<128xi32, #tpu.memory_space<hbm>>
        tpu.enqueue_dma source(%dma_start3A_25 : memref<128xi32, #tpu.memory_space<hbm>>) target(%arg10 : memref<128xi32, #tpu.memory_space<vmem>>) target_semaphore(%run_scoped3A : memref<!tpu.dma_semaphore, #tpu.memory_space<semaphore_mem>>)
        %dma_wait3A = tpu.memref_slice %arg5[%mul3A_22] : memref<160000xi32, #tpu.memory_space<hbm>> -> memref<128xi32, #tpu.memory_space<hbm>>
        %dma_wait3A_26 = tpu.memref_slice %arg5[%mul3A_22] : memref<160000xi32, #tpu.memory_space<hbm>> -> memref<128xi32, #tpu.memory_space<hbm>>
        tpu.wait_dma2 semaphore(%run_scoped3A : memref<!tpu.dma_semaphore, #tpu.memory_space<semaphore_mem>>) src(%dma_wait3A_26 : memref<128xi32, #tpu.memory_space<hbm>>) dst(%arg10 : memref<128xi32, #tpu.memory_space<vmem>>)
        tpu.yield
      }) : () -> ()
      "tpu.region"() ({
        %run_scoped3A = tpu.sem_alloc : memref<!tpu.dma_semaphore, #tpu.memory_space<semaphore_mem>>
        %dma_start3A = arith.constant 0 : i32
        %dma_start3A_25 = arith.constant 0 : i32
        %dma_start3A_26 = tpu.memref_slice %arg13[%dma_start3A, %dma_start3A_25] : memref<10240x16xf32, #tpu.memory_space<vmem_shared>> -> memref<10240x16xf32, #tpu.memory_space<vmem_shared>>
        tpu.enqueue_indirect_dma source(%dma_start3A_26 : memref<10240x16xf32, #tpu.memory_space<vmem_shared>>) target(%arg11 : memref<128x16xf32, #tpu.memory_space<vmem>>) offsets(%arg9 : memref<128xi32, #tpu.memory_space<vmem>>) semaphore(%run_scoped3A : memref<!tpu.dma_semaphore, #tpu.memory_space<semaphore_mem>>)
        %dma_wait3A = arith.constant 0 : i32
        %dma_wait3A_27 = arith.constant 0 : i32
        %dma_wait3A_28 = tpu.memref_slice %arg13[%dma_wait3A, %dma_wait3A_27] : memref<10240x16xf32, #tpu.memory_space<vmem_shared>> -> memref<10240x16xf32, #tpu.memory_space<vmem_shared>>
        tpu.wait_indirect_dma semaphore(%run_scoped3A : memref<!tpu.dma_semaphore, #tpu.memory_space<semaphore_mem>>) src(%dma_wait3A_28 : memref<10240x16xf32, #tpu.memory_space<vmem_shared>>) dst(%arg11 : memref<128x16xf32, #tpu.memory_space<vmem>>)
        tpu.yield
      }) : () -> ()
      "tpu.region"() ({
        %run_scoped3A = tpu.sem_alloc : memref<!tpu.dma_semaphore, #tpu.memory_space<semaphore_mem>>
        %dma_start3A = arith.constant 0 : i32
        %dma_start3A_25 = arith.constant 0 : i32
        %dma_start3A_26 = tpu.memref_slice %arg14[%dma_start3A, %dma_start3A_25] : memref<10240x16xf32, #tpu.memory_space<vmem_shared>> -> memref<10240x16xf32, #tpu.memory_space<vmem_shared>>
        tpu.enqueue_indirect_dma source(%dma_start3A_26 : memref<10240x16xf32, #tpu.memory_space<vmem_shared>>) target(%arg12 : memref<128x16xf32, #tpu.memory_space<vmem>>) offsets(%arg10 : memref<128xi32, #tpu.memory_space<vmem>>) semaphore(%run_scoped3A : memref<!tpu.dma_semaphore, #tpu.memory_space<semaphore_mem>>)
        %dma_wait3A = arith.constant 0 : i32
        %dma_wait3A_27 = arith.constant 0 : i32
        %dma_wait3A_28 = tpu.memref_slice %arg14[%dma_wait3A, %dma_wait3A_27] : memref<10240x16xf32, #tpu.memory_space<vmem_shared>> -> memref<10240x16xf32, #tpu.memory_space<vmem_shared>>
        tpu.wait_indirect_dma semaphore(%run_scoped3A : memref<!tpu.dma_semaphore, #tpu.memory_space<semaphore_mem>>) src(%dma_wait3A_28 : memref<10240x16xf32, #tpu.memory_space<vmem_shared>>) dst(%arg12 : memref<128x16xf32, #tpu.memory_space<vmem>>)
        tpu.yield
      }) : () -> ()
      %parallel_loop3A = arith.constant 0 : i32
      %parallel_loop3A_23 = arith.constant 128 : i32
      %parallel_loop3A_24 = arith.constant 1 : i32
      scf.for %parallel_loop3A_25 = %parallel_loop3A to %parallel_loop3A_23 step %parallel_loop3A_24  : i32 {
        %parallel_loop3A_26 = arith.index_cast %parallel_loop3A_25 : i32 to index
        %parallel_loop3A_27 = arith.constant 0 : index
        %parallel_loop3A_28 = tpu.vector_load %arg11[%parallel_loop3A_26, %parallel_loop3A_27] {strides = array<i32>} : memref<128x16xf32, #tpu.memory_space<vmem>>, vector<1x16xf32>,
        %parallel_loop3A_29 = vector.shape_cast %parallel_loop3A_28 : vector<1x16xf32> to vector<16xf32>
        %parallel_loop3A_30 = arith.index_cast %parallel_loop3A_25 : i32 to index
        %parallel_loop3A_31 = arith.constant 0 : index
        %parallel_loop3A_32 = tpu.vector_load %arg12[%parallel_loop3A_30, %parallel_loop3A_31] {strides = array<i32>} : memref<128x16xf32, #tpu.memory_space<vmem>>, vector<1x16xf32>,
        %parallel_loop3A_33 = vector.shape_cast %parallel_loop3A_32 : vector<1x16xf32> to vector<16xf32>
        %parallel_loop3A_34 = arith.addf %parallel_loop3A_29, %parallel_loop3A_33 : vector<16xf32>
        %parallel_loop3A_35 = arith.constant 1.000000e-01 : f32
        %parallel_loop3A_36 = vector.broadcast %parallel_loop3A_35 : f32 to vector<16xf32>
        %parallel_loop3A_37 = arith.mulf %parallel_loop3A_34, %parallel_loop3A_36 : vector<16xf32>
        %parallel_loop3A_38 = arith.maximumf %parallel_loop3A_34, %parallel_loop3A_37 : vector<16xf32>
        %parallel_loop3A_39 = math.exp %parallel_loop3A_38 : vector<16xf32>
        %parallel_loop3A_40 = arith.index_cast %parallel_loop3A_25 : i32 to index
        %parallel_loop3A_41 = arith.constant 0 : index
        %parallel_loop3A_42 = tpu.vector_load %arg12[%parallel_loop3A_40, %parallel_loop3A_41] {strides = array<i32>} : memref<128x16xf32, #tpu.memory_space<vmem>>, vector<1x16xf32>,
        %parallel_loop3A_43 = vector.shape_cast %parallel_loop3A_42 : vector<1x16xf32> to vector<16xf32>
        %parallel_loop3A_44 = vector.shape_cast %parallel_loop3A_39 : vector<16xf32> to vector<1x16xf32>
        tpu.vector_store %arg12[%parallel_loop3A_40, %parallel_loop3A_41], %parallel_loop3A_44 {strides = array<i32>} : memref<128x16xf32, #tpu.memory_space<vmem>>, vector<1x16xf32>,
      } {sc.loop_unroll_factor = 8 : i64, sc.parallel_access}
      "tpu.region"() ({
        %run_scoped3A = tpu.sem_alloc : memref<!tpu.dma_semaphore, #tpu.memory_space<semaphore_mem>>
        %dma_start3A = arith.constant 0 : i32
        %dma_start3A_25 = tpu.memref_slice %arg7[%mul3A_22, %dma_start3A] : memref<160000x16xf32, #tpu.memory_space<hbm>> -> memref<128x16xf32, #tpu.memory_space<hbm>>
        %dma_start3A_26 = arith.constant 0 : i32
        %dma_start3A_27 = tpu.memref_slice %arg7[%mul3A_22, %dma_start3A_26] : memref<160000x16xf32, #tpu.memory_space<hbm>> -> memref<128x16xf32, #tpu.memory_space<hbm>>
        tpu.enqueue_dma source(%arg12 : memref<128x16xf32, #tpu.memory_space<vmem>>) target(%dma_start3A_27 : memref<128x16xf32, #tpu.memory_space<hbm>>) target_semaphore(%run_scoped3A : memref<!tpu.dma_semaphore, #tpu.memory_space<semaphore_mem>>)
        %dma_wait3A = arith.constant 0 : i32
        %dma_wait3A_28 = tpu.memref_slice %arg7[%mul3A_22, %dma_wait3A] : memref<160000x16xf32, #tpu.memory_space<hbm>> -> memref<128x16xf32, #tpu.memory_space<hbm>>
        %dma_wait3A_29 = arith.constant 0 : i32
        %dma_wait3A_30 = tpu.memref_slice %arg7[%mul3A_22, %dma_wait3A_29] : memref<160000x16xf32, #tpu.memory_space<hbm>> -> memref<128x16xf32, #tpu.memory_space<hbm>>
        tpu.wait_dma2 semaphore(%run_scoped3A : memref<!tpu.dma_semaphore, #tpu.memory_space<semaphore_mem>>) src(%arg12 : memref<128x16xf32, #tpu.memory_space<vmem>>) dst(%dma_wait3A_30 : memref<128x16xf32, #tpu.memory_space<hbm>>)
        tpu.yield
      }) : () -> ()
      "tpu.region"() ({
        %run_scoped3A = tpu.sem_alloc : memref<!tpu.dma_semaphore, #tpu.memory_space<semaphore_mem>>
        %dma_start3A = arith.constant 0 : i32
        %dma_start3A_25 = arith.constant 0 : i32
        %dma_start3A_26 = tpu.memref_slice %arg15[%dma_start3A, %dma_start3A_25] : memref<10240x16xf32, #tpu.memory_space<vmem_shared>> -> memref<10240x16xf32, #tpu.memory_space<vmem_shared>>
        tpu.enqueue_indirect_dma source(%arg12 : memref<128x16xf32, #tpu.memory_space<vmem>>) target(%dma_start3A_26 : memref<10240x16xf32, #tpu.memory_space<vmem_shared>>) offsets(%arg10 : memref<128xi32, #tpu.memory_space<vmem>>) semaphore(%run_scoped3A : memref<!tpu.dma_semaphore, #tpu.memory_space<semaphore_mem>>) {add = true}
        %dma_wait3A = arith.constant 0 : i32
        %dma_wait3A_27 = arith.constant 0 : i32
        %dma_wait3A_28 = tpu.memref_slice %arg15[%dma_wait3A, %dma_wait3A_27] : memref<10240x16xf32, #tpu.memory_space<vmem_shared>> -> memref<10240x16xf32, #tpu.memory_space<vmem_shared>>
        tpu.wait_indirect_dma semaphore(%run_scoped3A : memref<!tpu.dma_semaphore, #tpu.memory_space<semaphore_mem>>) src(%arg12 : memref<128x16xf32, #tpu.memory_space<vmem>>) dst(%dma_wait3A_28 : memref<10240x16xf32, #tpu.memory_space<vmem_shared>>)
        tpu.yield
      }) : () -> ()
    }
    %while3A_15 = arith.constant 1 : i32
    scf.for %while3A_17 = %while3A_13 to %while3A_9 step %while3A_15  : i32 {
      %mul3A_18 = arith.constant 32 : i32
      %mul3A_19 = arith.muli %mul3A_18, %while3A_17 : i32
      %add3A_20 = arith.addi %add3A, %mul3A_19 : i32
      %mul3A_21 = arith.constant 128 : i32
      %mul3A_22 = arith.muli %add3A_20, %mul3A_21 : i32
      "tpu.region"() ({
        %run_scoped3A = tpu.sem_alloc : memref<!tpu.dma_semaphore, #tpu.memory_space<semaphore_mem>>
        %dma_start3A = tpu.memref_slice %arg4[%mul3A_22] : memref<160000xi32, #tpu.memory_space<hbm>> -> memref<128xi32, #tpu.memory_space<hbm>>
        %dma_start3A_25 = tpu.memref_slice %arg4[%mul3A_22] : memref<160000xi32, #tpu.memory_space<hbm>> -> memref<128xi32, #tpu.memory_space<hbm>>
        tpu.enqueue_dma source(%dma_start3A_25 : memref<128xi32, #tpu.memory_space<hbm>>) target(%arg9 : memref<128xi32, #tpu.memory_space<vmem>>) target_semaphore(%run_scoped3A : memref<!tpu.dma_semaphore, #tpu.memory_space<semaphore_mem>>)
        %dma_wait3A = tpu.memref_slice %arg4[%mul3A_22] : memref<160000xi32, #tpu.memory_space<hbm>> -> memref<128xi32, #tpu.memory_space<hbm>>
        %dma_wait3A_26 = tpu.memref_slice %arg4[%mul3A_22] : memref<160000xi32, #tpu.memory_space<hbm>> -> memref<128xi32, #tpu.memory_space<hbm>>
        tpu.wait_dma2 semaphore(%run_scoped3A : memref<!tpu.dma_semaphore, #tpu.memory_space<semaphore_mem>>) src(%dma_wait3A_26 : memref<128xi32, #tpu.memory_space<hbm>>) dst(%arg9 : memref<128xi32, #tpu.memory_space<vmem>>)
        tpu.yield
      }) : () -> ()
      "tpu.region"() ({
        %run_scoped3A = tpu.sem_alloc : memref<!tpu.dma_semaphore, #tpu.memory_space<semaphore_mem>>
        %dma_start3A = tpu.memref_slice %arg5[%mul3A_22] : memref<160000xi32, #tpu.memory_space<hbm>> -> memref<128xi32, #tpu.memory_space<hbm>>
        %dma_start3A_25 = tpu.memref_slice %arg5[%mul3A_22] : memref<160000xi32, #tpu.memory_space<hbm>> -> memref<128xi32, #tpu.memory_space<hbm>>
        tpu.enqueue_dma source(%dma_start3A_25 : memref<128xi32, #tpu.memory_space<hbm>>) target(%arg10 : memref<128xi32, #tpu.memory_space<vmem>>) target_semaphore(%run_scoped3A : memref<!tpu.dma_semaphore, #tpu.memory_space<semaphore_mem>>)
        %dma_wait3A = tpu.memref_slice %arg5[%mul3A_22] : memref<160000xi32, #tpu.memory_space<hbm>> -> memref<128xi32, #tpu.memory_space<hbm>>
        %dma_wait3A_26 = tpu.memref_slice %arg5[%mul3A_22] : memref<160000xi32, #tpu.memory_space<hbm>> -> memref<128xi32, #tpu.memory_space<hbm>>
        tpu.wait_dma2 semaphore(%run_scoped3A : memref<!tpu.dma_semaphore, #tpu.memory_space<semaphore_mem>>) src(%dma_wait3A_26 : memref<128xi32, #tpu.memory_space<hbm>>) dst(%arg10 : memref<128xi32, #tpu.memory_space<vmem>>)
        tpu.yield
      }) : () -> ()
      "tpu.region"() ({
        %run_scoped3A = tpu.sem_alloc : memref<!tpu.dma_semaphore, #tpu.memory_space<semaphore_mem>>
        %dma_start3A = arith.constant 0 : i32
        %dma_start3A_25 = arith.constant 0 : i32
        %dma_start3A_26 = tpu.memref_slice %arg13[%dma_start3A, %dma_start3A_25] : memref<10240x16xf32, #tpu.memory_space<vmem_shared>> -> memref<10240x16xf32, #tpu.memory_space<vmem_shared>>
        tpu.enqueue_indirect_dma source(%dma_start3A_26 : memref<10240x16xf32, #tpu.memory_space<vmem_shared>>) target(%arg11 : memref<128x16xf32, #tpu.memory_space<vmem>>) offsets(%arg9 : memref<128xi32, #tpu.memory_space<vmem>>) semaphore(%run_scoped3A : memref<!tpu.dma_semaphore, #tpu.memory_space<semaphore_mem>>)
        %dma_wait3A = arith.constant 0 : i32
        %dma_wait3A_27 = arith.constant 0 : i32
        %dma_wait3A_28 = tpu.memref_slice %arg13[%dma_wait3A, %dma_wait3A_27] : memref<10240x16xf32, #tpu.memory_space<vmem_shared>> -> memref<10240x16xf32, #tpu.memory_space<vmem_shared>>
        tpu.wait_indirect_dma semaphore(%run_scoped3A : memref<!tpu.dma_semaphore, #tpu.memory_space<semaphore_mem>>) src(%dma_wait3A_28 : memref<10240x16xf32, #tpu.memory_space<vmem_shared>>) dst(%arg11 : memref<128x16xf32, #tpu.memory_space<vmem>>)
        tpu.yield
      }) : () -> ()
      "tpu.region"() ({
        %run_scoped3A = tpu.sem_alloc : memref<!tpu.dma_semaphore, #tpu.memory_space<semaphore_mem>>
        %dma_start3A = arith.constant 0 : i32
        %dma_start3A_25 = arith.constant 0 : i32
        %dma_start3A_26 = tpu.memref_slice %arg14[%dma_start3A, %dma_start3A_25] : memref<10240x16xf32, #tpu.memory_space<vmem_shared>> -> memref<10240x16xf32, #tpu.memory_space<vmem_shared>>
        tpu.enqueue_indirect_dma source(%dma_start3A_26 : memref<10240x16xf32, #tpu.memory_space<vmem_shared>>) target(%arg12 : memref<128x16xf32, #tpu.memory_space<vmem>>) offsets(%arg10 : memref<128xi32, #tpu.memory_space<vmem>>) semaphore(%run_scoped3A : memref<!tpu.dma_semaphore, #tpu.memory_space<semaphore_mem>>)
        %dma_wait3A = arith.constant 0 : i32
        %dma_wait3A_27 = arith.constant 0 : i32
        %dma_wait3A_28 = tpu.memref_slice %arg14[%dma_wait3A, %dma_wait3A_27] : memref<10240x16xf32, #tpu.memory_space<vmem_shared>> -> memref<10240x16xf32, #tpu.memory_space<vmem_shared>>
        tpu.wait_indirect_dma semaphore(%run_scoped3A : memref<!tpu.dma_semaphore, #tpu.memory_space<semaphore_mem>>) src(%dma_wait3A_28 : memref<10240x16xf32, #tpu.memory_space<vmem_shared>>) dst(%arg12 : memref<128x16xf32, #tpu.memory_space<vmem>>)
        tpu.yield
      }) : () -> ()
      %parallel_loop3A = arith.constant 0 : i32
      %parallel_loop3A_23 = arith.constant 128 : i32
      %parallel_loop3A_24 = arith.constant 1 : i32
      scf.for %parallel_loop3A_25 = %parallel_loop3A to %parallel_loop3A_23 step %parallel_loop3A_24  : i32 {
        %parallel_loop3A_26 = arith.index_cast %parallel_loop3A_25 : i32 to index
        %parallel_loop3A_27 = arith.constant 0 : index
        %parallel_loop3A_28 = tpu.vector_load %arg11[%parallel_loop3A_26, %parallel_loop3A_27] {strides = array<i32>} : memref<128x16xf32, #tpu.memory_space<vmem>>, vector<1x16xf32>,
        %parallel_loop3A_29 = vector.shape_cast %parallel_loop3A_28 : vector<1x16xf32> to vector<16xf32>
        %parallel_loop3A_30 = arith.index_cast %parallel_loop3A_25 : i32 to index
        %parallel_loop3A_31 = arith.constant 0 : index
        %parallel_loop3A_32 = tpu.vector_load %arg12[%parallel_loop3A_30, %parallel_loop3A_31] {strides = array<i32>} : memref<128x16xf32, #tpu.memory_space<vmem>>, vector<1x16xf32>,
        %parallel_loop3A_33 = vector.shape_cast %parallel_loop3A_32 : vector<1x16xf32> to vector<16xf32>
        %parallel_loop3A_34 = arith.addf %parallel_loop3A_29, %parallel_loop3A_33 : vector<16xf32>
        %parallel_loop3A_35 = arith.constant 1.000000e-01 : f32
        %parallel_loop3A_36 = vector.broadcast %parallel_loop3A_35 : f32 to vector<16xf32>
        %parallel_loop3A_37 = arith.mulf %parallel_loop3A_34, %parallel_loop3A_36 : vector<16xf32>
        %parallel_loop3A_38 = arith.maximumf %parallel_loop3A_34, %parallel_loop3A_37 : vector<16xf32>
        %parallel_loop3A_39 = math.exp %parallel_loop3A_38 : vector<16xf32>
        %parallel_loop3A_40 = arith.index_cast %parallel_loop3A_25 : i32 to index
        %parallel_loop3A_41 = arith.constant 0 : index
        %parallel_loop3A_42 = tpu.vector_load %arg12[%parallel_loop3A_40, %parallel_loop3A_41] {strides = array<i32>} : memref<128x16xf32, #tpu.memory_space<vmem>>, vector<1x16xf32>,
        %parallel_loop3A_43 = vector.shape_cast %parallel_loop3A_42 : vector<1x16xf32> to vector<16xf32>
        %parallel_loop3A_44 = vector.shape_cast %parallel_loop3A_39 : vector<16xf32> to vector<1x16xf32>
        tpu.vector_store %arg12[%parallel_loop3A_40, %parallel_loop3A_41], %parallel_loop3A_44 {strides = array<i32>} : memref<128x16xf32, #tpu.memory_space<vmem>>, vector<1x16xf32>,
      } {sc.loop_unroll_factor = 8 : i64, sc.parallel_access}
      "tpu.region"() ({
        %run_scoped3A = tpu.sem_alloc : memref<!tpu.dma_semaphore, #tpu.memory_space<semaphore_mem>>
        %dma_start3A = arith.constant 0 : i32
        %dma_start3A_25 = tpu.memref_slice %arg7[%mul3A_22, %dma_start3A] : memref<160000x16xf32, #tpu.memory_space<hbm>> -> memref<128x16xf32, #tpu.memory_space<hbm>>
        %dma_start3A_26 = arith.constant 0 : i32
        %dma_start3A_27 = tpu.memref_slice %arg7[%mul3A_22, %dma_start3A_26] : memref<160000x16xf32, #tpu.memory_space<hbm>> -> memref<128x16xf32, #tpu.memory_space<hbm>>
        tpu.enqueue_dma source(%arg12 : memref<128x16xf32, #tpu.memory_space<vmem>>) target(%dma_start3A_27 : memref<128x16xf32, #tpu.memory_space<hbm>>) target_semaphore(%run_scoped3A : memref<!tpu.dma_semaphore, #tpu.memory_space<semaphore_mem>>)
        %dma_wait3A = arith.constant 0 : i32
        %dma_wait3A_28 = tpu.memref_slice %arg7[%mul3A_22, %dma_wait3A] : memref<160000x16xf32, #tpu.memory_space<hbm>> -> memref<128x16xf32, #tpu.memory_space<hbm>>
        %dma_wait3A_29 = arith.constant 0 : i32
        %dma_wait3A_30 = tpu.memref_slice %arg7[%mul3A_22, %dma_wait3A_29] : memref<160000x16xf32, #tpu.memory_space<hbm>> -> memref<128x16xf32, #tpu.memory_space<hbm>>
        tpu.wait_dma2 semaphore(%run_scoped3A : memref<!tpu.dma_semaphore, #tpu.memory_space<semaphore_mem>>) src(%arg12 : memref<128x16xf32, #tpu.memory_space<vmem>>) dst(%dma_wait3A_30 : memref<128x16xf32, #tpu.memory_space<hbm>>)
        tpu.yield
      }) : () -> ()
      "tpu.region"() ({
        %run_scoped3A = tpu.sem_alloc : memref<!tpu.dma_semaphore, #tpu.memory_space<semaphore_mem>>
        %dma_start3A = arith.constant 0 : i32
        %dma_start3A_25 = arith.constant 0 : i32
        %dma_start3A_26 = tpu.memref_slice %arg15[%dma_start3A, %dma_start3A_25] : memref<10240x16xf32, #tpu.memory_space<vmem_shared>> -> memref<10240x16xf32, #tpu.memory_space<vmem_shared>>
        tpu.enqueue_indirect_dma source(%arg12 : memref<128x16xf32, #tpu.memory_space<vmem>>) target(%dma_start3A_26 : memref<10240x16xf32, #tpu.memory_space<vmem_shared>>) offsets(%arg10 : memref<128xi32, #tpu.memory_space<vmem>>) semaphore(%run_scoped3A : memref<!tpu.dma_semaphore, #tpu.memory_space<semaphore_mem>>) {add = true}
        %dma_wait3A = arith.constant 0 : i32
        %dma_wait3A_27 = arith.constant 0 : i32
        %dma_wait3A_28 = tpu.memref_slice %arg15[%dma_wait3A, %dma_wait3A_27] : memref<10240x16xf32, #tpu.memory_space<vmem_shared>> -> memref<10240x16xf32, #tpu.memory_space<vmem_shared>>
        tpu.wait_indirect_dma semaphore(%run_scoped3A : memref<!tpu.dma_semaphore, #tpu.memory_space<semaphore_mem>>) src(%arg12 : memref<128x16xf32, #tpu.memory_space<vmem>>) dst(%dma_wait3A_28 : memref<10240x16xf32, #tpu.memory_space<vmem_shared>>)
        tpu.yield
      }) : () -> ()
    }
    %barrier3A_16 = arith.constant 0 : index
    tpu.barrier barrier_id(%barrier3A_16)
    "tpu.region"() ({
      %run_scoped3A = tpu.sem_alloc : memref<!tpu.dma_semaphore, #tpu.memory_space<semaphore_mem>>
      %dma_start3A = arith.constant 0 : i32
      %dma_start3A_17 = tpu.memref_slice %arg8[%arg0, %mul3A_2, %dma_start3A] : memref<2x10240x16xf32, #tpu.memory_space<hbm>> -> memref<1x640x16xf32, #tpu.memory_space<hbm>>
      %dma_start3A_18 = tpu.memref_squeeze %dma_start3A_17 : memref<1x640x16xf32, #tpu.memory_space<hbm>> -> memref<640x16xf32, #tpu.memory_space<hbm>>
      %dma_start3A_19 = arith.constant 0 : i32
      %dma_start3A_20 = tpu.memref_slice %arg15[%mul3A_2, %dma_start3A_19] : memref<10240x16xf32, #tpu.memory_space<vmem_shared>> -> memref<640x16xf32, #tpu.memory_space<vmem_shared>>
      tpu.enqueue_dma source(%dma_start3A_20 : memref<640x16xf32, #tpu.memory_space<vmem_shared>>) target(%dma_start3A_18 : memref<640x16xf32, #tpu.memory_space<hbm>>) target_semaphore(%run_scoped3A : memref<!tpu.dma_semaphore, #tpu.memory_space<semaphore_mem>>)
      %dma_wait3A = arith.constant 0 : i32
      %dma_wait3A_21 = tpu.memref_slice %arg8[%arg0, %mul3A_2, %dma_wait3A] : memref<2x10240x16xf32, #tpu.memory_space<hbm>> -> memref<1x640x16xf32, #tpu.memory_space<hbm>>
      %dma_wait3A_22 = tpu.memref_squeeze %dma_wait3A_21 : memref<1x640x16xf32, #tpu.memory_space<hbm>> -> memref<640x16xf32, #tpu.memory_space<hbm>>
      %dma_wait3A_23 = arith.constant 0 : i32
      %dma_wait3A_24 = tpu.memref_slice %arg15[%mul3A_2, %dma_wait3A_23] : memref<10240x16xf32, #tpu.memory_space<vmem_shared>> -> memref<640x16xf32, #tpu.memory_space<vmem_shared>>
      tpu.wait_dma2 semaphore(%run_scoped3A : memref<!tpu.dma_semaphore, #tpu.memory_space<semaphore_mem>>) src(%dma_wait3A_24 : memref<640x16xf32, #tpu.memory_space<vmem_shared>>) dst(%dma_wait3A_22 : memref<640x16xf32, #tpu.memory_space<hbm>>)
      tpu.yield
    }) : () -> ()
    return
  }
}

#map = affine_map<(d0, d1) -> (0, 0)>
#map1 = affine_map<(d0, d1) -> (0)>
#map2 = affine_map<(d0, d1) -> (0, 0, 0)>
module attributes {stable_mosaic.version = 14 : i64} {
  func.func @_sc_pass_b(%arg0: i32, %arg1: i32, %arg2: memref<10000x256xf32, #tpu.memory_space<hbm>>, %arg3: memref<160000x16xf32, #tpu.memory_space<hbm>>, %arg4: memref<10240x16xf32, #tpu.memory_space<hbm>>, %arg5: memref<10240x16xf32, #tpu.memory_space<hbm>>, %arg6: memref<160000xi32, #tpu.memory_space<hbm>>, %arg7: memref<160000xi32, #tpu.memory_space<hbm>>, %arg8: memref<10240x16xf32, #tpu.memory_space<hbm>>, %arg9: memref<2x10240x16xf32, #tpu.memory_space<hbm>>, %arg10: memref<128xi32, #tpu.memory_space<vmem>>, %arg11: memref<128xi32, #tpu.memory_space<vmem>>, %arg12: memref<128x16xf32, #tpu.memory_space<vmem>>, %arg13: memref<128x16xf32, #tpu.memory_space<vmem>>, %arg14: memref<128x256xf32, #tpu.memory_space<vmem>>, %arg15: memref<128x16xf32, #tpu.memory_space<vmem>>, %arg16: memref<640x16xf32, #tpu.memory_space<vmem>>, %arg17: memref<640x16xf32, #tpu.memory_space<vmem>>, %arg18: memref<!tpu.dma_semaphore, #tpu.memory_space<semaphore_mem>>, %arg19: memref<10240x16xf32, #tpu.memory_space<vmem_shared>>, %arg20: memref<10240x16xf32, #tpu.memory_space<vmem_shared>>) attributes {dimension_semantics = [#tpu.dimension_semantics<core_parallel>, #tpu.dimension_semantics<subcore_parallel>], iteration_bounds = array<i64: 2, 16>, scalar_prefetch = 0 : i64, scratch_operands = 11 : i64, tpu.core_type = #tpu.core_type<sc_vector_subcore>, window_params = [{transform_indices = #map}, {transform_indices = #map}, {transform_indices = #map}, {transform_indices = #map}, {transform_indices = #map1}, {transform_indices = #map1}, {transform_indices = #map}, {transform_indices = #map2}]} {
    %mul3A = arith.constant 2 : i32
    %mul3A_0 = arith.muli %arg1, %mul3A : i32
    %add3A = arith.addi %mul3A_0, %arg0 : i32
    %mul3A_1 = arith.constant 640 : i32
    %mul3A_2 = arith.muli %arg1, %mul3A_1 : i32
    "tpu.region"() ({
      %run_scoped3A = tpu.sem_alloc : memref<!tpu.dma_semaphore, #tpu.memory_space<semaphore_mem>>
      %dma_start3A = arith.constant 0 : i32
      %dma_start3A_19 = tpu.memref_slice %arg4[%mul3A_2, %dma_start3A] : memref<10240x16xf32, #tpu.memory_space<hbm>> -> memref<640x16xf32, #tpu.memory_space<hbm>>
      %dma_start3A_20 = arith.constant 0 : i32
      %dma_start3A_21 = tpu.memref_slice %arg4[%mul3A_2, %dma_start3A_20] : memref<10240x16xf32, #tpu.memory_space<hbm>> -> memref<640x16xf32, #tpu.memory_space<hbm>>
      tpu.enqueue_dma source(%dma_start3A_21 : memref<640x16xf32, #tpu.memory_space<hbm>>) target(%arg16 : memref<640x16xf32, #tpu.memory_space<vmem>>) target_semaphore(%run_scoped3A : memref<!tpu.dma_semaphore, #tpu.memory_space<semaphore_mem>>)
      %dma_wait3A = arith.constant 0 : i32
      %dma_wait3A_22 = tpu.memref_slice %arg4[%mul3A_2, %dma_wait3A] : memref<10240x16xf32, #tpu.memory_space<hbm>> -> memref<640x16xf32, #tpu.memory_space<hbm>>
      %dma_wait3A_23 = arith.constant 0 : i32
      %dma_wait3A_24 = tpu.memref_slice %arg4[%mul3A_2, %dma_wait3A_23] : memref<10240x16xf32, #tpu.memory_space<hbm>> -> memref<640x16xf32, #tpu.memory_space<hbm>>
      tpu.wait_dma2 semaphore(%run_scoped3A : memref<!tpu.dma_semaphore, #tpu.memory_space<semaphore_mem>>) src(%dma_wait3A_24 : memref<640x16xf32, #tpu.memory_space<hbm>>) dst(%arg16 : memref<640x16xf32, #tpu.memory_space<vmem>>)
      tpu.yield
    }) : () -> ()
    "tpu.region"() ({
      %run_scoped3A = tpu.sem_alloc : memref<!tpu.dma_semaphore, #tpu.memory_space<semaphore_mem>>
      %dma_start3A = arith.constant 0 : i32
      %dma_start3A_19 = tpu.memref_slice %arg5[%mul3A_2, %dma_start3A] : memref<10240x16xf32, #tpu.memory_space<hbm>> -> memref<640x16xf32, #tpu.memory_space<hbm>>
      %dma_start3A_20 = arith.constant 0 : i32
      %dma_start3A_21 = tpu.memref_slice %arg5[%mul3A_2, %dma_start3A_20] : memref<10240x16xf32, #tpu.memory_space<hbm>> -> memref<640x16xf32, #tpu.memory_space<hbm>>
      tpu.enqueue_dma source(%dma_start3A_21 : memref<640x16xf32, #tpu.memory_space<hbm>>) target(%arg17 : memref<640x16xf32, #tpu.memory_space<vmem>>) target_semaphore(%run_scoped3A : memref<!tpu.dma_semaphore, #tpu.memory_space<semaphore_mem>>)
      %dma_wait3A = arith.constant 0 : i32
      %dma_wait3A_22 = tpu.memref_slice %arg5[%mul3A_2, %dma_wait3A] : memref<10240x16xf32, #tpu.memory_space<hbm>> -> memref<640x16xf32, #tpu.memory_space<hbm>>
      %dma_wait3A_23 = arith.constant 0 : i32
      %dma_wait3A_24 = tpu.memref_slice %arg5[%mul3A_2, %dma_wait3A_23] : memref<10240x16xf32, #tpu.memory_space<hbm>> -> memref<640x16xf32, #tpu.memory_space<hbm>>
      tpu.wait_dma2 semaphore(%run_scoped3A : memref<!tpu.dma_semaphore, #tpu.memory_space<semaphore_mem>>) src(%dma_wait3A_24 : memref<640x16xf32, #tpu.memory_space<hbm>>) dst(%arg17 : memref<640x16xf32, #tpu.memory_space<vmem>>)
      tpu.yield
    }) : () -> ()
    %parallel_loop3A = arith.constant 0 : i32
    %parallel_loop3A_3 = arith.constant 640 : i32
    %parallel_loop3A_4 = arith.constant 1 : i32
    scf.for %parallel_loop3A_19 = %parallel_loop3A to %parallel_loop3A_3 step %parallel_loop3A_4  : i32 {
      %parallel_loop3A_20 = arith.index_cast %parallel_loop3A_19 : i32 to index
      %parallel_loop3A_21 = arith.constant 0 : index
      %parallel_loop3A_22 = tpu.vector_load %arg16[%parallel_loop3A_20, %parallel_loop3A_21] {strides = array<i32>} : memref<640x16xf32, #tpu.memory_space<vmem>>, vector<1x16xf32>,
      %parallel_loop3A_23 = vector.shape_cast %parallel_loop3A_22 : vector<1x16xf32> to vector<16xf32>
      %parallel_loop3A_24 = arith.index_cast %parallel_loop3A_19 : i32 to index
      %parallel_loop3A_25 = arith.constant 0 : index
      %parallel_loop3A_26 = tpu.vector_load %arg17[%parallel_loop3A_24, %parallel_loop3A_25] {strides = array<i32>} : memref<640x16xf32, #tpu.memory_space<vmem>>, vector<1x16xf32>,
      %parallel_loop3A_27 = vector.shape_cast %parallel_loop3A_26 : vector<1x16xf32> to vector<16xf32>
      %parallel_loop3A_28 = arith.addf %parallel_loop3A_23, %parallel_loop3A_27 : vector<16xf32>
      %parallel_loop3A_29 = arith.constant 1.000000e-16 : f32
      %parallel_loop3A_30 = vector.broadcast %parallel_loop3A_29 : f32 to vector<16xf32>
      %parallel_loop3A_31 = arith.addf %parallel_loop3A_28, %parallel_loop3A_30 : vector<16xf32>
      %parallel_loop3A_32 = arith.constant 6.250000e-02 : f32
      %parallel_loop3A_33 = vector.broadcast %parallel_loop3A_32 : f32 to vector<16xf32>
      %parallel_loop3A_34 = arith.divf %parallel_loop3A_33, %parallel_loop3A_31 : vector<16xf32>
      %parallel_loop3A_35 = arith.index_cast %parallel_loop3A_19 : i32 to index
      %parallel_loop3A_36 = arith.constant 0 : index
      %parallel_loop3A_37 = tpu.vector_load %arg16[%parallel_loop3A_35, %parallel_loop3A_36] {strides = array<i32>} : memref<640x16xf32, #tpu.memory_space<vmem>>, vector<1x16xf32>,
      %parallel_loop3A_38 = vector.shape_cast %parallel_loop3A_37 : vector<1x16xf32> to vector<16xf32>
      %parallel_loop3A_39 = vector.shape_cast %parallel_loop3A_34 : vector<16xf32> to vector<1x16xf32>
      tpu.vector_store %arg16[%parallel_loop3A_35, %parallel_loop3A_36], %parallel_loop3A_39 {strides = array<i32>} : memref<640x16xf32, #tpu.memory_space<vmem>>, vector<1x16xf32>,
    } {sc.loop_unroll_factor = 8 : i64, sc.parallel_access}
    "tpu.region"() ({
      %run_scoped3A = tpu.sem_alloc : memref<!tpu.dma_semaphore, #tpu.memory_space<semaphore_mem>>
      %dma_start3A = arith.constant 0 : i32
      %dma_start3A_19 = tpu.memref_slice %arg19[%mul3A_2, %dma_start3A] : memref<10240x16xf32, #tpu.memory_space<vmem_shared>> -> memref<640x16xf32, #tpu.memory_space<vmem_shared>>
      %dma_start3A_20 = arith.constant 0 : i32
      %dma_start3A_21 = tpu.memref_slice %arg19[%mul3A_2, %dma_start3A_20] : memref<10240x16xf32, #tpu.memory_space<vmem_shared>> -> memref<640x16xf32, #tpu.memory_space<vmem_shared>>
      tpu.enqueue_dma source(%arg16 : memref<640x16xf32, #tpu.memory_space<vmem>>) target(%dma_start3A_21 : memref<640x16xf32, #tpu.memory_space<vmem_shared>>) target_semaphore(%run_scoped3A : memref<!tpu.dma_semaphore, #tpu.memory_space<semaphore_mem>>)
      %dma_wait3A = arith.constant 0 : i32
      %dma_wait3A_22 = tpu.memref_slice %arg19[%mul3A_2, %dma_wait3A] : memref<10240x16xf32, #tpu.memory_space<vmem_shared>> -> memref<640x16xf32, #tpu.memory_space<vmem_shared>>
      %dma_wait3A_23 = arith.constant 0 : i32
      %dma_wait3A_24 = tpu.memref_slice %arg19[%mul3A_2, %dma_wait3A_23] : memref<10240x16xf32, #tpu.memory_space<vmem_shared>> -> memref<640x16xf32, #tpu.memory_space<vmem_shared>>
      tpu.wait_dma2 semaphore(%run_scoped3A : memref<!tpu.dma_semaphore, #tpu.memory_space<semaphore_mem>>) src(%arg16 : memref<640x16xf32, #tpu.memory_space<vmem>>) dst(%dma_wait3A_24 : memref<640x16xf32, #tpu.memory_space<vmem_shared>>)
      tpu.yield
    }) : () -> ()
    "tpu.region"() ({
      %run_scoped3A = tpu.sem_alloc : memref<!tpu.dma_semaphore, #tpu.memory_space<semaphore_mem>>
      %dma_start3A = arith.constant 0 : i32
      %dma_start3A_19 = tpu.memref_slice %arg20[%mul3A_2, %dma_start3A] : memref<10240x16xf32, #tpu.memory_space<vmem_shared>> -> memref<640x16xf32, #tpu.memory_space<vmem_shared>>
      %dma_start3A_20 = arith.constant 0 : i32
      %dma_start3A_21 = tpu.memref_slice %arg8[%mul3A_2, %dma_start3A_20] : memref<10240x16xf32, #tpu.memory_space<hbm>> -> memref<640x16xf32, #tpu.memory_space<hbm>>
      tpu.enqueue_dma source(%dma_start3A_21 : memref<640x16xf32, #tpu.memory_space<hbm>>) target(%dma_start3A_19 : memref<640x16xf32, #tpu.memory_space<vmem_shared>>) target_semaphore(%run_scoped3A : memref<!tpu.dma_semaphore, #tpu.memory_space<semaphore_mem>>)
      %dma_wait3A = arith.constant 0 : i32
      %dma_wait3A_22 = tpu.memref_slice %arg20[%mul3A_2, %dma_wait3A] : memref<10240x16xf32, #tpu.memory_space<vmem_shared>> -> memref<640x16xf32, #tpu.memory_space<vmem_shared>>
      %dma_wait3A_23 = arith.constant 0 : i32
      %dma_wait3A_24 = tpu.memref_slice %arg8[%mul3A_2, %dma_wait3A_23] : memref<10240x16xf32, #tpu.memory_space<hbm>> -> memref<640x16xf32, #tpu.memory_space<hbm>>
      tpu.wait_dma2 semaphore(%run_scoped3A : memref<!tpu.dma_semaphore, #tpu.memory_space<semaphore_mem>>) src(%dma_wait3A_24 : memref<640x16xf32, #tpu.memory_space<hbm>>) dst(%dma_wait3A_22 : memref<640x16xf32, #tpu.memory_space<vmem_shared>>)
      tpu.yield
    }) : () -> ()
    %barrier3A = arith.constant 0 : index
    tpu.barrier barrier_id(%barrier3A)
    %lt3A = arith.constant 2 : i32
    %lt3A_5 = arith.cmpi slt, %add3A, %lt3A : i32
    %jit3A = arith.constant 1 : i32
    %jit3A_6 = arith.constant 0 : i32
    %select_n3A = arith.select %lt3A_5, %jit3A, %jit3A_6 : i32
    %add3A_7 = arith.constant 39 : i32
    %add3A_8 = arith.addi %add3A_7, %select_n3A : i32
    %while3A = arith.constant 0 : i32
    %while3A_9 = arith.constant 0 : i32
    %while3A_10 = arith.subi %add3A_8, %while3A_9 : i32
    %while3A_11 = arith.addi %while3A_9, %while3A_10 : i32
    %while3A_12 = arith.constant 1 : i32
    %while3A_13 = arith.divsi %while3A_10, %while3A_12 : i32
    %while3A_14 = arith.muli %while3A_13, %while3A_12 : i32
    %while3A_15 = arith.addi %while3A_9, %while3A_14 : i32
    %while3A_16 = arith.constant 1 : i32
    scf.for %while3A_19 = %while3A_9 to %while3A_15 step %while3A_16  : i32 {
      %mul3A_20 = arith.constant 32 : i32
      %mul3A_21 = arith.muli %mul3A_20, %while3A_19 : i32
      %add3A_22 = arith.addi %add3A, %mul3A_21 : i32
      %mul3A_23 = arith.constant 128 : i32
      %mul3A_24 = arith.muli %add3A_22, %mul3A_23 : i32
      "tpu.region"() ({
        %run_scoped3A = tpu.sem_alloc : memref<!tpu.dma_semaphore, #tpu.memory_space<semaphore_mem>>
        %dma_start3A_32 = tpu.memref_slice %arg6[%mul3A_24] : memref<160000xi32, #tpu.memory_space<hbm>> -> memref<128xi32, #tpu.memory_space<hbm>>
        %dma_start3A_33 = tpu.memref_slice %arg6[%mul3A_24] : memref<160000xi32, #tpu.memory_space<hbm>> -> memref<128xi32, #tpu.memory_space<hbm>>
        tpu.enqueue_dma source(%dma_start3A_33 : memref<128xi32, #tpu.memory_space<hbm>>) target(%arg10 : memref<128xi32, #tpu.memory_space<vmem>>) target_semaphore(%run_scoped3A : memref<!tpu.dma_semaphore, #tpu.memory_space<semaphore_mem>>)
        %dma_wait3A_34 = tpu.memref_slice %arg6[%mul3A_24] : memref<160000xi32, #tpu.memory_space<hbm>> -> memref<128xi32, #tpu.memory_space<hbm>>
        %dma_wait3A_35 = tpu.memref_slice %arg6[%mul3A_24] : memref<160000xi32, #tpu.memory_space<hbm>> -> memref<128xi32, #tpu.memory_space<hbm>>
        tpu.wait_dma2 semaphore(%run_scoped3A : memref<!tpu.dma_semaphore, #tpu.memory_space<semaphore_mem>>) src(%dma_wait3A_35 : memref<128xi32, #tpu.memory_space<hbm>>) dst(%arg10 : memref<128xi32, #tpu.memory_space<vmem>>)
        tpu.yield
      }) : () -> ()
      "tpu.region"() ({
        %run_scoped3A = tpu.sem_alloc : memref<!tpu.dma_semaphore, #tpu.memory_space<semaphore_mem>>
        %dma_start3A_32 = tpu.memref_slice %arg7[%mul3A_24] : memref<160000xi32, #tpu.memory_space<hbm>> -> memref<128xi32, #tpu.memory_space<hbm>>
        %dma_start3A_33 = tpu.memref_slice %arg7[%mul3A_24] : memref<160000xi32, #tpu.memory_space<hbm>> -> memref<128xi32, #tpu.memory_space<hbm>>
        tpu.enqueue_dma source(%dma_start3A_33 : memref<128xi32, #tpu.memory_space<hbm>>) target(%arg11 : memref<128xi32, #tpu.memory_space<vmem>>) target_semaphore(%run_scoped3A : memref<!tpu.dma_semaphore, #tpu.memory_space<semaphore_mem>>)
        %dma_wait3A_34 = tpu.memref_slice %arg7[%mul3A_24] : memref<160000xi32, #tpu.memory_space<hbm>> -> memref<128xi32, #tpu.memory_space<hbm>>
        %dma_wait3A_35 = tpu.memref_slice %arg7[%mul3A_24] : memref<160000xi32, #tpu.memory_space<hbm>> -> memref<128xi32, #tpu.memory_space<hbm>>
        tpu.wait_dma2 semaphore(%run_scoped3A : memref<!tpu.dma_semaphore, #tpu.memory_space<semaphore_mem>>) src(%dma_wait3A_35 : memref<128xi32, #tpu.memory_space<hbm>>) dst(%arg11 : memref<128xi32, #tpu.memory_space<vmem>>)
        tpu.yield
      }) : () -> ()
      %dma_start3A = arith.constant 0 : i32
      %dma_start3A_25 = arith.constant 0 : i32
      %dma_start3A_26 = tpu.memref_slice %arg2[%dma_start3A, %dma_start3A_25] : memref<10000x256xf32, #tpu.memory_space<hbm>> -> memref<10000x256xf32, #tpu.memory_space<hbm>>
      tpu.enqueue_indirect_dma source(%dma_start3A_26 : memref<10000x256xf32, #tpu.memory_space<hbm>>) target(%arg14 : memref<128x256xf32, #tpu.memory_space<vmem>>) offsets(%arg10 : memref<128xi32, #tpu.memory_space<vmem>>) semaphore(%arg18 : memref<!tpu.dma_semaphore, #tpu.memory_space<semaphore_mem>>)
      "tpu.region"() ({
        %run_scoped3A = tpu.sem_alloc : memref<!tpu.dma_semaphore, #tpu.memory_space<semaphore_mem>>
        %dma_start3A_32 = arith.constant 0 : i32
        %dma_start3A_33 = tpu.memref_slice %arg3[%mul3A_24, %dma_start3A_32] : memref<160000x16xf32, #tpu.memory_space<hbm>> -> memref<128x16xf32, #tpu.memory_space<hbm>>
        %dma_start3A_34 = arith.constant 0 : i32
        %dma_start3A_35 = tpu.memref_slice %arg3[%mul3A_24, %dma_start3A_34] : memref<160000x16xf32, #tpu.memory_space<hbm>> -> memref<128x16xf32, #tpu.memory_space<hbm>>
        tpu.enqueue_dma source(%dma_start3A_35 : memref<128x16xf32, #tpu.memory_space<hbm>>) target(%arg12 : memref<128x16xf32, #tpu.memory_space<vmem>>) target_semaphore(%run_scoped3A : memref<!tpu.dma_semaphore, #tpu.memory_space<semaphore_mem>>)
        %dma_wait3A_36 = arith.constant 0 : i32
        %dma_wait3A_37 = tpu.memref_slice %arg3[%mul3A_24, %dma_wait3A_36] : memref<160000x16xf32, #tpu.memory_space<hbm>> -> memref<128x16xf32, #tpu.memory_space<hbm>>
        %dma_wait3A_38 = arith.constant 0 : i32
        %dma_wait3A_39 = tpu.memref_slice %arg3[%mul3A_24, %dma_wait3A_38] : memref<160000x16xf32, #tpu.memory_space<hbm>> -> memref<128x16xf32, #tpu.memory_space<hbm>>
        tpu.wait_dma2 semaphore(%run_scoped3A : memref<!tpu.dma_semaphore, #tpu.memory_space<semaphore_mem>>) src(%dma_wait3A_39 : memref<128x16xf32, #tpu.memory_space<hbm>>) dst(%arg12 : memref<128x16xf32, #tpu.memory_space<vmem>>)
        tpu.yield
      }) : () -> ()
      "tpu.region"() ({
        %run_scoped3A = tpu.sem_alloc : memref<!tpu.dma_semaphore, #tpu.memory_space<semaphore_mem>>
        %dma_start3A_32 = arith.constant 0 : i32
        %dma_start3A_33 = arith.constant 0 : i32
        %dma_start3A_34 = tpu.memref_slice %arg19[%dma_start3A_32, %dma_start3A_33] : memref<10240x16xf32, #tpu.memory_space<vmem_shared>> -> memref<10240x16xf32, #tpu.memory_space<vmem_shared>>
        tpu.enqueue_indirect_dma source(%dma_start3A_34 : memref<10240x16xf32, #tpu.memory_space<vmem_shared>>) target(%arg13 : memref<128x16xf32, #tpu.memory_space<vmem>>) offsets(%arg11 : memref<128xi32, #tpu.memory_space<vmem>>) semaphore(%run_scoped3A : memref<!tpu.dma_semaphore, #tpu.memory_space<semaphore_mem>>)
        %dma_wait3A_35 = arith.constant 0 : i32
        %dma_wait3A_36 = arith.constant 0 : i32
        %dma_wait3A_37 = tpu.memref_slice %arg19[%dma_wait3A_35, %dma_wait3A_36] : memref<10240x16xf32, #tpu.memory_space<vmem_shared>> -> memref<10240x16xf32, #tpu.memory_space<vmem_shared>>
        tpu.wait_indirect_dma semaphore(%run_scoped3A : memref<!tpu.dma_semaphore, #tpu.memory_space<semaphore_mem>>) src(%dma_wait3A_37 : memref<10240x16xf32, #tpu.memory_space<vmem_shared>>) dst(%arg13 : memref<128x16xf32, #tpu.memory_space<vmem>>)
        tpu.yield
      }) : () -> ()
      %dma_wait3A = arith.constant 0 : i32
      %dma_wait3A_27 = arith.constant 0 : i32
      %dma_wait3A_28 = tpu.memref_slice %arg2[%dma_wait3A, %dma_wait3A_27] : memref<10000x256xf32, #tpu.memory_space<hbm>> -> memref<10000x256xf32, #tpu.memory_space<hbm>>
      tpu.wait_indirect_dma semaphore(%arg18 : memref<!tpu.dma_semaphore, #tpu.memory_space<semaphore_mem>>) src(%dma_wait3A_28 : memref<10000x256xf32, #tpu.memory_space<hbm>>) dst(%arg14 : memref<128x256xf32, #tpu.memory_space<vmem>>)
      %parallel_loop3A_29 = arith.constant 0 : i32
      %parallel_loop3A_30 = arith.constant 128 : i32
      %parallel_loop3A_31 = arith.constant 1 : i32
      scf.for %parallel_loop3A_32 = %parallel_loop3A_29 to %parallel_loop3A_30 step %parallel_loop3A_31  : i32 {
        %parallel_loop3A_33 = arith.index_cast %parallel_loop3A_32 : i32 to index
        %parallel_loop3A_34 = arith.constant 0 : index
        %parallel_loop3A_35 = tpu.vector_load %arg12[%parallel_loop3A_33, %parallel_loop3A_34] {strides = array<i32>} : memref<128x16xf32, #tpu.memory_space<vmem>>, vector<1x16xf32>,
        %parallel_loop3A_36 = vector.shape_cast %parallel_loop3A_35 : vector<1x16xf32> to vector<16xf32>
        %parallel_loop3A_37 = arith.index_cast %parallel_loop3A_32 : i32 to index
        %parallel_loop3A_38 = arith.constant 0 : index
        %parallel_loop3A_39 = tpu.vector_load %arg13[%parallel_loop3A_37, %parallel_loop3A_38] {strides = array<i32>} : memref<128x16xf32, #tpu.memory_space<vmem>>, vector<1x16xf32>,
        %parallel_loop3A_40 = vector.shape_cast %parallel_loop3A_39 : vector<1x16xf32> to vector<16xf32>
        %parallel_loop3A_41 = arith.mulf %parallel_loop3A_36, %parallel_loop3A_40 : vector<16xf32>
        %parallel_loop3A_42 = vector.extract_strided_slice %parallel_loop3A_41 {offsets = [0], sizes = [1], strides = [1]} : vector<16xf32> to vector<1xf32>
        %parallel_loop3A_43 = vector.extract %parallel_loop3A_42[0] : f32 from vector<1xf32>
        %parallel_loop3A_44 = arith.index_cast %parallel_loop3A_32 : i32 to index
        %parallel_loop3A_45 = arith.constant 0 : index
        %parallel_loop3A_46 = tpu.vector_load %arg14[%parallel_loop3A_44, %parallel_loop3A_45] {strides = array<i32>} : memref<128x256xf32, #tpu.memory_space<vmem>>, vector<1x16xf32>,
        %parallel_loop3A_47 = vector.shape_cast %parallel_loop3A_46 : vector<1x16xf32> to vector<16xf32>
        %parallel_loop3A_48 = vector.broadcast %parallel_loop3A_43 : f32 to vector<16xf32>
        %parallel_loop3A_49 = arith.mulf %parallel_loop3A_48, %parallel_loop3A_47 : vector<16xf32>
        %parallel_loop3A_50 = vector.extract_strided_slice %parallel_loop3A_41 {offsets = [1], sizes = [1], strides = [1]} : vector<16xf32> to vector<1xf32>
        %parallel_loop3A_51 = vector.extract %parallel_loop3A_50[0] : f32 from vector<1xf32>
        %parallel_loop3A_52 = arith.index_cast %parallel_loop3A_32 : i32 to index
        %parallel_loop3A_53 = arith.constant 16 : index
        %parallel_loop3A_54 = tpu.vector_load %arg14[%parallel_loop3A_52, %parallel_loop3A_53] {strides = array<i32>} : memref<128x256xf32, #tpu.memory_space<vmem>>, vector<1x16xf32>,
        %parallel_loop3A_55 = vector.shape_cast %parallel_loop3A_54 : vector<1x16xf32> to vector<16xf32>
        %parallel_loop3A_56 = vector.broadcast %parallel_loop3A_51 : f32 to vector<16xf32>
        %parallel_loop3A_57 = arith.mulf %parallel_loop3A_56, %parallel_loop3A_55 : vector<16xf32>
        %parallel_loop3A_58 = arith.addf %parallel_loop3A_49, %parallel_loop3A_57 : vector<16xf32>
        %parallel_loop3A_59 = vector.extract_strided_slice %parallel_loop3A_41 {offsets = [2], sizes = [1], strides = [1]} : vector<16xf32> to vector<1xf32>
        %parallel_loop3A_60 = vector.extract %parallel_loop3A_59[0] : f32 from vector<1xf32>
        %parallel_loop3A_61 = arith.index_cast %parallel_loop3A_32 : i32 to index
        %parallel_loop3A_62 = arith.constant 32 : index
        %parallel_loop3A_63 = tpu.vector_load %arg14[%parallel_loop3A_61, %parallel_loop3A_62] {strides = array<i32>} : memref<128x256xf32, #tpu.memory_space<vmem>>, vector<1x16xf32>,
        %parallel_loop3A_64 = vector.shape_cast %parallel_loop3A_63 : vector<1x16xf32> to vector<16xf32>
        %parallel_loop3A_65 = vector.broadcast %parallel_loop3A_60 : f32 to vector<16xf32>
        %parallel_loop3A_66 = arith.mulf %parallel_loop3A_65, %parallel_loop3A_64 : vector<16xf32>
        %parallel_loop3A_67 = arith.addf %parallel_loop3A_58, %parallel_loop3A_66 : vector<16xf32>
        %parallel_loop3A_68 = vector.extract_strided_slice %parallel_loop3A_41 {offsets = [3], sizes = [1], strides = [1]} : vector<16xf32> to vector<1xf32>
        %parallel_loop3A_69 = vector.extract %parallel_loop3A_68[0] : f32 from vector<1xf32>
        %parallel_loop3A_70 = arith.index_cast %parallel_loop3A_32 : i32 to index
        %parallel_loop3A_71 = arith.constant 48 : index
        %parallel_loop3A_72 = tpu.vector_load %arg14[%parallel_loop3A_70, %parallel_loop3A_71] {strides = array<i32>} : memref<128x256xf32, #tpu.memory_space<vmem>>, vector<1x16xf32>,
        %parallel_loop3A_73 = vector.shape_cast %parallel_loop3A_72 : vector<1x16xf32> to vector<16xf32>
        %parallel_loop3A_74 = vector.broadcast %parallel_loop3A_69 : f32 to vector<16xf32>
        %parallel_loop3A_75 = arith.mulf %parallel_loop3A_74, %parallel_loop3A_73 : vector<16xf32>
        %parallel_loop3A_76 = arith.addf %parallel_loop3A_67, %parallel_loop3A_75 : vector<16xf32>
        %parallel_loop3A_77 = vector.extract_strided_slice %parallel_loop3A_41 {offsets = [4], sizes = [1], strides = [1]} : vector<16xf32> to vector<1xf32>
        %parallel_loop3A_78 = vector.extract %parallel_loop3A_77[0] : f32 from vector<1xf32>
        %parallel_loop3A_79 = arith.index_cast %parallel_loop3A_32 : i32 to index
        %parallel_loop3A_80 = arith.constant 64 : index
        %parallel_loop3A_81 = tpu.vector_load %arg14[%parallel_loop3A_79, %parallel_loop3A_80] {strides = array<i32>} : memref<128x256xf32, #tpu.memory_space<vmem>>, vector<1x16xf32>,
        %parallel_loop3A_82 = vector.shape_cast %parallel_loop3A_81 : vector<1x16xf32> to vector<16xf32>
        %parallel_loop3A_83 = vector.broadcast %parallel_loop3A_78 : f32 to vector<16xf32>
        %parallel_loop3A_84 = arith.mulf %parallel_loop3A_83, %parallel_loop3A_82 : vector<16xf32>
        %parallel_loop3A_85 = arith.addf %parallel_loop3A_76, %parallel_loop3A_84 : vector<16xf32>
        %parallel_loop3A_86 = vector.extract_strided_slice %parallel_loop3A_41 {offsets = [5], sizes = [1], strides = [1]} : vector<16xf32> to vector<1xf32>
        %parallel_loop3A_87 = vector.extract %parallel_loop3A_86[0] : f32 from vector<1xf32>
        %parallel_loop3A_88 = arith.index_cast %parallel_loop3A_32 : i32 to index
        %parallel_loop3A_89 = arith.constant 80 : index
        %parallel_loop3A_90 = tpu.vector_load %arg14[%parallel_loop3A_88, %parallel_loop3A_89] {strides = array<i32>} : memref<128x256xf32, #tpu.memory_space<vmem>>, vector<1x16xf32>,
        %parallel_loop3A_91 = vector.shape_cast %parallel_loop3A_90 : vector<1x16xf32> to vector<16xf32>
        %parallel_loop3A_92 = vector.broadcast %parallel_loop3A_87 : f32 to vector<16xf32>
        %parallel_loop3A_93 = arith.mulf %parallel_loop3A_92, %parallel_loop3A_91 : vector<16xf32>
        %parallel_loop3A_94 = arith.addf %parallel_loop3A_85, %parallel_loop3A_93 : vector<16xf32>
        %parallel_loop3A_95 = vector.extract_strided_slice %parallel_loop3A_41 {offsets = [6], sizes = [1], strides = [1]} : vector<16xf32> to vector<1xf32>
        %parallel_loop3A_96 = vector.extract %parallel_loop3A_95[0] : f32 from vector<1xf32>
        %parallel_loop3A_97 = arith.index_cast %parallel_loop3A_32 : i32 to index
        %parallel_loop3A_98 = arith.constant 96 : index
        %parallel_loop3A_99 = tpu.vector_load %arg14[%parallel_loop3A_97, %parallel_loop3A_98] {strides = array<i32>} : memref<128x256xf32, #tpu.memory_space<vmem>>, vector<1x16xf32>,
        %parallel_loop3A_100 = vector.shape_cast %parallel_loop3A_99 : vector<1x16xf32> to vector<16xf32>
        %parallel_loop3A_101 = vector.broadcast %parallel_loop3A_96 : f32 to vector<16xf32>
        %parallel_loop3A_102 = arith.mulf %parallel_loop3A_101, %parallel_loop3A_100 : vector<16xf32>
        %parallel_loop3A_103 = arith.addf %parallel_loop3A_94, %parallel_loop3A_102 : vector<16xf32>
        %parallel_loop3A_104 = vector.extract_strided_slice %parallel_loop3A_41 {offsets = [7], sizes = [1], strides = [1]} : vector<16xf32> to vector<1xf32>
        %parallel_loop3A_105 = vector.extract %parallel_loop3A_104[0] : f32 from vector<1xf32>
        %parallel_loop3A_106 = arith.index_cast %parallel_loop3A_32 : i32 to index
        %parallel_loop3A_107 = arith.constant 112 : index
        %parallel_loop3A_108 = tpu.vector_load %arg14[%parallel_loop3A_106, %parallel_loop3A_107] {strides = array<i32>} : memref<128x256xf32, #tpu.memory_space<vmem>>, vector<1x16xf32>,
        %parallel_loop3A_109 = vector.shape_cast %parallel_loop3A_108 : vector<1x16xf32> to vector<16xf32>
        %parallel_loop3A_110 = vector.broadcast %parallel_loop3A_105 : f32 to vector<16xf32>
        %parallel_loop3A_111 = arith.mulf %parallel_loop3A_110, %parallel_loop3A_109 : vector<16xf32>
        %parallel_loop3A_112 = arith.addf %parallel_loop3A_103, %parallel_loop3A_111 : vector<16xf32>
        %parallel_loop3A_113 = vector.extract_strided_slice %parallel_loop3A_41 {offsets = [8], sizes = [1], strides = [1]} : vector<16xf32> to vector<1xf32>
        %parallel_loop3A_114 = vector.extract %parallel_loop3A_113[0] : f32 from vector<1xf32>
        %parallel_loop3A_115 = arith.index_cast %parallel_loop3A_32 : i32 to index
        %parallel_loop3A_116 = arith.constant 128 : index
        %parallel_loop3A_117 = tpu.vector_load %arg14[%parallel_loop3A_115, %parallel_loop3A_116] {strides = array<i32>} : memref<128x256xf32, #tpu.memory_space<vmem>>, vector<1x16xf32>,
        %parallel_loop3A_118 = vector.shape_cast %parallel_loop3A_117 : vector<1x16xf32> to vector<16xf32>
        %parallel_loop3A_119 = vector.broadcast %parallel_loop3A_114 : f32 to vector<16xf32>
        %parallel_loop3A_120 = arith.mulf %parallel_loop3A_119, %parallel_loop3A_118 : vector<16xf32>
        %parallel_loop3A_121 = arith.addf %parallel_loop3A_112, %parallel_loop3A_120 : vector<16xf32>
        %parallel_loop3A_122 = vector.extract_strided_slice %parallel_loop3A_41 {offsets = [9], sizes = [1], strides = [1]} : vector<16xf32> to vector<1xf32>
        %parallel_loop3A_123 = vector.extract %parallel_loop3A_122[0] : f32 from vector<1xf32>
        %parallel_loop3A_124 = arith.index_cast %parallel_loop3A_32 : i32 to index
        %parallel_loop3A_125 = arith.constant 144 : index
        %parallel_loop3A_126 = tpu.vector_load %arg14[%parallel_loop3A_124, %parallel_loop3A_125] {strides = array<i32>} : memref<128x256xf32, #tpu.memory_space<vmem>>, vector<1x16xf32>,
        %parallel_loop3A_127 = vector.shape_cast %parallel_loop3A_126 : vector<1x16xf32> to vector<16xf32>
        %parallel_loop3A_128 = vector.broadcast %parallel_loop3A_123 : f32 to vector<16xf32>
        %parallel_loop3A_129 = arith.mulf %parallel_loop3A_128, %parallel_loop3A_127 : vector<16xf32>
        %parallel_loop3A_130 = arith.addf %parallel_loop3A_121, %parallel_loop3A_129 : vector<16xf32>
        %parallel_loop3A_131 = vector.extract_strided_slice %parallel_loop3A_41 {offsets = [10], sizes = [1], strides = [1]} : vector<16xf32> to vector<1xf32>
        %parallel_loop3A_132 = vector.extract %parallel_loop3A_131[0] : f32 from vector<1xf32>
        %parallel_loop3A_133 = arith.index_cast %parallel_loop3A_32 : i32 to index
        %parallel_loop3A_134 = arith.constant 160 : index
        %parallel_loop3A_135 = tpu.vector_load %arg14[%parallel_loop3A_133, %parallel_loop3A_134] {strides = array<i32>} : memref<128x256xf32, #tpu.memory_space<vmem>>, vector<1x16xf32>,
        %parallel_loop3A_136 = vector.shape_cast %parallel_loop3A_135 : vector<1x16xf32> to vector<16xf32>
        %parallel_loop3A_137 = vector.broadcast %parallel_loop3A_132 : f32 to vector<16xf32>
        %parallel_loop3A_138 = arith.mulf %parallel_loop3A_137, %parallel_loop3A_136 : vector<16xf32>
        %parallel_loop3A_139 = arith.addf %parallel_loop3A_130, %parallel_loop3A_138 : vector<16xf32>
        %parallel_loop3A_140 = vector.extract_strided_slice %parallel_loop3A_41 {offsets = [11], sizes = [1], strides = [1]} : vector<16xf32> to vector<1xf32>
        %parallel_loop3A_141 = vector.extract %parallel_loop3A_140[0] : f32 from vector<1xf32>
        %parallel_loop3A_142 = arith.index_cast %parallel_loop3A_32 : i32 to index
        %parallel_loop3A_143 = arith.constant 176 : index
        %parallel_loop3A_144 = tpu.vector_load %arg14[%parallel_loop3A_142, %parallel_loop3A_143] {strides = array<i32>} : memref<128x256xf32, #tpu.memory_space<vmem>>, vector<1x16xf32>,
        %parallel_loop3A_145 = vector.shape_cast %parallel_loop3A_144 : vector<1x16xf32> to vector<16xf32>
        %parallel_loop3A_146 = vector.broadcast %parallel_loop3A_141 : f32 to vector<16xf32>
        %parallel_loop3A_147 = arith.mulf %parallel_loop3A_146, %parallel_loop3A_145 : vector<16xf32>
        %parallel_loop3A_148 = arith.addf %parallel_loop3A_139, %parallel_loop3A_147 : vector<16xf32>
        %parallel_loop3A_149 = vector.extract_strided_slice %parallel_loop3A_41 {offsets = [12], sizes = [1], strides = [1]} : vector<16xf32> to vector<1xf32>
        %parallel_loop3A_150 = vector.extract %parallel_loop3A_149[0] : f32 from vector<1xf32>
        %parallel_loop3A_151 = arith.index_cast %parallel_loop3A_32 : i32 to index
        %parallel_loop3A_152 = arith.constant 192 : index
        %parallel_loop3A_153 = tpu.vector_load %arg14[%parallel_loop3A_151, %parallel_loop3A_152] {strides = array<i32>} : memref<128x256xf32, #tpu.memory_space<vmem>>, vector<1x16xf32>,
        %parallel_loop3A_154 = vector.shape_cast %parallel_loop3A_153 : vector<1x16xf32> to vector<16xf32>
        %parallel_loop3A_155 = vector.broadcast %parallel_loop3A_150 : f32 to vector<16xf32>
        %parallel_loop3A_156 = arith.mulf %parallel_loop3A_155, %parallel_loop3A_154 : vector<16xf32>
        %parallel_loop3A_157 = arith.addf %parallel_loop3A_148, %parallel_loop3A_156 : vector<16xf32>
        %parallel_loop3A_158 = vector.extract_strided_slice %parallel_loop3A_41 {offsets = [13], sizes = [1], strides = [1]} : vector<16xf32> to vector<1xf32>
        %parallel_loop3A_159 = vector.extract %parallel_loop3A_158[0] : f32 from vector<1xf32>
        %parallel_loop3A_160 = arith.index_cast %parallel_loop3A_32 : i32 to index
        %parallel_loop3A_161 = arith.constant 208 : index
        %parallel_loop3A_162 = tpu.vector_load %arg14[%parallel_loop3A_160, %parallel_loop3A_161] {strides = array<i32>} : memref<128x256xf32, #tpu.memory_space<vmem>>, vector<1x16xf32>,
        %parallel_loop3A_163 = vector.shape_cast %parallel_loop3A_162 : vector<1x16xf32> to vector<16xf32>
        %parallel_loop3A_164 = vector.broadcast %parallel_loop3A_159 : f32 to vector<16xf32>
        %parallel_loop3A_165 = arith.mulf %parallel_loop3A_164, %parallel_loop3A_163 : vector<16xf32>
        %parallel_loop3A_166 = arith.addf %parallel_loop3A_157, %parallel_loop3A_165 : vector<16xf32>
        %parallel_loop3A_167 = vector.extract_strided_slice %parallel_loop3A_41 {offsets = [14], sizes = [1], strides = [1]} : vector<16xf32> to vector<1xf32>
        %parallel_loop3A_168 = vector.extract %parallel_loop3A_167[0] : f32 from vector<1xf32>
        %parallel_loop3A_169 = arith.index_cast %parallel_loop3A_32 : i32 to index
        %parallel_loop3A_170 = arith.constant 224 : index
        %parallel_loop3A_171 = tpu.vector_load %arg14[%parallel_loop3A_169, %parallel_loop3A_170] {strides = array<i32>} : memref<128x256xf32, #tpu.memory_space<vmem>>, vector<1x16xf32>,
        %parallel_loop3A_172 = vector.shape_cast %parallel_loop3A_171 : vector<1x16xf32> to vector<16xf32>
        %parallel_loop3A_173 = vector.broadcast %parallel_loop3A_168 : f32 to vector<16xf32>
        %parallel_loop3A_174 = arith.mulf %parallel_loop3A_173, %parallel_loop3A_172 : vector<16xf32>
        %parallel_loop3A_175 = arith.addf %parallel_loop3A_166, %parallel_loop3A_174 : vector<16xf32>
        %parallel_loop3A_176 = vector.extract_strided_slice %parallel_loop3A_41 {offsets = [15], sizes = [1], strides = [1]} : vector<16xf32> to vector<1xf32>
        %parallel_loop3A_177 = vector.extract %parallel_loop3A_176[0] : f32 from vector<1xf32>
        %parallel_loop3A_178 = arith.index_cast %parallel_loop3A_32 : i32 to index
        %parallel_loop3A_179 = arith.constant 240 : index
        %parallel_loop3A_180 = tpu.vector_load %arg14[%parallel_loop3A_178, %parallel_loop3A_179] {strides = array<i32>} : memref<128x256xf32, #tpu.memory_space<vmem>>, vector<1x16xf32>,
        %parallel_loop3A_181 = vector.shape_cast %parallel_loop3A_180 : vector<1x16xf32> to vector<16xf32>
        %parallel_loop3A_182 = vector.broadcast %parallel_loop3A_177 : f32 to vector<16xf32>
        %parallel_loop3A_183 = arith.mulf %parallel_loop3A_182, %parallel_loop3A_181 : vector<16xf32>
        %parallel_loop3A_184 = arith.addf %parallel_loop3A_175, %parallel_loop3A_183 : vector<16xf32>
        %parallel_loop3A_185 = arith.index_cast %parallel_loop3A_32 : i32 to index
        %parallel_loop3A_186 = arith.constant 0 : index
        %parallel_loop3A_187 = tpu.vector_load %arg15[%parallel_loop3A_185, %parallel_loop3A_186] {strides = array<i32>} : memref<128x16xf32, #tpu.memory_space<vmem>>, vector<1x16xf32>,
        %parallel_loop3A_188 = vector.shape_cast %parallel_loop3A_187 : vector<1x16xf32> to vector<16xf32>
        %parallel_loop3A_189 = vector.shape_cast %parallel_loop3A_184 : vector<16xf32> to vector<1x16xf32>
        tpu.vector_store %arg15[%parallel_loop3A_185, %parallel_loop3A_186], %parallel_loop3A_189 {strides = array<i32>} : memref<128x16xf32, #tpu.memory_space<vmem>>, vector<1x16xf32>,
      } {sc.loop_unroll_factor = 4 : i64, sc.parallel_access}
      "tpu.region"() ({
        %run_scoped3A = tpu.sem_alloc : memref<!tpu.dma_semaphore, #tpu.memory_space<semaphore_mem>>
        %dma_start3A_32 = arith.constant 0 : i32
        %dma_start3A_33 = arith.constant 0 : i32
        %dma_start3A_34 = tpu.memref_slice %arg20[%dma_start3A_32, %dma_start3A_33] : memref<10240x16xf32, #tpu.memory_space<vmem_shared>> -> memref<10240x16xf32, #tpu.memory_space<vmem_shared>>
        tpu.enqueue_indirect_dma source(%arg15 : memref<128x16xf32, #tpu.memory_space<vmem>>) target(%dma_start3A_34 : memref<10240x16xf32, #tpu.memory_space<vmem_shared>>) offsets(%arg11 : memref<128xi32, #tpu.memory_space<vmem>>) semaphore(%run_scoped3A : memref<!tpu.dma_semaphore, #tpu.memory_space<semaphore_mem>>) {add = true}
        %dma_wait3A_35 = arith.constant 0 : i32
        %dma_wait3A_36 = arith.constant 0 : i32
        %dma_wait3A_37 = tpu.memref_slice %arg20[%dma_wait3A_35, %dma_wait3A_36] : memref<10240x16xf32, #tpu.memory_space<vmem_shared>> -> memref<10240x16xf32, #tpu.memory_space<vmem_shared>>
        tpu.wait_indirect_dma semaphore(%run_scoped3A : memref<!tpu.dma_semaphore, #tpu.memory_space<semaphore_mem>>) src(%arg15 : memref<128x16xf32, #tpu.memory_space<vmem>>) dst(%dma_wait3A_37 : memref<10240x16xf32, #tpu.memory_space<vmem_shared>>)
        tpu.yield
      }) : () -> ()
    }
    %while3A_17 = arith.constant 1 : i32
    scf.for %while3A_19 = %while3A_15 to %while3A_11 step %while3A_17  : i32 {
      %mul3A_20 = arith.constant 32 : i32
      %mul3A_21 = arith.muli %mul3A_20, %while3A_19 : i32
      %add3A_22 = arith.addi %add3A, %mul3A_21 : i32
      %mul3A_23 = arith.constant 128 : i32
      %mul3A_24 = arith.muli %add3A_22, %mul3A_23 : i32
      "tpu.region"() ({
        %run_scoped3A = tpu.sem_alloc : memref<!tpu.dma_semaphore, #tpu.memory_space<semaphore_mem>>
        %dma_start3A_32 = tpu.memref_slice %arg6[%mul3A_24] : memref<160000xi32, #tpu.memory_space<hbm>> -> memref<128xi32, #tpu.memory_space<hbm>>
        %dma_start3A_33 = tpu.memref_slice %arg6[%mul3A_24] : memref<160000xi32, #tpu.memory_space<hbm>> -> memref<128xi32, #tpu.memory_space<hbm>>
        tpu.enqueue_dma source(%dma_start3A_33 : memref<128xi32, #tpu.memory_space<hbm>>) target(%arg10 : memref<128xi32, #tpu.memory_space<vmem>>) target_semaphore(%run_scoped3A : memref<!tpu.dma_semaphore, #tpu.memory_space<semaphore_mem>>)
        %dma_wait3A_34 = tpu.memref_slice %arg6[%mul3A_24] : memref<160000xi32, #tpu.memory_space<hbm>> -> memref<128xi32, #tpu.memory_space<hbm>>
        %dma_wait3A_35 = tpu.memref_slice %arg6[%mul3A_24] : memref<160000xi32, #tpu.memory_space<hbm>> -> memref<128xi32, #tpu.memory_space<hbm>>
        tpu.wait_dma2 semaphore(%run_scoped3A : memref<!tpu.dma_semaphore, #tpu.memory_space<semaphore_mem>>) src(%dma_wait3A_35 : memref<128xi32, #tpu.memory_space<hbm>>) dst(%arg10 : memref<128xi32, #tpu.memory_space<vmem>>)
        tpu.yield
      }) : () -> ()
      "tpu.region"() ({
        %run_scoped3A = tpu.sem_alloc : memref<!tpu.dma_semaphore, #tpu.memory_space<semaphore_mem>>
        %dma_start3A_32 = tpu.memref_slice %arg7[%mul3A_24] : memref<160000xi32, #tpu.memory_space<hbm>> -> memref<128xi32, #tpu.memory_space<hbm>>
        %dma_start3A_33 = tpu.memref_slice %arg7[%mul3A_24] : memref<160000xi32, #tpu.memory_space<hbm>> -> memref<128xi32, #tpu.memory_space<hbm>>
        tpu.enqueue_dma source(%dma_start3A_33 : memref<128xi32, #tpu.memory_space<hbm>>) target(%arg11 : memref<128xi32, #tpu.memory_space<vmem>>) target_semaphore(%run_scoped3A : memref<!tpu.dma_semaphore, #tpu.memory_space<semaphore_mem>>)
        %dma_wait3A_34 = tpu.memref_slice %arg7[%mul3A_24] : memref<160000xi32, #tpu.memory_space<hbm>> -> memref<128xi32, #tpu.memory_space<hbm>>
        %dma_wait3A_35 = tpu.memref_slice %arg7[%mul3A_24] : memref<160000xi32, #tpu.memory_space<hbm>> -> memref<128xi32, #tpu.memory_space<hbm>>
        tpu.wait_dma2 semaphore(%run_scoped3A : memref<!tpu.dma_semaphore, #tpu.memory_space<semaphore_mem>>) src(%dma_wait3A_35 : memref<128xi32, #tpu.memory_space<hbm>>) dst(%arg11 : memref<128xi32, #tpu.memory_space<vmem>>)
        tpu.yield
      }) : () -> ()
      %dma_start3A = arith.constant 0 : i32
      %dma_start3A_25 = arith.constant 0 : i32
      %dma_start3A_26 = tpu.memref_slice %arg2[%dma_start3A, %dma_start3A_25] : memref<10000x256xf32, #tpu.memory_space<hbm>> -> memref<10000x256xf32, #tpu.memory_space<hbm>>
      tpu.enqueue_indirect_dma source(%dma_start3A_26 : memref<10000x256xf32, #tpu.memory_space<hbm>>) target(%arg14 : memref<128x256xf32, #tpu.memory_space<vmem>>) offsets(%arg10 : memref<128xi32, #tpu.memory_space<vmem>>) semaphore(%arg18 : memref<!tpu.dma_semaphore, #tpu.memory_space<semaphore_mem>>)
      "tpu.region"() ({
        %run_scoped3A = tpu.sem_alloc : memref<!tpu.dma_semaphore, #tpu.memory_space<semaphore_mem>>
        %dma_start3A_32 = arith.constant 0 : i32
        %dma_start3A_33 = tpu.memref_slice %arg3[%mul3A_24, %dma_start3A_32] : memref<160000x16xf32, #tpu.memory_space<hbm>> -> memref<128x16xf32, #tpu.memory_space<hbm>>
        %dma_start3A_34 = arith.constant 0 : i32
        %dma_start3A_35 = tpu.memref_slice %arg3[%mul3A_24, %dma_start3A_34] : memref<160000x16xf32, #tpu.memory_space<hbm>> -> memref<128x16xf32, #tpu.memory_space<hbm>>
        tpu.enqueue_dma source(%dma_start3A_35 : memref<128x16xf32, #tpu.memory_space<hbm>>) target(%arg12 : memref<128x16xf32, #tpu.memory_space<vmem>>) target_semaphore(%run_scoped3A : memref<!tpu.dma_semaphore, #tpu.memory_space<semaphore_mem>>)
        %dma_wait3A_36 = arith.constant 0 : i32
        %dma_wait3A_37 = tpu.memref_slice %arg3[%mul3A_24, %dma_wait3A_36] : memref<160000x16xf32, #tpu.memory_space<hbm>> -> memref<128x16xf32, #tpu.memory_space<hbm>>
        %dma_wait3A_38 = arith.constant 0 : i32
        %dma_wait3A_39 = tpu.memref_slice %arg3[%mul3A_24, %dma_wait3A_38] : memref<160000x16xf32, #tpu.memory_space<hbm>> -> memref<128x16xf32, #tpu.memory_space<hbm>>
        tpu.wait_dma2 semaphore(%run_scoped3A : memref<!tpu.dma_semaphore, #tpu.memory_space<semaphore_mem>>) src(%dma_wait3A_39 : memref<128x16xf32, #tpu.memory_space<hbm>>) dst(%arg12 : memref<128x16xf32, #tpu.memory_space<vmem>>)
        tpu.yield
      }) : () -> ()
      "tpu.region"() ({
        %run_scoped3A = tpu.sem_alloc : memref<!tpu.dma_semaphore, #tpu.memory_space<semaphore_mem>>
        %dma_start3A_32 = arith.constant 0 : i32
        %dma_start3A_33 = arith.constant 0 : i32
        %dma_start3A_34 = tpu.memref_slice %arg19[%dma_start3A_32, %dma_start3A_33] : memref<10240x16xf32, #tpu.memory_space<vmem_shared>> -> memref<10240x16xf32, #tpu.memory_space<vmem_shared>>
        tpu.enqueue_indirect_dma source(%dma_start3A_34 : memref<10240x16xf32, #tpu.memory_space<vmem_shared>>) target(%arg13 : memref<128x16xf32, #tpu.memory_space<vmem>>) offsets(%arg11 : memref<128xi32, #tpu.memory_space<vmem>>) semaphore(%run_scoped3A : memref<!tpu.dma_semaphore, #tpu.memory_space<semaphore_mem>>)
        %dma_wait3A_35 = arith.constant 0 : i32
        %dma_wait3A_36 = arith.constant 0 : i32
        %dma_wait3A_37 = tpu.memref_slice %arg19[%dma_wait3A_35, %dma_wait3A_36] : memref<10240x16xf32, #tpu.memory_space<vmem_shared>> -> memref<10240x16xf32, #tpu.memory_space<vmem_shared>>
        tpu.wait_indirect_dma semaphore(%run_scoped3A : memref<!tpu.dma_semaphore, #tpu.memory_space<semaphore_mem>>) src(%dma_wait3A_37 : memref<10240x16xf32, #tpu.memory_space<vmem_shared>>) dst(%arg13 : memref<128x16xf32, #tpu.memory_space<vmem>>)
        tpu.yield
      }) : () -> ()
      %dma_wait3A = arith.constant 0 : i32
      %dma_wait3A_27 = arith.constant 0 : i32
      %dma_wait3A_28 = tpu.memref_slice %arg2[%dma_wait3A, %dma_wait3A_27] : memref<10000x256xf32, #tpu.memory_space<hbm>> -> memref<10000x256xf32, #tpu.memory_space<hbm>>
      tpu.wait_indirect_dma semaphore(%arg18 : memref<!tpu.dma_semaphore, #tpu.memory_space<semaphore_mem>>) src(%dma_wait3A_28 : memref<10000x256xf32, #tpu.memory_space<hbm>>) dst(%arg14 : memref<128x256xf32, #tpu.memory_space<vmem>>)
      %parallel_loop3A_29 = arith.constant 0 : i32
      %parallel_loop3A_30 = arith.constant 128 : i32
      %parallel_loop3A_31 = arith.constant 1 : i32
      scf.for %parallel_loop3A_32 = %parallel_loop3A_29 to %parallel_loop3A_30 step %parallel_loop3A_31  : i32 {
        %parallel_loop3A_33 = arith.index_cast %parallel_loop3A_32 : i32 to index
        %parallel_loop3A_34 = arith.constant 0 : index
        %parallel_loop3A_35 = tpu.vector_load %arg12[%parallel_loop3A_33, %parallel_loop3A_34] {strides = array<i32>} : memref<128x16xf32, #tpu.memory_space<vmem>>, vector<1x16xf32>,
        %parallel_loop3A_36 = vector.shape_cast %parallel_loop3A_35 : vector<1x16xf32> to vector<16xf32>
        %parallel_loop3A_37 = arith.index_cast %parallel_loop3A_32 : i32 to index
        %parallel_loop3A_38 = arith.constant 0 : index
        %parallel_loop3A_39 = tpu.vector_load %arg13[%parallel_loop3A_37, %parallel_loop3A_38] {strides = array<i32>} : memref<128x16xf32, #tpu.memory_space<vmem>>, vector<1x16xf32>,
        %parallel_loop3A_40 = vector.shape_cast %parallel_loop3A_39 : vector<1x16xf32> to vector<16xf32>
        %parallel_loop3A_41 = arith.mulf %parallel_loop3A_36, %parallel_loop3A_40 : vector<16xf32>
        %parallel_loop3A_42 = vector.extract_strided_slice %parallel_loop3A_41 {offsets = [0], sizes = [1], strides = [1]} : vector<16xf32> to vector<1xf32>
        %parallel_loop3A_43 = vector.extract %parallel_loop3A_42[0] : f32 from vector<1xf32>
        %parallel_loop3A_44 = arith.index_cast %parallel_loop3A_32 : i32 to index
        %parallel_loop3A_45 = arith.constant 0 : index
        %parallel_loop3A_46 = tpu.vector_load %arg14[%parallel_loop3A_44, %parallel_loop3A_45] {strides = array<i32>} : memref<128x256xf32, #tpu.memory_space<vmem>>, vector<1x16xf32>,
        %parallel_loop3A_47 = vector.shape_cast %parallel_loop3A_46 : vector<1x16xf32> to vector<16xf32>
        %parallel_loop3A_48 = vector.broadcast %parallel_loop3A_43 : f32 to vector<16xf32>
        %parallel_loop3A_49 = arith.mulf %parallel_loop3A_48, %parallel_loop3A_47 : vector<16xf32>
        %parallel_loop3A_50 = vector.extract_strided_slice %parallel_loop3A_41 {offsets = [1], sizes = [1], strides = [1]} : vector<16xf32> to vector<1xf32>
        %parallel_loop3A_51 = vector.extract %parallel_loop3A_50[0] : f32 from vector<1xf32>
        %parallel_loop3A_52 = arith.index_cast %parallel_loop3A_32 : i32 to index
        %parallel_loop3A_53 = arith.constant 16 : index
        %parallel_loop3A_54 = tpu.vector_load %arg14[%parallel_loop3A_52, %parallel_loop3A_53] {strides = array<i32>} : memref<128x256xf32, #tpu.memory_space<vmem>>, vector<1x16xf32>,
        %parallel_loop3A_55 = vector.shape_cast %parallel_loop3A_54 : vector<1x16xf32> to vector<16xf32>
        %parallel_loop3A_56 = vector.broadcast %parallel_loop3A_51 : f32 to vector<16xf32>
        %parallel_loop3A_57 = arith.mulf %parallel_loop3A_56, %parallel_loop3A_55 : vector<16xf32>
        %parallel_loop3A_58 = arith.addf %parallel_loop3A_49, %parallel_loop3A_57 : vector<16xf32>
        %parallel_loop3A_59 = vector.extract_strided_slice %parallel_loop3A_41 {offsets = [2], sizes = [1], strides = [1]} : vector<16xf32> to vector<1xf32>
        %parallel_loop3A_60 = vector.extract %parallel_loop3A_59[0] : f32 from vector<1xf32>
        %parallel_loop3A_61 = arith.index_cast %parallel_loop3A_32 : i32 to index
        %parallel_loop3A_62 = arith.constant 32 : index
        %parallel_loop3A_63 = tpu.vector_load %arg14[%parallel_loop3A_61, %parallel_loop3A_62] {strides = array<i32>} : memref<128x256xf32, #tpu.memory_space<vmem>>, vector<1x16xf32>,
        %parallel_loop3A_64 = vector.shape_cast %parallel_loop3A_63 : vector<1x16xf32> to vector<16xf32>
        %parallel_loop3A_65 = vector.broadcast %parallel_loop3A_60 : f32 to vector<16xf32>
        %parallel_loop3A_66 = arith.mulf %parallel_loop3A_65, %parallel_loop3A_64 : vector<16xf32>
        %parallel_loop3A_67 = arith.addf %parallel_loop3A_58, %parallel_loop3A_66 : vector<16xf32>
        %parallel_loop3A_68 = vector.extract_strided_slice %parallel_loop3A_41 {offsets = [3], sizes = [1], strides = [1]} : vector<16xf32> to vector<1xf32>
        %parallel_loop3A_69 = vector.extract %parallel_loop3A_68[0] : f32 from vector<1xf32>
        %parallel_loop3A_70 = arith.index_cast %parallel_loop3A_32 : i32 to index
        %parallel_loop3A_71 = arith.constant 48 : index
        %parallel_loop3A_72 = tpu.vector_load %arg14[%parallel_loop3A_70, %parallel_loop3A_71] {strides = array<i32>} : memref<128x256xf32, #tpu.memory_space<vmem>>, vector<1x16xf32>,
        %parallel_loop3A_73 = vector.shape_cast %parallel_loop3A_72 : vector<1x16xf32> to vector<16xf32>
        %parallel_loop3A_74 = vector.broadcast %parallel_loop3A_69 : f32 to vector<16xf32>
        %parallel_loop3A_75 = arith.mulf %parallel_loop3A_74, %parallel_loop3A_73 : vector<16xf32>
        %parallel_loop3A_76 = arith.addf %parallel_loop3A_67, %parallel_loop3A_75 : vector<16xf32>
        %parallel_loop3A_77 = vector.extract_strided_slice %parallel_loop3A_41 {offsets = [4], sizes = [1], strides = [1]} : vector<16xf32> to vector<1xf32>
        %parallel_loop3A_78 = vector.extract %parallel_loop3A_77[0] : f32 from vector<1xf32>
        %parallel_loop3A_79 = arith.index_cast %parallel_loop3A_32 : i32 to index
        %parallel_loop3A_80 = arith.constant 64 : index
        %parallel_loop3A_81 = tpu.vector_load %arg14[%parallel_loop3A_79, %parallel_loop3A_80] {strides = array<i32>} : memref<128x256xf32, #tpu.memory_space<vmem>>, vector<1x16xf32>,
        %parallel_loop3A_82 = vector.shape_cast %parallel_loop3A_81 : vector<1x16xf32> to vector<16xf32>
        %parallel_loop3A_83 = vector.broadcast %parallel_loop3A_78 : f32 to vector<16xf32>
        %parallel_loop3A_84 = arith.mulf %parallel_loop3A_83, %parallel_loop3A_82 : vector<16xf32>
        %parallel_loop3A_85 = arith.addf %parallel_loop3A_76, %parallel_loop3A_84 : vector<16xf32>
        %parallel_loop3A_86 = vector.extract_strided_slice %parallel_loop3A_41 {offsets = [5], sizes = [1], strides = [1]} : vector<16xf32> to vector<1xf32>
        %parallel_loop3A_87 = vector.extract %parallel_loop3A_86[0] : f32 from vector<1xf32>
        %parallel_loop3A_88 = arith.index_cast %parallel_loop3A_32 : i32 to index
        %parallel_loop3A_89 = arith.constant 80 : index
        %parallel_loop3A_90 = tpu.vector_load %arg14[%parallel_loop3A_88, %parallel_loop3A_89] {strides = array<i32>} : memref<128x256xf32, #tpu.memory_space<vmem>>, vector<1x16xf32>,
        %parallel_loop3A_91 = vector.shape_cast %parallel_loop3A_90 : vector<1x16xf32> to vector<16xf32>
        %parallel_loop3A_92 = vector.broadcast %parallel_loop3A_87 : f32 to vector<16xf32>
        %parallel_loop3A_93 = arith.mulf %parallel_loop3A_92, %parallel_loop3A_91 : vector<16xf32>
        %parallel_loop3A_94 = arith.addf %parallel_loop3A_85, %parallel_loop3A_93 : vector<16xf32>
        %parallel_loop3A_95 = vector.extract_strided_slice %parallel_loop3A_41 {offsets = [6], sizes = [1], strides = [1]} : vector<16xf32> to vector<1xf32>
        %parallel_loop3A_96 = vector.extract %parallel_loop3A_95[0] : f32 from vector<1xf32>
        %parallel_loop3A_97 = arith.index_cast %parallel_loop3A_32 : i32 to index
        %parallel_loop3A_98 = arith.constant 96 : index
        %parallel_loop3A_99 = tpu.vector_load %arg14[%parallel_loop3A_97, %parallel_loop3A_98] {strides = array<i32>} : memref<128x256xf32, #tpu.memory_space<vmem>>, vector<1x16xf32>,
        %parallel_loop3A_100 = vector.shape_cast %parallel_loop3A_99 : vector<1x16xf32> to vector<16xf32>
        %parallel_loop3A_101 = vector.broadcast %parallel_loop3A_96 : f32 to vector<16xf32>
        %parallel_loop3A_102 = arith.mulf %parallel_loop3A_101, %parallel_loop3A_100 : vector<16xf32>
        %parallel_loop3A_103 = arith.addf %parallel_loop3A_94, %parallel_loop3A_102 : vector<16xf32>
        %parallel_loop3A_104 = vector.extract_strided_slice %parallel_loop3A_41 {offsets = [7], sizes = [1], strides = [1]} : vector<16xf32> to vector<1xf32>
        %parallel_loop3A_105 = vector.extract %parallel_loop3A_104[0] : f32 from vector<1xf32>
        %parallel_loop3A_106 = arith.index_cast %parallel_loop3A_32 : i32 to index
        %parallel_loop3A_107 = arith.constant 112 : index
        %parallel_loop3A_108 = tpu.vector_load %arg14[%parallel_loop3A_106, %parallel_loop3A_107] {strides = array<i32>} : memref<128x256xf32, #tpu.memory_space<vmem>>, vector<1x16xf32>,
        %parallel_loop3A_109 = vector.shape_cast %parallel_loop3A_108 : vector<1x16xf32> to vector<16xf32>
        %parallel_loop3A_110 = vector.broadcast %parallel_loop3A_105 : f32 to vector<16xf32>
        %parallel_loop3A_111 = arith.mulf %parallel_loop3A_110, %parallel_loop3A_109 : vector<16xf32>
        %parallel_loop3A_112 = arith.addf %parallel_loop3A_103, %parallel_loop3A_111 : vector<16xf32>
        %parallel_loop3A_113 = vector.extract_strided_slice %parallel_loop3A_41 {offsets = [8], sizes = [1], strides = [1]} : vector<16xf32> to vector<1xf32>
        %parallel_loop3A_114 = vector.extract %parallel_loop3A_113[0] : f32 from vector<1xf32>
        %parallel_loop3A_115 = arith.index_cast %parallel_loop3A_32 : i32 to index
        %parallel_loop3A_116 = arith.constant 128 : index
        %parallel_loop3A_117 = tpu.vector_load %arg14[%parallel_loop3A_115, %parallel_loop3A_116] {strides = array<i32>} : memref<128x256xf32, #tpu.memory_space<vmem>>, vector<1x16xf32>,
        %parallel_loop3A_118 = vector.shape_cast %parallel_loop3A_117 : vector<1x16xf32> to vector<16xf32>
        %parallel_loop3A_119 = vector.broadcast %parallel_loop3A_114 : f32 to vector<16xf32>
        %parallel_loop3A_120 = arith.mulf %parallel_loop3A_119, %parallel_loop3A_118 : vector<16xf32>
        %parallel_loop3A_121 = arith.addf %parallel_loop3A_112, %parallel_loop3A_120 : vector<16xf32>
        %parallel_loop3A_122 = vector.extract_strided_slice %parallel_loop3A_41 {offsets = [9], sizes = [1], strides = [1]} : vector<16xf32> to vector<1xf32>
        %parallel_loop3A_123 = vector.extract %parallel_loop3A_122[0] : f32 from vector<1xf32>
        %parallel_loop3A_124 = arith.index_cast %parallel_loop3A_32 : i32 to index
        %parallel_loop3A_125 = arith.constant 144 : index
        %parallel_loop3A_126 = tpu.vector_load %arg14[%parallel_loop3A_124, %parallel_loop3A_125] {strides = array<i32>} : memref<128x256xf32, #tpu.memory_space<vmem>>, vector<1x16xf32>,
        %parallel_loop3A_127 = vector.shape_cast %parallel_loop3A_126 : vector<1x16xf32> to vector<16xf32>
        %parallel_loop3A_128 = vector.broadcast %parallel_loop3A_123 : f32 to vector<16xf32>
        %parallel_loop3A_129 = arith.mulf %parallel_loop3A_128, %parallel_loop3A_127 : vector<16xf32>
        %parallel_loop3A_130 = arith.addf %parallel_loop3A_121, %parallel_loop3A_129 : vector<16xf32>
        %parallel_loop3A_131 = vector.extract_strided_slice %parallel_loop3A_41 {offsets = [10], sizes = [1], strides = [1]} : vector<16xf32> to vector<1xf32>
        %parallel_loop3A_132 = vector.extract %parallel_loop3A_131[0] : f32 from vector<1xf32>
        %parallel_loop3A_133 = arith.index_cast %parallel_loop3A_32 : i32 to index
        %parallel_loop3A_134 = arith.constant 160 : index
        %parallel_loop3A_135 = tpu.vector_load %arg14[%parallel_loop3A_133, %parallel_loop3A_134] {strides = array<i32>} : memref<128x256xf32, #tpu.memory_space<vmem>>, vector<1x16xf32>,
        %parallel_loop3A_136 = vector.shape_cast %parallel_loop3A_135 : vector<1x16xf32> to vector<16xf32>
        %parallel_loop3A_137 = vector.broadcast %parallel_loop3A_132 : f32 to vector<16xf32>
        %parallel_loop3A_138 = arith.mulf %parallel_loop3A_137, %parallel_loop3A_136 : vector<16xf32>
        %parallel_loop3A_139 = arith.addf %parallel_loop3A_130, %parallel_loop3A_138 : vector<16xf32>
        %parallel_loop3A_140 = vector.extract_strided_slice %parallel_loop3A_41 {offsets = [11], sizes = [1], strides = [1]} : vector<16xf32> to vector<1xf32>
        %parallel_loop3A_141 = vector.extract %parallel_loop3A_140[0] : f32 from vector<1xf32>
        %parallel_loop3A_142 = arith.index_cast %parallel_loop3A_32 : i32 to index
        %parallel_loop3A_143 = arith.constant 176 : index
        %parallel_loop3A_144 = tpu.vector_load %arg14[%parallel_loop3A_142, %parallel_loop3A_143] {strides = array<i32>} : memref<128x256xf32, #tpu.memory_space<vmem>>, vector<1x16xf32>,
        %parallel_loop3A_145 = vector.shape_cast %parallel_loop3A_144 : vector<1x16xf32> to vector<16xf32>
        %parallel_loop3A_146 = vector.broadcast %parallel_loop3A_141 : f32 to vector<16xf32>
        %parallel_loop3A_147 = arith.mulf %parallel_loop3A_146, %parallel_loop3A_145 : vector<16xf32>
        %parallel_loop3A_148 = arith.addf %parallel_loop3A_139, %parallel_loop3A_147 : vector<16xf32>
        %parallel_loop3A_149 = vector.extract_strided_slice %parallel_loop3A_41 {offsets = [12], sizes = [1], strides = [1]} : vector<16xf32> to vector<1xf32>
        %parallel_loop3A_150 = vector.extract %parallel_loop3A_149[0] : f32 from vector<1xf32>
        %parallel_loop3A_151 = arith.index_cast %parallel_loop3A_32 : i32 to index
        %parallel_loop3A_152 = arith.constant 192 : index
        %parallel_loop3A_153 = tpu.vector_load %arg14[%parallel_loop3A_151, %parallel_loop3A_152] {strides = array<i32>} : memref<128x256xf32, #tpu.memory_space<vmem>>, vector<1x16xf32>,
        %parallel_loop3A_154 = vector.shape_cast %parallel_loop3A_153 : vector<1x16xf32> to vector<16xf32>
        %parallel_loop3A_155 = vector.broadcast %parallel_loop3A_150 : f32 to vector<16xf32>
        %parallel_loop3A_156 = arith.mulf %parallel_loop3A_155, %parallel_loop3A_154 : vector<16xf32>
        %parallel_loop3A_157 = arith.addf %parallel_loop3A_148, %parallel_loop3A_156 : vector<16xf32>
        %parallel_loop3A_158 = vector.extract_strided_slice %parallel_loop3A_41 {offsets = [13], sizes = [1], strides = [1]} : vector<16xf32> to vector<1xf32>
        %parallel_loop3A_159 = vector.extract %parallel_loop3A_158[0] : f32 from vector<1xf32>
        %parallel_loop3A_160 = arith.index_cast %parallel_loop3A_32 : i32 to index
        %parallel_loop3A_161 = arith.constant 208 : index
        %parallel_loop3A_162 = tpu.vector_load %arg14[%parallel_loop3A_160, %parallel_loop3A_161] {strides = array<i32>} : memref<128x256xf32, #tpu.memory_space<vmem>>, vector<1x16xf32>,
        %parallel_loop3A_163 = vector.shape_cast %parallel_loop3A_162 : vector<1x16xf32> to vector<16xf32>
        %parallel_loop3A_164 = vector.broadcast %parallel_loop3A_159 : f32 to vector<16xf32>
        %parallel_loop3A_165 = arith.mulf %parallel_loop3A_164, %parallel_loop3A_163 : vector<16xf32>
        %parallel_loop3A_166 = arith.addf %parallel_loop3A_157, %parallel_loop3A_165 : vector<16xf32>
        %parallel_loop3A_167 = vector.extract_strided_slice %parallel_loop3A_41 {offsets = [14], sizes = [1], strides = [1]} : vector<16xf32> to vector<1xf32>
        %parallel_loop3A_168 = vector.extract %parallel_loop3A_167[0] : f32 from vector<1xf32>
        %parallel_loop3A_169 = arith.index_cast %parallel_loop3A_32 : i32 to index
        %parallel_loop3A_170 = arith.constant 224 : index
        %parallel_loop3A_171 = tpu.vector_load %arg14[%parallel_loop3A_169, %parallel_loop3A_170] {strides = array<i32>} : memref<128x256xf32, #tpu.memory_space<vmem>>, vector<1x16xf32>,
        %parallel_loop3A_172 = vector.shape_cast %parallel_loop3A_171 : vector<1x16xf32> to vector<16xf32>
        %parallel_loop3A_173 = vector.broadcast %parallel_loop3A_168 : f32 to vector<16xf32>
        %parallel_loop3A_174 = arith.mulf %parallel_loop3A_173, %parallel_loop3A_172 : vector<16xf32>
        %parallel_loop3A_175 = arith.addf %parallel_loop3A_166, %parallel_loop3A_174 : vector<16xf32>
        %parallel_loop3A_176 = vector.extract_strided_slice %parallel_loop3A_41 {offsets = [15], sizes = [1], strides = [1]} : vector<16xf32> to vector<1xf32>
        %parallel_loop3A_177 = vector.extract %parallel_loop3A_176[0] : f32 from vector<1xf32>
        %parallel_loop3A_178 = arith.index_cast %parallel_loop3A_32 : i32 to index
        %parallel_loop3A_179 = arith.constant 240 : index
        %parallel_loop3A_180 = tpu.vector_load %arg14[%parallel_loop3A_178, %parallel_loop3A_179] {strides = array<i32>} : memref<128x256xf32, #tpu.memory_space<vmem>>, vector<1x16xf32>,
        %parallel_loop3A_181 = vector.shape_cast %parallel_loop3A_180 : vector<1x16xf32> to vector<16xf32>
        %parallel_loop3A_182 = vector.broadcast %parallel_loop3A_177 : f32 to vector<16xf32>
        %parallel_loop3A_183 = arith.mulf %parallel_loop3A_182, %parallel_loop3A_181 : vector<16xf32>
        %parallel_loop3A_184 = arith.addf %parallel_loop3A_175, %parallel_loop3A_183 : vector<16xf32>
        %parallel_loop3A_185 = arith.index_cast %parallel_loop3A_32 : i32 to index
        %parallel_loop3A_186 = arith.constant 0 : index
        %parallel_loop3A_187 = tpu.vector_load %arg15[%parallel_loop3A_185, %parallel_loop3A_186] {strides = array<i32>} : memref<128x16xf32, #tpu.memory_space<vmem>>, vector<1x16xf32>,
        %parallel_loop3A_188 = vector.shape_cast %parallel_loop3A_187 : vector<1x16xf32> to vector<16xf32>
        %parallel_loop3A_189 = vector.shape_cast %parallel_loop3A_184 : vector<16xf32> to vector<1x16xf32>
        tpu.vector_store %arg15[%parallel_loop3A_185, %parallel_loop3A_186], %parallel_loop3A_189 {strides = array<i32>} : memref<128x16xf32, #tpu.memory_space<vmem>>, vector<1x16xf32>,
      } {sc.loop_unroll_factor = 4 : i64, sc.parallel_access}
      "tpu.region"() ({
        %run_scoped3A = tpu.sem_alloc : memref<!tpu.dma_semaphore, #tpu.memory_space<semaphore_mem>>
        %dma_start3A_32 = arith.constant 0 : i32
        %dma_start3A_33 = arith.constant 0 : i32
        %dma_start3A_34 = tpu.memref_slice %arg20[%dma_start3A_32, %dma_start3A_33] : memref<10240x16xf32, #tpu.memory_space<vmem_shared>> -> memref<10240x16xf32, #tpu.memory_space<vmem_shared>>
        tpu.enqueue_indirect_dma source(%arg15 : memref<128x16xf32, #tpu.memory_space<vmem>>) target(%dma_start3A_34 : memref<10240x16xf32, #tpu.memory_space<vmem_shared>>) offsets(%arg11 : memref<128xi32, #tpu.memory_space<vmem>>) semaphore(%run_scoped3A : memref<!tpu.dma_semaphore, #tpu.memory_space<semaphore_mem>>) {add = true}
        %dma_wait3A_35 = arith.constant 0 : i32
        %dma_wait3A_36 = arith.constant 0 : i32
        %dma_wait3A_37 = tpu.memref_slice %arg20[%dma_wait3A_35, %dma_wait3A_36] : memref<10240x16xf32, #tpu.memory_space<vmem_shared>> -> memref<10240x16xf32, #tpu.memory_space<vmem_shared>>
        tpu.wait_indirect_dma semaphore(%run_scoped3A : memref<!tpu.dma_semaphore, #tpu.memory_space<semaphore_mem>>) src(%arg15 : memref<128x16xf32, #tpu.memory_space<vmem>>) dst(%dma_wait3A_37 : memref<10240x16xf32, #tpu.memory_space<vmem_shared>>)
        tpu.yield
      }) : () -> ()
    }
    %barrier3A_18 = arith.constant 0 : index
    tpu.barrier barrier_id(%barrier3A_18)
    "tpu.region"() ({
      %run_scoped3A = tpu.sem_alloc : memref<!tpu.dma_semaphore, #tpu.memory_space<semaphore_mem>>
      %dma_start3A = arith.constant 0 : i32
      %dma_start3A_19 = tpu.memref_slice %arg9[%arg0, %mul3A_2, %dma_start3A] : memref<2x10240x16xf32, #tpu.memory_space<hbm>> -> memref<1x640x16xf32, #tpu.memory_space<hbm>>
      %dma_start3A_20 = tpu.memref_squeeze %dma_start3A_19 : memref<1x640x16xf32, #tpu.memory_space<hbm>> -> memref<640x16xf32, #tpu.memory_space<hbm>>
      %dma_start3A_21 = arith.constant 0 : i32
      %dma_start3A_22 = tpu.memref_slice %arg20[%mul3A_2, %dma_start3A_21] : memref<10240x16xf32, #tpu.memory_space<vmem_shared>> -> memref<640x16xf32, #tpu.memory_space<vmem_shared>>
      tpu.enqueue_dma source(%dma_start3A_22 : memref<640x16xf32, #tpu.memory_space<vmem_shared>>) target(%dma_start3A_20 : memref<640x16xf32, #tpu.memory_space<hbm>>) target_semaphore(%run_scoped3A : memref<!tpu.dma_semaphore, #tpu.memory_space<semaphore_mem>>)
      %dma_wait3A = arith.constant 0 : i32
      %dma_wait3A_23 = tpu.memref_slice %arg9[%arg0, %mul3A_2, %dma_wait3A] : memref<2x10240x16xf32, #tpu.memory_space<hbm>> -> memref<1x640x16xf32, #tpu.memory_space<hbm>>
      %dma_wait3A_24 = tpu.memref_squeeze %dma_wait3A_23 : memref<1x640x16xf32, #tpu.memory_space<hbm>> -> memref<640x16xf32, #tpu.memory_space<hbm>>
      %dma_wait3A_25 = arith.constant 0 : i32
      %dma_wait3A_26 = tpu.memref_slice %arg20[%mul3A_2, %dma_wait3A_25] : memref<10240x16xf32, #tpu.memory_space<vmem_shared>> -> memref<640x16xf32, #tpu.memory_space<vmem_shared>>
      tpu.wait_dma2 semaphore(%run_scoped3A : memref<!tpu.dma_semaphore, #tpu.memory_space<semaphore_mem>>) src(%dma_wait3A_26 : memref<640x16xf32, #tpu.memory_space<vmem_shared>>) dst(%dma_wait3A_24 : memref<640x16xf32, #tpu.memory_space<hbm>>)
      tpu.yield
    }) : () -> ()
    return
  }
}

module attributes {stable_mosaic.version = 14 : i64} {
  func.func @_enc_body(%arg0: i32, %arg1: memref<1000x136xf32, #tpu.memory_space<vmem>>, %arg2: memref<136x16xf32, #tpu.memory_space<vmem>>, %arg3: memref<1x16xf32, #tpu.memory_space<vmem>>, %arg4: memref<16x16xf32, #tpu.memory_space<vmem>>, %arg5: memref<1x16xf32, #tpu.memory_space<vmem>>, %arg6: memref<1000x16xf32, #tpu.memory_space<vmem>>) attributes {dimension_semantics = [#tpu.dimension_semantics<arbitrary>], iteration_bounds = array<i64: 10>, scalar_prefetch = 0 : i64, scratch_operands = 0 : i64, tpu.core_type = #tpu.core_type<tc>, window_params = [{transform_indices = @transform_0, window_bounds = array<i64: 1000, 136>}, {pipeline_mode = #tpu.pipeline_mode<synchronous>, transform_indices = @transform_1, window_bounds = array<i64: 136, 16>}, {pipeline_mode = #tpu.pipeline_mode<synchronous>, transform_indices = @transform_2, window_bounds = array<i64: 1, 16>}, {pipeline_mode = #tpu.pipeline_mode<synchronous>, transform_indices = @transform_3, window_bounds = array<i64: 16, 16>}, {pipeline_mode = #tpu.pipeline_mode<synchronous>, transform_indices = @transform_4, window_bounds = array<i64: 1, 16>}, {transform_indices = @transform_5, window_bounds = array<i64: 1000, 16>}]} {
    %get3A = arith.constant 0 : index
    %get3A_0 = arith.constant 0 : index
    %get3A_1 = vector.load %arg1[%get3A, %get3A_0] : memref<1000x136xf32, #tpu.memory_space<vmem>>, vector<1000x136xf32>
    %get3A_2 = arith.constant 0 : index
    %get3A_3 = arith.constant 0 : index
    %get3A_4 = vector.load %arg2[%get3A_2, %get3A_3] : memref<136x16xf32, #tpu.memory_space<vmem>>, vector<136x16xf32>
    %dot_general3A = arith.constant dense<0.000000e+00> : vector<1000x16xf32>
    %dot_general3A_5 = tpu.matmul %get3A_1, %get3A_4, %dot_general3A {dimension_numbers = #tpu.dot_dimension_numbers<[1], [0], [0], [1], [0, 0, 1, 1], [], []>, transpose_lhs_hint = false} : vector<1000x136xf32>, vector<136x16xf32>, vector<1000x16xf32> -> vector<1000x16xf32>
    %get3A_6 = arith.constant 0 : index
    %get3A_7 = arith.constant 0 : index
    %get3A_8 = vector.load %arg3[%get3A_6, %get3A_7] : memref<1x16xf32, #tpu.memory_space<vmem>>, vector<1x16xf32>
    %add3A = vector.broadcast %get3A_8 : vector<1x16xf32> to vector<1000x16xf32>
    %add3A_9 = arith.addf %dot_general3A_5, %add3A : vector<1000x16xf32>
    %max3A = arith.constant 0.000000e+00 : f32
    %max3A_10 = vector.broadcast %max3A : f32 to vector<1000x16xf32>
    %max3A_11 = arith.maximumf %add3A_9, %max3A_10 : vector<1000x16xf32>
    %get3A_12 = arith.constant 0 : index
    %get3A_13 = arith.constant 0 : index
    %get3A_14 = vector.load %arg4[%get3A_12, %get3A_13] : memref<16x16xf32, #tpu.memory_space<vmem>>, vector<16x16xf32>
    %dot_general3A_15 = arith.constant dense<0.000000e+00> : vector<1000x16xf32>
    %dot_general3A_16 = tpu.matmul %max3A_11, %get3A_14, %dot_general3A_15 {dimension_numbers = #tpu.dot_dimension_numbers<[1], [0], [0], [1], [0, 0, 1, 1], [], []>, transpose_lhs_hint = false} : vector<1000x16xf32>, vector<16x16xf32>, vector<1000x16xf32> -> vector<1000x16xf32>
    %get3A_17 = arith.constant 0 : index
    %get3A_18 = arith.constant 0 : index
    %get3A_19 = vector.load %arg5[%get3A_17, %get3A_18] : memref<1x16xf32, #tpu.memory_space<vmem>>, vector<1x16xf32>
    %add3A_20 = vector.broadcast %get3A_19 : vector<1x16xf32> to vector<1000x16xf32>
    %add3A_21 = arith.addf %dot_general3A_16, %add3A_20 : vector<1000x16xf32>
    %swap3A = arith.constant 0 : index
    %swap3A_22 = arith.constant 0 : index
    %swap3A_23 = vector.load %arg6[%swap3A, %swap3A_22] : memref<1000x16xf32, #tpu.memory_space<vmem>>, vector<1000x16xf32>
    tpu.vector_store %arg6[%swap3A, %swap3A_22], %add3A_21 {strides = array<i32>} : memref<1000x16xf32, #tpu.memory_space<vmem>>, vector<1000x16xf32>,
    return
  }
  func.func @transform_0(%arg0: i32) -> (i32, i32) {
    %c0_i32 = arith.constant 0 : i32
    %c0_i32_0 = arith.constant 0 : i32
    return %arg0, %c0_i32 : i32, i32
  }
  func.func @transform_1(%arg0: i32) -> (i32, i32) {
    %c0_i32 = arith.constant 0 : i32
    %c0_i32_0 = arith.constant 0 : i32
    %c0_i32_1 = arith.constant 0 : i32
    return %c0_i32, %c0_i32_0 : i32, i32
  }
  func.func @transform_2(%arg0: i32) -> (i32, i32) {
    %c0_i32 = arith.constant 0 : i32
    %c0_i32_0 = arith.constant 0 : i32
    %c0_i32_1 = arith.constant 0 : i32
    return %c0_i32, %c0_i32_0 : i32, i32
  }
  func.func @transform_3(%arg0: i32) -> (i32, i32) {
    %c0_i32 = arith.constant 0 : i32
    %c0_i32_0 = arith.constant 0 : i32
    %c0_i32_1 = arith.constant 0 : i32
    return %c0_i32, %c0_i32_0 : i32, i32
  }
  func.func @transform_4(%arg0: i32) -> (i32, i32) {
    %c0_i32 = arith.constant 0 : i32
    %c0_i32_0 = arith.constant 0 : i32
    %c0_i32_1 = arith.constant 0 : i32
    return %c0_i32, %c0_i32_0 : i32, i32
  }
  func.func @transform_5(%arg0: i32) -> (i32, i32) {
    %c0_i32 = arith.constant 0 : i32
    %c0_i32_0 = arith.constant 0 : i32
    return %arg0, %c0_i32 : i32, i32
  }
}

module attributes {stable_mosaic.version = 14 : i64} {
  func.func @_pre_first_body(%arg0: i32, %arg1: memref<1000x16xf32, #tpu.memory_space<vmem>>, %arg2: memref<16x256xf32, #tpu.memory_space<vmem>>, %arg3: memref<256x16xf32, #tpu.memory_space<vmem>>, %arg4: memref<256x16xf32, #tpu.memory_space<vmem>>, %arg5: memref<1000x256xf32, #tpu.memory_space<vmem>>, %arg6: memref<1000x16xf32, #tpu.memory_space<vmem>>, %arg7: memref<1000x16xf32, #tpu.memory_space<vmem>>) attributes {dimension_semantics = [#tpu.dimension_semantics<arbitrary>], iteration_bounds = array<i64: 10>, scalar_prefetch = 0 : i64, scratch_operands = 0 : i64, tpu.core_type = #tpu.core_type<tc>, window_params = [{transform_indices = @transform_0, window_bounds = array<i64: 1000, 16>}, {pipeline_mode = #tpu.pipeline_mode<synchronous>, transform_indices = @transform_1, window_bounds = array<i64: 16, 256>}, {pipeline_mode = #tpu.pipeline_mode<synchronous>, transform_indices = @transform_2, window_bounds = array<i64: 256, 16>}, {pipeline_mode = #tpu.pipeline_mode<synchronous>, transform_indices = @transform_3, window_bounds = array<i64: 256, 16>}, {transform_indices = @transform_4, window_bounds = array<i64: 1000, 256>}, {transform_indices = @transform_5, window_bounds = array<i64: 1000, 16>}, {transform_indices = @transform_6, window_bounds = array<i64: 1000, 16>}]} {
    %get3A = arith.constant 0 : index
    %get3A_0 = arith.constant 0 : index
    %get3A_1 = vector.load %arg1[%get3A, %get3A_0] : memref<1000x16xf32, #tpu.memory_space<vmem>>, vector<1000x16xf32>
    %get3A_2 = arith.constant 0 : index
    %get3A_3 = arith.constant 0 : index
    %get3A_4 = vector.load %arg2[%get3A_2, %get3A_3] : memref<16x256xf32, #tpu.memory_space<vmem>>, vector<16x256xf32>
    %dot_general3A = arith.constant dense<0.000000e+00> : vector<1000x256xf32>
    %dot_general3A_5 = tpu.matmul %get3A_1, %get3A_4, %dot_general3A {dimension_numbers = #tpu.dot_dimension_numbers<[1], [0], [0], [1], [0, 0, 1, 1], [], []>, transpose_lhs_hint = false} : vector<1000x16xf32>, vector<16x256xf32>, vector<1000x256xf32> -> vector<1000x256xf32>
    %swap3A = arith.constant 0 : index
    %swap3A_6 = arith.constant 0 : index
    %swap3A_7 = vector.load %arg5[%swap3A, %swap3A_6] : memref<1000x256xf32, #tpu.memory_space<vmem>>, vector<1000x256xf32>
    tpu.vector_store %arg5[%swap3A, %swap3A_6], %dot_general3A_5 {strides = array<i32>} : memref<1000x256xf32, #tpu.memory_space<vmem>>, vector<1000x256xf32>,
    %get3A_8 = arith.constant 0 : index
    %get3A_9 = arith.constant 0 : index
    %get3A_10 = vector.load %arg3[%get3A_8, %get3A_9] : memref<256x16xf32, #tpu.memory_space<vmem>>, vector<256x16xf32>
    %dot_general3A_11 = arith.constant dense<0.000000e+00> : vector<1000x16xf32>
    %dot_general3A_12 = tpu.matmul %dot_general3A_5, %get3A_10, %dot_general3A_11 {dimension_numbers = #tpu.dot_dimension_numbers<[1], [0], [0], [1], [0, 0, 1, 1], [], []>, transpose_lhs_hint = false} : vector<1000x256xf32>, vector<256x16xf32>, vector<1000x16xf32> -> vector<1000x16xf32>
    %swap3A_13 = arith.constant 0 : index
    %swap3A_14 = arith.constant 0 : index
    %swap3A_15 = vector.load %arg6[%swap3A_13, %swap3A_14] : memref<1000x16xf32, #tpu.memory_space<vmem>>, vector<1000x16xf32>
    tpu.vector_store %arg6[%swap3A_13, %swap3A_14], %dot_general3A_12 {strides = array<i32>} : memref<1000x16xf32, #tpu.memory_space<vmem>>, vector<1000x16xf32>,
    %get3A_16 = arith.constant 0 : index
    %get3A_17 = arith.constant 0 : index
    %get3A_18 = vector.load %arg4[%get3A_16, %get3A_17] : memref<256x16xf32, #tpu.memory_space<vmem>>, vector<256x16xf32>
    %dot_general3A_19 = arith.constant dense<0.000000e+00> : vector<1000x16xf32>
    %dot_general3A_20 = tpu.matmul %dot_general3A_5, %get3A_18, %dot_general3A_19 {dimension_numbers = #tpu.dot_dimension_numbers<[1], [0], [0], [1], [0, 0, 1, 1], [], []>, transpose_lhs_hint = false} : vector<1000x256xf32>, vector<256x16xf32>, vector<1000x16xf32> -> vector<1000x16xf32>
    %swap3A_21 = arith.constant 0 : index
    %swap3A_22 = arith.constant 0 : index
    %swap3A_23 = vector.load %arg7[%swap3A_21, %swap3A_22] : memref<1000x16xf32, #tpu.memory_space<vmem>>, vector<1000x16xf32>
    tpu.vector_store %arg7[%swap3A_21, %swap3A_22], %dot_general3A_20 {strides = array<i32>} : memref<1000x16xf32, #tpu.memory_space<vmem>>, vector<1000x16xf32>,
    return
  }
  func.func @transform_0(%arg0: i32) -> (i32, i32) {
    %c0_i32 = arith.constant 0 : i32
    %c0_i32_0 = arith.constant 0 : i32
    return %arg0, %c0_i32 : i32, i32
  }
  func.func @transform_1(%arg0: i32) -> (i32, i32) {
    %c0_i32 = arith.constant 0 : i32
    %c0_i32_0 = arith.constant 0 : i32
    %c0_i32_1 = arith.constant 0 : i32
    return %c0_i32, %c0_i32_0 : i32, i32
  }
  func.func @transform_2(%arg0: i32) -> (i32, i32) {
    %c0_i32 = arith.constant 0 : i32
    %c0_i32_0 = arith.constant 0 : i32
    %c0_i32_1 = arith.constant 0 : i32
    return %c0_i32, %c0_i32_0 : i32, i32
  }
  func.func @transform_3(%arg0: i32) -> (i32, i32) {
    %c0_i32 = arith.constant 0 : i32
    %c0_i32_0 = arith.constant 0 : i32
    %c0_i32_1 = arith.constant 0 : i32
    return %c0_i32, %c0_i32_0 : i32, i32
  }
  func.func @transform_4(%arg0: i32) -> (i32, i32) {
    %c0_i32 = arith.constant 0 : i32
    %c0_i32_0 = arith.constant 0 : i32
    return %arg0, %c0_i32 : i32, i32
  }
  func.func @transform_5(%arg0: i32) -> (i32, i32) {
    %c0_i32 = arith.constant 0 : i32
    %c0_i32_0 = arith.constant 0 : i32
    return %arg0, %c0_i32 : i32, i32
  }
  func.func @transform_6(%arg0: i32) -> (i32, i32) {
    %c0_i32 = arith.constant 0 : i32
    %c0_i32_0 = arith.constant 0 : i32
    return %arg0, %c0_i32 : i32, i32
  }
}

module attributes {stable_mosaic.version = 14 : i64} {
  func.func @_pre_next_body(%arg0: i32, %arg1: memref<1000x16xf32, #tpu.memory_space<vmem>>, %arg2: memref<1000x16xf32, #tpu.memory_space<vmem>>, %arg3: memref<16x256xf32, #tpu.memory_space<vmem>>, %arg4: memref<256x16xf32, #tpu.memory_space<vmem>>, %arg5: memref<256x16xf32, #tpu.memory_space<vmem>>, %arg6: memref<1000x256xf32, #tpu.memory_space<vmem>>, %arg7: memref<1000x16xf32, #tpu.memory_space<vmem>>, %arg8: memref<1000x16xf32, #tpu.memory_space<vmem>>) attributes {dimension_semantics = [#tpu.dimension_semantics<arbitrary>], iteration_bounds = array<i64: 10>, scalar_prefetch = 0 : i64, scratch_operands = 0 : i64, tpu.core_type = #tpu.core_type<tc>, window_params = [{transform_indices = @transform_0, window_bounds = array<i64: 1000, 16>}, {transform_indices = @transform_1, window_bounds = array<i64: 1000, 16>}, {pipeline_mode = #tpu.pipeline_mode<synchronous>, transform_indices = @transform_2, window_bounds = array<i64: 16, 256>}, {pipeline_mode = #tpu.pipeline_mode<synchronous>, transform_indices = @transform_3, window_bounds = array<i64: 256, 16>}, {pipeline_mode = #tpu.pipeline_mode<synchronous>, transform_indices = @transform_4, window_bounds = array<i64: 256, 16>}, {transform_indices = @transform_5, window_bounds = array<i64: 1000, 256>}, {transform_indices = @transform_6, window_bounds = array<i64: 1000, 16>}, {transform_indices = @transform_7, window_bounds = array<i64: 1000, 16>}]} {
    %get3A = arith.constant 0 : index
    %get3A_0 = arith.constant 0 : index
    %get3A_1 = vector.load %arg1[%get3A, %get3A_0] : memref<1000x16xf32, #tpu.memory_space<vmem>>, vector<1000x16xf32>
    %get3A_2 = arith.constant 0 : index
    %get3A_3 = arith.constant 0 : index
    %get3A_4 = vector.load %arg2[%get3A_2, %get3A_3] : memref<1000x16xf32, #tpu.memory_space<vmem>>, vector<1000x16xf32>
    %add3A = arith.addf %get3A_1, %get3A_4 : vector<1000x16xf32>
    %max3A = arith.constant 0.000000e+00 : f32
    %max3A_5 = vector.broadcast %max3A : f32 to vector<1000x16xf32>
    %max3A_6 = arith.maximumf %add3A, %max3A_5 : vector<1000x16xf32>
    %get3A_7 = arith.constant 0 : index
    %get3A_8 = arith.constant 0 : index
    %get3A_9 = vector.load %arg3[%get3A_7, %get3A_8] : memref<16x256xf32, #tpu.memory_space<vmem>>, vector<16x256xf32>
    %dot_general3A = arith.constant dense<0.000000e+00> : vector<1000x256xf32>
    %dot_general3A_10 = tpu.matmul %max3A_6, %get3A_9, %dot_general3A {dimension_numbers = #tpu.dot_dimension_numbers<[1], [0], [0], [1], [0, 0, 1, 1], [], []>, transpose_lhs_hint = false} : vector<1000x16xf32>, vector<16x256xf32>, vector<1000x256xf32> -> vector<1000x256xf32>
    %swap3A = arith.constant 0 : index
    %swap3A_11 = arith.constant 0 : index
    %swap3A_12 = vector.load %arg6[%swap3A, %swap3A_11] : memref<1000x256xf32, #tpu.memory_space<vmem>>, vector<1000x256xf32>
    tpu.vector_store %arg6[%swap3A, %swap3A_11], %dot_general3A_10 {strides = array<i32>} : memref<1000x256xf32, #tpu.memory_space<vmem>>, vector<1000x256xf32>,
    %get3A_13 = arith.constant 0 : index
    %get3A_14 = arith.constant 0 : index
    %get3A_15 = vector.load %arg4[%get3A_13, %get3A_14] : memref<256x16xf32, #tpu.memory_space<vmem>>, vector<256x16xf32>
    %dot_general3A_16 = arith.constant dense<0.000000e+00> : vector<1000x16xf32>
    %dot_general3A_17 = tpu.matmul %dot_general3A_10, %get3A_15, %dot_general3A_16 {dimension_numbers = #tpu.dot_dimension_numbers<[1], [0], [0], [1], [0, 0, 1, 1], [], []>, transpose_lhs_hint = false} : vector<1000x256xf32>, vector<256x16xf32>, vector<1000x16xf32> -> vector<1000x16xf32>
    %swap3A_18 = arith.constant 0 : index
    %swap3A_19 = arith.constant 0 : index
    %swap3A_20 = vector.load %arg7[%swap3A_18, %swap3A_19] : memref<1000x16xf32, #tpu.memory_space<vmem>>, vector<1000x16xf32>
    tpu.vector_store %arg7[%swap3A_18, %swap3A_19], %dot_general3A_17 {strides = array<i32>} : memref<1000x16xf32, #tpu.memory_space<vmem>>, vector<1000x16xf32>,
    %get3A_21 = arith.constant 0 : index
    %get3A_22 = arith.constant 0 : index
    %get3A_23 = vector.load %arg5[%get3A_21, %get3A_22] : memref<256x16xf32, #tpu.memory_space<vmem>>, vector<256x16xf32>
    %dot_general3A_24 = arith.constant dense<0.000000e+00> : vector<1000x16xf32>
    %dot_general3A_25 = tpu.matmul %dot_general3A_10, %get3A_23, %dot_general3A_24 {dimension_numbers = #tpu.dot_dimension_numbers<[1], [0], [0], [1], [0, 0, 1, 1], [], []>, transpose_lhs_hint = false} : vector<1000x256xf32>, vector<256x16xf32>, vector<1000x16xf32> -> vector<1000x16xf32>
    %swap3A_26 = arith.constant 0 : index
    %swap3A_27 = arith.constant 0 : index
    %swap3A_28 = vector.load %arg8[%swap3A_26, %swap3A_27] : memref<1000x16xf32, #tpu.memory_space<vmem>>, vector<1000x16xf32>
    tpu.vector_store %arg8[%swap3A_26, %swap3A_27], %dot_general3A_25 {strides = array<i32>} : memref<1000x16xf32, #tpu.memory_space<vmem>>, vector<1000x16xf32>,
    return
  }
  func.func @transform_0(%arg0: i32) -> (i32, i32) {
    %c0_i32 = arith.constant 0 : i32
    %c0_i32_0 = arith.constant 0 : i32
    return %arg0, %c0_i32 : i32, i32
  }
  func.func @transform_1(%arg0: i32) -> (i32, i32) {
    %c0_i32 = arith.constant 0 : i32
    %c0_i32_0 = arith.constant 0 : i32
    return %arg0, %c0_i32 : i32, i32
  }
  func.func @transform_2(%arg0: i32) -> (i32, i32) {
    %c0_i32 = arith.constant 0 : i32
    %c0_i32_0 = arith.constant 0 : i32
    %c0_i32_1 = arith.constant 0 : i32
    return %c0_i32, %c0_i32_0 : i32, i32
  }
  func.func @transform_3(%arg0: i32) -> (i32, i32) {
    %c0_i32 = arith.constant 0 : i32
    %c0_i32_0 = arith.constant 0 : i32
    %c0_i32_1 = arith.constant 0 : i32
    return %c0_i32, %c0_i32_0 : i32, i32
  }
  func.func @transform_4(%arg0: i32) -> (i32, i32) {
    %c0_i32 = arith.constant 0 : i32
    %c0_i32_0 = arith.constant 0 : i32
    %c0_i32_1 = arith.constant 0 : i32
    return %c0_i32, %c0_i32_0 : i32, i32
  }
  func.func @transform_5(%arg0: i32) -> (i32, i32) {
    %c0_i32 = arith.constant 0 : i32
    %c0_i32_0 = arith.constant 0 : i32
    return %arg0, %c0_i32 : i32, i32
  }
  func.func @transform_6(%arg0: i32) -> (i32, i32) {
    %c0_i32 = arith.constant 0 : i32
    %c0_i32_0 = arith.constant 0 : i32
    return %arg0, %c0_i32 : i32, i32
  }
  func.func @transform_7(%arg0: i32) -> (i32, i32) {
    %c0_i32 = arith.constant 0 : i32
    %c0_i32_0 = arith.constant 0 : i32
    return %arg0, %c0_i32 : i32, i32
  }
}

module attributes {stable_mosaic.version = 14 : i64} {
  func.func @_dec_body(%arg0: i32, %arg1: memref<1000x16xf32, #tpu.memory_space<vmem>>, %arg2: memref<1000x16xf32, #tpu.memory_space<vmem>>, %arg3: memref<1x1x1000xi32, #tpu.memory_space<vmem>>, %arg4: memref<16x8xf32, #tpu.memory_space<vmem>>, %arg5: memref<1x8xf32, #tpu.memory_space<vmem>>, %arg6: memref<8x128xf32, #tpu.memory_space<vmem>>, %arg7: memref<1x128xf32, #tpu.memory_space<vmem>>, %arg8: memref<64x128xf32, #tpu.memory_space<vmem>>) attributes {dimension_semantics = [#tpu.dimension_semantics<arbitrary>], iteration_bounds = array<i64: 10>, scalar_prefetch = 0 : i64, scratch_operands = 0 : i64, tpu.core_type = #tpu.core_type<tc>, window_params = [{transform_indices = @transform_0, window_bounds = array<i64: 1000, 16>}, {transform_indices = @transform_1, window_bounds = array<i64: 1000, 16>}, {transform_indices = @transform_2, window_bounds = array<i64: 1, 1, 1000>}, {pipeline_mode = #tpu.pipeline_mode<synchronous>, transform_indices = @transform_3, window_bounds = array<i64: 16, 8>}, {pipeline_mode = #tpu.pipeline_mode<synchronous>, transform_indices = @transform_4, window_bounds = array<i64: 1, 8>}, {pipeline_mode = #tpu.pipeline_mode<synchronous>, transform_indices = @transform_5, window_bounds = array<i64: 8, 128>}, {pipeline_mode = #tpu.pipeline_mode<synchronous>, transform_indices = @transform_6, window_bounds = array<i64: 1, 128>}, {pipeline_mode = #tpu.pipeline_mode<synchronous>, transform_indices = @transform_7, window_bounds = array<i64: 64, 128>}]} {
    %get3A = arith.constant 0 : index
    %get3A_0 = arith.constant 0 : index
    %get3A_1 = vector.load %arg1[%get3A, %get3A_0] : memref<1000x16xf32, #tpu.memory_space<vmem>>, vector<1000x16xf32>
    %get3A_2 = arith.constant 0 : index
    %get3A_3 = arith.constant 0 : index
    %get3A_4 = vector.load %arg2[%get3A_2, %get3A_3] : memref<1000x16xf32, #tpu.memory_space<vmem>>, vector<1000x16xf32>
    %add3A = arith.addf %get3A_1, %get3A_4 : vector<1000x16xf32>
    %max3A = arith.constant 0.000000e+00 : f32
    %max3A_5 = vector.broadcast %max3A : f32 to vector<1000x16xf32>
    %max3A_6 = arith.maximumf %add3A, %max3A_5 : vector<1000x16xf32>
    %get3A_7 = arith.constant 0 : index
    %get3A_8 = arith.constant 0 : index
    %get3A_9 = vector.load %arg4[%get3A_7, %get3A_8] : memref<16x8xf32, #tpu.memory_space<vmem>>, vector<16x8xf32>
    %dot_general3A = arith.constant dense<0.000000e+00> : vector<1000x8xf32>
    %dot_general3A_10 = tpu.matmul %max3A_6, %get3A_9, %dot_general3A {dimension_numbers = #tpu.dot_dimension_numbers<[1], [0], [0], [1], [0, 0, 1, 1], [], []>, transpose_lhs_hint = false} : vector<1000x16xf32>, vector<16x8xf32>, vector<1000x8xf32> -> vector<1000x8xf32>
    %get3A_11 = arith.constant 0 : index
    %get3A_12 = arith.constant 0 : index
    %get3A_13 = vector.load %arg5[%get3A_11, %get3A_12] : memref<1x8xf32, #tpu.memory_space<vmem>>, vector<1x8xf32>
    %add3A_14 = vector.broadcast %get3A_13 : vector<1x8xf32> to vector<1000x8xf32>
    %add3A_15 = arith.addf %dot_general3A_10, %add3A_14 : vector<1000x8xf32>
    %max3A_16 = arith.constant 0.000000e+00 : f32
    %max3A_17 = vector.broadcast %max3A_16 : f32 to vector<1000x8xf32>
    %max3A_18 = arith.maximumf %add3A_15, %max3A_17 : vector<1000x8xf32>
    %get3A_19 = arith.constant 0 : index
    %get3A_20 = arith.constant 0 : index
    %get3A_21 = vector.load %arg6[%get3A_19, %get3A_20] : memref<8x128xf32, #tpu.memory_space<vmem>>, vector<8x128xf32>
    %dot_general3A_22 = arith.constant dense<0.000000e+00> : vector<1000x128xf32>
    %dot_general3A_23 = tpu.matmul %max3A_18, %get3A_21, %dot_general3A_22 {dimension_numbers = #tpu.dot_dimension_numbers<[1], [0], [0], [1], [0, 0, 1, 1], [], []>, transpose_lhs_hint = false} : vector<1000x8xf32>, vector<8x128xf32>, vector<1000x128xf32> -> vector<1000x128xf32>
    %get3A_24 = arith.constant 0 : index
    %get3A_25 = arith.constant 0 : index
    %get3A_26 = vector.load %arg7[%get3A_24, %get3A_25] : memref<1x128xf32, #tpu.memory_space<vmem>>, vector<1x128xf32>
    %add3A_27 = vector.broadcast %get3A_26 : vector<1x128xf32> to vector<1000x128xf32>
    %add3A_28 = arith.addf %dot_general3A_23, %add3A_27 : vector<1000x128xf32>
    %get3A_29 = arith.constant 0 : index
    %get3A_30 = arith.constant 0 : index
    %get3A_31 = arith.constant 0 : index
    %get3A_32 = vector.load %arg3[%get3A_29, %get3A_30, %get3A_31] : memref<1x1x1000xi32, #tpu.memory_space<vmem>>, vector<1x1x1000xi32>
    %get3A_33 = vector.shape_cast %get3A_32 : vector<1x1x1000xi32> to vector<1x1000xi32>
    %iota3A = tpu.iota {dimensions = array<i32: 0>} : vector<64x1000xi32>
    %eq3A = vector.broadcast %get3A_33 : vector<1x1000xi32> to vector<64x1000xi32>
    %eq3A_34 = arith.cmpi eq, %iota3A, %eq3A : vector<64x1000xi32>
    %convert_element_type3A = arith.extui %eq3A_34 : vector<64x1000xi1> to vector<64x1000xi32>
    %convert_element_type3A_35 = arith.sitofp %convert_element_type3A : vector<64x1000xi32> to vector<64x1000xf32>
    %dot_general3A_36 = arith.constant dense<0.000000e+00> : vector<64x128xf32>
    %dot_general3A_37 = tpu.matmul %convert_element_type3A_35, %add3A_28, %dot_general3A_36 {dimension_numbers = #tpu.dot_dimension_numbers<[1], [0], [0], [1], [0, 0, 1, 1], [], []>, transpose_lhs_hint = false} : vector<64x1000xf32>, vector<1000x128xf32>, vector<64x128xf32> -> vector<64x128xf32>
    %eq3A_38 = arith.constant 0 : i32
    %eq3A_39 = arith.cmpi eq, %arg0, %eq3A_38 : i32
    %convert_element_type3A_40 = arith.extui %eq3A_39 : i1 to i32
    %cond3A = arith.constant 0 : i32
    %cond3A_41 = arith.cmpi ne, %convert_element_type3A_40, %cond3A : i32
    scf.if %cond3A_41 {
      %swap3A = arith.constant 0 : index
      %swap3A_46 = arith.constant 0 : index
      %swap3A_47 = vector.load %arg8[%swap3A, %swap3A_46] : memref<64x128xf32, #tpu.memory_space<vmem>>, vector<64x128xf32>
      tpu.vector_store %arg8[%swap3A, %swap3A_46], %dot_general3A_37 {strides = array<i32>} : memref<64x128xf32, #tpu.memory_space<vmem>>, vector<64x128xf32>,
    } else {
    }
    %gt3A = arith.constant 0 : i32
    %gt3A_42 = arith.cmpi sgt, %arg0, %gt3A : i32
    %convert_element_type3A_43 = arith.extui %gt3A_42 : i1 to i32
    %cond3A_44 = arith.constant 0 : i32
    %cond3A_45 = arith.cmpi ne, %convert_element_type3A_43, %cond3A_44 : i32
    scf.if %cond3A_45 {
      %get3A_46 = arith.constant 0 : index
      %get3A_47 = arith.constant 0 : index
      %get3A_48 = vector.load %arg8[%get3A_46, %get3A_47] : memref<64x128xf32, #tpu.memory_space<vmem>>, vector<64x128xf32>
      %add3A_49 = arith.addf %get3A_48, %dot_general3A_37 : vector<64x128xf32>
      %swap3A = arith.constant 0 : index
      %swap3A_50 = arith.constant 0 : index
      %swap3A_51 = vector.load %arg8[%swap3A, %swap3A_50] : memref<64x128xf32, #tpu.memory_space<vmem>>, vector<64x128xf32>
      tpu.vector_store %arg8[%swap3A, %swap3A_50], %add3A_49 {strides = array<i32>} : memref<64x128xf32, #tpu.memory_space<vmem>>, vector<64x128xf32>,
    } else {
    }
    return
  }
  func.func @transform_0(%arg0: i32) -> (i32, i32) {
    %c0_i32 = arith.constant 0 : i32
    %c0_i32_0 = arith.constant 0 : i32
    return %arg0, %c0_i32 : i32, i32
  }
  func.func @transform_1(%arg0: i32) -> (i32, i32) {
    %c0_i32 = arith.constant 0 : i32
    %c0_i32_0 = arith.constant 0 : i32
    return %arg0, %c0_i32 : i32, i32
  }
  func.func @transform_2(%arg0: i32) -> (i32, i32, i32) {
    %c0_i32 = arith.constant 0 : i32
    %c0_i32_0 = arith.constant 0 : i32
    %c0_i32_1 = arith.constant 0 : i32
    return %arg0, %c0_i32, %c0_i32_0 : i32, i32, i32
  }
  func.func @transform_3(%arg0: i32) -> (i32, i32) {
    %c0_i32 = arith.constant 0 : i32
    %c0_i32_0 = arith.constant 0 : i32
    %c0_i32_1 = arith.constant 0 : i32
    return %c0_i32, %c0_i32_0 : i32, i32
  }
  func.func @transform_4(%arg0: i32) -> (i32, i32) {
    %c0_i32 = arith.constant 0 : i32
    %c0_i32_0 = arith.constant 0 : i32
    %c0_i32_1 = arith.constant 0 : i32
    return %c0_i32, %c0_i32_0 : i32, i32
  }
  func.func @transform_5(%arg0: i32) -> (i32, i32) {
    %c0_i32 = arith.constant 0 : i32
    %c0_i32_0 = arith.constant 0 : i32
    %c0_i32_1 = arith.constant 0 : i32
    return %c0_i32, %c0_i32_0 : i32, i32
  }
  func.func @transform_6(%arg0: i32) -> (i32, i32) {
    %c0_i32 = arith.constant 0 : i32
    %c0_i32_0 = arith.constant 0 : i32
    %c0_i32_1 = arith.constant 0 : i32
    return %c0_i32, %c0_i32_0 : i32, i32
  }
  func.func @transform_7(%arg0: i32) -> (i32, i32) {
    %c0_i32 = arith.constant 0 : i32
    %c0_i32_0 = arith.constant 0 : i32
    %c0_i32_1 = arith.constant 0 : i32
    return %c0_i32, %c0_i32_0 : i32, i32
  }
}

</mosaic_0001>

<sc_bundles>
// kernel: kernel.13.cloned.1.call-start
scs
__scs_entry_jumppad:
0x0: {  	(pc) =	sbr.rel $0x88, $3  }
0x1: {  	(tag) =	ssettag $0x0;
	lr =	simm.s32 $0x1  }
0x2: {  	[smem:$0x3F8C] =	sst lr;
	_ =	strace $0xD0000000  }
0x3: {  	_ = 	snop  }
0x4: {  	_ = 	snop  }
0x5: {  	_ = 	snop  }
0x6: {  	_ = 	snop  }
0x7: {  	_ = 	snop  }
__scs_overlays_trampoline_lowered:
0x8: {  	[smem:$0x3F9B] =	sst s0  }
0x9: {  	[smem:$0x3F9C] =	sst s1  }
0xa: {  	[smem:$0x3F9D] =	sst s2  }
0xb: {  	[smem:$0x3F9E] =	sst s3  }
0xc: {  	[smem:$0x3F9F] =	sst s4  }
0xd: {  	[smem:$0x3FA0] =	sst s5  }
0xe: {  	[smem:$0x3FA1] =	sst s6  }
0xf: {  	[smem:$0x3FA2] =	sst s7  }
0x10: {  	[smem:$0x3FA3] =	sst s8  }
0x11: {  	[smem:$0x3FA4] =	sst s9;
	s0 =	simm.s32 @!p0 $0x0  }
0x12: {  	s1 =	sld [smem:$0x3F8A];
	s0 =	simm.s32 @p0 $0x1  }
0x13: {  	[smem:$0x3FA5] =	sst s0;
	s0 =	simm.s32 @!p1 $0x0  }
0x14: {  	s2 =	sld [smem:$0x3F89];
	s0 =	simm.s32 @p1 $0x1  }
0x15: {  	[smem:$0x3FA6] =	sst s0;
	s0 =	simm.s32 @!p2 $0x0  }
0x16: {  	s3 =	sld [smem:$0x3FDB];
	s0 =	simm.s32 @p2 $0x1  }
0x17: {  	s4 =	simm.s32 $0x1BF5;
	[smem:$0x3FA8] =	sst s0  }
0x18: {  	s0 =	sld [smem:$0x3F8B];
	_ =	swait.ge [sflag:s4], $0x0  }
0x19: {  	s7 =	sld [smem:$0x3F8C]  }
0x1a: {  	s8 =	sadd.s32 $0xFFFFE003, lr  }
0x1b: {  	s9 =	sadd.s32 $0xFFFFFEF7, lr;
	s5 =	simm.s32 $0xFFFFFFFF;
	p2 =	slt.u32 s8, $0xFFFFF086  }
0x1c: {  	p1 =	slt.u32 s9, $0xF7A;
	s5 =	simm.s32 @!p2 $0x0  }
0x1d: {  	s5 =	simm.s32 @p1 $0x1;
	p0 =	seq.s32 s7, s2  }
0x1e: {  	s7 =	smul.u32 @!p0 $0xF7A, s2;
	p2 =	seq.s32 @!p0 s5, $0x0  }
0x1f: {  	s9 =	smul.u32 $0xF7A, s1;
	s8 =	simm.s32 @!p0 $0x1BF5;
	p2 =	por !p2, p0  }
0x20: {  	[sflag:s8] =	ssyncset.s32 @!p0 $0xFFFFF086;
	s6 =	sadd.s32 @!p0 s3, s7;
	s7 =	simm.s32 @!p0 $0x108  }
0x21: {  	s3 =	sadd.s32 s3, s9;
	s6 =	sadd.s32 @!p0 $0x88, s6;
	s7 =	simm.s32 @p2 $0x1082  }
0x22: {  	[simem:s7], [sflag:s8] =	dma.local @!p0 [hbm:s6], $0xF7A  }
0x23: {  	s9 =	sor.u32 $0xD0000000, s2;
	s6 =	simm.s32 $0x108;
	_ =	swait.ge @!p0 [sflag:s8], $0x0  }
0x24: {  	s3 =	sadd.s32 $0x88, s3;
	s6 =	simm.s32 @!p1 $0x1082;
	[sflag:s4] =	ssyncset.s32 $0xFFFFF086  }
0x25: {  	[simem:s6], [sflag:s4] =	dma.local [hbm:s3], $0xF7A  }
0x26: {  	[smem:$0x3F8C] =	sst s1;
	(tag) =	ssettag s2;
	_ =	strace s9  }
0x27: {  	s1 =	sld [smem:$0x3F9C]  }
0x28: {  	s2 =	sld [smem:$0x3F9D]  }
0x29: {  	s4 =	sld [smem:$0x3F9F]  }
0x2a: {  	p0 =	seq.s32 s5, $0x0;
	s5 =	sld [smem:$0x3FA0]  }
0x2b: {  	s6 =	sld [smem:$0x3FA1]  }
0x2c: {  	s7 =	sld [smem:$0x3FA2]  }
0x2d: {  	s3 =	simm.s32 $0x108;
	s8 =	sld [smem:$0x3FA3]  }
0x2e: {  	s3 =	simm.s32 @!p0 $0x1082;
	s9 =	sld [smem:$0x3FA4]  }
0x2f: {  	lr =	sadd.s32 s0, s3;
	s0 =	sld [smem:$0x3F9B]  }
0x30: {  	s3 =	sld [smem:$0x3F9E]  }
0x31: {  	[smem:$0x3FA7] =	sst s10  }
0x32: {  	s10 =	sld [smem:$0x3FA5];
	_ =	sdelay $0x3  }
0x33: {  	p0 =	seq.s32 s10, $0x1;
	s10 =	sld [smem:$0x3FA7];
	_ =	sdelay $0x3  }
0x34: {  	[smem:$0x3FA7] =	sst s10  }
0x35: {  	s10 =	sld [smem:$0x3FA6];
	_ =	sdelay $0x3  }
0x36: {  	p1 =	seq.s32 s10, $0x1;
	s10 =	sld [smem:$0x3FA7];
	_ =	sdelay $0x3  }
0x37: {  	[smem:$0x3FA7] =	sst s10  }
0x38: {  	s10 =	sld [smem:$0x3FA8]  }
0x39: {  	_ = 	snop;
	(pc) =	sbr.ind lr, $3  }
0x3a: {  	_ = 	snop  }
0x3b: {  	_ = 	snop  }
0x3c: {  	p2 =	seq.s32 s10, $0x1;
	s10 =	sld [smem:$0x3FA7]  }
0x3d: {  	_ =	shalt  }
0x3e: {  	_ =	shalt  }
0x3f: {  	_ =	shalt  }
0x40: {  	_ =	shalt  }
0x41: {  	_ =	shalt  }
0x42: {  	_ =	shalt  }
0x43: {  	_ =	shalt  }
0x44: {  	_ =	shalt  }
0x45: {  	_ =	shalt  }
0x46: {  	_ =	shalt  }
0x47: {  	_ =	shalt  }
0x48: {  	_ =	shalt  }
0x49: {  	_ =	shalt  }
0x4a: {  	_ =	shalt  }
0x4b: {  	_ =	shalt  }
0x4c: {  	_ =	shalt  }
0x4d: {  	_ =	shalt  }
0x4e: {  	_ =	shalt  }
0x4f: {  	_ =	shalt  }
0x50: {  	_ =	shalt  }
0x51: {  	_ =	shalt  }
0x52: {  	_ =	shalt  }
0x53: {  	_ =	shalt  }
0x54: {  	_ =	shalt  }
0x55: {  	_ =	shalt  }
0x56: {  	_ =	shalt  }
0x57: {  	_ =	shalt  }
0x58: {  	_ =	shalt  }
0x59: {  	_ =	shalt  }
0x5a: {  	_ =	shalt  }
0x5b: {  	_ =	shalt  }
0x5c: {  	_ =	shalt  }
0x5d: {  	_ =	shalt  }
0x5e: {  	_ =	shalt  }
0x5f: {  	_ =	shalt  }
0x60: {  	_ =	shalt  }
0x61: {  	_ =	shalt  }
0x62: {  	_ =	shalt  }
0x63: {  	_ =	shalt  }
0x64: {  	_ =	shalt  }
0x65: {  	_ =	shalt  }
0x66: {  	_ =	shalt  }
0x67: {  	_ =	shalt  }
0x68: {  	_ =	shalt  }
0x69: {  	_ =	shalt  }
0x6a: {  	_ =	shalt  }
0x6b: {  	_ =	shalt  }
0x6c: {  	_ =	shalt  }
0x6d: {  	_ =	shalt  }
0x6e: {  	_ =	shalt  }
0x6f: {  	_ =	shalt  }
0x70: {  	_ =	shalt  }
0x71: {  	_ =	shalt  }
0x72: {  	_ =	shalt  }
0x73: {  	_ =	shalt  }
0x74: {  	_ =	shalt  }
0x75: {  	_ =	shalt  }
0x76: {  	_ =	shalt  }
0x77: {  	_ =	shalt  }
0x78: {  	_ =	shalt  }
0x79: {  	_ =	shalt  }
0x7a: {  	_ =	shalt  }
0x7b: {  	_ =	shalt  }
0x7c: {  	_ =	shalt  }
0x7d: {  	_ =	shalt  }
0x7e: {  	_ =	shalt  }
0x7f: {  	_ =	shalt  }
0x80: {  	_ =	shalt  }
0x81: {  	_ =	shalt  }
0x82: {  	_ =	shalt  }
0x83: {  	_ =	shalt  }
0x84: {  	_ =	shalt  }
0x85: {  	_ =	shalt  }
0x86: {  	_ =	shalt  }
0x87: {  	_ =	shalt  }
.Lfunc_end0:
.L_simem_size_0:
called_computation_lowered:
.L_overlay_start_0:
0x88: {  	s2 =	sld [smem:$0x3FD9]  }
0x89: {  	s3 =	sld [smem:$0x3FFE];
	_ =	sdelay $0x1  }
0x8a: {  	s1 =	srdreg.scid  }
0x8b: {  	s0 =	sand.u32 $0x1, s1  }
0x8c: {  	s16 =	sshll.u32 s0, $0xA;
	s2 =	sadd.s32 s3, s2  }
0x8d: {  	s2 =	sadd.s32 s2, s16  }
0x8e: {  	[smem:$0x3FB3] =	sst s2  }
0x8f: {  	_ = 	snop  }
0x90: {  	(tm) =	ssettm $0x1  }
0x91: {  	s17 =	sld [smem:$0x3FFB];
	_ =	sdelay $0x3  }
0x92: {  	_ =	strace s17  }
0x93: {  	s2 =	sld [smem:$0x3FFC];
	_ =	sdelay $0x3  }
0x94: {  	_ =	strace s2  }
0x95: {  	s2 =	sld [smem:$0x3FFD];
	_ =	sdelay $0x3  }
0x96: {  	_ =	strace s2  }
0x97: {  	_ =	strace $0x8FFFFFFF  }
0x98: {  	s18 =	sld [smem:$0x3FDB];
	_ =	sdelay $0x1  }
0x99: {  	s19 =	simm.s32 $_scs_section_size  }
0x9a: {  	s4 =	simm.s32 $_size__tile_overlayer_lowered;
	s5 =	simm.s32 $_tile_overlayer_lowered  }
0x9b: {  	s22 =	simm.s32 $0x1BFF;
	s21 =	sshll.u32 s5, $0x1;
	s2 =	sadd.s32 s19, s18  }
0x9c: {  	s6 =	simm.s32 $0x0;
	s20 =	sshll.u32 s4, $0x1;
	s4 =	sadd.s32 s21, s2  }
0x9d: {  	[timem:s6], [sflag:s22] =	dma.local [hbm:s4], s20  }
0x9e: {  	_ =	swait.ge [sflag:s22], s20  }
0x9f: {  	s3 =	ssub.s32 $0x0, s20;
	[sflag:s22] =	ssyncset.done $0x0  }
0xa0: {  	[sflag:s22] =	ssyncadd.s32 s3;
	_ =	sdelay $0x1  }
0xa1: {  	s23 =	simm.s32 $0x1B8B  }
0xa2: {  	_ =	swait.ge [sflag:s23], $0x1  }
0xa3: {  	[sflag:s23] =	ssyncset.done $0x0  }
0xa4: {  	s25 =	simm.s32 $0x1B8E;
	s24 =	sld [smem:$0x3FFE];
	[sflag:s23] =	ssyncadd.s32 $0xFFFFFFFF  }
0xa5: {  	s26 =	simm.s32 $execute0_lowered;
	[smem:$0x3FD2] =	sst s25  }
0xa6: {  	s4 =	sshll.u32 s26, $0x1;
	_ =	strace $0x80000046;
	[dreg:$0x1] =	wrdreg $0xFFFFFFFF  }
0xa7: {  	s28 =	simm.s32 $_size_execute0_lowered;
	s2 =	sadd.s32 s2, s4;
	[dreg:$0x0] =	wrdreg $0x0  }
0xa8: {  	s4 =	sshll.u32 s28, $0x1;
	[dreg:$0x2] =	wrdreg s2  }
0xa9: {  	[dreg:$0x3] =	wrdreg s4  }
0xaa: {  	[dreg:$0x4] =	wrdreg $0xC0  }
0xab: {  	_ =	task [dreg:s6], $0x5FFFF  }
0xac: {  	[dreg:$0x1] =	wrdreg $0xFFFFFFFF  }
0xad: {  	[dreg:$0x0] =	wrdreg $0x60  }
0xae: {  	[dreg:$0x2] =	wrdreg s24  }
0xaf: {  	[dreg:$0x3] =	wrdreg $0x11000  }
0xb0: {  	[dreg:$0x4] =	wrdreg $0x39000  }
0xb1: {  	[dreg:$0x5] =	wrdreg $0x61000  }
0xb2: {  	[dreg:$0x6] =	wrdreg $0x9  }
0xb3: {  	_ =	task.clear_ibuf [dreg:s6], $0x7FFFF;
	_ =	strace $0x90000046  }
0xb4: {  	s29 =	simm.s32 $0x9;
	_ =	strace $0x80000048  }
0xb5: {  	_ =	swait.ge [sflag:s29], $0x1  }
0xb6: {  	[sflag:s29] =	ssyncadd.s32 $0xFFFFFFFF  }
0xb7: {  	_ =	strace $0x90000048  }
0xb8: {  	_ =	sfence  }
0xb9: {  	s30 =	sld [smem:$0x0];
	_ =	sdelay $0x2  }
0xba: {  	s31 =	sshll.u32 s1, $0xD;
	s1 =	sshrl.u32 s1, $0x2  }
0xbb: {  	s3 =	sand.u32 $0x4000, s31;
	s1 =	sadd.s32 s1, s30  }
0xbc: {  	s0 =	sor.u32 s3, s0;
	s1 =	sshll.u32 s1, $0x11  }
0xbd: {  	s0 =	sor.u32 s1, s0  }
0xbe: {  	s0 =	sadd.s32 $0x8F2B, s0  }
0xbf: {  	[sflag:s0] =	ssyncadd.remote.s32 $0x1  }
0xc0: {  	_ =	sfence.sel $0xFFFF  }
0xc1: {  	[dreg:$0x0] =	wrdreg $0xFFFFFFFF;
	(pc) =	sbr.abs _section_cstart, $3  }
0xc2: {  	[dreg:$0x1] =	wrdreg $0xFFFFFFFF  }
0xc3: {  	_ =	task.clear_ibuf [dreg:s6], $0x2FFFF;
	_ =	strace $0x9FFFFFFF  }
0xc4: {  	(tm) =	ssettm $0x7FFFFFFF  }
0xc5: {  	_ =	shalt  }
tec
execute0_lowered:
.L_overlay_start_1:
0x0: {  	(tag) =	ssettag $0x1  }
0x1: {  	s0 =	rddreg [dreg:$0x0]  }
0x2: {  	s1 =	rddreg [dreg:$0x1]  }
0x3: {  	s3 =	rddreg [dreg:$0x2]  }
0x4: {  	s4 =	rddreg [dreg:$0x3];
	s2 =	stileid.u32  }
0x5: {  	s6 =	srdreg.scid;
	s5 =	simm.s32 $0x0;
	s18 =	simm.s32 $0x1  }
0x6: {  	s21 =	simm.s32 $0x80;
	s22 =	simm.s32 $0x100;
	s23 =	simm.s32 $0x900  }
0x7: {  	s24 =	simm.s32 $0x0;
	s12 =	smul.u32 $0x2800, s2;
	s14 =	sand.u32 $0x1, s6  }
0x8: {  	[smem:$0x7FF] =	sst s5;
	s6 =	sadd.s32 $0x64E00, s0;
	s7 =	sadd.s32 $0x5FE00, s0  }
0x9: {  	s31 =	sshll.u32 s2, $0x6;
	p0 =	seq.s32 s2, $0x0;
	s15 =	sshll.u32 s2, $0x8  }
0xa: {  	s8 =	smul.u32 $0x28000, s14;
	_ =	strace $0x80000047;
	s10 =	ssub.s32 $0x2, s14  }
0xb: {  	s14 =	sshll.u32 s14, $0x7;
	s9 =	sshrl.u32 s12, $0x3;
	s11 =	sshrl.u32 s10, $0x1  }
0xc: {  	s17 =	sadd.s32 s12, s1;
	s19 =	sadd.s32 s12, s3;
	s20 =	sadd.s32 s12, s4  }
0xd: {  	s14 =	sor.u32 s14, s15;
	s8 =	sadd.s32 s12, s8;
	s13 =	sadd.s32 s9, s0  }
0xe: {  	s16 =	ssub.s32 s10, s11;
	s10 =	sor.u32 $0x1C01, s31;
	s17 =	sshrl.u32 s17, $0x3  }
0xf: {  	s19 =	sshrl.u32 s19, $0x3;
	s20 =	sshrl.u32 s20, $0x3;
	s30 =	sshrl.u32 s8, $0x3  }
0x10: {  	s8 =	sadd.s32 $0x78E00, s0;
	s9 =	sadd.s32 $0x55E00, s13;
	s11 =	sadd.s32 $0x5AE00, s13  }
0x11: {  	s12 =	sadd.s32 $0x69E00, s13;
	s13 =	simm.s32 $0x28;
	s0 =	sadd.s32 s30, s0  }
0x12: {  	s16 =	smax.u32 s16, $0x1;
	s13 =	simm.s32 @!p0 $0x27;
	s15 =	sadd.s32 $0x6EE00, s0  }
.LBB2_1:
0x13: {  	[spmem:s17], [sflag:s10] =	dma.local [hbm:s9], $0x500  }
0x14: {  	_ =	swait.ge [sflag:s18], $0x500  }
0x15: {  	[sflag:s18] =	ssyncset.done $0x0  }
0x16: {  	[sflag:s18] =	ssyncadd.s32 $0xFFFFFB00  }
0x17: {  	[spmem:s19], [sflag:s10] =	dma.local [hbm:s11], $0x500  }
0x18: {  	_ =	swait.ge [sflag:s18], $0x500  }
0x19: {  	[sflag:s18] =	ssyncset.done $0x0  }
0x1a: {  	[sflag:s18] =	ssyncadd.s32 $0xFFFFFB00  }
0x1b: {  	[spmem:s20], [sflag:s10] =	dma.local [hbm:s12], $0x500  }
0x1c: {  	_ =	swait.ge [sflag:s18], $0x500  }
0x1d: {  	[sflag:s18] =	ssyncset.done $0x0  }
0x1e: {  	[sflag:s18] =	ssyncadd.s32 $0xFFFFFB00  }
0x1f: {  	s25 =	simm.s32 $0x0;
	[bflag:$0x0] =	sbarrier.arrive $0xFFFF  }
.LBB2_2:
0x20: {  	s0 =	sshll.u32 s25, $0xC  }
0x21: {  	s26 =	sor.u32 s14, s0  }
0x22: {  	s0 =	sshrl.u32 s26, $0x3  }
0x23: {  	s28 =	sadd.s32 s6, s0  }
0x24: {  	[tilespmem:s5], [sflag:$0x1] =	stream.linear.gather [hbm4b:s28+s5], $0x80, $0x38;
	[tilespmem:$0x8900] =	vst v63  }
0x25: {  	_ =	swait.ge [sflag:s18], $0x80  }
0x26: {  	[sflag:s18] =	ssyncset.done $0x0  }
0x27: {  	s0 =	sadd.s32 s7, s0;
	[sflag:s18] =	ssyncadd.s32 $0xFFFFFF80  }
0x28: {  	[tilespmem:s21], [sflag:$0x1] =	stream.linear.gather [hbm4b:s0+s5], $0x80, $0x38;
	[tilespmem:$0x8900] =	vst v63  }
0x29: {  	_ =	swait.ge [sflag:s18], $0x80  }
0x2a: {  	[sflag:s18] =	ssyncset.done $0x0  }
0x2b: {  	[sflag:s18] =	ssyncadd.s32 $0xFFFFFF80  }
0x2c: {  	[tilespmem:s22], [sflag:$0x1] =	stream.indirect.gather [spmem:s1], $0x10, s5, s21, $0xb8;
	[tilespmem:$0x8900] =	vst v63  }
0x2d: {  	_ =	swait.ge [sflag:s18], $0x800  }
0x2e: {  	[sflag:s18] =	ssyncset.done $0x0  }
0x2f: {  	[sflag:s18] =	ssyncadd.s32 $0xFFFFF800  }
0x30: {  	[tilespmem:s23], [sflag:$0x1] =	stream.indirect.gather [spmem:s3], $0x10, s21, s21, $0xb8;
	[tilespmem:$0x8900] =	vst v63  }
0x31: {  	_ =	swait.ge [sflag:s18], $0x800  }
0x32: {  	[sflag:s18] =	ssyncset.done $0x0  }
0x33: {  	s0 =	simm.s32 $0x140;
	[sflag:s18] =	ssyncadd.s32 $0xFFFFF800  }
0x34: {  	s28 =	simm.s32 $0x940;
	v0 =	vld [tilespmem:s0+$0x30]  }
0x35: {  	v1 =	vld [tilespmem:s28+$0x30]  }
0x36: {  	v2 =	vld [tilespmem:s28+$0xFFFFFFC0]  }
0x37: {  	v3 =	vld [tilespmem:s0+$0xFFFFFFD0]  }
0x38: {  	v4 =	vld [tilespmem:s28+$0xFFFFFFD0]  }
0x39: {  	v5 =	vld [tilespmem:s0+$0xFFFFFFE0]  }
0x3a: {  	v6 =	vld [tilespmem:s28+$0xFFFFFFE0]  }
0x3b: {  	v7 =	vld [tilespmem:s0+$0xFFFFFFF0]  }
0x3c: {  	v8 =	vld [tilespmem:s28+$0xFFFFFFF0]  }
0x3d: {  	v9 =	vld [tilespmem:s28+$0x0]  }
0x3e: {  	v11 =	vld [tilespmem:s0+$0x10];
	v0 =	vadd.f32 v1, v0  }
0x3f: {  	v1 =	vld [tilespmem:s0+$0x0]  }
0x40: {  	v13 =	vld [tilespmem:s0+$0xFFFFFFC0];
	v3 =	vadd.f32 v4, v3;
	v10 =	vmul.f32 $1.000000010e-01, v0  }
0x41: {  	v4 =	vld [tilespmem:s28+$0x10];
	v5 =	vadd.f32 v6, v5  }
0x42: {  	v6 =	vld [tilespmem:s0+$0x20];
	v7 =	vadd.f32 v8, v7;
	v0 =	vmax.f32 v0, v10;
	v10 =	vmul.f32 $1.000000010e-01, v3  }
0x43: {  	v8 =	vld [tilespmem:s28+$0x20];
	v12 =	vmul.f32 $1.000000010e-01, v5;
	v0 =	vmul.f32 $1.442695020e+00, v0  }
0x44: {  	s0 =	simm.s32 $0x1C0;
	v1 =	vadd.f32 v9, v1;
	v3 =	vmax.f32 v3, v10;
	v10 =	vmul.f32 $1.000000010e-01, v7  }
0x45: {  	s29 =	simm.s32 $0x9C0;
	v9 =	vld [tilespmem:s0+$0x30];
	(erf) = vpow2.f32 v0;
	v0 =	vmax.f32 v5, v12;
	v3 =	vmul.f32 $1.442695020e+00, v3  }
0x46: {  	v5 =	vld [tilespmem:s29+$0x30];
	v12 =	vmul.f32 $1.442695020e+00, v0;
	v7 =	vmax.f32 v7, v10;
	v10 =	vmul.f32 $1.000000010e-01, v1  }
0x47: {  	v61 =	vld [tilespmem:s29+$0xFFFFFFE0];
	v4 =	vadd.f32 v4, v11;
	v7 =	vmul.f32 $1.442695020e+00, v7;
	(erf) = vpow2.f32 v3  }
0x48: {  	v2 =	vadd.f32 v2, v13;
	v6 =	vadd.f32 v8, v6;
	v8 =	vld [tilespmem:s29+$0xFFFFFFD0];
	(erf) = vpow2.f32 v12  }
0x49: {  	v3 =	vld [tilespmem:s0+$0xFFFFFFD0];
	v1 =	vmax.f32 v1, v10;
	v10 =	vmul.f32 $1.000000010e-01, v4;
	(erf) = vpow2.f32 v7  }
0x4a: {  	v14 =	vld [tilespmem:s29+$0x0];
	v1 =	vmul.f32 $1.442695020e+00, v1;
	v7 =	vmul.f32 $1.000000010e-01, v6  }
0x4b: {  	v11 =	vld [tilespmem:s0+$0xFFFFFFE0];
	v4 =	vmax.f32 v4, v10;
	v5 =	vadd.f32 v5, v9;
	v9 =	vmul.f32 $1.000000010e-01, v2  }
0x4c: {  	v10 =	vld [tilespmem:s0+$0xFFFFFFF0];
	v4 =	vmul.f32 $1.442695020e+00, v4;
	v6 =	vmax.f32 v6, v7;
	(erf) = vpow2.f32 v1  }
0x4d: {  	v7 =	vld [tilespmem:s29+$0xFFFFFFF0];
	v1 =	vmul.f32 $1.000000010e-01, v5;
	v6 =	vmul.f32 $1.442695020e+00, v6  }
0x4e: {  	v62 =	vld [tilespmem:s0+$0x0];
	v2 =	vmax.f32 v2, v9;
	v8 =	vadd.f32 v8, v3;
	(erf) = vpow2.f32 v4  }
0x4f: {  	v0 =	vld [tilespmem:s29+$0xFFFFFFC0];
	v2 =	vmul.f32 $1.442695020e+00, v2;
	v3 =	vpop (erf);
	v4 =	vmax.f32 v5, v1;
	(erf) = vpow2.f32 v6  }
0x50: {  	v9 =	vadd.f32 v61, v11;
	v1 =	vld [tilespmem:s0+$0x10];
	v4 =	vmul.f32 $1.442695020e+00, v4  }
0x51: {  	v5 =	vmul.f32 $1.000000010e-01, v8;
	[tilespmem:s28+$0x30] =	vst v3;
	v3 =	vld [tilespmem:s29+$0x10];
	v6 =	vpop (erf);
	(erf) = vpow2.f32 v2  }
0x52: {  	v11 =	vmul.f32 $1.000000010e-01, v9;
	v2 =	vld [tilespmem:s0+$0x20];
	[tilespmem:s28+$0xFFFFFFD0] =	vst v6;
	v6 =	vadd.f32 v7, v10;
	v7 =	vpop (erf);
	(erf) = vpow2.f32 v4  }
0x53: {  	v8 =	vmax.f32 v8, v5;
	v4 =	vld [tilespmem:s29+$0x20];
	[tilespmem:s28+$0xFFFFFFE0] =	vst v7;
	v63 =	vpop (erf)  }
0x54: {  	s31 =	simm.s32 $0x8;
	s30 =	simm.s32 $0x9C0;
	v5 =	vld [tilespmem:s0+$0xFFFFFFC0];
	s0 =	simm.s32 $0x240;
	v10 =	vmax.f32 v9, v11;
	v7 =	vadd.f32 v14, v62;
	v9 =	vmul.f32 $1.000000010e-01, v6;
	[tilespmem:s28+$0xFFFFFFF0] =	vst v63  }
.LBB2_3:
0x55: {  	v11 =	vld [tilespmem:s0+$0x30];
	v14 =	vmul.f32 $1.442695020e+00, v8;
	v10 =	vmul.f32 $1.442695020e+00, v10;
	s29 =	sadd.s32 $0x80, s29;
	v12 =	vpop (erf)  }
0x56: {  	s31 =	sadd.s32 $0x8, s31;
	v13 =	vld [tilespmem:s29+$0x30];
	v6 =	vmax.f32 v6, v9;
	v9 =	vmul.f32 $1.000000010e-01, v7;
	v1 =	vadd.f32 v3, v1;
	[tilespmem:s28+$0x0] =	vst v12  }
0x57: {  	p0 =	slt.u32 s31, $0x78;
	v3 =	vld [tilespmem:s29+$0xFFFFFFC0];
	v15 =	vmul.f32 $1.442695020e+00, v6;
	(erf) = vpow2.f32 v14;
	v8 =	vpop (erf)  }
0x58: {  	v12 =	vld [tilespmem:s0+$0xFFFFFFD0];
	v7 =	vmax.f32 v7, v9;
	v9 =	vmul.f32 $1.000000010e-01, v1;
	v2 =	vadd.f32 v4, v2;
	[tilespmem:s28+$0x10] =	vst v8;
	v4 =	vpop (erf)  }
0x59: {  	v8 =	vld [tilespmem:s29+$0xFFFFFFD0];
	v5 =	vadd.f32 v0, v5;
	v14 =	vmul.f32 $1.442695020e+00, v7;
	(erf) = vpow2.f32 v10;
	[tilespmem:s28+$0x20] =	vst v4  }
0x5a: {  	v4 =	vld [tilespmem:s0+$0xFFFFFFE0];
	v1 =	vmax.f32 v1, v9;
	v7 =	vmul.f32 $1.000000010e-01, v2;
	(erf) = vpow2.f32 v15;
	v6 =	vpop (erf)  }
0x5b: {  	v9 =	vld [tilespmem:s29+$0xFFFFFFE0];
	v10 =	vadd.f32 v13, v11;
	v11 =	vmul.f32 $1.000000010e-01, v5;
	v1 =	vmul.f32 $1.442695020e+00, v1;
	v13 =	vpop (erf);
	[tilespmem:s28+$0xFFFFFFC0] =	vst v6;
	s28 =	smov.u32 s30;
	s30 =	smov.u32 s29  }
0x5c: {  	v6 =	vld [tilespmem:s0+$0xFFFFFFF0];
	v2 =	vmax.f32 v2, v7;
	[tilespmem:s28+$0x30] =	vst v13;
	(erf) = vpow2.f32 v14;
	v0 =	vmov v3  }
0x5d: {  	v7 =	vld [tilespmem:s29+$0xFFFFFFF0];
	v3 =	vmul.f32 $1.000000010e-01, v10;
	v5 =	vmax.f32 v5, v11;
	v13 =	vmul.f32 $1.442695020e+00, v2  }
0x5e: {  	v8 =	vadd.f32 v8, v12;
	v11 =	vld [tilespmem:s0+$0x0];
	v5 =	vmul.f32 $1.442695020e+00, v5;
	(erf) = vpow2.f32 v1  }
0x5f: {  	v12 =	vld [tilespmem:s29+$0x0];
	v3 =	vmax.f32 v10, v3;
	(erf) = vpow2.f32 v13  }
.Ltmp0:
0x60: {  	v10 =	vmul.f32 $1.000000010e-01, v8;
	v9 =	vadd.f32 v9, v4;
	v1 =	vld [tilespmem:s0+$0x10];
	v4 =	vmul.f32 $1.442695020e+00, v3;
	v2 =	vpop (erf);
	(pc) =	sbr.rel @p0 .LBB2_3-.Ltmp0, $4  }
0x61: {  	v3 =	vld [tilespmem:s29+$0x10];
	[tilespmem:s28+$0xFFFFFFD0] =	vst v2;
	(erf) = vpow2.f32 v5  }
0x62: {  	v13 =	vmul.f32 $1.000000010e-01, v9;
	v6 =	vadd.f32 v7, v6;
	v2 =	vld [tilespmem:s0+$0x20];
	(erf) = vpow2.f32 v4;
	v5 =	vpop (erf)  }
0x63: {  	v8 =	vmax.f32 v8, v10;
	v4 =	vld [tilespmem:s29+$0x20];
	[tilespmem:s28+$0xFFFFFFE0] =	vst v5;
	v14 =	vpop (erf)  }
0x64: {  	v5 =	vld [tilespmem:s0+$0xFFFFFFC0];
	v10 =	vmax.f32 v9, v13;
	v9 =	vmul.f32 $1.000000010e-01, v6;
	v7 =	vadd.f32 v12, v11;
	s0 =	sadd.s32 $0x80, s0;
	[tilespmem:s28+$0xFFFFFFF0] =	vst v14  }
0x65: {  	_ = 	snop  }
0x66: {  	v8 =	vmul.f32 $1.442695020e+00, v8  }
0x67: {  	v10 =	vmul.f32 $1.442695020e+00, v10;
	v6 =	vmax.f32 v6, v9;
	v1 =	vadd.f32 v3, v1  }
0x68: {  	v46 =	vmul.f32 $1.000000010e-01, v7;
	v47 =	vmul.f32 $1.442695020e+00, v6;
	v2 =	vadd.f32 v4, v2  }
0x69: {  	(erf) = vpow2.f32 v8;
	v49 =	vmul.f32 $1.000000010e-01, v1;
	v0 =	vadd.f32 v0, v5  }
0x6a: {  	v48 =	vmax.f32 v7, v46;
	(erf) = vpow2.f32 v10;
	v50 =	vmul.f32 $1.000000010e-01, v2  }
0x6b: {  	v4 =	vmul.f32 $1.442695020e+00, v48;
	v1 =	vmax.f32 v1, v49;
	v51 =	vmul.f32 $1.000000010e-01, v0  }
0x6c: {  	(erf) = vpow2.f32 v47;
	v1 =	vmul.f32 $1.442695020e+00, v1;
	v2 =	vmax.f32 v2, v50  }
0x6d: {  	(erf) = vpow2.f32 v4;
	v0 =	vmax.f32 v0, v51;
	v2 =	vmul.f32 $1.442695020e+00, v2  }
0x6e: {  	v52 =	vpop (erf);
	(erf) = vpow2.f32 v1;
	v0 =	vmul.f32 $1.442695020e+00, v0  }
0x6f: {  	[tilespmem:s28+$0x0] =	vst v52;
	v53 =	vpop (erf);
	(erf) = vpow2.f32 v2  }
0x70: {  	[tilespmem:s28+$0x10] =	vst v53;
	v54 =	vpop (erf);
	(erf) = vpow2.f32 v0  }
0x71: {  	[tilespmem:s28+$0x20] =	vst v54;
	v55 =	vpop (erf)  }
0x72: {  	v56 =	vpop (erf);
	[tilespmem:s28+$0xFFFFFFC0] =	vst v55  }
0x73: {  	[tilespmem:s30+$0x30] =	vst v56;
	v57 =	vpop (erf)  }
0x74: {  	[tilespmem:s30+$0xFFFFFFD0] =	vst v57;
	v58 =	vpop (erf)  }
0x75: {  	[tilespmem:s30+$0xFFFFFFE0] =	vst v58;
	v59 =	vpop (erf)  }
0x76: {  	[tilespmem:s30+$0xFFFFFFF0] =	vst v59;
	v60 =	vpop (erf)  }
0x77: {  	[tilespmem:s30+$0x0] =	vst v60;
	v61 =	vpop (erf)  }
0x78: {  	[tilespmem:s30+$0x10] =	vst v61;
	v62 =	vpop (erf)  }
0x79: {  	s0 =	sshll.u32 s26, $0x1;
	[tilespmem:s30+$0x20] =	vst v62;
	v63 =	vpop (erf)  }
0x7a: {  	s0 =	sadd.s32 s8, s0;
	[tilespmem:s30+$0xFFFFFFC0] =	vst v63  }
0x7b: {  	[hbm4b:s0+s5] =	stream.linear.scatter [tilespmem:s23], [sflag:$0x1], $0x800, $0x38;
	[tilespmem:$0x8900] =	vst v63  }
0x7c: {  	s25 =	sadd.s32 $0x1, s25;
	_ =	swait.ge [sflag:s18], $0x800  }
0x7d: {  	p0 =	sne.s32 s25, s13;
	[sflag:s18] =	ssyncset.done $0x0  }
.Ltmp1:
0x7e: {  	[sflag:s18] =	ssyncadd.s32 $0xFFFFF800;
	(pc) =	sbr.rel @p0 .LBB2_2-.Ltmp1, $4  }
0x7f: {  	[spmem:s4] =	stream.indirect.scatter.add.f32 [tilespmem:s23], [sflag:$0x1], $0x10, s21, s21, $0xb8;
	[tilespmem:$0x8900] =	vst v63  }
0x80: {  	_ =	swait.ge [sflag:s18], $0x800  }
0x81: {  	[sflag:s18] =	ssyncset.done $0x0  }
0x82: {  	[sflag:s18] =	ssyncadd.s32 $0xFFFFF800  }
0x83: {  	s24 =	sadd.s32 $0x1, s24  }
0x84: {  	p0 =	sne.s32 s24, s16  }
.Ltmp2:
0x85: {  	[bflag:$0x0] =	sbarrier.arrive $0xFFFF;
	(pc) =	sbr.rel @p0 .LBB2_1-.Ltmp2, $4  }
0x86: {  	[hbm:s15], [sflag:s10] =	dma.local [spmem:s20], $0x500  }
0x87: {  	_ =	swait.ge [sflag:s18], $0x500  }
0x88: {  	[sflag:s18] =	ssyncset.done $0x0  }
0x89: {  	[sflag:s18] =	ssyncadd.s32 $0xFFFFFB00  }
0x8a: {  	_ =	sfence.sel $0x180000  }
0x8b: {  	[bflag:$0x0] =	sbarrier.arrive $0xFFFF  }
0x8c: {  	_ =	strace $0x90000047  }
0x8d: {  	[bflag:$0x2] =	sbarrier.arrive $0xFFFF  }
0x8e: {  	p0 =	sne.s32 s2, $0x0;
	s0 =	rddreg [dreg:$0x4]  }
0x8f: {  	s0 =	sadd.s32 @!p0 $0x100000, s0  }
0x90: {  	[sflag:s0] =	ssyncadd.tile.s32 @!p0 $0x1;
	_ =	shalt  }
.Lfunc_end2:
_tile_overlayer_lowered:
.L_overlay_start_2:
0x91: {  	(tag) =	ssettag $0x2  }
0x92: {  	s0 =	rddreg [dreg:$0x0];
	s2 =	stileid.u32  }
0x93: {  	s1 =	rddreg [dreg:$0x1];
	p0 =	sne.s32 s2, $0x0  }
0x94: {  	s3 =	rddreg [dreg:$0x2];
	[bflag:$0x3] =	sbarrier.arrive $0xFFFF;
	s2 =	simm.s32 @!p0 $0x1C01  }
0x95: {  	[timem:s3], [sflag:s2] =	dma.local @!p0 [hbm:s0], s1  }
0x96: {  	s0 =	simm.s32 @!p0 $0x1  }
0x97: {  	_ =	swait.ge @!p0 [sflag:s0], s1  }
0x98: {  	s1 =	ssub.s32 @!p0 $0x0, s1;
	[sflag:s0] =	ssyncset.done @!p0 $0x0  }
0x99: {  	[sflag:s0] =	ssyncadd.s32 @!p0 s1  }
0x9a: {  	[bflag:$0x3] =	sbarrier.arrive $0xFFFF  }
0x9b: {  	_ =	shalt  }

// kernel: kernel.16.cloned.1.call-start
scs
__scs_entry_jumppad:
0x0: {  	(pc) =	sbr.rel $0x88, $3  }
0x1: {  	(tag) =	ssettag $0x0;
	lr =	simm.s32 $0x1  }
0x2: {  	[smem:$0x3F8C] =	sst lr;
	_ =	strace $0xD0000000  }
0x3: {  	_ = 	snop  }
0x4: {  	_ = 	snop  }
0x5: {  	_ = 	snop  }
0x6: {  	_ = 	snop  }
0x7: {  	_ = 	snop  }
__scs_overlays_trampoline_lowered:
0x8: {  	[smem:$0x3F9B] =	sst s0  }
0x9: {  	[smem:$0x3F9C] =	sst s1  }
0xa: {  	[smem:$0x3F9D] =	sst s2  }
0xb: {  	[smem:$0x3F9E] =	sst s3  }
0xc: {  	[smem:$0x3F9F] =	sst s4  }
0xd: {  	[smem:$0x3FA0] =	sst s5  }
0xe: {  	[smem:$0x3FA1] =	sst s6  }
0xf: {  	[smem:$0x3FA2] =	sst s7  }
0x10: {  	[smem:$0x3FA3] =	sst s8  }
0x11: {  	[smem:$0x3FA4] =	sst s9;
	s0 =	simm.s32 @!p0 $0x0  }
0x12: {  	s1 =	sld [smem:$0x3F8A];
	s0 =	simm.s32 @p0 $0x1  }
0x13: {  	[smem:$0x3FA5] =	sst s0;
	s0 =	simm.s32 @!p1 $0x0  }
0x14: {  	s2 =	sld [smem:$0x3F89];
	s0 =	simm.s32 @p1 $0x1  }
0x15: {  	[smem:$0x3FA6] =	sst s0;
	s0 =	simm.s32 @!p2 $0x0  }
0x16: {  	s3 =	sld [smem:$0x3FDB];
	s0 =	simm.s32 @p2 $0x1  }
0x17: {  	s4 =	simm.s32 $0x1BF5;
	[smem:$0x3FA8] =	sst s0  }
0x18: {  	s0 =	sld [smem:$0x3F8B];
	_ =	swait.ge [sflag:s4], $0x0  }
0x19: {  	s7 =	sld [smem:$0x3F8C]  }
0x1a: {  	s8 =	sadd.s32 $0xFFFFE003, lr  }
0x1b: {  	s9 =	sadd.s32 $0xFFFFFEF7, lr;
	s5 =	simm.s32 $0xFFFFFFFF;
	p2 =	slt.u32 s8, $0xFFFFF086  }
0x1c: {  	p1 =	slt.u32 s9, $0xF7A;
	s5 =	simm.s32 @!p2 $0x0  }
0x1d: {  	s5 =	simm.s32 @p1 $0x1;
	p0 =	seq.s32 s7, s2  }
0x1e: {  	s7 =	smul.u32 @!p0 $0xF7A, s2;
	p2 =	seq.s32 @!p0 s5, $0x0  }
0x1f: {  	s9 =	smul.u32 $0xF7A, s1;
	s8 =	simm.s32 @!p0 $0x1BF5;
	p2 =	por !p2, p0  }
0x20: {  	[sflag:s8] =	ssyncset.s32 @!p0 $0xFFFFF086;
	s6 =	sadd.s32 @!p0 s3, s7;
	s7 =	simm.s32 @!p0 $0x108  }
0x21: {  	s3 =	sadd.s32 s3, s9;
	s6 =	sadd.s32 @!p0 $0x88, s6;
	s7 =	simm.s32 @p2 $0x1082  }
0x22: {  	[simem:s7], [sflag:s8] =	dma.local @!p0 [hbm:s6], $0xF7A  }
0x23: {  	s9 =	sor.u32 $0xD0000000, s2;
	s6 =	simm.s32 $0x108;
	_ =	swait.ge @!p0 [sflag:s8], $0x0  }
0x24: {  	s3 =	sadd.s32 $0x88, s3;
	s6 =	simm.s32 @!p1 $0x1082;
	[sflag:s4] =	ssyncset.s32 $0xFFFFF086  }
0x25: {  	[simem:s6], [sflag:s4] =	dma.local [hbm:s3], $0xF7A  }
0x26: {  	[smem:$0x3F8C] =	sst s1;
	(tag) =	ssettag s2;
	_ =	strace s9  }
0x27: {  	s1 =	sld [smem:$0x3F9C]  }
0x28: {  	s2 =	sld [smem:$0x3F9D]  }
0x29: {  	s4 =	sld [smem:$0x3F9F]  }
0x2a: {  	p0 =	seq.s32 s5, $0x0;
	s5 =	sld [smem:$0x3FA0]  }
0x2b: {  	s6 =	sld [smem:$0x3FA1]  }
0x2c: {  	s7 =	sld [smem:$0x3FA2]  }
0x2d: {  	s3 =	simm.s32 $0x108;
	s8 =	sld [smem:$0x3FA3]  }
0x2e: {  	s3 =	simm.s32 @!p0 $0x1082;
	s9 =	sld [smem:$0x3FA4]  }
0x2f: {  	lr =	sadd.s32 s0, s3;
	s0 =	sld [smem:$0x3F9B]  }
0x30: {  	s3 =	sld [smem:$0x3F9E]  }
0x31: {  	[smem:$0x3FA7] =	sst s10  }
0x32: {  	s10 =	sld [smem:$0x3FA5];
	_ =	sdelay $0x3  }
0x33: {  	p0 =	seq.s32 s10, $0x1;
	s10 =	sld [smem:$0x3FA7];
	_ =	sdelay $0x3  }
0x34: {  	[smem:$0x3FA7] =	sst s10  }
0x35: {  	s10 =	sld [smem:$0x3FA6];
	_ =	sdelay $0x3  }
0x36: {  	p1 =	seq.s32 s10, $0x1;
	s10 =	sld [smem:$0x3FA7];
	_ =	sdelay $0x3  }
0x37: {  	[smem:$0x3FA7] =	sst s10  }
0x38: {  	s10 =	sld [smem:$0x3FA8]  }
0x39: {  	_ = 	snop;
	(pc) =	sbr.ind lr, $3  }
0x3a: {  	_ = 	snop  }
0x3b: {  	_ = 	snop  }
0x3c: {  	p2 =	seq.s32 s10, $0x1;
	s10 =	sld [smem:$0x3FA7]  }
0x3d: {  	_ =	shalt  }
0x3e: {  	_ =	shalt  }
0x3f: {  	_ =	shalt  }
0x40: {  	_ =	shalt  }
0x41: {  	_ =	shalt  }
0x42: {  	_ =	shalt  }
0x43: {  	_ =	shalt  }
0x44: {  	_ =	shalt  }
0x45: {  	_ =	shalt  }
0x46: {  	_ =	shalt  }
0x47: {  	_ =	shalt  }
0x48: {  	_ =	shalt  }
0x49: {  	_ =	shalt  }
0x4a: {  	_ =	shalt  }
0x4b: {  	_ =	shalt  }
0x4c: {  	_ =	shalt  }
0x4d: {  	_ =	shalt  }
0x4e: {  	_ =	shalt  }
0x4f: {  	_ =	shalt  }
0x50: {  	_ =	shalt  }
0x51: {  	_ =	shalt  }
0x52: {  	_ =	shalt  }
0x53: {  	_ =	shalt  }
0x54: {  	_ =	shalt  }
0x55: {  	_ =	shalt  }
0x56: {  	_ =	shalt  }
0x57: {  	_ =	shalt  }
0x58: {  	_ =	shalt  }
0x59: {  	_ =	shalt  }
0x5a: {  	_ =	shalt  }
0x5b: {  	_ =	shalt  }
0x5c: {  	_ =	shalt  }
0x5d: {  	_ =	shalt  }
0x5e: {  	_ =	shalt  }
0x5f: {  	_ =	shalt  }
0x60: {  	_ =	shalt  }
0x61: {  	_ =	shalt  }
0x62: {  	_ =	shalt  }
0x63: {  	_ =	shalt  }
0x64: {  	_ =	shalt  }
0x65: {  	_ =	shalt  }
0x66: {  	_ =	shalt  }
0x67: {  	_ =	shalt  }
0x68: {  	_ =	shalt  }
0x69: {  	_ =	shalt  }
0x6a: {  	_ =	shalt  }
0x6b: {  	_ =	shalt  }
0x6c: {  	_ =	shalt  }
0x6d: {  	_ =	shalt  }
0x6e: {  	_ =	shalt  }
0x6f: {  	_ =	shalt  }
0x70: {  	_ =	shalt  }
0x71: {  	_ =	shalt  }
0x72: {  	_ =	shalt  }
0x73: {  	_ =	shalt  }
0x74: {  	_ =	shalt  }
0x75: {  	_ =	shalt  }
0x76: {  	_ =	shalt  }
0x77: {  	_ =	shalt  }
0x78: {  	_ =	shalt  }
0x79: {  	_ =	shalt  }
0x7a: {  	_ =	shalt  }
0x7b: {  	_ =	shalt  }
0x7c: {  	_ =	shalt  }
0x7d: {  	_ =	shalt  }
0x7e: {  	_ =	shalt  }
0x7f: {  	_ =	shalt  }
0x80: {  	_ =	shalt  }
0x81: {  	_ =	shalt  }
0x82: {  	_ =	shalt  }
0x83: {  	_ =	shalt  }
0x84: {  	_ =	shalt  }
0x85: {  	_ =	shalt  }
0x86: {  	_ =	shalt  }
0x87: {  	_ =	shalt  }
.Lfunc_end0:
.L_simem_size_0:
called_computation.1_lowered:
.L_overlay_start_0:
0x88: {  	s2 =	sld [smem:$0x3FD9]  }
0x89: {  	s3 =	sld [smem:$0x3FFE];
	_ =	sdelay $0x1  }
0x8a: {  	s1 =	srdreg.scid  }
0x8b: {  	s0 =	sand.u32 $0x1, s1  }
0x8c: {  	s16 =	sshll.u32 s0, $0xA;
	s2 =	sadd.s32 s3, s2  }
0x8d: {  	s2 =	sadd.s32 s2, s16  }
0x8e: {  	[smem:$0x3FB3] =	sst s2  }
0x8f: {  	_ = 	snop  }
0x90: {  	(tm) =	ssettm $0x1  }
0x91: {  	s17 =	sld [smem:$0x3FFB];
	_ =	sdelay $0x3  }
0x92: {  	_ =	strace s17  }
0x93: {  	s2 =	sld [smem:$0x3FFC];
	_ =	sdelay $0x3  }
0x94: {  	_ =	strace s2  }
0x95: {  	s2 =	sld [smem:$0x3FFD];
	_ =	sdelay $0x3  }
0x96: {  	_ =	strace s2  }
0x97: {  	_ =	strace $0x8FFFFFFF  }
0x98: {  	s18 =	sld [smem:$0x3FDB];
	_ =	sdelay $0x1  }
0x99: {  	s19 =	simm.s32 $_scs_section_size  }
0x9a: {  	s4 =	simm.s32 $_size__tile_overlayer_lowered;
	s5 =	simm.s32 $_tile_overlayer_lowered  }
0x9b: {  	s22 =	simm.s32 $0x1BFF;
	s21 =	sshll.u32 s5, $0x1;
	s2 =	sadd.s32 s19, s18  }
0x9c: {  	s6 =	simm.s32 $0x0;
	s20 =	sshll.u32 s4, $0x1;
	s4 =	sadd.s32 s21, s2  }
0x9d: {  	[timem:s6], [sflag:s22] =	dma.local [hbm:s4], s20  }
0x9e: {  	_ =	swait.ge [sflag:s22], s20  }
0x9f: {  	s3 =	ssub.s32 $0x0, s20;
	[sflag:s22] =	ssyncset.done $0x0  }
0xa0: {  	[sflag:s22] =	ssyncadd.s32 s3;
	_ =	sdelay $0x1  }
0xa1: {  	s23 =	simm.s32 $0x1B8B  }
0xa2: {  	_ =	swait.ge [sflag:s23], $0x1  }
0xa3: {  	[sflag:s23] =	ssyncset.done $0x0  }
0xa4: {  	s25 =	simm.s32 $0x1B8E;
	s24 =	sld [smem:$0x3FFE];
	[sflag:s23] =	ssyncadd.s32 $0xFFFFFFFF  }
0xa5: {  	s26 =	simm.s32 $execute0_lowered;
	[smem:$0x3FD2] =	sst s25  }
0xa6: {  	s4 =	sshll.u32 s26, $0x1;
	_ =	strace $0x80000049;
	[dreg:$0x1] =	wrdreg $0xFFFFFFFF  }
0xa7: {  	s28 =	simm.s32 $_size_execute0_lowered;
	s2 =	sadd.s32 s2, s4;
	[dreg:$0x0] =	wrdreg $0x0  }
0xa8: {  	s4 =	sshll.u32 s28, $0x1;
	[dreg:$0x2] =	wrdreg s2  }
0xa9: {  	[dreg:$0x3] =	wrdreg s4  }
0xaa: {  	[dreg:$0x4] =	wrdreg $0xC0  }
0xab: {  	_ =	task [dreg:s6], $0x5FFFF  }
0xac: {  	[dreg:$0x1] =	wrdreg $0xFFFFFFFF  }
0xad: {  	[dreg:$0x0] =	wrdreg $0x60  }
0xae: {  	[dreg:$0x2] =	wrdreg s24  }
0xaf: {  	[dreg:$0x3] =	wrdreg $0xE9000  }
0xb0: {  	[dreg:$0x4] =	wrdreg $0x111000  }
0xb1: {  	[dreg:$0x5] =	wrdreg $0x9  }
0xb2: {  	_ =	task.clear_ibuf [dreg:s6], $0x6FFFF;
	_ =	strace $0x90000049  }
0xb3: {  	s29 =	simm.s32 $0x9;
	_ =	strace $0x8000004B  }
0xb4: {  	_ =	swait.ge [sflag:s29], $0x1  }
0xb5: {  	[sflag:s29] =	ssyncadd.s32 $0xFFFFFFFF  }
0xb6: {  	_ =	strace $0x9000004B  }
0xb7: {  	_ =	sfence  }
0xb8: {  	s30 =	sld [smem:$0x0];
	_ =	sdelay $0x2  }
0xb9: {  	s31 =	sshll.u32 s1, $0xD;
	s1 =	sshrl.u32 s1, $0x2  }
0xba: {  	s3 =	sand.u32 $0x4000, s31;
	s1 =	sadd.s32 s1, s30  }
0xbb: {  	s0 =	sor.u32 s3, s0;
	s1 =	sshll.u32 s1, $0x11  }
0xbc: {  	s0 =	sor.u32 s1, s0  }
0xbd: {  	s0 =	sadd.s32 $0x8F2B, s0  }
0xbe: {  	[sflag:s0] =	ssyncadd.remote.s32 $0x1  }
0xbf: {  	_ =	sfence.sel $0xFFFF  }
0xc0: {  	[dreg:$0x0] =	wrdreg $0xFFFFFFFF;
	(pc) =	sbr.abs _section_cstart, $3  }
0xc1: {  	[dreg:$0x1] =	wrdreg $0xFFFFFFFF  }
0xc2: {  	_ =	task.clear_ibuf [dreg:s6], $0x2FFFF;
	_ =	strace $0x9FFFFFFF  }
0xc3: {  	(tm) =	ssettm $0x7FFFFFFF  }
tec
execute0_lowered:
.L_overlay_start_1:
0x0: {  	(tag) =	ssettag $0x1  }
0x1: {  	s0 =	rddreg [dreg:$0x0]  }
0x2: {  	s2 =	rddreg [dreg:$0x1]  }
0x3: {  	s3 =	rddreg [dreg:$0x2];
	s15 =	stileid.u32  }
0x4: {  	s1 =	srdreg.scid;
	s4 =	simm.s32 $0x0;
	s13 =	simm.s32 $0x28  }
0x5: {  	s29 =	simm.s32 $0x9900;
	s19 =	simm.s32 $0x2;
	s21 =	simm.s32 $0x80  }
0x6: {  	s22 =	simm.s32 $0x1100;
	s23 =	simm.s32 $0x100;
	s24 =	simm.s32 $0x900  }
0x7: {  	s25 =	simm.s32 $0x1;
	s28 =	simm.s32 $0x0;
	s9 =	smul.u32 $0x2800, s15  }
0x8: {  	s1 =	sand.u32 $0x1, s1;
	[smem:$0x7FF] =	sst s4;
	s5 =	sadd.s32 $0x7C00, s0  }
0x9: {  	s6 =	sadd.s32 $0x78E00, s0;
	s7 =	sadd.s32 $0x64E00, s0;
	s8 =	sadd.s32 $0x5FE00, s0  }
0xa: {  	p0 =	seq.s32 s15, $0x0;
	s31 =	sshll.u32 s15, $0x8;
	s10 =	smul.u32 $0x28000, s1  }
0xb: {  	_ =	strace $0x8000004A;
	s12 =	ssub.s32 $0x2, s1;
	s1 =	sshll.u32 s1, $0x7  }
0xc: {  	s13 =	simm.s32 @!p0 $0x27;
	s11 =	sshrl.u32 s9, $0x3;
	s26 =	sshrl.u32 s12, $0x1  }
0xd: {  	s15 =	sor.u32 s1, s31;
	s10 =	sadd.s32 s9, s10;
	s14 =	sadd.s32 s11, s0  }
0xe: {  	s17 =	ssub.s32 s12, s26;
	s11 =	sadd.s32 s9, s2;
	s12 =	sadd.s32 s9, s3  }
0xf: {  	s26 =	simm.s32 $0x9100;
	s10 =	sshrl.u32 s10, $0x3;
	s30 =	sadd.s32 $0x55E00, s14  }
0x10: {  	s17 =	smax.u32 s17, $0x1;
	s0 =	sadd.s32 s10, s0;
	[dreg:$0x4] =	wrdreg s30  }
0x11: {  	s10 =	sadd.s32 $0x5AE00, s14;
	s14 =	sadd.s32 $0x69E00, s14;
	s16 =	sadd.s32 $0x6EE00, s0  }
.LBB2_1:
0x12: {  	s0 =	rddreg [dreg:$0x4]  }
0x13: {  	[tilespmem:s29], [sflag:$0x2] =	stream.linear.gather [hbm4b:s0+s4], $0x2800, $0x38;
	[tilespmem:$0x13900] =	vst v63  }
0x14: {  	_ =	swait.ge [sflag:s19], $0x2800  }
0x15: {  	[sflag:s19] =	ssyncset.done $0x0  }
0x16: {  	s31 =	simm.s32 $0xC100;
	[sflag:s19] =	ssyncadd.s32 $0xFFFFD800  }
0x17: {  	[tilespmem:s31], [sflag:$0x2] =	stream.linear.gather [hbm4b:s10+s4], $0x2800, $0x38;
	[tilespmem:$0x13900] =	vst v63  }
0x18: {  	_ =	swait.ge [sflag:s19], $0x2800  }
0x19: {  	[sflag:s19] =	ssyncset.done $0x0  }
0x1a: {  	s0 =	simm.s32 $0x9940;
	[sflag:s19] =	ssyncadd.s32 $0xFFFFD800  }
0x1b: {  	s1 =	simm.s32 $0xC140;
	v0 =	vld [tilespmem:s0+$0x30]  }
0x1c: {  	v1 =	vld [tilespmem:s1+$0x30]  }
0x1d: {  	v3 =	vld [tilespmem:s0+$0xFFFFFFD0]  }
0x1e: {  	v4 =	vld [tilespmem:s1+$0xFFFFFFD0]  }
0x1f: {  	v5 =	vld [tilespmem:s0+$0xFFFFFFE0]  }
0x20: {  	v6 =	vld [tilespmem:s1+$0xFFFFFFE0]  }
0x21: {  	v7 =	vld [tilespmem:s0+$0xFFFFFFF0]  }
0x22: {  	v8 =	vld [tilespmem:s1+$0xFFFFFFF0]  }
0x23: {  	v9 =	vld [tilespmem:s0+$0x0]  }
0x24: {  	v10 =	vld [tilespmem:s1+$0x0];
	v0 =	vadd.f32 v1, v0  }
0x25: {  	v11 =	vld [tilespmem:s1+$0x10]  }
0x26: {  	v1 =	vld [tilespmem:s0+$0x10];
	v3 =	vadd.f32 v4, v3;
	v0 =	vadd.f32 $1.000000020e-16, v0  }
0x27: {  	v4 =	vld [tilespmem:s0+$0x20]  }
0x28: {  	v5 =	vadd.f32 v6, v5;
	v6 =	vld [tilespmem:s1+$0x20];
	(erf) = vrcp.f32 v0;
	v0 =	vadd.f32 $1.000000020e-16, v3  }
0x29: {  	v2 =	vld [tilespmem:s1+$0xFFFFFFC0]  }
0x2a: {  	s1 =	simm.s32 $0x99C0;
	v5 =	vadd.f32 $1.000000020e-16, v5;
	v3 =	vadd.f32 v8, v7;
	v7 =	vld [tilespmem:s0+$0xFFFFFFC0];
	(erf) = vrcp.f32 v0  }
0x2b: {  	s9 =	simm.s32 $0xC1C0;
	v8 =	vadd.f32 v10, v9;
	v9 =	vld [tilespmem:s1+$0x30]  }
0x2c: {  	v10 =	vld [tilespmem:s9+$0x30];
	v1 =	vadd.f32 v11, v1;
	v3 =	vadd.f32 $1.000000020e-16, v3;
	(erf) = vrcp.f32 v5  }
0x2d: {  	v4 =	vadd.f32 v6, v4;
	v5 =	vadd.f32 $1.000000020e-16, v8;
	v8 =	vld [tilespmem:s1+$0xFFFFFFE0]  }
0x2e: {  	v1 =	vadd.f32 $1.000000020e-16, v1;
	(erf) = vrcp.f32 v3;
	v3 =	vld [tilespmem:s1+$0xFFFFFFD0]  }
0x2f: {  	v4 =	vadd.f32 $1.000000020e-16, v4;
	(erf) = vrcp.f32 v5;
	v5 =	vld [tilespmem:s9+$0xFFFFFFD0];
	v2 =	vadd.f32 v2, v7  }
0x30: {  	(erf) = vrcp.f32 v1;
	v1 =	vld [tilespmem:s9+$0xFFFFFFE0]  }
0x31: {  	v6 =	vld [tilespmem:s1+$0xFFFFFFF0];
	v9 =	vadd.f32 v10, v9;
	v2 =	vadd.f32 $1.000000020e-16, v2  }
0x32: {  	v10 =	vld [tilespmem:s9+$0xFFFFFFF0];
	v7 =	vpop (erf);
	(erf) = vrcp.f32 v4  }
0x33: {  	v12 =	vld [tilespmem:s9+$0x0];
	v9 =	vadd.f32 $1.000000020e-16, v9;
	v4 =	vpop (erf);
	(erf) = vrcp.f32 v2  }
0x34: {  	v11 =	vld [tilespmem:s1+$0x0];
	v7 =	vmul.f32 $6.250000000e-02, v7;
	v3 =	vadd.f32 v5, v3  }
0x35: {  	v0 =	vld [tilespmem:s9+$0xFFFFFFC0];
	v5 =	vadd.f32 v1, v8;
	v2 =	vpop (erf);
	(erf) = vrcp.f32 v9  }
0x36: {  	v1 =	vld [tilespmem:s1+$0x10];
	v4 =	vmul.f32 $6.250000000e-02, v4;
	[tilespmem:s0+$0x30] =	vst v7;
	v8 =	vadd.f32 $1.000000020e-16, v3;
	v7 =	vmul.f32 $6.250000000e-02, v2  }
0x37: {  	v10 =	vadd.f32 v10, v6;
	v3 =	vld [tilespmem:s9+$0x10];
	v2 =	vpop (erf)  }
0x38: {  	v14 =	vadd.f32 $1.000000020e-16, v5;
	[tilespmem:s0+$0xFFFFFFD0] =	vst v4;
	v9 =	vmul.f32 $6.250000000e-02, v2;
	v13 =	vpop (erf);
	v2 =	vld [tilespmem:s1+$0x20];
	(erf) = vrcp.f32 v8  }
0x39: {  	v4 =	vld [tilespmem:s9+$0x20];
	[tilespmem:s0+$0xFFFFFFE0] =	vst v7;
	v6 =	vmul.f32 $6.250000000e-02, v13  }
0x3a: {  	s18 =	simm.s32 $0x8;
	s20 =	simm.s32 $0x9A40;
	v5 =	vld [tilespmem:s1+$0xFFFFFFC0];
	v8 =	vadd.f32 $1.000000020e-16, v10;
	(erf) = vrcp.f32 v14;
	[tilespmem:s0+$0xFFFFFFF0] =	vst v9;
	v9 =	vadd.f32 v12, v11;
	v7 =	vpop (erf)  }
.LBB2_2:
0x3b: {  	v10 =	vld [tilespmem:s20+$0x30];
	s9 =	sadd.s32 $0x80, s9;
	[tilespmem:s0+$0x0] =	vst v6;
	v6 =	vmul.f32 $6.250000000e-02, v7;
	v7 =	vpop (erf)  }
0x3c: {  	s18 =	sadd.s32 $0x8, s18;
	v11 =	vld [tilespmem:s9+$0x30];
	v9 =	vadd.f32 $1.000000020e-16, v9;
	v1 =	vadd.f32 v3, v1;
	(erf) = vrcp.f32 v8;
	v3 =	vpop (erf)  }
0x3d: {  	p0 =	slt.u32 s18, $0x278;
	v8 =	vld [tilespmem:s9+$0xFFFFFFC0];
	v3 =	vmul.f32 $6.250000000e-02, v3;
	[tilespmem:s0+$0x10] =	vst v6;
	v6 =	vmul.f32 $6.250000000e-02, v7  }
0x3e: {  	v7 =	vld [tilespmem:s20+$0xFFFFFFD0];
	v1 =	vadd.f32 $1.000000020e-16, v1;
	v2 =	vadd.f32 v4, v2;
	(erf) = vrcp.f32 v9;
	v4 =	vpop (erf)  }
0x3f: {  	v9 =	vld [tilespmem:s9+$0xFFFFFFD0];
	v12 =	vadd.f32 v0, v5;
	v4 =	vmul.f32 $6.250000000e-02, v4;
	[tilespmem:s0+$0xFFFFFFC0] =	vst v3  }
0x40: {  	v3 =	vld [tilespmem:s20+$0xFFFFFFE0];
	v2 =	vadd.f32 $1.000000020e-16, v2;
	(erf) = vrcp.f32 v1;
	[tilespmem:s0+$0x20] =	vst v6;
	s0 =	smov.u32 s1;
	s1 =	smov.u32 s20  }
0x41: {  	v1 =	vld [tilespmem:s9+$0xFFFFFFE0];
	v5 =	vadd.f32 v11, v10;
	v11 =	vadd.f32 $1.000000020e-16, v12;
	[tilespmem:s0+$0x30] =	vst v4;
	v0 =	vpop (erf)  }
0x42: {  	v4 =	vld [tilespmem:s20+$0xFFFFFFF0];
	v10 =	vmul.f32 $6.250000000e-02, v0;
	(erf) = vrcp.f32 v2;
	v0 =	vmov v8  }
0x43: {  	v2 =	vld [tilespmem:s9+$0xFFFFFFF0];
	v8 =	vadd.f32 $1.000000020e-16, v5;
	(erf) = vrcp.f32 v11;
	v6 =	vpop (erf)  }
0x44: {  	v7 =	vadd.f32 v9, v7;
	v9 =	vld [tilespmem:s20+$0x0];
	[tilespmem:s0+$0xFFFFFFD0] =	vst v10;
	v11 =	vmul.f32 $6.250000000e-02, v6  }
0x45: {  	v10 =	vld [tilespmem:s9+$0x0];
	(erf) = vrcp.f32 v8;
	v5 =	vpop (erf)  }
.Ltmp0:
0x46: {  	v12 =	vadd.f32 $1.000000020e-16, v7;
	v8 =	vadd.f32 v1, v3;
	v1 =	vld [tilespmem:s20+$0x10];
	[tilespmem:s0+$0xFFFFFFE0] =	vst v11;
	v5 =	vmul.f32 $6.250000000e-02, v5;
	(pc) =	sbr.rel @p0 .LBB2_2-.Ltmp0, $4  }
0x47: {  	v3 =	vld [tilespmem:s9+$0x10];
	v6 =	vpop (erf)  }
0x48: {  	v11 =	vadd.f32 $1.000000020e-16, v8;
	v8 =	vadd.f32 v2, v4;
	v2 =	vld [tilespmem:s20+$0x20];
	(erf) = vrcp.f32 v12;
	[tilespmem:s0+$0xFFFFFFF0] =	vst v5  }
0x49: {  	v6 =	vmul.f32 $6.250000000e-02, v6;
	v4 =	vld [tilespmem:s9+$0x20];
	v7 =	vpop (erf)  }
0x4a: {  	s20 =	sadd.s32 $0x80, s20;
	v5 =	vld [tilespmem:s1+$0xFFFFFFC0];
	v8 =	vadd.f32 $1.000000020e-16, v8;
	v9 =	vadd.f32 v10, v9;
	(erf) = vrcp.f32 v11  }
0x4b: {  	_ =	sdelay $0x1  }
0x4c: {  	v1 =	vadd.f32 v3, v1  }
0x4d: {  	v45 =	vadd.f32 $1.000000020e-16, v9;
	v2 =	vadd.f32 v4, v2  }
0x4e: {  	(erf) = vrcp.f32 v8;
	v1 =	vadd.f32 $1.000000020e-16, v1;
	v0 =	vadd.f32 v0, v5  }
0x4f: {  	(erf) = vrcp.f32 v45;
	v2 =	vadd.f32 $1.000000020e-16, v2  }
0x50: {  	v46 =	vpop (erf);
	(erf) = vrcp.f32 v1;
	v0 =	vadd.f32 $1.000000020e-16, v0  }
0x51: {  	v47 =	vpop (erf);
	(erf) = vrcp.f32 v2  }
0x52: {  	v48 =	vmul.f32 $6.250000000e-02, v7;
	v49 =	vpop (erf);
	(erf) = vrcp.f32 v0  }
0x53: {  	[tilespmem:s0+$0x0] =	vst v6;
	v51 =	vmul.f32 $6.250000000e-02, v49  }
0x54: {  	[tilespmem:s0+$0x10] =	vst v48;
	v1 =	vmul.f32 $6.250000000e-02, v46  }
0x55: {  	v50 =	vpop (erf);
	[tilespmem:s1+$0x30] =	vst v51;
	v0 =	vmul.f32 $6.250000000e-02, v47  }
0x56: {  	[tilespmem:s0+$0x20] =	vst v1;
	v53 =	vmul.f32 $6.250000000e-02, v50;
	v52 =	vpop (erf)  }
0x57: {  	[tilespmem:s0+$0xFFFFFFC0] =	vst v0;
	v54 =	vpop (erf);
	v0 =	vmul.f32 $6.250000000e-02, v52  }
0x58: {  	[tilespmem:s1+$0xFFFFFFD0] =	vst v53;
	v56 =	vmul.f32 $6.250000000e-02, v54;
	v55 =	vpop (erf)  }
0x59: {  	[tilespmem:s1+$0xFFFFFFE0] =	vst v0;
	v58 =	vmul.f32 $6.250000000e-02, v55;
	v57 =	vpop (erf)  }
0x5a: {  	[tilespmem:s1+$0xFFFFFFF0] =	vst v56;
	v60 =	vmul.f32 $6.250000000e-02, v57;
	v59 =	vpop (erf)  }
0x5b: {  	[tilespmem:s1+$0x0] =	vst v58;
	v61 =	vpop (erf);
	v63 =	vmul.f32 $6.250000000e-02, v59  }
0x5c: {  	[tilespmem:s1+$0x10] =	vst v60;
	v62 =	vmul.f32 $6.250000000e-02, v61  }
0x5d: {  	[tilespmem:s1+$0x20] =	vst v63  }
0x5e: {  	[tilespmem:s1+$0xFFFFFFC0] =	vst v62  }
0x5f: {  	[spmem:s11] =	stream.linear.scatter [tilespmem:s29], [sflag:$0x2], $0x2800, $0x38;
	[tilespmem:$0x13900] =	vst v63  }
0x60: {  	s20 =	stileid.u32;
	_ =	swait.ge [sflag:s19], $0x2800  }
0x61: {  	s0 =	sshll.u32 s20, $0x6;
	[sflag:s19] =	ssyncset.done $0x0  }
0x62: {  	s30 =	sshrl.u32 s12, $0x3;
	s29 =	sor.u32 $0x1C02, s0;
	[sflag:s19] =	ssyncadd.s32 $0xFFFFD800  }
0x63: {  	[spmem:s30], [sflag:s29] =	dma.local [hbm:s14], $0x500  }
0x64: {  	_ =	swait.ge [sflag:s19], $0x500  }
0x65: {  	[sflag:s19] =	ssyncset.done $0x0  }
0x66: {  	[sflag:s19] =	ssyncadd.s32 $0xFFFFFB00  }
0x67: {  	s31 =	simm.s32 $0x0;
	[bflag:$0x0] =	sbarrier.arrive $0xFFFF  }
.LBB2_4:
0x68: {  	s0 =	sshll.u32 s31, $0xC  }
0x69: {  	s0 =	sor.u32 s15, s0  }
0x6a: {  	s1 =	sshrl.u32 s0, $0x3  }
0x6b: {  	s9 =	sadd.s32 s7, s1  }
0x6c: {  	[tilespmem:s4], [sflag:$0x2] =	stream.linear.gather [hbm4b:s9+s4], $0x80, $0x38;
	[tilespmem:$0x13900] =	vst v63  }
0x6d: {  	_ =	swait.ge [sflag:s19], $0x80  }
0x6e: {  	[sflag:s19] =	ssyncset.done $0x0  }
0x6f: {  	s1 =	sadd.s32 s8, s1;
	[sflag:s19] =	ssyncadd.s32 $0xFFFFFF80  }
0x70: {  	[tilespmem:s21], [sflag:$0x2] =	stream.linear.gather [hbm4b:s1+s4], $0x80, $0x38;
	[tilespmem:$0x13900] =	vst v63  }
0x71: {  	_ =	swait.ge [sflag:s19], $0x80  }
0x72: {  	[sflag:s19] =	ssyncset.done $0x0  }
0x73: {  	s0 =	sshll.u32 s0, $0x1;
	[sflag:s19] =	ssyncadd.s32 $0xFFFFFF80  }
0x74: {  	[tilespmem:s22], [sflag:$0x1] =	stream.indirect.gather [hbm4b:s5+s21], $0x100, s4, s21, $0xb8;
	[tilespmem:$0x13900] =	vst v63  }
0x75: {  	s0 =	sadd.s32 s6, s0  }
0x76: {  	[tilespmem:s23], [sflag:$0x2] =	stream.linear.gather [hbm4b:s0+s4], $0x800, $0x38;
	[tilespmem:$0x13900] =	vst v63  }
0x77: {  	_ =	swait.ge [sflag:s19], $0x800  }
0x78: {  	[sflag:s19] =	ssyncset.done $0x0  }
0x79: {  	[sflag:s19] =	ssyncadd.s32 $0xFFFFF800  }
0x7a: {  	[tilespmem:s24], [sflag:$0x2] =	stream.indirect.gather [spmem:s2], $0x10, s21, s21, $0xb8;
	[tilespmem:$0x13900] =	vst v63  }
0x7b: {  	_ =	swait.ge [sflag:s19], $0x800  }
0x7c: {  	[sflag:s19] =	ssyncset.done $0x0  }
0x7d: {  	[sflag:s19] =	ssyncadd.s32 $0xFFFFF800  }
0x7e: {  	_ =	swait.ge [sflag:s25], $0x8000  }
0x7f: {  	[sflag:s25] =	ssyncset.done $0x0  }
0x80: {  	s18 =	simm.s32 $0x120;
	[sflag:s25] =	ssyncadd.s32 $0xFFFF8000  }
0x81: {  	s0 =	simm.s32 $0x920;
	v0 =	vld [tilespmem:s18+$0x10]  }
0x82: {  	v1 =	vld [tilespmem:s0+$0x10]  }
0x83: {  	v2 =	vld [tilespmem:s0+$0xFFFFFFE0]  }
0x84: {  	s20 =	simm.s32 $0x1300;
	v3 =	vld [tilespmem:s18+$0xFFFFFFF0]  }
0x85: {  	v4 =	vld [tilespmem:s20+$0x100]  }
0x86: {  	v5 =	vld [tilespmem:s20+$0x110]  }
0x87: {  	v6 =	vld [tilespmem:s0+$0xFFFFFFF0]  }
0x88: {  	v8 =	vld [tilespmem:s18+$0x0];
	v7 =	vmul.f32 v1, v0  }
0x89: {  	v1 =	vld [tilespmem:s20+$0x120]  }
0x8a: {  	v11 =	vld [tilespmem:s20+$0x130];
	v0 =	vbroadcast v7, $0x0;
	v9 =	vbroadcast v7, $0x1  }
0x8b: {  	v12 =	vld [tilespmem:s0+$0x0];
	v10 =	vbroadcast v7, $0x2  }
0x8c: {  	v16 =	vld [tilespmem:s20+$0xFFFFFF00];
	v4 =	vmul.f32 v0, v4;
	v5 =	vmul.f32 v5, v9  }
0x8d: {  	v19 =	vld [tilespmem:s20+$0xFFFFFF10];
	v0 =	vmul.f32 v6, v3  }
0x8e: {  	v35 =	vld [tilespmem:s20+$0xFFFFFF30];
	v1 =	vmul.f32 v1, v10;
	v4 =	vadd.f32 v5, v4;
	v5 =	vbroadcast v7, $0x3  }
0x8f: {  	v6 =	vld [tilespmem:s18+$0xFFFFFFE0];
	v9 =	vbroadcast v0, $0x0;
	v10 =	vbroadcast v0, $0x1  }
0x90: {  	v3 =	vld [tilespmem:s20+$0x140];
	v15 =	vbroadcast v0, $0x2;
	v32 =	vbroadcast v0, $0x3  }
0x91: {  	v40 =	vbroadcast v0, $0x5;
	v5 =	vmul.f32 v11, v5  }
0x92: {  	v4 =	vadd.f32 v1, v4;
	v11 =	vbroadcast v7, $0x4;
	v1 =	vmul.f32 v12, v8  }
0x93: {  	v9 =	vmul.f32 v9, v16;
	v10 =	vmul.f32 v19, v10  }
0x94: {  	v13 =	vld [tilespmem:s20+$0x150];
	v38 =	vmul.f32 v35, v32;
	v2 =	vmul.f32 v2, v6  }
0x95: {  	v4 =	vadd.f32 v5, v4;
	v3 =	vmul.f32 v3, v11;
	v5 =	vbroadcast v7, $0x5  }
0x96: {  	v8 =	vld [tilespmem:s20+$0x160];
	v6 =	vbroadcast v1, $0x0;
	v37 =	vbroadcast v1, $0x4  }
0x97: {  	v14 =	vld [tilespmem:s20+$0xFFFFFE00];
	v45 =	vbroadcast v1, $0x7;
	v50 =	vbroadcast v1, $0x9  }
0x98: {  	v11 =	vld [tilespmem:s20+$0x170];
	v55 =	vbroadcast v1, $0xB;
	v61 =	vbroadcast v1, $0xD  }
0x99: {  	v12 =	vld [tilespmem:s20+$0xFFFFFE10];
	v3 =	vadd.f32 v3, v4;
	v4 =	vmul.f32 v13, v5;
	v5 =	vbroadcast v7, $0x6  }
0x9a: {  	v18 =	vld [tilespmem:s20+$0x180];
	v17 =	vbroadcast v2, $0x1;
	v13 =	vbroadcast v2, $0x0  }
0x9b: {  	v20 =	vld [tilespmem:s20+$0x0];
	v3 =	vadd.f32 v4, v3;
	v4 =	vmul.f32 v8, v5;
	v5 =	vbroadcast v7, $0x7  }
0x9c: {  	v27 =	vbroadcast v2, $0x2;
	v8 =	vmul.f32 v13, v14;
	v14 =	vld [tilespmem:s20+$0x190]  }
0x9d: {  	v26 =	vld [tilespmem:s20+$0x10];
	v3 =	vadd.f32 v4, v3;
	v4 =	vmul.f32 v11, v5;
	v5 =	vbroadcast v7, $0x8  }
0x9e: {  	v9 =	vadd.f32 v10, v9;
	v10 =	vbroadcast v2, $0x3;
	v11 =	vmul.f32 v12, v17;
	v12 =	vld [tilespmem:s20+$0x1A0]  }
0x9f: {  	v28 =	vld [tilespmem:s20+$0x1B0];
	v3 =	vadd.f32 v4, v3;
	v4 =	vmul.f32 v18, v5;
	v5 =	vbroadcast v7, $0x9  }
0xa0: {  	v29 =	vld [tilespmem:s20+$0xFFFFFE20];
	v42 =	vbroadcast v2, $0x6;
	v43 =	vbroadcast v2, $0x7  }
0xa1: {  	v30 =	vld [tilespmem:s20+$0xFFFFFF20];
	v3 =	vadd.f32 v4, v3;
	v4 =	vmul.f32 v14, v5;
	v5 =	vbroadcast v7, $0xA  }
0xa2: {  	v47 =	vbroadcast v2, $0x8;
	v13 =	vbroadcast v1, $0x1;
	v14 =	vld [tilespmem:s20+$0x1C0]  }
0xa3: {  	v31 =	vld [tilespmem:s20+$0x20];
	v3 =	vadd.f32 v4, v3;
	v4 =	vmul.f32 v12, v5;
	v5 =	vbroadcast v7, $0xB  }
0xa4: {  	v6 =	vmul.f32 v6, v20;
	v12 =	vmul.f32 v26, v13;
	v13 =	vld [tilespmem:s20+$0x1D0]  }
0xa5: {  	v33 =	vld [tilespmem:s20+$0xFFFFFE30];
	v3 =	vadd.f32 v4, v3;
	v4 =	vmul.f32 v28, v5;
	v5 =	vbroadcast v7, $0xC  }
0xa6: {  	v48 =	vbroadcast v2, $0x9;
	v52 =	vbroadcast v2, $0xA;
	v6 =	vadd.f32 v12, v6;
	v12 =	vld [tilespmem:s20+$0x1E0]  }
0xa7: {  	v34 =	vld [tilespmem:s20+$0x1F0];
	v3 =	vadd.f32 v4, v3;
	v4 =	vmul.f32 v14, v5;
	v5 =	vbroadcast v7, $0xD  }
0xa8: {  	v36 =	vld [tilespmem:s20+$0xFFFFFE40];
	v8 =	vadd.f32 v11, v8;
	v11 =	vbroadcast v1, $0x2;
	v14 =	vmul.f32 v30, v15  }
0xa9: {  	v39 =	vld [tilespmem:s20+$0xFFFFFF50];
	v3 =	vadd.f32 v4, v3;
	v4 =	vmul.f32 v13, v5;
	v5 =	vbroadcast v7, $0xE  }
0xaa: {  	v41 =	vld [tilespmem:s20+$0xFFFFFE60];
	v17 =	vmul.f32 v29, v27;
	v11 =	vmul.f32 v31, v11  }
0xab: {  	v9 =	vadd.f32 v14, v9;
	v14 =	vld [tilespmem:s20+$0x30];
	v3 =	vadd.f32 v4, v3;
	v4 =	vmul.f32 v12, v5  }
0xac: {  	v44 =	vld [tilespmem:s20+$0x70];
	v8 =	vadd.f32 v17, v8;
	v5 =	vbroadcast v7, $0xF;
	v7 =	vmul.f32 v33, v10  }
0xad: {  	v15 =	vbroadcast v1, $0x3;
	v13 =	vbroadcast v2, $0x4;
	v10 =	vld [tilespmem:s20+$0xFFFFFF40]  }
0xae: {  	v3 =	vadd.f32 v4, v3;
	v4 =	vmul.f32 v34, v5;
	v5 =	vadd.f32 v7, v8;
	v7 =	vld [tilespmem:s20+$0xFFFFFE50]  }
0xaf: {  	v54 =	vbroadcast v2, $0xB;
	v57 =	vbroadcast v2, $0xC;
	v6 =	vadd.f32 v11, v6;
	v11 =	vld [tilespmem:s20+$0x40]  }
0xb0: {  	v46 =	vld [tilespmem:s20+$0xFFFFFE80];
	v14 =	vmul.f32 v14, v15;
	v15 =	vadd.f32 v4, v3;
	v3 =	vmul.f32 v36, v13  }
0xb1: {  	v12 =	vbroadcast v0, $0x4;
	v8 =	vbroadcast v2, $0x5;
	v4 =	vadd.f32 v38, v9;
	v9 =	vld [tilespmem:s20+$0x50]  }
0xb2: {  	v59 =	vbroadcast v2, $0xD;
	v18 =	vmul.f32 v39, v40;
	v3 =	vadd.f32 v3, v5;
	v5 =	vld [tilespmem:s20+$0xFFFFFF60]  }
0xb3: {  	v10 =	vmul.f32 v10, v12;
	v6 =	vadd.f32 v14, v6;
	v14 =	vld [tilespmem:s20+$0xFFFFFE70];
	v7 =	vmul.f32 v7, v8  }
0xb4: {  	v11 =	vmul.f32 v11, v37;
	v13 =	vbroadcast v1, $0x5;
	v8 =	vld [tilespmem:s20+$0x60]  }
0xb5: {  	v12 =	vbroadcast v0, $0x6;
	v4 =	vadd.f32 v10, v4;
	v3 =	vadd.f32 v7, v3;
	v7 =	vld [tilespmem:s20+$0xFFFFFF70]  }
0xb6: {  	v51 =	vld [tilespmem:s20+$0xFFFFFEA0];
	v21 =	vbroadcast v2, $0xE;
	v6 =	vadd.f32 v11, v6;
	v9 =	vmul.f32 v9, v13  }
0xb7: {  	v53 =	vld [tilespmem:s20+$0xFFFFFEB0];
	v10 =	vbroadcast v1, $0x6;
	v4 =	vadd.f32 v18, v4;
	v5 =	vmul.f32 v5, v12  }
0xb8: {  	v11 =	vbroadcast v0, $0x7;
	v13 =	vmul.f32 v41, v42;
	v6 =	vadd.f32 v9, v6;
	v9 =	vld [tilespmem:s20+$0xFFFFFF80]  }
0xb9: {  	v49 =	vmul.f32 v46, v47;
	v8 =	vmul.f32 v8, v10;
	v4 =	vadd.f32 v5, v4;
	v5 =	vld [tilespmem:s20+$0x80]  }
0xba: {  	v3 =	vadd.f32 v13, v3;
	v10 =	vmul.f32 v14, v43;
	v14 =	vld [tilespmem:s20+$0xFFFFFE90];
	v7 =	vmul.f32 v7, v11  }
0xbb: {  	v12 =	vbroadcast v0, $0x8;
	v6 =	vadd.f32 v8, v6;
	v8 =	vld [tilespmem:s20+$0xFFFFFF90];
	v11 =	vmul.f32 v44, v45  }
0xbc: {  	v13 =	vbroadcast v1, $0x8;
	v3 =	vadd.f32 v10, v3;
	v4 =	vadd.f32 v7, v4;
	v7 =	vld [tilespmem:s20+$0x90]  }
0xbd: {  	v2 =	vbroadcast v2, $0xF;
	v9 =	vmul.f32 v9, v12;
	v6 =	vadd.f32 v11, v6;
	v11 =	vld [tilespmem:s20+$0xFFFFFFA0]  }
0xbe: {  	v56 =	vld [tilespmem:s20+$0xFFFFFEC0];
	v10 =	vbroadcast v0, $0x9;
	v3 =	vadd.f32 v49, v3;
	v5 =	vmul.f32 v5, v13  }
0xbf: {  	v12 =	vbroadcast v0, $0xA;
	v13 =	vmul.f32 v14, v48;
	v4 =	vadd.f32 v9, v4;
	v9 =	vld [tilespmem:s20+$0xA0]  }
0xc0: {  	v58 =	vld [tilespmem:s20+$0xFFFFFED0];
	v14 =	vbroadcast v1, $0xA;
	v8 =	vmul.f32 v8, v10;
	v5 =	vadd.f32 v5, v6  }
0xc1: {  	v3 =	vadd.f32 v13, v3;
	v6 =	vld [tilespmem:s20+$0xFFFFFFB0];
	v13 =	vmul.f32 v51, v52;
	v7 =	vmul.f32 v7, v50  }
0xc2: {  	v10 =	vbroadcast v0, $0xB;
	v4 =	vadd.f32 v8, v4;
	v8 =	vld [tilespmem:s20+$0xB0];
	v11 =	vmul.f32 v11, v12  }
0xc3: {  	v3 =	vadd.f32 v13, v3;
	v13 =	vmul.f32 v53, v54;
	v5 =	vadd.f32 v7, v5;
	v7 =	vld [tilespmem:s20+$0xFFFFFFC0]  }
0xc4: {  	v60 =	vld [tilespmem:s20+$0xD0];
	v12 =	vbroadcast v0, $0xC;
	v9 =	vmul.f32 v9, v14  }
0xc5: {  	v4 =	vadd.f32 v11, v4;
	v11 =	vld [tilespmem:s20+$0xC0];
	v14 =	vbroadcast v1, $0xC;
	v3 =	vadd.f32 v13, v3  }
0xc6: {  	v13 =	vmul.f32 v56, v57;
	v6 =	vmul.f32 v6, v10;
	v5 =	vadd.f32 v9, v5;
	v9 =	vld [tilespmem:s20+$0xFFFFFFD0]  }
0xc7: {  	v10 =	vbroadcast v0, $0xD;
	v8 =	vmul.f32 v8, v55  }
0xc8: {  	v62 =	vld [tilespmem:s20+$0xFFFFFEE0];
	v4 =	vadd.f32 v6, v4;
	v6 =	vbroadcast v0, $0xE;
	v7 =	vmul.f32 v7, v12  }
0xc9: {  	v0 =	vbroadcast v0, $0xF;
	v8 =	vadd.f32 v8, v5;
	v12 =	vadd.f32 v13, v3;
	v3 =	vld [tilespmem:s20+$0xFFFFFFE0]  }
0xca: {  	v11 =	vmul.f32 v11, v14;
	v13 =	vmul.f32 v58, v59;
	v63 =	vadd.f32 v7, v4;
	v4 =	vld [tilespmem:s20+$0xE0]  }
0xcb: {  	v5 =	vld [tilespmem:s20+$0xFFFFFEF0];
	v14 =	vmul.f32 v60, v61;
	v9 =	vmul.f32 v9, v10  }
0xcc: {  	s1 =	simm.s32 $0x9120;
	v7 =	vbroadcast v1, $0xE;
	v11 =	vadd.f32 v11, v8;
	v10 =	vadd.f32 v13, v12;
	v8 =	vld [tilespmem:s20+$0xFFFFFFF0]  }
0xcd: {  	s9 =	simm.s32 $0x160;
	s18 =	simm.s32 $0x0;
	[tilespmem:s1+$0x10] =	vst v15;
	v13 =	vmul.f32 v62, v21;
	v1 =	vbroadcast v1, $0xF;
	v12 =	vadd.f32 v9, v63;
	v9 =	vld [tilespmem:s20+$0xF0]  }
.LBB2_5:
0xce: {  	v15 =	vld [tilespmem:s9+$0x10];
	v3 =	vmul.f32 v3, v6;
	v6 =	vadd.f32 v14, v11;
	s0 =	sadd.s32 $0x40, s0  }
0xcf: {  	s18 =	sadd.s32 $0x4, s18;
	v11 =	vld [tilespmem:s0+$0x10];
	v10 =	vadd.f32 v13, v10;
	v4 =	vmul.f32 v4, v7  }
0xd0: {  	p0 =	slt.u32 s18, $0x7C;
	v7 =	vld [tilespmem:s0+$0xFFFFFFE0];
	v2 =	vmul.f32 v5, v2;
	v3 =	vadd.f32 v3, v12  }
0xd1: {  	s20 =	sadd.s32 $0x400, s20;
	v5 =	vld [tilespmem:s9+$0xFFFFFFF0];
	v0 =	vmul.f32 v8, v0;
	v4 =	vadd.f32 v4, v6  }
0xd2: {  	v6 =	vld [tilespmem:s20+$0x100];
	v2 =	vadd.f32 v2, v10;
	v1 =	vmul.f32 v9, v1  }
0xd3: {  	v8 =	vld [tilespmem:s20+$0x110];
	v0 =	vadd.f32 v0, v3  }
0xd4: {  	v9 =	vld [tilespmem:s0+$0xFFFFFFF0];
	v3 =	vmul.f32 v11, v15;
	[tilespmem:s1+$0xFFFFFFE0] =	vst v2;
	v1 =	vadd.f32 v1, v4  }
0xd5: {  	v2 =	vld [tilespmem:s20+$0x120];
	[tilespmem:s1+$0xFFFFFFF0] =	vst v0  }
0xd6: {  	v4 =	vld [tilespmem:s9+$0x0];
	v0 =	vbroadcast v3, $0x0;
	v10 =	vbroadcast v3, $0x1;
	[tilespmem:s1+$0x0] =	vst v1  }
0xd7: {  	v1 =	vbroadcast v3, $0x2;
	v11 =	vld [tilespmem:s20+$0x130]  }
0xd8: {  	v12 =	vld [tilespmem:s0+$0x0];
	v6 =	vmul.f32 v0, v6;
	v8 =	vmul.f32 v8, v10  }
0xd9: {  	v0 =	vmul.f32 v9, v5;
	v5 =	vld [tilespmem:s20+$0x140]  }
0xda: {  	v9 =	vld [tilespmem:s9+$0xFFFFFFE0];
	v6 =	vadd.f32 v8, v6;
	v1 =	vmul.f32 v2, v1;
	v2 =	vbroadcast v3, $0x3  }
0xdb: {  	v8 =	vbroadcast v0, $0x0;
	v10 =	vbroadcast v0, $0x1;
	v13 =	vld [tilespmem:s20+$0x150]  }
0xdc: {  	v14 =	vld [tilespmem:s20+$0xFFFFFE00];
	v6 =	vadd.f32 v1, v6;
	v2 =	vmul.f32 v11, v2;
	v11 =	vbroadcast v3, $0x4  }
0xdd: {  	v15 =	vbroadcast v0, $0x2;
	v1 =	vmul.f32 v12, v4;
	v4 =	vld [tilespmem:s20+$0x160]  }
0xde: {  	v12 =	vld [tilespmem:s20+$0xFFFFFE10];
	v6 =	vadd.f32 v2, v6;
	v5 =	vmul.f32 v5, v11;
	v11 =	vbroadcast v3, $0x5  }
0xdf: {  	v2 =	vmul.f32 v7, v9;
	v7 =	vbroadcast v1, $0x0;
	v9 =	vld [tilespmem:s20+$0x170]  }
0xe0: {  	v16 =	vld [tilespmem:s20+$0xFFFFFF00];
	v5 =	vadd.f32 v5, v6;
	v6 =	vmul.f32 v13, v11;
	v11 =	vbroadcast v3, $0x6  }
0xe1: {  	v13 =	vbroadcast v2, $0x0;
	v17 =	vbroadcast v2, $0x1;
	v18 =	vld [tilespmem:s20+$0x180]  }
0xe2: {  	v19 =	vld [tilespmem:s20+$0xFFFFFF10];
	v5 =	vadd.f32 v6, v5;
	v4 =	vmul.f32 v4, v11;
	v6 =	vbroadcast v3, $0x7  }
0xe3: {  	v11 =	vmul.f32 v13, v14;
	v13 =	vbroadcast v1, $0x1;
	v14 =	vld [tilespmem:s20+$0x190]  }
0xe4: {  	v20 =	vld [tilespmem:s20+$0x0];
	v4 =	vadd.f32 v4, v5;
	v5 =	vmul.f32 v9, v6;
	v6 =	vbroadcast v3, $0x8  }
0xe5: {  	v9 =	vmul.f32 v12, v17;
	v8 =	vmul.f32 v8, v16;
	v12 =	vld [tilespmem:s20+$0x1A0]  }
0xe6: {  	v16 =	vld [tilespmem:s20+$0x10];
	v4 =	vadd.f32 v5, v4;
	v5 =	vmul.f32 v18, v6;
	v6 =	vbroadcast v3, $0x9  }
0xe7: {  	v9 =	vadd.f32 v9, v11;
	v11 =	vbroadcast v2, $0x2;
	v10 =	vmul.f32 v19, v10;
	v17 =	vld [tilespmem:s20+$0x1B0]  }
0xe8: {  	v18 =	vld [tilespmem:s20+$0xFFFFFE20];
	v4 =	vadd.f32 v5, v4;
	v5 =	vmul.f32 v14, v6;
	v6 =	vbroadcast v3, $0xA  }
0xe9: {  	v8 =	vadd.f32 v10, v8;
	v7 =	vmul.f32 v7, v20;
	v10 =	vbroadcast v1, $0x2;
	v14 =	vld [tilespmem:s20+$0x1C0]  }
0xea: {  	v19 =	vld [tilespmem:s20+$0xFFFFFF20];
	v4 =	vadd.f32 v5, v4;
	v5 =	vmul.f32 v12, v6;
	v6 =	vbroadcast v3, $0xB  }
0xeb: {  	v12 =	vbroadcast v2, $0x3;
	v13 =	vmul.f32 v16, v13;
	v16 =	vld [tilespmem:s20+$0x1D0]  }
0xec: {  	v20 =	vld [tilespmem:s20+$0x20];
	v4 =	vadd.f32 v5, v4;
	v5 =	vmul.f32 v17, v6;
	v6 =	vbroadcast v3, $0xC  }
0xed: {  	v17 =	vbroadcast v0, $0x3;
	v11 =	vmul.f32 v18, v11;
	v7 =	vadd.f32 v13, v7;
	v13 =	vld [tilespmem:s20+$0x1E0]  }
0xee: {  	v18 =	vld [tilespmem:s20+$0xFFFFFE30];
	v4 =	vadd.f32 v5, v4;
	v5 =	vmul.f32 v14, v6;
	v6 =	vbroadcast v3, $0xD  }
0xef: {  	v14 =	vbroadcast v1, $0x3;
	v9 =	vadd.f32 v11, v9;
	v11 =	vmul.f32 v19, v15;
	v15 =	vld [tilespmem:s20+$0x1F0]  }
0xf0: {  	v19 =	vld [tilespmem:s20+$0xFFFFFF30];
	v4 =	vadd.f32 v5, v4;
	v5 =	vmul.f32 v16, v6;
	v6 =	vbroadcast v3, $0xE  }
0xf1: {  	v16 =	vbroadcast v2, $0x4;
	v8 =	vadd.f32 v11, v8;
	v10 =	vmul.f32 v20, v10;
	v11 =	vld [tilespmem:s20+$0x30]  }
0xf2: {  	v3 =	vbroadcast v3, $0xF;
	v20 =	vld [tilespmem:s20+$0xFFFFFE40];
	v4 =	vadd.f32 v5, v4;
	v5 =	vmul.f32 v13, v6  }
0xf3: {  	v13 =	vbroadcast v0, $0x4;
	v6 =	vmul.f32 v18, v12;
	v12 =	vld [tilespmem:s20+$0xFFFFFF40];
	v7 =	vadd.f32 v10, v7  }
0xf4: {  	v18 =	vbroadcast v1, $0x4;
	v10 =	vld [tilespmem:s20+$0x40];
	v4 =	vadd.f32 v5, v4;
	v3 =	vmul.f32 v15, v3  }
0xf5: {  	v5 =	vadd.f32 v6, v9;
	v6 =	vld [tilespmem:s20+$0xFFFFFE50];
	v9 =	vbroadcast v2, $0x5;
	v15 =	vmul.f32 v19, v17  }
0xf6: {  	v19 =	vbroadcast v0, $0x5;
	v17 =	vld [tilespmem:s20+$0xFFFFFF50];
	v11 =	vmul.f32 v11, v14;
	v3 =	vadd.f32 v3, v4  }
0xf7: {  	s1 =	sadd.s32 $0x40, s1;
	v4 =	vmul.f32 v20, v16;
	v8 =	vadd.f32 v15, v8;
	v14 =	vld [tilespmem:s20+$0x50];
	v15 =	vbroadcast v1, $0x5  }
0xf8: {  	v20 =	vbroadcast v2, $0x6;
	v16 =	vld [tilespmem:s20+$0xFFFFFE60];
	v12 =	vmul.f32 v12, v13;
	v7 =	vadd.f32 v11, v7;
	[tilespmem:s1+$0x10] =	vst v3  }
0xf9: {  	v3 =	vadd.f32 v4, v5;
	v4 =	vld [tilespmem:s20+$0xFFFFFF60];
	v5 =	vbroadcast v0, $0x6;
	v10 =	vmul.f32 v10, v18  }
0xfa: {  	v11 =	vbroadcast v1, $0x6;
	v6 =	vmul.f32 v6, v9;
	v8 =	vadd.f32 v12, v8;
	v9 =	vld [tilespmem:s20+$0x60]  }
0xfb: {  	v13 =	vbroadcast v2, $0x7;
	v12 =	vld [tilespmem:s20+$0xFFFFFE70];
	v17 =	vmul.f32 v17, v19;
	v7 =	vadd.f32 v10, v7  }
0xfc: {  	v10 =	vbroadcast v0, $0x7;
	v3 =	vadd.f32 v6, v3;
	v6 =	vld [tilespmem:s20+$0xFFFFFF70];
	v14 =	vmul.f32 v14, v15  }
0xfd: {  	v15 =	vmul.f32 v16, v20;
	v8 =	vadd.f32 v17, v8;
	v16 =	vld [tilespmem:s20+$0x70];
	v17 =	vbroadcast v1, $0x7  }
0xfe: {  	v19 =	vbroadcast v2, $0x8;
	v18 =	vld [tilespmem:s20+$0xFFFFFE80];
	v4 =	vmul.f32 v4, v5;
	v5 =	vadd.f32 v14, v7  }
0xff: {  	v14 =	vbroadcast v0, $0x8;
	v3 =	vadd.f32 v15, v3;
	v7 =	vld [tilespmem:s20+$0xFFFFFF80];
	v9 =	vmul.f32 v9, v11  }
0x100: {  	v11 =	vmul.f32 v12, v13;
	v4 =	vadd.f32 v4, v8;
	v8 =	vld [tilespmem:s20+$0x80];
	v12 =	vbroadcast v1, $0x8  }
0x101: {  	v15 =	vbroadcast v2, $0x9;
	v13 =	vld [tilespmem:s20+$0xFFFFFE90];
	v6 =	vmul.f32 v6, v10;
	v5 =	vadd.f32 v9, v5  }
0x102: {  	v10 =	vbroadcast v0, $0x9;
	v3 =	vadd.f32 v11, v3;
	v9 =	vld [tilespmem:s20+$0xFFFFFF90];
	v11 =	vmul.f32 v16, v17  }
0x103: {  	v17 =	vbroadcast v1, $0x9;
	v16 =	vmul.f32 v18, v19;
	v4 =	vadd.f32 v6, v4;
	v6 =	vld [tilespmem:s20+$0x90]  }
0x104: {  	v19 =	vbroadcast v2, $0xA;
	v18 =	vld [tilespmem:s20+$0xFFFFFEA0];
	v7 =	vmul.f32 v7, v14;
	v5 =	vadd.f32 v11, v5  }
0x105: {  	v14 =	vbroadcast v0, $0xA;
	v3 =	vadd.f32 v16, v3;
	v11 =	vld [tilespmem:s20+$0xFFFFFFA0];
	v8 =	vmul.f32 v8, v12  }
0x106: {  	v12 =	vmul.f32 v13, v15;
	v4 =	vadd.f32 v7, v4;
	v7 =	vld [tilespmem:s20+$0xA0];
	v13 =	vbroadcast v1, $0xA  }
0x107: {  	v16 =	vbroadcast v2, $0xB;
	v15 =	vld [tilespmem:s20+$0xFFFFFEB0];
	v9 =	vmul.f32 v9, v10;
	v5 =	vadd.f32 v8, v5  }
0x108: {  	v10 =	vbroadcast v0, $0xB;
	v3 =	vadd.f32 v12, v3;
	v8 =	vld [tilespmem:s20+$0xFFFFFFB0];
	v6 =	vmul.f32 v6, v17  }
0x109: {  	v17 =	vbroadcast v1, $0xB;
	v12 =	vmul.f32 v18, v19;
	v4 =	vadd.f32 v9, v4;
	v9 =	vld [tilespmem:s20+$0xB0]  }
0x10a: {  	v19 =	vbroadcast v2, $0xC;
	v18 =	vld [tilespmem:s20+$0xFFFFFEC0];
	v11 =	vmul.f32 v11, v14;
	v5 =	vadd.f32 v6, v5  }
0x10b: {  	v3 =	vadd.f32 v12, v3;
	v6 =	vld [tilespmem:s20+$0xFFFFFFC0];
	v12 =	vbroadcast v0, $0xC;
	v7 =	vmul.f32 v7, v13  }
0x10c: {  	v14 =	vbroadcast v1, $0xC;
	v13 =	vmul.f32 v15, v16;
	v4 =	vadd.f32 v11, v4;
	v11 =	vld [tilespmem:s20+$0xC0]  }
0x10d: {  	v16 =	vbroadcast v2, $0xD;
	v15 =	vld [tilespmem:s20+$0xFFFFFED0];
	v8 =	vmul.f32 v8, v10;
	v5 =	vadd.f32 v7, v5  }
0x10e: {  	v3 =	vadd.f32 v13, v3;
	v10 =	vld [tilespmem:s20+$0xFFFFFFD0];
	v13 =	vbroadcast v0, $0xD;
	v7 =	vmul.f32 v9, v17  }
0x10f: {  	v9 =	vmul.f32 v18, v19;
	v4 =	vadd.f32 v8, v4;
	v17 =	vld [tilespmem:s20+$0xD0];
	v18 =	vbroadcast v1, $0xD  }
0x110: {  	v20 =	vbroadcast v2, $0xE;
	v19 =	vld [tilespmem:s20+$0xFFFFFEE0];
	v8 =	vmul.f32 v6, v12;
	v12 =	vadd.f32 v7, v5  }
.Ltmp1:
0x111: {  	v6 =	vbroadcast v0, $0xE;
	v9 =	vadd.f32 v9, v3;
	v3 =	vld [tilespmem:s20+$0xFFFFFFE0];
	v11 =	vmul.f32 v11, v14;
	(pc) =	sbr.rel @p0 .LBB2_5-.Ltmp1, $4  }
0x112: {  	v7 =	vbroadcast v1, $0xE;
	v14 =	vmul.f32 v15, v16;
	v15 =	vadd.f32 v8, v4;
	v4 =	vld [tilespmem:s20+$0xE0]  }
0x113: {  	v2 =	vbroadcast v2, $0xF;
	v5 =	vld [tilespmem:s20+$0xFFFFFEF0];
	v16 =	vmul.f32 v10, v13;
	v11 =	vadd.f32 v11, v12  }
0x114: {  	v0 =	vbroadcast v0, $0xF;
	v10 =	vadd.f32 v14, v9;
	v8 =	vld [tilespmem:s20+$0xFFFFFFF0];
	v14 =	vmul.f32 v17, v18  }
0x115: {  	s9 =	sadd.s32 $0x40, s9;
	v1 =	vbroadcast v1, $0xF;
	v13 =	vmul.f32 v19, v20;
	v12 =	vadd.f32 v16, v15;
	v9 =	vld [tilespmem:s20+$0xF0]  }
0x116: {  	_ = 	snop  }
0x117: {  	v3 =	vmul.f32 v3, v6;
	v63 =	vadd.f32 v14, v11  }
0x118: {  	v10 =	vadd.f32 v13, v10;
	v4 =	vmul.f32 v4, v7;
	v2 =	vmul.f32 v5, v2  }
0x119: {  	v3 =	vadd.f32 v3, v12;
	v0 =	vmul.f32 v8, v0  }
0x11a: {  	v4 =	vadd.f32 v4, v63;
	v2 =	vadd.f32 v2, v10;
	v1 =	vmul.f32 v9, v1  }
0x11b: {  	v0 =	vadd.f32 v0, v3  }
0x11c: {  	s31 =	sadd.s32 $0x1, s31;
	[tilespmem:s1+$0xFFFFFFE0] =	vst v2;
	v1 =	vadd.f32 v1, v4  }
0x11d: {  	p0 =	sne.s32 s31, s13;
	[tilespmem:s1+$0xFFFFFFF0] =	vst v0  }
.Ltmp2:
0x11e: {  	[tilespmem:s1+$0x0] =	vst v1;
	(pc) =	sbr.rel @p0 .LBB2_4-.Ltmp2, $4  }
0x11f: {  	[spmem:s3] =	stream.indirect.scatter.add.f32 [tilespmem:s26], [sflag:$0x2], $0x10, s21, s21, $0xb8;
	[tilespmem:$0x13900] =	vst v63  }
0x120: {  	_ =	swait.ge [sflag:s19], $0x800  }
0x121: {  	[sflag:s19] =	ssyncset.done $0x0  }
0x122: {  	[sflag:s19] =	ssyncadd.s32 $0xFFFFF800  }
0x123: {  	s28 =	sadd.s32 $0x1, s28  }
0x124: {  	p0 =	sne.s32 s28, s17  }
.Ltmp3:
0x125: {  	[bflag:$0x0] =	sbarrier.arrive $0xFFFF;
	(pc) =	sbr.rel @p0 .LBB2_1-.Ltmp3, $4  }
0x126: {  	[hbm:s16], [sflag:s29] =	dma.local [spmem:s30], $0x500  }
0x127: {  	_ =	swait.ge [sflag:s19], $0x500  }
0x128: {  	[sflag:s19] =	ssyncset.done $0x0  }
0x129: {  	s29 =	simm.s32 $0x9900;
	[sflag:s19] =	ssyncadd.s32 $0xFFFFFB00  }
0x12a: {  	_ =	sfence.sel $0x180000  }
0x12b: {  	[bflag:$0x0] =	sbarrier.arrive $0xFFFF  }
0x12c: {  	_ =	strace $0x9000004A  }
0x12d: {  	s0 =	stileid.u32;
	[bflag:$0x2] =	sbarrier.arrive $0xFFFF  }
0x12e: {  	p0 =	sne.s32 s0, $0x0;
	s0 =	rddreg [dreg:$0x3]  }
0x12f: {  	s0 =	sadd.s32 @!p0 $0x100000, s0  }
0x130: {  	[sflag:s0] =	ssyncadd.tile.s32 @!p0 $0x1;
	_ =	shalt  }
.Lfunc_end2:
_tile_overlayer_lowered:
.L_overlay_start_2:
0x131: {  	(tag) =	ssettag $0x2  }
0x132: {  	s0 =	rddreg [dreg:$0x0];
	s2 =	stileid.u32  }
0x133: {  	s1 =	rddreg [dreg:$0x1];
	p0 =	sne.s32 s2, $0x0  }
0x134: {  	s3 =	rddreg [dreg:$0x2];
	[bflag:$0x3] =	sbarrier.arrive $0xFFFF;
	s2 =	simm.s32 @!p0 $0x1C02  }
0x135: {  	[timem:s3], [sflag:s2] =	dma.local @!p0 [hbm:s0], s1  }
0x136: {  	s0 =	simm.s32 @!p0 $0x2  }
0x137: {  	_ =	swait.ge @!p0 [sflag:s0], s1  }
0x138: {  	s1 =	ssub.s32 @!p0 $0x0, s1;
	[sflag:s0] =	ssyncset.done @!p0 $0x0  }
0x139: {  	[sflag:s0] =	ssyncadd.s32 @!p0 s1  }
0x13a: {  	[bflag:$0x3] =	sbarrier.arrive $0xFFFF  }
0x13b: {  	_ =	shalt  }

// kernel: kernel.19.cloned.1.call-start
scs
__scs_entry_jumppad:
0x0: {  	(pc) =	sbr.rel $0x88, $3  }
0x1: {  	(tag) =	ssettag $0x0;
	lr =	simm.s32 $0x1  }
0x2: {  	[smem:$0x3F8C] =	sst lr;
	_ =	strace $0xD0000000  }
0x3: {  	_ = 	snop  }
0x4: {  	_ = 	snop  }
0x5: {  	_ = 	snop  }
0x6: {  	_ = 	snop  }
0x7: {  	_ = 	snop  }
__scs_overlays_trampoline_lowered:
0x8: {  	[smem:$0x3F9B] =	sst s0  }
0x9: {  	[smem:$0x3F9C] =	sst s1  }
0xa: {  	[smem:$0x3F9D] =	sst s2  }
0xb: {  	[smem:$0x3F9E] =	sst s3  }
0xc: {  	[smem:$0x3F9F] =	sst s4  }
0xd: {  	[smem:$0x3FA0] =	sst s5  }
0xe: {  	[smem:$0x3FA1] =	sst s6  }
0xf: {  	[smem:$0x3FA2] =	sst s7  }
0x10: {  	[smem:$0x3FA3] =	sst s8  }
0x11: {  	[smem:$0x3FA4] =	sst s9;
	s0 =	simm.s32 @!p0 $0x0  }
0x12: {  	s1 =	sld [smem:$0x3F8A];
	s0 =	simm.s32 @p0 $0x1  }
0x13: {  	[smem:$0x3FA5] =	sst s0;
	s0 =	simm.s32 @!p1 $0x0  }
0x14: {  	s2 =	sld [smem:$0x3F89];
	s0 =	simm.s32 @p1 $0x1  }
0x15: {  	[smem:$0x3FA6] =	sst s0;
	s0 =	simm.s32 @!p2 $0x0  }
0x16: {  	s3 =	sld [smem:$0x3FDB];
	s0 =	simm.s32 @p2 $0x1  }
0x17: {  	s4 =	simm.s32 $0x1BF5;
	[smem:$0x3FA8] =	sst s0  }
0x18: {  	s0 =	sld [smem:$0x3F8B];
	_ =	swait.ge [sflag:s4], $0x0  }
0x19: {  	s7 =	sld [smem:$0x3F8C]  }
0x1a: {  	s8 =	sadd.s32 $0xFFFFE003, lr  }
0x1b: {  	s9 =	sadd.s32 $0xFFFFFEF7, lr;
	s5 =	simm.s32 $0xFFFFFFFF;
	p2 =	slt.u32 s8, $0xFFFFF086  }
0x1c: {  	p1 =	slt.u32 s9, $0xF7A;
	s5 =	simm.s32 @!p2 $0x0  }
0x1d: {  	s5 =	simm.s32 @p1 $0x1;
	p0 =	seq.s32 s7, s2  }
0x1e: {  	s7 =	smul.u32 @!p0 $0xF7A, s2;
	p2 =	seq.s32 @!p0 s5, $0x0  }
0x1f: {  	s9 =	smul.u32 $0xF7A, s1;
	s8 =	simm.s32 @!p0 $0x1BF5;
	p2 =	por !p2, p0  }
0x20: {  	[sflag:s8] =	ssyncset.s32 @!p0 $0xFFFFF086;
	s6 =	sadd.s32 @!p0 s3, s7;
	s7 =	simm.s32 @!p0 $0x108  }
0x21: {  	s3 =	sadd.s32 s3, s9;
	s6 =	sadd.s32 @!p0 $0x88, s6;
	s7 =	simm.s32 @p2 $0x1082  }
0x22: {  	[simem:s7], [sflag:s8] =	dma.local @!p0 [hbm:s6], $0xF7A  }
0x23: {  	s9 =	sor.u32 $0xD0000000, s2;
	s6 =	simm.s32 $0x108;
	_ =	swait.ge @!p0 [sflag:s8], $0x0  }
0x24: {  	s3 =	sadd.s32 $0x88, s3;
	s6 =	simm.s32 @!p1 $0x1082;
	[sflag:s4] =	ssyncset.s32 $0xFFFFF086  }
0x25: {  	[simem:s6], [sflag:s4] =	dma.local [hbm:s3], $0xF7A  }
0x26: {  	[smem:$0x3F8C] =	sst s1;
	(tag) =	ssettag s2;
	_ =	strace s9  }
0x27: {  	s1 =	sld [smem:$0x3F9C]  }
0x28: {  	s2 =	sld [smem:$0x3F9D]  }
0x29: {  	s4 =	sld [smem:$0x3F9F]  }
0x2a: {  	p0 =	seq.s32 s5, $0x0;
	s5 =	sld [smem:$0x3FA0]  }
0x2b: {  	s6 =	sld [smem:$0x3FA1]  }
0x2c: {  	s7 =	sld [smem:$0x3FA2]  }
0x2d: {  	s3 =	simm.s32 $0x108;
	s8 =	sld [smem:$0x3FA3]  }
0x2e: {  	s3 =	simm.s32 @!p0 $0x1082;
	s9 =	sld [smem:$0x3FA4]  }
0x2f: {  	lr =	sadd.s32 s0, s3;
	s0 =	sld [smem:$0x3F9B]  }
0x30: {  	s3 =	sld [smem:$0x3F9E]  }
0x31: {  	[smem:$0x3FA7] =	sst s10  }
0x32: {  	s10 =	sld [smem:$0x3FA5];
	_ =	sdelay $0x3  }
0x33: {  	p0 =	seq.s32 s10, $0x1;
	s10 =	sld [smem:$0x3FA7];
	_ =	sdelay $0x3  }
0x34: {  	[smem:$0x3FA7] =	sst s10  }
0x35: {  	s10 =	sld [smem:$0x3FA6];
	_ =	sdelay $0x3  }
0x36: {  	p1 =	seq.s32 s10, $0x1;
	s10 =	sld [smem:$0x3FA7];
	_ =	sdelay $0x3  }
0x37: {  	[smem:$0x3FA7] =	sst s10  }
0x38: {  	s10 =	sld [smem:$0x3FA8]  }
0x39: {  	_ = 	snop;
	(pc) =	sbr.ind lr, $3  }
0x3a: {  	_ = 	snop  }
0x3b: {  	_ = 	snop  }
0x3c: {  	p2 =	seq.s32 s10, $0x1;
	s10 =	sld [smem:$0x3FA7]  }
0x3d: {  	_ =	shalt  }
0x3e: {  	_ =	shalt  }
0x3f: {  	_ =	shalt  }
0x40: {  	_ =	shalt  }
0x41: {  	_ =	shalt  }
0x42: {  	_ =	shalt  }
0x43: {  	_ =	shalt  }
0x44: {  	_ =	shalt  }
0x45: {  	_ =	shalt  }
0x46: {  	_ =	shalt  }
0x47: {  	_ =	shalt  }
0x48: {  	_ =	shalt  }
0x49: {  	_ =	shalt  }
0x4a: {  	_ =	shalt  }
0x4b: {  	_ =	shalt  }
0x4c: {  	_ =	shalt  }
0x4d: {  	_ =	shalt  }
0x4e: {  	_ =	shalt  }
0x4f: {  	_ =	shalt  }
0x50: {  	_ =	shalt  }
0x51: {  	_ =	shalt  }
0x52: {  	_ =	shalt  }
0x53: {  	_ =	shalt  }
0x54: {  	_ =	shalt  }
0x55: {  	_ =	shalt  }
0x56: {  	_ =	shalt  }
0x57: {  	_ =	shalt  }
0x58: {  	_ =	shalt  }
0x59: {  	_ =	shalt  }
0x5a: {  	_ =	shalt  }
0x5b: {  	_ =	shalt  }
0x5c: {  	_ =	shalt  }
0x5d: {  	_ =	shalt  }
0x5e: {  	_ =	shalt  }
0x5f: {  	_ =	shalt  }
0x60: {  	_ =	shalt  }
0x61: {  	_ =	shalt  }
0x62: {  	_ =	shalt  }
0x63: {  	_ =	shalt  }
0x64: {  	_ =	shalt  }
0x65: {  	_ =	shalt  }
0x66: {  	_ =	shalt  }
0x67: {  	_ =	shalt  }
0x68: {  	_ =	shalt  }
0x69: {  	_ =	shalt  }
0x6a: {  	_ =	shalt  }
0x6b: {  	_ =	shalt  }
0x6c: {  	_ =	shalt  }
0x6d: {  	_ =	shalt  }
0x6e: {  	_ =	shalt  }
0x6f: {  	_ =	shalt  }
0x70: {  	_ =	shalt  }
0x71: {  	_ =	shalt  }
0x72: {  	_ =	shalt  }
0x73: {  	_ =	shalt  }
0x74: {  	_ =	shalt  }
0x75: {  	_ =	shalt  }
0x76: {  	_ =	shalt  }
0x77: {  	_ =	shalt  }
0x78: {  	_ =	shalt  }
0x79: {  	_ =	shalt  }
0x7a: {  	_ =	shalt  }
0x7b: {  	_ =	shalt  }
0x7c: {  	_ =	shalt  }
0x7d: {  	_ =	shalt  }
0x7e: {  	_ =	shalt  }
0x7f: {  	_ =	shalt  }
0x80: {  	_ =	shalt  }
0x81: {  	_ =	shalt  }
0x82: {  	_ =	shalt  }
0x83: {  	_ =	shalt  }
0x84: {  	_ =	shalt  }
0x85: {  	_ =	shalt  }
0x86: {  	_ =	shalt  }
0x87: {  	_ =	shalt  }
.Lfunc_end0:
.L_simem_size_0:
called_computation.2_lowered:
.L_overlay_start_0:
0x88: {  	s2 =	sld [smem:$0x3FD9]  }
0x89: {  	s3 =	sld [smem:$0x3FFE];
	_ =	sdelay $0x1  }
0x8a: {  	s1 =	srdreg.scid  }
0x8b: {  	s0 =	sand.u32 $0x1, s1  }
0x8c: {  	s16 =	sshll.u32 s0, $0xA;
	s2 =	sadd.s32 s3, s2  }
0x8d: {  	s2 =	sadd.s32 s2, s16  }
0x8e: {  	[smem:$0x3FB3] =	sst s2  }
0x8f: {  	_ = 	snop  }
0x90: {  	(tm) =	ssettm $0x1  }
0x91: {  	s17 =	sld [smem:$0x3FFB];
	_ =	sdelay $0x3  }
0x92: {  	_ =	strace s17  }
0x93: {  	s2 =	sld [smem:$0x3FFC];
	_ =	sdelay $0x3  }
0x94: {  	_ =	strace s2  }
0x95: {  	s2 =	sld [smem:$0x3FFD];
	_ =	sdelay $0x3  }
0x96: {  	_ =	strace s2  }
0x97: {  	_ =	strace $0x8FFFFFFF  }
0x98: {  	s18 =	sld [smem:$0x3FDB];
	_ =	sdelay $0x1  }
0x99: {  	s19 =	simm.s32 $_scs_section_size  }
0x9a: {  	s4 =	simm.s32 $_size__tile_overlayer_lowered;
	s5 =	simm.s32 $_tile_overlayer_lowered  }
0x9b: {  	s22 =	simm.s32 $0x1BFF;
	s21 =	sshll.u32 s5, $0x1;
	s2 =	sadd.s32 s19, s18  }
0x9c: {  	s6 =	simm.s32 $0x0;
	s20 =	sshll.u32 s4, $0x1;
	s4 =	sadd.s32 s21, s2  }
0x9d: {  	[timem:s6], [sflag:s22] =	dma.local [hbm:s4], s20  }
0x9e: {  	_ =	swait.ge [sflag:s22], s20  }
0x9f: {  	s3 =	ssub.s32 $0x0, s20;
	[sflag:s22] =	ssyncset.done $0x0  }
0xa0: {  	[sflag:s22] =	ssyncadd.s32 s3;
	_ =	sdelay $0x1  }
0xa1: {  	s23 =	simm.s32 $0x1B8B  }
0xa2: {  	_ =	swait.ge [sflag:s23], $0x1  }
0xa3: {  	[sflag:s23] =	ssyncset.done $0x0  }
0xa4: {  	s25 =	simm.s32 $0x1B8E;
	s24 =	sld [smem:$0x3FFE];
	[sflag:s23] =	ssyncadd.s32 $0xFFFFFFFF  }
0xa5: {  	s26 =	simm.s32 $execute0_lowered;
	[smem:$0x3FD2] =	sst s25  }
0xa6: {  	s4 =	sshll.u32 s26, $0x1;
	_ =	strace $0x8000004C;
	[dreg:$0x1] =	wrdreg $0xFFFFFFFF  }
0xa7: {  	s28 =	simm.s32 $_size_execute0_lowered;
	s2 =	sadd.s32 s2, s4;
	[dreg:$0x0] =	wrdreg $0x0  }
0xa8: {  	s4 =	sshll.u32 s28, $0x1;
	[dreg:$0x2] =	wrdreg s2  }
0xa9: {  	[dreg:$0x3] =	wrdreg s4  }
0xaa: {  	[dreg:$0x4] =	wrdreg $0xC0  }
0xab: {  	_ =	task [dreg:s6], $0x5FFFF  }
0xac: {  	[dreg:$0x1] =	wrdreg $0xFFFFFFFF  }
0xad: {  	[dreg:$0x0] =	wrdreg $0x60  }
0xae: {  	[dreg:$0x2] =	wrdreg s24  }
0xaf: {  	[dreg:$0x3] =	wrdreg $0x11000  }
0xb0: {  	[dreg:$0x4] =	wrdreg $0x39000  }
0xb1: {  	[dreg:$0x5] =	wrdreg $0x61000  }
0xb2: {  	[dreg:$0x6] =	wrdreg $0x9  }
0xb3: {  	_ =	task.clear_ibuf [dreg:s6], $0x7FFFF;
	_ =	strace $0x9000004C  }
0xb4: {  	s29 =	simm.s32 $0x9;
	_ =	strace $0x8000004E  }
0xb5: {  	_ =	swait.ge [sflag:s29], $0x1  }
0xb6: {  	[sflag:s29] =	ssyncadd.s32 $0xFFFFFFFF  }
0xb7: {  	_ =	strace $0x9000004E  }
0xb8: {  	_ =	sfence  }
0xb9: {  	s30 =	sld [smem:$0x0];
	_ =	sdelay $0x2  }
0xba: {  	s31 =	sshll.u32 s1, $0xD;
	s1 =	sshrl.u32 s1, $0x2  }
0xbb: {  	s3 =	sand.u32 $0x4000, s31;
	s1 =	sadd.s32 s1, s30  }
0xbc: {  	s0 =	sor.u32 s3, s0;
	s1 =	sshll.u32 s1, $0x11  }
0xbd: {  	s0 =	sor.u32 s1, s0  }
0xbe: {  	s0 =	sadd.s32 $0x8F2B, s0  }
0xbf: {  	[sflag:s0] =	ssyncadd.remote.s32 $0x1  }
0xc0: {  	_ =	sfence.sel $0xFFFF  }
0xc1: {  	[dreg:$0x0] =	wrdreg $0xFFFFFFFF;
	(pc) =	sbr.abs _section_cstart, $3  }
0xc2: {  	[dreg:$0x1] =	wrdreg $0xFFFFFFFF  }
0xc3: {  	_ =	task.clear_ibuf [dreg:s6], $0x2FFFF;
	_ =	strace $0x9FFFFFFF  }
0xc4: {  	(tm) =	ssettm $0x7FFFFFFF  }
0xc5: {  	_ =	shalt  }
tec
execute0_lowered:
.L_overlay_start_1:
0x0: {  	(tag) =	ssettag $0x1  }
0x1: {  	s0 =	rddreg [dreg:$0x0]  }
0x2: {  	s1 =	rddreg [dreg:$0x1]  }
0x3: {  	s3 =	rddreg [dreg:$0x2]  }
0x4: {  	s4 =	rddreg [dreg:$0x3];
	s2 =	stileid.u32  }
0x5: {  	s6 =	srdreg.scid;
	s5 =	simm.s32 $0x0;
	s18 =	simm.s32 $0x1  }
0x6: {  	s21 =	simm.s32 $0x80;
	s22 =	simm.s32 $0x100;
	s23 =	simm.s32 $0x900  }
0x7: {  	s24 =	simm.s32 $0x0;
	s12 =	smul.u32 $0x2800, s2;
	s14 =	sand.u32 $0x1, s6  }
0x8: {  	[smem:$0x7FF] =	sst s5;
	s6 =	sadd.s32 $0x64E00, s0;
	s7 =	sadd.s32 $0x5FE00, s0  }
0x9: {  	s31 =	sshll.u32 s2, $0x6;
	p0 =	seq.s32 s2, $0x0;
	s15 =	sshll.u32 s2, $0x8  }
0xa: {  	s8 =	smul.u32 $0x28000, s14;
	_ =	strace $0x8000004D;
	s10 =	ssub.s32 $0x2, s14  }
0xb: {  	s14 =	sshll.u32 s14, $0x7;
	s9 =	sshrl.u32 s12, $0x3;
	s11 =	sshrl.u32 s10, $0x1  }
0xc: {  	s17 =	sadd.s32 s12, s1;
	s19 =	sadd.s32 s12, s3;
	s20 =	sadd.s32 s12, s4  }
0xd: {  	s14 =	sor.u32 s14, s15;
	s8 =	sadd.s32 s12, s8;
	s13 =	sadd.s32 s9, s0  }
0xe: {  	s16 =	ssub.s32 s10, s11;
	s10 =	sor.u32 $0x1C01, s31;
	s17 =	sshrl.u32 s17, $0x3  }
0xf: {  	s19 =	sshrl.u32 s19, $0x3;
	s20 =	sshrl.u32 s20, $0x3;
	s30 =	sshrl.u32 s8, $0x3  }
0x10: {  	s8 =	sadd.s32 $0x78E00, s0;
	s9 =	sadd.s32 $0x55E00, s13;
	s11 =	sadd.s32 $0x5AE00, s13  }
0x11: {  	s12 =	sadd.s32 $0x69E00, s13;
	s13 =	simm.s32 $0x28;
	s0 =	sadd.s32 s30, s0  }
0x12: {  	s16 =	smax.u32 s16, $0x1;
	s13 =	simm.s32 @!p0 $0x27;
	s15 =	sadd.s32 $0x6EE00, s0  }
.LBB2_1:
0x13: {  	[spmem:s17], [sflag:s10] =	dma.local [hbm:s9], $0x500  }
0x14: {  	_ =	swait.ge [sflag:s18], $0x500  }
0x15: {  	[sflag:s18] =	ssyncset.done $0x0  }
0x16: {  	[sflag:s18] =	ssyncadd.s32 $0xFFFFFB00  }
0x17: {  	[spmem:s19], [sflag:s10] =	dma.local [hbm:s11], $0x500  }
0x18: {  	_ =	swait.ge [sflag:s18], $0x500  }
0x19: {  	[sflag:s18] =	ssyncset.done $0x0  }
0x1a: {  	[sflag:s18] =	ssyncadd.s32 $0xFFFFFB00  }
0x1b: {  	[spmem:s20], [sflag:s10] =	dma.local [hbm:s12], $0x500  }
0x1c: {  	_ =	swait.ge [sflag:s18], $0x500  }
0x1d: {  	[sflag:s18] =	ssyncset.done $0x0  }
0x1e: {  	[sflag:s18] =	ssyncadd.s32 $0xFFFFFB00  }
0x1f: {  	s25 =	simm.s32 $0x0;
	[bflag:$0x0] =	sbarrier.arrive $0xFFFF  }
.LBB2_2:
0x20: {  	s0 =	sshll.u32 s25, $0xC  }
0x21: {  	s26 =	sor.u32 s14, s0  }
0x22: {  	s0 =	sshrl.u32 s26, $0x3  }
0x23: {  	s28 =	sadd.s32 s6, s0  }
0x24: {  	[tilespmem:s5], [sflag:$0x1] =	stream.linear.gather [hbm4b:s28+s5], $0x80, $0x38;
	[tilespmem:$0x8900] =	vst v63  }
0x25: {  	_ =	swait.ge [sflag:s18], $0x80  }
0x26: {  	[sflag:s18] =	ssyncset.done $0x0  }
0x27: {  	s0 =	sadd.s32 s7, s0;
	[sflag:s18] =	ssyncadd.s32 $0xFFFFFF80  }
0x28: {  	[tilespmem:s21], [sflag:$0x1] =	stream.linear.gather [hbm4b:s0+s5], $0x80, $0x38;
	[tilespmem:$0x8900] =	vst v63  }
0x29: {  	_ =	swait.ge [sflag:s18], $0x80  }
0x2a: {  	[sflag:s18] =	ssyncset.done $0x0  }
0x2b: {  	[sflag:s18] =	ssyncadd.s32 $0xFFFFFF80  }
0x2c: {  	[tilespmem:s22], [sflag:$0x1] =	stream.indirect.gather [spmem:s1], $0x10, s5, s21, $0xb8;
	[tilespmem:$0x8900] =	vst v63  }
0x2d: {  	_ =	swait.ge [sflag:s18], $0x800  }
0x2e: {  	[sflag:s18] =	ssyncset.done $0x0  }
0x2f: {  	[sflag:s18] =	ssyncadd.s32 $0xFFFFF800  }
0x30: {  	[tilespmem:s23], [sflag:$0x1] =	stream.indirect.gather [spmem:s3], $0x10, s21, s21, $0xb8;
	[tilespmem:$0x8900] =	vst v63  }
0x31: {  	_ =	swait.ge [sflag:s18], $0x800  }
0x32: {  	[sflag:s18] =	ssyncset.done $0x0  }
0x33: {  	s0 =	simm.s32 $0x140;
	[sflag:s18] =	ssyncadd.s32 $0xFFFFF800  }
0x34: {  	s28 =	simm.s32 $0x940;
	v0 =	vld [tilespmem:s0+$0x30]  }
0x35: {  	v1 =	vld [tilespmem:s28+$0x30]  }
0x36: {  	v2 =	vld [tilespmem:s28+$0xFFFFFFC0]  }
0x37: {  	v3 =	vld [tilespmem:s0+$0xFFFFFFD0]  }
0x38: {  	v4 =	vld [tilespmem:s28+$0xFFFFFFD0]  }
0x39: {  	v5 =	vld [tilespmem:s0+$0xFFFFFFE0]  }
0x3a: {  	v6 =	vld [tilespmem:s28+$0xFFFFFFE0]  }
0x3b: {  	v7 =	vld [tilespmem:s0+$0xFFFFFFF0]  }
0x3c: {  	v8 =	vld [tilespmem:s28+$0xFFFFFFF0]  }
0x3d: {  	v9 =	vld [tilespmem:s28+$0x0]  }
0x3e: {  	v11 =	vld [tilespmem:s0+$0x10];
	v0 =	vadd.f32 v1, v0  }
0x3f: {  	v1 =	vld [tilespmem:s0+$0x0]  }
0x40: {  	v13 =	vld [tilespmem:s0+$0xFFFFFFC0];
	v3 =	vadd.f32 v4, v3;
	v10 =	vmul.f32 $1.000000010e-01, v0  }
0x41: {  	v4 =	vld [tilespmem:s28+$0x10];
	v5 =	vadd.f32 v6, v5  }
0x42: {  	v6 =	vld [tilespmem:s0+$0x20];
	v7 =	vadd.f32 v8, v7;
	v0 =	vmax.f32 v0, v10;
	v10 =	vmul.f32 $1.000000010e-01, v3  }
0x43: {  	v8 =	vld [tilespmem:s28+$0x20];
	v12 =	vmul.f32 $1.000000010e-01, v5;
	v0 =	vmul.f32 $1.442695020e+00, v0  }
0x44: {  	s0 =	simm.s32 $0x1C0;
	v1 =	vadd.f32 v9, v1;
	v3 =	vmax.f32 v3, v10;
	v10 =	vmul.f32 $1.000000010e-01, v7  }
0x45: {  	s29 =	simm.s32 $0x9C0;
	v9 =	vld [tilespmem:s0+$0x30];
	(erf) = vpow2.f32 v0;
	v0 =	vmax.f32 v5, v12;
	v3 =	vmul.f32 $1.442695020e+00, v3  }
0x46: {  	v5 =	vld [tilespmem:s29+$0x30];
	v12 =	vmul.f32 $1.442695020e+00, v0;
	v7 =	vmax.f32 v7, v10;
	v10 =	vmul.f32 $1.000000010e-01, v1  }
0x47: {  	v61 =	vld [tilespmem:s29+$0xFFFFFFE0];
	v4 =	vadd.f32 v4, v11;
	v7 =	vmul.f32 $1.442695020e+00, v7;
	(erf) = vpow2.f32 v3  }
0x48: {  	v2 =	vadd.f32 v2, v13;
	v6 =	vadd.f32 v8, v6;
	v8 =	vld [tilespmem:s29+$0xFFFFFFD0];
	(erf) = vpow2.f32 v12  }
0x49: {  	v3 =	vld [tilespmem:s0+$0xFFFFFFD0];
	v1 =	vmax.f32 v1, v10;
	v10 =	vmul.f32 $1.000000010e-01, v4;
	(erf) = vpow2.f32 v7  }
0x4a: {  	v14 =	vld [tilespmem:s29+$0x0];
	v1 =	vmul.f32 $1.442695020e+00, v1;
	v7 =	vmul.f32 $1.000000010e-01, v6  }
0x4b: {  	v11 =	vld [tilespmem:s0+$0xFFFFFFE0];
	v4 =	vmax.f32 v4, v10;
	v5 =	vadd.f32 v5, v9;
	v9 =	vmul.f32 $1.000000010e-01, v2  }
0x4c: {  	v10 =	vld [tilespmem:s0+$0xFFFFFFF0];
	v4 =	vmul.f32 $1.442695020e+00, v4;
	v6 =	vmax.f32 v6, v7;
	(erf) = vpow2.f32 v1  }
0x4d: {  	v7 =	vld [tilespmem:s29+$0xFFFFFFF0];
	v1 =	vmul.f32 $1.000000010e-01, v5;
	v6 =	vmul.f32 $1.442695020e+00, v6  }
0x4e: {  	v62 =	vld [tilespmem:s0+$0x0];
	v2 =	vmax.f32 v2, v9;
	v8 =	vadd.f32 v8, v3;
	(erf) = vpow2.f32 v4  }
0x4f: {  	v0 =	vld [tilespmem:s29+$0xFFFFFFC0];
	v2 =	vmul.f32 $1.442695020e+00, v2;
	v3 =	vpop (erf);
	v4 =	vmax.f32 v5, v1;
	(erf) = vpow2.f32 v6  }
0x50: {  	v9 =	vadd.f32 v61, v11;
	v1 =	vld [tilespmem:s0+$0x10];
	v4 =	vmul.f32 $1.442695020e+00, v4  }
0x51: {  	v5 =	vmul.f32 $1.000000010e-01, v8;
	[tilespmem:s28+$0x30] =	vst v3;
	v3 =	vld [tilespmem:s29+$0x10];
	v6 =	vpop (erf);
	(erf) = vpow2.f32 v2  }
0x52: {  	v11 =	vmul.f32 $1.000000010e-01, v9;
	v2 =	vld [tilespmem:s0+$0x20];
	[tilespmem:s28+$0xFFFFFFD0] =	vst v6;
	v6 =	vadd.f32 v7, v10;
	v7 =	vpop (erf);
	(erf) = vpow2.f32 v4  }
0x53: {  	v8 =	vmax.f32 v8, v5;
	v4 =	vld [tilespmem:s29+$0x20];
	[tilespmem:s28+$0xFFFFFFE0] =	vst v7;
	v63 =	vpop (erf)  }
0x54: {  	s31 =	simm.s32 $0x8;
	s30 =	simm.s32 $0x9C0;
	v5 =	vld [tilespmem:s0+$0xFFFFFFC0];
	s0 =	simm.s32 $0x240;
	v10 =	vmax.f32 v9, v11;
	v7 =	vadd.f32 v14, v62;
	v9 =	vmul.f32 $1.000000010e-01, v6;
	[tilespmem:s28+$0xFFFFFFF0] =	vst v63  }
.LBB2_3:
0x55: {  	v11 =	vld [tilespmem:s0+$0x30];
	v14 =	vmul.f32 $1.442695020e+00, v8;
	v10 =	vmul.f32 $1.442695020e+00, v10;
	s29 =	sadd.s32 $0x80, s29;
	v12 =	vpop (erf)  }
0x56: {  	s31 =	sadd.s32 $0x8, s31;
	v13 =	vld [tilespmem:s29+$0x30];
	v6 =	vmax.f32 v6, v9;
	v9 =	vmul.f32 $1.000000010e-01, v7;
	v1 =	vadd.f32 v3, v1;
	[tilespmem:s28+$0x0] =	vst v12  }
0x57: {  	p0 =	slt.u32 s31, $0x78;
	v3 =	vld [tilespmem:s29+$0xFFFFFFC0];
	v15 =	vmul.f32 $1.442695020e+00, v6;
	(erf) = vpow2.f32 v14;
	v8 =	vpop (erf)  }
0x58: {  	v12 =	vld [tilespmem:s0+$0xFFFFFFD0];
	v7 =	vmax.f32 v7, v9;
	v9 =	vmul.f32 $1.000000010e-01, v1;
	v2 =	vadd.f32 v4, v2;
	[tilespmem:s28+$0x10] =	vst v8;
	v4 =	vpop (erf)  }
0x59: {  	v8 =	vld [tilespmem:s29+$0xFFFFFFD0];
	v5 =	vadd.f32 v0, v5;
	v14 =	vmul.f32 $1.442695020e+00, v7;
	(erf) = vpow2.f32 v10;
	[tilespmem:s28+$0x20] =	vst v4  }
0x5a: {  	v4 =	vld [tilespmem:s0+$0xFFFFFFE0];
	v1 =	vmax.f32 v1, v9;
	v7 =	vmul.f32 $1.000000010e-01, v2;
	(erf) = vpow2.f32 v15;
	v6 =	vpop (erf)  }
0x5b: {  	v9 =	vld [tilespmem:s29+$0xFFFFFFE0];
	v10 =	vadd.f32 v13, v11;
	v11 =	vmul.f32 $1.000000010e-01, v5;
	v1 =	vmul.f32 $1.442695020e+00, v1;
	v13 =	vpop (erf);
	[tilespmem:s28+$0xFFFFFFC0] =	vst v6;
	s28 =	smov.u32 s30;
	s30 =	smov.u32 s29  }
0x5c: {  	v6 =	vld [tilespmem:s0+$0xFFFFFFF0];
	v2 =	vmax.f32 v2, v7;
	[tilespmem:s28+$0x30] =	vst v13;
	(erf) = vpow2.f32 v14;
	v0 =	vmov v3  }
0x5d: {  	v7 =	vld [tilespmem:s29+$0xFFFFFFF0];
	v3 =	vmul.f32 $1.000000010e-01, v10;
	v5 =	vmax.f32 v5, v11;
	v13 =	vmul.f32 $1.442695020e+00, v2  }
0x5e: {  	v8 =	vadd.f32 v8, v12;
	v11 =	vld [tilespmem:s0+$0x0];
	v5 =	vmul.f32 $1.442695020e+00, v5;
	(erf) = vpow2.f32 v1  }
0x5f: {  	v12 =	vld [tilespmem:s29+$0x0];
	v3 =	vmax.f32 v10, v3;
	(erf) = vpow2.f32 v13  }
.Ltmp0:
0x60: {  	v10 =	vmul.f32 $1.000000010e-01, v8;
	v9 =	vadd.f32 v9, v4;
	v1 =	vld [tilespmem:s0+$0x10];
	v4 =	vmul.f32 $1.442695020e+00, v3;
	v2 =	vpop (erf);
	(pc) =	sbr.rel @p0 .LBB2_3-.Ltmp0, $4  }
0x61: {  	v3 =	vld [tilespmem:s29+$0x10];
	[tilespmem:s28+$0xFFFFFFD0] =	vst v2;
	(erf) = vpow2.f32 v5  }
0x62: {  	v13 =	vmul.f32 $1.000000010e-01, v9;
	v6 =	vadd.f32 v7, v6;
	v2 =	vld [tilespmem:s0+$0x20];
	(erf) = vpow2.f32 v4;
	v5 =	vpop (erf)  }
0x63: {  	v8 =	vmax.f32 v8, v10;
	v4 =	vld [tilespmem:s29+$0x20];
	[tilespmem:s28+$0xFFFFFFE0] =	vst v5;
	v14 =	vpop (erf)  }
0x64: {  	v5 =	vld [tilespmem:s0+$0xFFFFFFC0];
	v10 =	vmax.f32 v9, v13;
	v9 =	vmul.f32 $1.000000010e-01, v6;
	v7 =	vadd.f32 v12, v11;
	s0 =	sadd.s32 $0x80, s0;
	[tilespmem:s28+$0xFFFFFFF0] =	vst v14  }
0x65: {  	_ = 	snop  }
0x66: {  	v8 =	vmul.f32 $1.442695020e+00, v8  }
0x67: {  	v10 =	vmul.f32 $1.442695020e+00, v10;
	v6 =	vmax.f32 v6, v9;
	v1 =	vadd.f32 v3, v1  }
0x68: {  	v46 =	vmul.f32 $1.000000010e-01, v7;
	v47 =	vmul.f32 $1.442695020e+00, v6;
	v2 =	vadd.f32 v4, v2  }
0x69: {  	(erf) = vpow2.f32 v8;
	v49 =	vmul.f32 $1.000000010e-01, v1;
	v0 =	vadd.f32 v0, v5  }
0x6a: {  	v48 =	vmax.f32 v7, v46;
	(erf) = vpow2.f32 v10;
	v50 =	vmul.f32 $1.000000010e-01, v2  }
0x6b: {  	v4 =	vmul.f32 $1.442695020e+00, v48;
	v1 =	vmax.f32 v1, v49;
	v51 =	vmul.f32 $1.000000010e-01, v0  }
0x6c: {  	(erf) = vpow2.f32 v47;
	v1 =	vmul.f32 $1.442695020e+00, v1;
	v2 =	vmax.f32 v2, v50  }
0x6d: {  	(erf) = vpow2.f32 v4;
	v0 =	vmax.f32 v0, v51;
	v2 =	vmul.f32 $1.442695020e+00, v2  }
0x6e: {  	v52 =	vpop (erf);
	(erf) = vpow2.f32 v1;
	v0 =	vmul.f32 $1.442695020e+00, v0  }
0x6f: {  	[tilespmem:s28+$0x0] =	vst v52;
	v53 =	vpop (erf);
	(erf) = vpow2.f32 v2  }
0x70: {  	[tilespmem:s28+$0x10] =	vst v53;
	v54 =	vpop (erf);
	(erf) = vpow2.f32 v0  }
0x71: {  	[tilespmem:s28+$0x20] =	vst v54;
	v55 =	vpop (erf)  }
0x72: {  	v56 =	vpop (erf);
	[tilespmem:s28+$0xFFFFFFC0] =	vst v55  }
0x73: {  	[tilespmem:s30+$0x30] =	vst v56;
	v57 =	vpop (erf)  }
0x74: {  	[tilespmem:s30+$0xFFFFFFD0] =	vst v57;
	v58 =	vpop (erf)  }
0x75: {  	[tilespmem:s30+$0xFFFFFFE0] =	vst v58;
	v59 =	vpop (erf)  }
0x76: {  	[tilespmem:s30+$0xFFFFFFF0] =	vst v59;
	v60 =	vpop (erf)  }
0x77: {  	[tilespmem:s30+$0x0] =	vst v60;
	v61 =	vpop (erf)  }
0x78: {  	[tilespmem:s30+$0x10] =	vst v61;
	v62 =	vpop (erf)  }
0x79: {  	s0 =	sshll.u32 s26, $0x1;
	[tilespmem:s30+$0x20] =	vst v62;
	v63 =	vpop (erf)  }
0x7a: {  	s0 =	sadd.s32 s8, s0;
	[tilespmem:s30+$0xFFFFFFC0] =	vst v63  }
0x7b: {  	[hbm4b:s0+s5] =	stream.linear.scatter [tilespmem:s23], [sflag:$0x1], $0x800, $0x38;
	[tilespmem:$0x8900] =	vst v63  }
0x7c: {  	s25 =	sadd.s32 $0x1, s25;
	_ =	swait.ge [sflag:s18], $0x800  }
0x7d: {  	p0 =	sne.s32 s25, s13;
	[sflag:s18] =	ssyncset.done $0x0  }
.Ltmp1:
0x7e: {  	[sflag:s18] =	ssyncadd.s32 $0xFFFFF800;
	(pc) =	sbr.rel @p0 .LBB2_2-.Ltmp1, $4  }
0x7f: {  	[spmem:s4] =	stream.indirect.scatter.add.f32 [tilespmem:s23], [sflag:$0x1], $0x10, s21, s21, $0xb8;
	[tilespmem:$0x8900] =	vst v63  }
0x80: {  	_ =	swait.ge [sflag:s18], $0x800  }
0x81: {  	[sflag:s18] =	ssyncset.done $0x0  }
0x82: {  	[sflag:s18] =	ssyncadd.s32 $0xFFFFF800  }
0x83: {  	s24 =	sadd.s32 $0x1, s24  }
0x84: {  	p0 =	sne.s32 s24, s16  }
.Ltmp2:
0x85: {  	[bflag:$0x0] =	sbarrier.arrive $0xFFFF;
	(pc) =	sbr.rel @p0 .LBB2_1-.Ltmp2, $4  }
0x86: {  	[hbm:s15], [sflag:s10] =	dma.local [spmem:s20], $0x500  }
0x87: {  	_ =	swait.ge [sflag:s18], $0x500  }
0x88: {  	[sflag:s18] =	ssyncset.done $0x0  }
0x89: {  	[sflag:s18] =	ssyncadd.s32 $0xFFFFFB00  }
0x8a: {  	_ =	sfence.sel $0x180000  }
0x8b: {  	[bflag:$0x0] =	sbarrier.arrive $0xFFFF  }
0x8c: {  	_ =	strace $0x9000004D  }
0x8d: {  	[bflag:$0x2] =	sbarrier.arrive $0xFFFF  }
0x8e: {  	p0 =	sne.s32 s2, $0x0;
	s0 =	rddreg [dreg:$0x4]  }
0x8f: {  	s0 =	sadd.s32 @!p0 $0x100000, s0  }
0x90: {  	[sflag:s0] =	ssyncadd.tile.s32 @!p0 $0x1;
	_ =	shalt  }
.Lfunc_end2:
_tile_overlayer_lowered:
.L_overlay_start_2:
0x91: {  	(tag) =	ssettag $0x2  }
0x92: {  	s0 =	rddreg [dreg:$0x0];
	s2 =	stileid.u32  }
0x93: {  	s1 =	rddreg [dreg:$0x1];
	p0 =	sne.s32 s2, $0x0  }
0x94: {  	s3 =	rddreg [dreg:$0x2];
	[bflag:$0x3] =	sbarrier.arrive $0xFFFF;
	s2 =	simm.s32 @!p0 $0x1C01  }
0x95: {  	[timem:s3], [sflag:s2] =	dma.local @!p0 [hbm:s0], s1  }
0x96: {  	s0 =	simm.s32 @!p0 $0x1  }
0x97: {  	_ =	swait.ge @!p0 [sflag:s0], s1  }
0x98: {  	s1 =	ssub.s32 @!p0 $0x0, s1;
	[sflag:s0] =	ssyncset.done @!p0 $0x0  }
0x99: {  	[sflag:s0] =	ssyncadd.s32 @!p0 s1  }
0x9a: {  	[bflag:$0x3] =	sbarrier.arrive $0xFFFF  }
0x9b: {  	_ =	shalt  }

// kernel: kernel.22.cloned.1.call-start
scs
__scs_entry_jumppad:
0x0: {  	(pc) =	sbr.rel $0x88, $3  }
0x1: {  	(tag) =	ssettag $0x0;
	lr =	simm.s32 $0x1  }
0x2: {  	[smem:$0x3F8C] =	sst lr;
	_ =	strace $0xD0000000  }
0x3: {  	_ = 	snop  }
0x4: {  	_ = 	snop  }
0x5: {  	_ = 	snop  }
0x6: {  	_ = 	snop  }
0x7: {  	_ = 	snop  }
__scs_overlays_trampoline_lowered:
0x8: {  	[smem:$0x3F9B] =	sst s0  }
0x9: {  	[smem:$0x3F9C] =	sst s1  }
0xa: {  	[smem:$0x3F9D] =	sst s2  }
0xb: {  	[smem:$0x3F9E] =	sst s3  }
0xc: {  	[smem:$0x3F9F] =	sst s4  }
0xd: {  	[smem:$0x3FA0] =	sst s5  }
0xe: {  	[smem:$0x3FA1] =	sst s6  }
0xf: {  	[smem:$0x3FA2] =	sst s7  }
0x10: {  	[smem:$0x3FA3] =	sst s8  }
0x11: {  	[smem:$0x3FA4] =	sst s9;
	s0 =	simm.s32 @!p0 $0x0  }
0x12: {  	s1 =	sld [smem:$0x3F8A];
	s0 =	simm.s32 @p0 $0x1  }
0x13: {  	[smem:$0x3FA5] =	sst s0;
	s0 =	simm.s32 @!p1 $0x0  }
0x14: {  	s2 =	sld [smem:$0x3F89];
	s0 =	simm.s32 @p1 $0x1  }
0x15: {  	[smem:$0x3FA6] =	sst s0;
	s0 =	simm.s32 @!p2 $0x0  }
0x16: {  	s3 =	sld [smem:$0x3FDB];
	s0 =	simm.s32 @p2 $0x1  }
0x17: {  	s4 =	simm.s32 $0x1BF5;
	[smem:$0x3FA8] =	sst s0  }
0x18: {  	s0 =	sld [smem:$0x3F8B];
	_ =	swait.ge [sflag:s4], $0x0  }
0x19: {  	s7 =	sld [smem:$0x3F8C]  }
0x1a: {  	s8 =	sadd.s32 $0xFFFFE003, lr  }
0x1b: {  	s9 =	sadd.s32 $0xFFFFFEF7, lr;
	s5 =	simm.s32 $0xFFFFFFFF;
	p2 =	slt.u32 s8, $0xFFFFF086  }
0x1c: {  	p1 =	slt.u32 s9, $0xF7A;
	s5 =	simm.s32 @!p2 $0x0  }
0x1d: {  	s5 =	simm.s32 @p1 $0x1;
	p0 =	seq.s32 s7, s2  }
0x1e: {  	s7 =	smul.u32 @!p0 $0xF7A, s2;
	p2 =	seq.s32 @!p0 s5, $0x0  }
0x1f: {  	s9 =	smul.u32 $0xF7A, s1;
	s8 =	simm.s32 @!p0 $0x1BF5;
	p2 =	por !p2, p0  }
0x20: {  	[sflag:s8] =	ssyncset.s32 @!p0 $0xFFFFF086;
	s6 =	sadd.s32 @!p0 s3, s7;
	s7 =	simm.s32 @!p0 $0x108  }
0x21: {  	s3 =	sadd.s32 s3, s9;
	s6 =	sadd.s32 @!p0 $0x88, s6;
	s7 =	simm.s32 @p2 $0x1082  }
0x22: {  	[simem:s7], [sflag:s8] =	dma.local @!p0 [hbm:s6], $0xF7A  }
0x23: {  	s9 =	sor.u32 $0xD0000000, s2;
	s6 =	simm.s32 $0x108;
	_ =	swait.ge @!p0 [sflag:s8], $0x0  }
0x24: {  	s3 =	sadd.s32 $0x88, s3;
	s6 =	simm.s32 @!p1 $0x1082;
	[sflag:s4] =	ssyncset.s32 $0xFFFFF086  }
0x25: {  	[simem:s6], [sflag:s4] =	dma.local [hbm:s3], $0xF7A  }
0x26: {  	[smem:$0x3F8C] =	sst s1;
	(tag) =	ssettag s2;
	_ =	strace s9  }
0x27: {  	s1 =	sld [smem:$0x3F9C]  }
0x28: {  	s2 =	sld [smem:$0x3F9D]  }
0x29: {  	s4 =	sld [smem:$0x3F9F]  }
0x2a: {  	p0 =	seq.s32 s5, $0x0;
	s5 =	sld [smem:$0x3FA0]  }
0x2b: {  	s6 =	sld [smem:$0x3FA1]  }
0x2c: {  	s7 =	sld [smem:$0x3FA2]  }
0x2d: {  	s3 =	simm.s32 $0x108;
	s8 =	sld [smem:$0x3FA3]  }
0x2e: {  	s3 =	simm.s32 @!p0 $0x1082;
	s9 =	sld [smem:$0x3FA4]  }
0x2f: {  	lr =	sadd.s32 s0, s3;
	s0 =	sld [smem:$0x3F9B]  }
0x30: {  	s3 =	sld [smem:$0x3F9E]  }
0x31: {  	[smem:$0x3FA7] =	sst s10  }
0x32: {  	s10 =	sld [smem:$0x3FA5];
	_ =	sdelay $0x3  }
0x33: {  	p0 =	seq.s32 s10, $0x1;
	s10 =	sld [smem:$0x3FA7];
	_ =	sdelay $0x3  }
0x34: {  	[smem:$0x3FA7] =	sst s10  }
0x35: {  	s10 =	sld [smem:$0x3FA6];
	_ =	sdelay $0x3  }
0x36: {  	p1 =	seq.s32 s10, $0x1;
	s10 =	sld [smem:$0x3FA7];
	_ =	sdelay $0x3  }
0x37: {  	[smem:$0x3FA7] =	sst s10  }
0x38: {  	s10 =	sld [smem:$0x3FA8]  }
0x39: {  	_ = 	snop;
	(pc) =	sbr.ind lr, $3  }
0x3a: {  	_ = 	snop  }
0x3b: {  	_ = 	snop  }
0x3c: {  	p2 =	seq.s32 s10, $0x1;
	s10 =	sld [smem:$0x3FA7]  }
0x3d: {  	_ =	shalt  }
0x3e: {  	_ =	shalt  }
0x3f: {  	_ =	shalt  }
0x40: {  	_ =	shalt  }
0x41: {  	_ =	shalt  }
0x42: {  	_ =	shalt  }
0x43: {  	_ =	shalt  }
0x44: {  	_ =	shalt  }
0x45: {  	_ =	shalt  }
0x46: {  	_ =	shalt  }
0x47: {  	_ =	shalt  }
0x48: {  	_ =	shalt  }
0x49: {  	_ =	shalt  }
0x4a: {  	_ =	shalt  }
0x4b: {  	_ =	shalt  }
0x4c: {  	_ =	shalt  }
0x4d: {  	_ =	shalt  }
0x4e: {  	_ =	shalt  }
0x4f: {  	_ =	shalt  }
0x50: {  	_ =	shalt  }
0x51: {  	_ =	shalt  }
0x52: {  	_ =	shalt  }
0x53: {  	_ =	shalt  }
0x54: {  	_ =	shalt  }
0x55: {  	_ =	shalt  }
0x56: {  	_ =	shalt  }
0x57: {  	_ =	shalt  }
0x58: {  	_ =	shalt  }
0x59: {  	_ =	shalt  }
0x5a: {  	_ =	shalt  }
0x5b: {  	_ =	shalt  }
0x5c: {  	_ =	shalt  }
0x5d: {  	_ =	shalt  }
0x5e: {  	_ =	shalt  }
0x5f: {  	_ =	shalt  }
0x60: {  	_ =	shalt  }
0x61: {  	_ =	shalt  }
0x62: {  	_ =	shalt  }
0x63: {  	_ =	shalt  }
0x64: {  	_ =	shalt  }
0x65: {  	_ =	shalt  }
0x66: {  	_ =	shalt  }
0x67: {  	_ =	shalt  }
0x68: {  	_ =	shalt  }
0x69: {  	_ =	shalt  }
0x6a: {  	_ =	shalt  }
0x6b: {  	_ =	shalt  }
0x6c: {  	_ =	shalt  }
0x6d: {  	_ =	shalt  }
0x6e: {  	_ =	shalt  }
0x6f: {  	_ =	shalt  }
0x70: {  	_ =	shalt  }
0x71: {  	_ =	shalt  }
0x72: {  	_ =	shalt  }
0x73: {  	_ =	shalt  }
0x74: {  	_ =	shalt  }
0x75: {  	_ =	shalt  }
0x76: {  	_ =	shalt  }
0x77: {  	_ =	shalt  }
0x78: {  	_ =	shalt  }
0x79: {  	_ =	shalt  }
0x7a: {  	_ =	shalt  }
0x7b: {  	_ =	shalt  }
0x7c: {  	_ =	shalt  }
0x7d: {  	_ =	shalt  }
0x7e: {  	_ =	shalt  }
0x7f: {  	_ =	shalt  }
0x80: {  	_ =	shalt  }
0x81: {  	_ =	shalt  }
0x82: {  	_ =	shalt  }
0x83: {  	_ =	shalt  }
0x84: {  	_ =	shalt  }
0x85: {  	_ =	shalt  }
0x86: {  	_ =	shalt  }
0x87: {  	_ =	shalt  }
.Lfunc_end0:
.L_simem_size_0:
called_computation.3_lowered:
.L_overlay_start_0:
0x88: {  	s2 =	sld [smem:$0x3FD9]  }
0x89: {  	s3 =	sld [smem:$0x3FFE];
	_ =	sdelay $0x1  }
0x8a: {  	s1 =	srdreg.scid  }
0x8b: {  	s0 =	sand.u32 $0x1, s1  }
0x8c: {  	s16 =	sshll.u32 s0, $0xA;
	s2 =	sadd.s32 s3, s2  }
0x8d: {  	s2 =	sadd.s32 s2, s16  }
0x8e: {  	[smem:$0x3FB3] =	sst s2  }
0x8f: {  	_ = 	snop  }
0x90: {  	(tm) =	ssettm $0x1  }
0x91: {  	s17 =	sld [smem:$0x3FFB];
	_ =	sdelay $0x3  }
0x92: {  	_ =	strace s17  }
0x93: {  	s2 =	sld [smem:$0x3FFC];
	_ =	sdelay $0x3  }
0x94: {  	_ =	strace s2  }
0x95: {  	s2 =	sld [smem:$0x3FFD];
	_ =	sdelay $0x3  }
0x96: {  	_ =	strace s2  }
0x97: {  	_ =	strace $0x8FFFFFFF  }
0x98: {  	s18 =	sld [smem:$0x3FDB];
	_ =	sdelay $0x1  }
0x99: {  	s19 =	simm.s32 $_scs_section_size  }
0x9a: {  	s4 =	simm.s32 $_size__tile_overlayer_lowered;
	s5 =	simm.s32 $_tile_overlayer_lowered  }
0x9b: {  	s22 =	simm.s32 $0x1BFF;
	s21 =	sshll.u32 s5, $0x1;
	s2 =	sadd.s32 s19, s18  }
0x9c: {  	s6 =	simm.s32 $0x0;
	s20 =	sshll.u32 s4, $0x1;
	s4 =	sadd.s32 s21, s2  }
0x9d: {  	[timem:s6], [sflag:s22] =	dma.local [hbm:s4], s20  }
0x9e: {  	_ =	swait.ge [sflag:s22], s20  }
0x9f: {  	s3 =	ssub.s32 $0x0, s20;
	[sflag:s22] =	ssyncset.done $0x0  }
0xa0: {  	[sflag:s22] =	ssyncadd.s32 s3;
	_ =	sdelay $0x1  }
0xa1: {  	s23 =	simm.s32 $0x1B8B  }
0xa2: {  	_ =	swait.ge [sflag:s23], $0x1  }
0xa3: {  	[sflag:s23] =	ssyncset.done $0x0  }
0xa4: {  	s25 =	simm.s32 $0x1B8E;
	s24 =	sld [smem:$0x3FFE];
	[sflag:s23] =	ssyncadd.s32 $0xFFFFFFFF  }
0xa5: {  	s26 =	simm.s32 $execute0_lowered;
	[smem:$0x3FD2] =	sst s25  }
0xa6: {  	s4 =	sshll.u32 s26, $0x1;
	_ =	strace $0x8000004F;
	[dreg:$0x1] =	wrdreg $0xFFFFFFFF  }
0xa7: {  	s28 =	simm.s32 $_size_execute0_lowered;
	s2 =	sadd.s32 s2, s4;
	[dreg:$0x0] =	wrdreg $0x0  }
0xa8: {  	s4 =	sshll.u32 s28, $0x1;
	[dreg:$0x2] =	wrdreg s2  }
0xa9: {  	[dreg:$0x3] =	wrdreg s4  }
0xaa: {  	[dreg:$0x4] =	wrdreg $0xC0  }
0xab: {  	_ =	task [dreg:s6], $0x5FFFF  }
0xac: {  	[dreg:$0x1] =	wrdreg $0xFFFFFFFF  }
0xad: {  	[dreg:$0x0] =	wrdreg $0x60  }
0xae: {  	[dreg:$0x2] =	wrdreg s24  }
0xaf: {  	[dreg:$0x3] =	wrdreg $0xE9000  }
0xb0: {  	[dreg:$0x4] =	wrdreg $0x111000  }
0xb1: {  	[dreg:$0x5] =	wrdreg $0x9  }
0xb2: {  	_ =	task.clear_ibuf [dreg:s6], $0x6FFFF;
	_ =	strace $0x9000004F  }
0xb3: {  	s29 =	simm.s32 $0x9;
	_ =	strace $0x80000051  }
0xb4: {  	_ =	swait.ge [sflag:s29], $0x1  }
0xb5: {  	[sflag:s29] =	ssyncadd.s32 $0xFFFFFFFF  }
0xb6: {  	_ =	strace $0x90000051  }
0xb7: {  	_ =	sfence  }
0xb8: {  	s30 =	sld [smem:$0x0];
	_ =	sdelay $0x2  }
0xb9: {  	s31 =	sshll.u32 s1, $0xD;
	s1 =	sshrl.u32 s1, $0x2  }
0xba: {  	s3 =	sand.u32 $0x4000, s31;
	s1 =	sadd.s32 s1, s30  }
0xbb: {  	s0 =	sor.u32 s3, s0;
	s1 =	sshll.u32 s1, $0x11  }
0xbc: {  	s0 =	sor.u32 s1, s0  }
0xbd: {  	s0 =	sadd.s32 $0x8F2B, s0  }
0xbe: {  	[sflag:s0] =	ssyncadd.remote.s32 $0x1  }
0xbf: {  	_ =	sfence.sel $0xFFFF  }
0xc0: {  	[dreg:$0x0] =	wrdreg $0xFFFFFFFF;
	(pc) =	sbr.abs _section_cstart, $3  }
0xc1: {  	[dreg:$0x1] =	wrdreg $0xFFFFFFFF  }
0xc2: {  	_ =	task.clear_ibuf [dreg:s6], $0x2FFFF;
	_ =	strace $0x9FFFFFFF  }
0xc3: {  	(tm) =	ssettm $0x7FFFFFFF  }
tec
execute0_lowered:
.L_overlay_start_1:
0x0: {  	(tag) =	ssettag $0x1  }
0x1: {  	s0 =	rddreg [dreg:$0x0]  }
0x2: {  	s2 =	rddreg [dreg:$0x1]  }
0x3: {  	s3 =	rddreg [dreg:$0x2];
	s15 =	stileid.u32  }
0x4: {  	s1 =	srdreg.scid;
	s4 =	simm.s32 $0x0;
	s13 =	simm.s32 $0x28  }
0x5: {  	s29 =	simm.s32 $0x9900;
	s19 =	simm.s32 $0x2;
	s21 =	simm.s32 $0x80  }
0x6: {  	s22 =	simm.s32 $0x1100;
	s23 =	simm.s32 $0x100;
	s24 =	simm.s32 $0x900  }
0x7: {  	s25 =	simm.s32 $0x1;
	s28 =	simm.s32 $0x0;
	s9 =	smul.u32 $0x2800, s15  }
0x8: {  	s1 =	sand.u32 $0x1, s1;
	[smem:$0x7FF] =	sst s4;
	s5 =	sadd.s32 $0x7C00, s0  }
0x9: {  	s6 =	sadd.s32 $0x78E00, s0;
	s7 =	sadd.s32 $0x64E00, s0;
	s8 =	sadd.s32 $0x5FE00, s0  }
0xa: {  	p0 =	seq.s32 s15, $0x0;
	s31 =	sshll.u32 s15, $0x8;
	s10 =	smul.u32 $0x28000, s1  }
0xb: {  	_ =	strace $0x80000050;
	s12 =	ssub.s32 $0x2, s1;
	s1 =	sshll.u32 s1, $0x7  }
0xc: {  	s13 =	simm.s32 @!p0 $0x27;
	s11 =	sshrl.u32 s9, $0x3;
	s26 =	sshrl.u32 s12, $0x1  }
0xd: {  	s15 =	sor.u32 s1, s31;
	s10 =	sadd.s32 s9, s10;
	s14 =	sadd.s32 s11, s0  }
0xe: {  	s17 =	ssub.s32 s12, s26;
	s11 =	sadd.s32 s9, s2;
	s12 =	sadd.s32 s9, s3  }
0xf: {  	s26 =	simm.s32 $0x9100;
	s10 =	sshrl.u32 s10, $0x3;
	s30 =	sadd.s32 $0x55E00, s14  }
0x10: {  	s17 =	smax.u32 s17, $0x1;
	s0 =	sadd.s32 s10, s0;
	[dreg:$0x4] =	wrdreg s30  }
0x11: {  	s10 =	sadd.s32 $0x5AE00, s14;
	s14 =	sadd.s32 $0x69E00, s14;
	s16 =	sadd.s32 $0x6EE00, s0  }
.LBB2_1:
0x12: {  	s0 =	rddreg [dreg:$0x4]  }
0x13: {  	[tilespmem:s29], [sflag:$0x2] =	stream.linear.gather [hbm4b:s0+s4], $0x2800, $0x38;
	[tilespmem:$0x13900] =	vst v63  }
0x14: {  	_ =	swait.ge [sflag:s19], $0x2800  }
0x15: {  	[sflag:s19] =	ssyncset.done $0x0  }
0x16: {  	s31 =	simm.s32 $0xC100;
	[sflag:s19] =	ssyncadd.s32 $0xFFFFD800  }
0x17: {  	[tilespmem:s31], [sflag:$0x2] =	stream.linear.gather [hbm4b:s10+s4], $0x2800, $0x38;
	[tilespmem:$0x13900] =	vst v63  }
0x18: {  	_ =	swait.ge [sflag:s19], $0x2800  }
0x19: {  	[sflag:s19] =	ssyncset.done $0x0  }
0x1a: {  	s0 =	simm.s32 $0x9940;
	[sflag:s19] =	ssyncadd.s32 $0xFFFFD800  }
0x1b: {  	s1 =	simm.s32 $0xC140;
	v0 =	vld [tilespmem:s0+$0x30]  }
0x1c: {  	v1 =	vld [tilespmem:s1+$0x30]  }
0x1d: {  	v3 =	vld [tilespmem:s0+$0xFFFFFFD0]  }
0x1e: {  	v4 =	vld [tilespmem:s1+$0xFFFFFFD0]  }
0x1f: {  	v5 =	vld [tilespmem:s0+$0xFFFFFFE0]  }
0x20: {  	v6 =	vld [tilespmem:s1+$0xFFFFFFE0]  }
0x21: {  	v7 =	vld [tilespmem:s0+$0xFFFFFFF0]  }
0x22: {  	v8 =	vld [tilespmem:s1+$0xFFFFFFF0]  }
0x23: {  	v9 =	vld [tilespmem:s0+$0x0]  }
0x24: {  	v10 =	vld [tilespmem:s1+$0x0];
	v0 =	vadd.f32 v1, v0  }
0x25: {  	v11 =	vld [tilespmem:s1+$0x10]  }
0x26: {  	v1 =	vld [tilespmem:s0+$0x10];
	v3 =	vadd.f32 v4, v3;
	v0 =	vadd.f32 $1.000000020e-16, v0  }
0x27: {  	v4 =	vld [tilespmem:s0+$0x20]  }
0x28: {  	v5 =	vadd.f32 v6, v5;
	v6 =	vld [tilespmem:s1+$0x20];
	(erf) = vrcp.f32 v0;
	v0 =	vadd.f32 $1.000000020e-16, v3  }
0x29: {  	v2 =	vld [tilespmem:s1+$0xFFFFFFC0]  }
0x2a: {  	s1 =	simm.s32 $0x99C0;
	v5 =	vadd.f32 $1.000000020e-16, v5;
	v3 =	vadd.f32 v8, v7;
	v7 =	vld [tilespmem:s0+$0xFFFFFFC0];
	(erf) = vrcp.f32 v0  }
0x2b: {  	s9 =	simm.s32 $0xC1C0;
	v8 =	vadd.f32 v10, v9;
	v9 =	vld [tilespmem:s1+$0x30]  }
0x2c: {  	v10 =	vld [tilespmem:s9+$0x30];
	v1 =	vadd.f32 v11, v1;
	v3 =	vadd.f32 $1.000000020e-16, v3;
	(erf) = vrcp.f32 v5  }
0x2d: {  	v4 =	vadd.f32 v6, v4;
	v5 =	vadd.f32 $1.000000020e-16, v8;
	v8 =	vld [tilespmem:s1+$0xFFFFFFE0]  }
0x2e: {  	v1 =	vadd.f32 $1.000000020e-16, v1;
	(erf) = vrcp.f32 v3;
	v3 =	vld [tilespmem:s1+$0xFFFFFFD0]  }
0x2f: {  	v4 =	vadd.f32 $1.000000020e-16, v4;
	(erf) = vrcp.f32 v5;
	v5 =	vld [tilespmem:s9+$0xFFFFFFD0];
	v2 =	vadd.f32 v2, v7  }
0x30: {  	(erf) = vrcp.f32 v1;
	v1 =	vld [tilespmem:s9+$0xFFFFFFE0]  }
0x31: {  	v6 =	vld [tilespmem:s1+$0xFFFFFFF0];
	v9 =	vadd.f32 v10, v9;
	v2 =	vadd.f32 $1.000000020e-16, v2  }
0x32: {  	v10 =	vld [tilespmem:s9+$0xFFFFFFF0];
	v7 =	vpop (erf);
	(erf) = vrcp.f32 v4  }
0x33: {  	v12 =	vld [tilespmem:s9+$0x0];
	v9 =	vadd.f32 $1.000000020e-16, v9;
	v4 =	vpop (erf);
	(erf) = vrcp.f32 v2  }
0x34: {  	v11 =	vld [tilespmem:s1+$0x0];
	v7 =	vmul.f32 $6.250000000e-02, v7;
	v3 =	vadd.f32 v5, v3  }
0x35: {  	v0 =	vld [tilespmem:s9+$0xFFFFFFC0];
	v5 =	vadd.f32 v1, v8;
	v2 =	vpop (erf);
	(erf) = vrcp.f32 v9  }
0x36: {  	v1 =	vld [tilespmem:s1+$0x10];
	v4 =	vmul.f32 $6.250000000e-02, v4;
	[tilespmem:s0+$0x30] =	vst v7;
	v8 =	vadd.f32 $1.000000020e-16, v3;
	v7 =	vmul.f32 $6.250000000e-02, v2  }
0x37: {  	v10 =	vadd.f32 v10, v6;
	v3 =	vld [tilespmem:s9+$0x10];
	v2 =	vpop (erf)  }
0x38: {  	v14 =	vadd.f32 $1.000000020e-16, v5;
	[tilespmem:s0+$0xFFFFFFD0] =	vst v4;
	v9 =	vmul.f32 $6.250000000e-02, v2;
	v13 =	vpop (erf);
	v2 =	vld [tilespmem:s1+$0x20];
	(erf) = vrcp.f32 v8  }
0x39: {  	v4 =	vld [tilespmem:s9+$0x20];
	[tilespmem:s0+$0xFFFFFFE0] =	vst v7;
	v6 =	vmul.f32 $6.250000000e-02, v13  }
0x3a: {  	s18 =	simm.s32 $0x8;
	s20 =	simm.s32 $0x9A40;
	v5 =	vld [tilespmem:s1+$0xFFFFFFC0];
	v8 =	vadd.f32 $1.000000020e-16, v10;
	(erf) = vrcp.f32 v14;
	[tilespmem:s0+$0xFFFFFFF0] =	vst v9;
	v9 =	vadd.f32 v12, v11;
	v7 =	vpop (erf)  }
.LBB2_2:
0x3b: {  	v10 =	vld [tilespmem:s20+$0x30];
	s9 =	sadd.s32 $0x80, s9;
	[tilespmem:s0+$0x0] =	vst v6;
	v6 =	vmul.f32 $6.250000000e-02, v7;
	v7 =	vpop (erf)  }
0x3c: {  	s18 =	sadd.s32 $0x8, s18;
	v11 =	vld [tilespmem:s9+$0x30];
	v9 =	vadd.f32 $1.000000020e-16, v9;
	v1 =	vadd.f32 v3, v1;
	(erf) = vrcp.f32 v8;
	v3 =	vpop (erf)  }
0x3d: {  	p0 =	slt.u32 s18, $0x278;
	v8 =	vld [tilespmem:s9+$0xFFFFFFC0];
	v3 =	vmul.f32 $6.250000000e-02, v3;
	[tilespmem:s0+$0x10] =	vst v6;
	v6 =	vmul.f32 $6.250000000e-02, v7  }
0x3e: {  	v7 =	vld [tilespmem:s20+$0xFFFFFFD0];
	v1 =	vadd.f32 $1.000000020e-16, v1;
	v2 =	vadd.f32 v4, v2;
	(erf) = vrcp.f32 v9;
	v4 =	vpop (erf)  }
0x3f: {  	v9 =	vld [tilespmem:s9+$0xFFFFFFD0];
	v12 =	vadd.f32 v0, v5;
	v4 =	vmul.f32 $6.250000000e-02, v4;
	[tilespmem:s0+$0xFFFFFFC0] =	vst v3  }
0x40: {  	v3 =	vld [tilespmem:s20+$0xFFFFFFE0];
	v2 =	vadd.f32 $1.000000020e-16, v2;
	(erf) = vrcp.f32 v1;
	[tilespmem:s0+$0x20] =	vst v6;
	s0 =	smov.u32 s1;
	s1 =	smov.u32 s20  }
0x41: {  	v1 =	vld [tilespmem:s9+$0xFFFFFFE0];
	v5 =	vadd.f32 v11, v10;
	v11 =	vadd.f32 $1.000000020e-16, v12;
	[tilespmem:s0+$0x30] =	vst v4;
	v0 =	vpop (erf)  }
0x42: {  	v4 =	vld [tilespmem:s20+$0xFFFFFFF0];
	v10 =	vmul.f32 $6.250000000e-02, v0;
	(erf) = vrcp.f32 v2;
	v0 =	vmov v8  }
0x43: {  	v2 =	vld [tilespmem:s9+$0xFFFFFFF0];
	v8 =	vadd.f32 $1.000000020e-16, v5;
	(erf) = vrcp.f32 v11;
	v6 =	vpop (erf)  }
0x44: {  	v7 =	vadd.f32 v9, v7;
	v9 =	vld [tilespmem:s20+$0x0];
	[tilespmem:s0+$0xFFFFFFD0] =	vst v10;
	v11 =	vmul.f32 $6.250000000e-02, v6  }
0x45: {  	v10 =	vld [tilespmem:s9+$0x0];
	(erf) = vrcp.f32 v8;
	v5 =	vpop (erf)  }
.Ltmp0:
0x46: {  	v12 =	vadd.f32 $1.000000020e-16, v7;
	v8 =	vadd.f32 v1, v3;
	v1 =	vld [tilespmem:s20+$0x10];
	[tilespmem:s0+$0xFFFFFFE0] =	vst v11;
	v5 =	vmul.f32 $6.250000000e-02, v5;
	(pc) =	sbr.rel @p0 .LBB2_2-.Ltmp0, $4  }
0x47: {  	v3 =	vld [tilespmem:s9+$0x10];
	v6 =	vpop (erf)  }
0x48: {  	v11 =	vadd.f32 $1.000000020e-16, v8;
	v8 =	vadd.f32 v2, v4;
	v2 =	vld [tilespmem:s20+$0x20];
	(erf) = vrcp.f32 v12;
	[tilespmem:s0+$0xFFFFFFF0] =	vst v5  }
0x49: {  	v6 =	vmul.f32 $6.250000000e-02, v6;
	v4 =	vld [tilespmem:s9+$0x20];
	v7 =	vpop (erf)  }
0x4a: {  	s20 =	sadd.s32 $0x80, s20;
	v5 =	vld [tilespmem:s1+$0xFFFFFFC0];
	v8 =	vadd.f32 $1.000000020e-16, v8;
	v9 =	vadd.f32 v10, v9;
	(erf) = vrcp.f32 v11  }
0x4b: {  	_ =	sdelay $0x1  }
0x4c: {  	v1 =	vadd.f32 v3, v1  }
0x4d: {  	v45 =	vadd.f32 $1.000000020e-16, v9;
	v2 =	vadd.f32 v4, v2  }
0x4e: {  	(erf) = vrcp.f32 v8;
	v1 =	vadd.f32 $1.000000020e-16, v1;
	v0 =	vadd.f32 v0, v5  }
0x4f: {  	(erf) = vrcp.f32 v45;
	v2 =	vadd.f32 $1.000000020e-16, v2  }
0x50: {  	v46 =	vpop (erf);
	(erf) = vrcp.f32 v1;
	v0 =	vadd.f32 $1.000000020e-16, v0  }
0x51: {  	v47 =	vpop (erf);
	(erf) = vrcp.f32 v2  }
0x52: {  	v48 =	vmul.f32 $6.250000000e-02, v7;
	v49 =	vpop (erf);
	(erf) = vrcp.f32 v0  }
0x53: {  	[tilespmem:s0+$0x0] =	vst v6;
	v51 =	vmul.f32 $6.250000000e-02, v49  }
0x54: {  	[tilespmem:s0+$0x10] =	vst v48;
	v1 =	vmul.f32 $6.250000000e-02, v46  }
0x55: {  	v50 =	vpop (erf);
	[tilespmem:s1+$0x30] =	vst v51;
	v0 =	vmul.f32 $6.250000000e-02, v47  }
0x56: {  	[tilespmem:s0+$0x20] =	vst v1;
	v53 =	vmul.f32 $6.250000000e-02, v50;
	v52 =	vpop (erf)  }
0x57: {  	[tilespmem:s0+$0xFFFFFFC0] =	vst v0;
	v54 =	vpop (erf);
	v0 =	vmul.f32 $6.250000000e-02, v52  }
0x58: {  	[tilespmem:s1+$0xFFFFFFD0] =	vst v53;
	v56 =	vmul.f32 $6.250000000e-02, v54;
	v55 =	vpop (erf)  }
0x59: {  	[tilespmem:s1+$0xFFFFFFE0] =	vst v0;
	v58 =	vmul.f32 $6.250000000e-02, v55;
	v57 =	vpop (erf)  }
0x5a: {  	[tilespmem:s1+$0xFFFFFFF0] =	vst v56;
	v60 =	vmul.f32 $6.250000000e-02, v57;
	v59 =	vpop (erf)  }
0x5b: {  	[tilespmem:s1+$0x0] =	vst v58;
	v61 =	vpop (erf);
	v63 =	vmul.f32 $6.250000000e-02, v59  }
0x5c: {  	[tilespmem:s1+$0x10] =	vst v60;
	v62 =	vmul.f32 $6.250000000e-02, v61  }
0x5d: {  	[tilespmem:s1+$0x20] =	vst v63  }
0x5e: {  	[tilespmem:s1+$0xFFFFFFC0] =	vst v62  }
0x5f: {  	[spmem:s11] =	stream.linear.scatter [tilespmem:s29], [sflag:$0x2], $0x2800, $0x38;
	[tilespmem:$0x13900] =	vst v63  }
0x60: {  	s20 =	stileid.u32;
	_ =	swait.ge [sflag:s19], $0x2800  }
0x61: {  	s0 =	sshll.u32 s20, $0x6;
	[sflag:s19] =	ssyncset.done $0x0  }
0x62: {  	s30 =	sshrl.u32 s12, $0x3;
	s29 =	sor.u32 $0x1C02, s0;
	[sflag:s19] =	ssyncadd.s32 $0xFFFFD800  }
0x63: {  	[spmem:s30], [sflag:s29] =	dma.local [hbm:s14], $0x500  }
0x64: {  	_ =	swait.ge [sflag:s19], $0x500  }
0x65: {  	[sflag:s19] =	ssyncset.done $0x0  }
0x66: {  	[sflag:s19] =	ssyncadd.s32 $0xFFFFFB00  }
0x67: {  	s31 =	simm.s32 $0x0;
	[bflag:$0x0] =	sbarrier.arrive $0xFFFF  }
.LBB2_4:
0x68: {  	s0 =	sshll.u32 s31, $0xC  }
0x69: {  	s0 =	sor.u32 s15, s0  }
0x6a: {  	s1 =	sshrl.u32 s0, $0x3  }
0x6b: {  	s9 =	sadd.s32 s7, s1  }
0x6c: {  	[tilespmem:s4], [sflag:$0x2] =	stream.linear.gather [hbm4b:s9+s4], $0x80, $0x38;
	[tilespmem:$0x13900] =	vst v63  }
0x6d: {  	_ =	swait.ge [sflag:s19], $0x80  }
0x6e: {  	[sflag:s19] =	ssyncset.done $0x0  }
0x6f: {  	s1 =	sadd.s32 s8, s1;
	[sflag:s19] =	ssyncadd.s32 $0xFFFFFF80  }
0x70: {  	[tilespmem:s21], [sflag:$0x2] =	stream.linear.gather [hbm4b:s1+s4], $0x80, $0x38;
	[tilespmem:$0x13900] =	vst v63  }
0x71: {  	_ =	swait.ge [sflag:s19], $0x80  }
0x72: {  	[sflag:s19] =	ssyncset.done $0x0  }
0x73: {  	s0 =	sshll.u32 s0, $0x1;
	[sflag:s19] =	ssyncadd.s32 $0xFFFFFF80  }
0x74: {  	[tilespmem:s22], [sflag:$0x1] =	stream.indirect.gather [hbm4b:s5+s21], $0x100, s4, s21, $0xb8;
	[tilespmem:$0x13900] =	vst v63  }
0x75: {  	s0 =	sadd.s32 s6, s0  }
0x76: {  	[tilespmem:s23], [sflag:$0x2] =	stream.linear.gather [hbm4b:s0+s4], $0x800, $0x38;
	[tilespmem:$0x13900] =	vst v63  }
0x77: {  	_ =	swait.ge [sflag:s19], $0x800  }
0x78: {  	[sflag:s19] =	ssyncset.done $0x0  }
0x79: {  	[sflag:s19] =	ssyncadd.s32 $0xFFFFF800  }
0x7a: {  	[tilespmem:s24], [sflag:$0x2] =	stream.indirect.gather [spmem:s2], $0x10, s21, s21, $0xb8;
	[tilespmem:$0x13900] =	vst v63  }
0x7b: {  	_ =	swait.ge [sflag:s19], $0x800  }
0x7c: {  	[sflag:s19] =	ssyncset.done $0x0  }
0x7d: {  	[sflag:s19] =	ssyncadd.s32 $0xFFFFF800  }
0x7e: {  	_ =	swait.ge [sflag:s25], $0x8000  }
0x7f: {  	[sflag:s25] =	ssyncset.done $0x0  }
0x80: {  	s18 =	simm.s32 $0x120;
	[sflag:s25] =	ssyncadd.s32 $0xFFFF8000  }
0x81: {  	s0 =	simm.s32 $0x920;
	v0 =	vld [tilespmem:s18+$0x10]  }
0x82: {  	v1 =	vld [tilespmem:s0+$0x10]  }
0x83: {  	v2 =	vld [tilespmem:s0+$0xFFFFFFE0]  }
0x84: {  	s20 =	simm.s32 $0x1300;
	v3 =	vld [tilespmem:s18+$0xFFFFFFF0]  }
0x85: {  	v4 =	vld [tilespmem:s20+$0x100]  }
0x86: {  	v5 =	vld [tilespmem:s20+$0x110]  }
0x87: {  	v6 =	vld [tilespmem:s0+$0xFFFFFFF0]  }
0x88: {  	v8 =	vld [tilespmem:s18+$0x0];
	v7 =	vmul.f32 v1, v0  }
0x89: {  	v1 =	vld [tilespmem:s20+$0x120]  }
0x8a: {  	v11 =	vld [tilespmem:s20+$0x130];
	v0 =	vbroadcast v7, $0x0;
	v9 =	vbroadcast v7, $0x1  }
0x8b: {  	v12 =	vld [tilespmem:s0+$0x0];
	v10 =	vbroadcast v7, $0x2  }
0x8c: {  	v16 =	vld [tilespmem:s20+$0xFFFFFF00];
	v4 =	vmul.f32 v0, v4;
	v5 =	vmul.f32 v5, v9  }
0x8d: {  	v19 =	vld [tilespmem:s20+$0xFFFFFF10];
	v0 =	vmul.f32 v6, v3  }
0x8e: {  	v35 =	vld [tilespmem:s20+$0xFFFFFF30];
	v1 =	vmul.f32 v1, v10;
	v4 =	vadd.f32 v5, v4;
	v5 =	vbroadcast v7, $0x3  }
0x8f: {  	v6 =	vld [tilespmem:s18+$0xFFFFFFE0];
	v9 =	vbroadcast v0, $0x0;
	v10 =	vbroadcast v0, $0x1  }
0x90: {  	v3 =	vld [tilespmem:s20+$0x140];
	v15 =	vbroadcast v0, $0x2;
	v32 =	vbroadcast v0, $0x3  }
0x91: {  	v40 =	vbroadcast v0, $0x5;
	v5 =	vmul.f32 v11, v5  }
0x92: {  	v4 =	vadd.f32 v1, v4;
	v11 =	vbroadcast v7, $0x4;
	v1 =	vmul.f32 v12, v8  }
0x93: {  	v9 =	vmul.f32 v9, v16;
	v10 =	vmul.f32 v19, v10  }
0x94: {  	v13 =	vld [tilespmem:s20+$0x150];
	v38 =	vmul.f32 v35, v32;
	v2 =	vmul.f32 v2, v6  }
0x95: {  	v4 =	vadd.f32 v5, v4;
	v3 =	vmul.f32 v3, v11;
	v5 =	vbroadcast v7, $0x5  }
0x96: {  	v8 =	vld [tilespmem:s20+$0x160];
	v6 =	vbroadcast v1, $0x0;
	v37 =	vbroadcast v1, $0x4  }
0x97: {  	v14 =	vld [tilespmem:s20+$0xFFFFFE00];
	v45 =	vbroadcast v1, $0x7;
	v50 =	vbroadcast v1, $0x9  }
0x98: {  	v11 =	vld [tilespmem:s20+$0x170];
	v55 =	vbroadcast v1, $0xB;
	v61 =	vbroadcast v1, $0xD  }
0x99: {  	v12 =	vld [tilespmem:s20+$0xFFFFFE10];
	v3 =	vadd.f32 v3, v4;
	v4 =	vmul.f32 v13, v5;
	v5 =	vbroadcast v7, $0x6  }
0x9a: {  	v18 =	vld [tilespmem:s20+$0x180];
	v17 =	vbroadcast v2, $0x1;
	v13 =	vbroadcast v2, $0x0  }
0x9b: {  	v20 =	vld [tilespmem:s20+$0x0];
	v3 =	vadd.f32 v4, v3;
	v4 =	vmul.f32 v8, v5;
	v5 =	vbroadcast v7, $0x7  }
0x9c: {  	v27 =	vbroadcast v2, $0x2;
	v8 =	vmul.f32 v13, v14;
	v14 =	vld [tilespmem:s20+$0x190]  }
0x9d: {  	v26 =	vld [tilespmem:s20+$0x10];
	v3 =	vadd.f32 v4, v3;
	v4 =	vmul.f32 v11, v5;
	v5 =	vbroadcast v7, $0x8  }
0x9e: {  	v9 =	vadd.f32 v10, v9;
	v10 =	vbroadcast v2, $0x3;
	v11 =	vmul.f32 v12, v17;
	v12 =	vld [tilespmem:s20+$0x1A0]  }
0x9f: {  	v28 =	vld [tilespmem:s20+$0x1B0];
	v3 =	vadd.f32 v4, v3;
	v4 =	vmul.f32 v18, v5;
	v5 =	vbroadcast v7, $0x9  }
0xa0: {  	v29 =	vld [tilespmem:s20+$0xFFFFFE20];
	v42 =	vbroadcast v2, $0x6;
	v43 =	vbroadcast v2, $0x7  }
0xa1: {  	v30 =	vld [tilespmem:s20+$0xFFFFFF20];
	v3 =	vadd.f32 v4, v3;
	v4 =	vmul.f32 v14, v5;
	v5 =	vbroadcast v7, $0xA  }
0xa2: {  	v47 =	vbroadcast v2, $0x8;
	v13 =	vbroadcast v1, $0x1;
	v14 =	vld [tilespmem:s20+$0x1C0]  }
0xa3: {  	v31 =	vld [tilespmem:s20+$0x20];
	v3 =	vadd.f32 v4, v3;
	v4 =	vmul.f32 v12, v5;
	v5 =	vbroadcast v7, $0xB  }
0xa4: {  	v6 =	vmul.f32 v6, v20;
	v12 =	vmul.f32 v26, v13;
	v13 =	vld [tilespmem:s20+$0x1D0]  }
0xa5: {  	v33 =	vld [tilespmem:s20+$0xFFFFFE30];
	v3 =	vadd.f32 v4, v3;
	v4 =	vmul.f32 v28, v5;
	v5 =	vbroadcast v7, $0xC  }
0xa6: {  	v48 =	vbroadcast v2, $0x9;
	v52 =	vbroadcast v2, $0xA;
	v6 =	vadd.f32 v12, v6;
	v12 =	vld [tilespmem:s20+$0x1E0]  }
0xa7: {  	v34 =	vld [tilespmem:s20+$0x1F0];
	v3 =	vadd.f32 v4, v3;
	v4 =	vmul.f32 v14, v5;
	v5 =	vbroadcast v7, $0xD  }
0xa8: {  	v36 =	vld [tilespmem:s20+$0xFFFFFE40];
	v8 =	vadd.f32 v11, v8;
	v11 =	vbroadcast v1, $0x2;
	v14 =	vmul.f32 v30, v15  }
0xa9: {  	v39 =	vld [tilespmem:s20+$0xFFFFFF50];
	v3 =	vadd.f32 v4, v3;
	v4 =	vmul.f32 v13, v5;
	v5 =	vbroadcast v7, $0xE  }
0xaa: {  	v41 =	vld [tilespmem:s20+$0xFFFFFE60];
	v17 =	vmul.f32 v29, v27;
	v11 =	vmul.f32 v31, v11  }
0xab: {  	v9 =	vadd.f32 v14, v9;
	v14 =	vld [tilespmem:s20+$0x30];
	v3 =	vadd.f32 v4, v3;
	v4 =	vmul.f32 v12, v5  }
0xac: {  	v44 =	vld [tilespmem:s20+$0x70];
	v8 =	vadd.f32 v17, v8;
	v5 =	vbroadcast v7, $0xF;
	v7 =	vmul.f32 v33, v10  }
0xad: {  	v15 =	vbroadcast v1, $0x3;
	v13 =	vbroadcast v2, $0x4;
	v10 =	vld [tilespmem:s20+$0xFFFFFF40]  }
0xae: {  	v3 =	vadd.f32 v4, v3;
	v4 =	vmul.f32 v34, v5;
	v5 =	vadd.f32 v7, v8;
	v7 =	vld [tilespmem:s20+$0xFFFFFE50]  }
0xaf: {  	v54 =	vbroadcast v2, $0xB;
	v57 =	vbroadcast v2, $0xC;
	v6 =	vadd.f32 v11, v6;
	v11 =	vld [tilespmem:s20+$0x40]  }
0xb0: {  	v46 =	vld [tilespmem:s20+$0xFFFFFE80];
	v14 =	vmul.f32 v14, v15;
	v15 =	vadd.f32 v4, v3;
	v3 =	vmul.f32 v36, v13  }
0xb1: {  	v12 =	vbroadcast v0, $0x4;
	v8 =	vbroadcast v2, $0x5;
	v4 =	vadd.f32 v38, v9;
	v9 =	vld [tilespmem:s20+$0x50]  }
0xb2: {  	v59 =	vbroadcast v2, $0xD;
	v18 =	vmul.f32 v39, v40;
	v3 =	vadd.f32 v3, v5;
	v5 =	vld [tilespmem:s20+$0xFFFFFF60]  }
0xb3: {  	v10 =	vmul.f32 v10, v12;
	v6 =	vadd.f32 v14, v6;
	v14 =	vld [tilespmem:s20+$0xFFFFFE70];
	v7 =	vmul.f32 v7, v8  }
0xb4: {  	v11 =	vmul.f32 v11, v37;
	v13 =	vbroadcast v1, $0x5;
	v8 =	vld [tilespmem:s20+$0x60]  }
0xb5: {  	v12 =	vbroadcast v0, $0x6;
	v4 =	vadd.f32 v10, v4;
	v3 =	vadd.f32 v7, v3;
	v7 =	vld [tilespmem:s20+$0xFFFFFF70]  }
0xb6: {  	v51 =	vld [tilespmem:s20+$0xFFFFFEA0];
	v21 =	vbroadcast v2, $0xE;
	v6 =	vadd.f32 v11, v6;
	v9 =	vmul.f32 v9, v13  }
0xb7: {  	v53 =	vld [tilespmem:s20+$0xFFFFFEB0];
	v10 =	vbroadcast v1, $0x6;
	v4 =	vadd.f32 v18, v4;
	v5 =	vmul.f32 v5, v12  }
0xb8: {  	v11 =	vbroadcast v0, $0x7;
	v13 =	vmul.f32 v41, v42;
	v6 =	vadd.f32 v9, v6;
	v9 =	vld [tilespmem:s20+$0xFFFFFF80]  }
0xb9: {  	v49 =	vmul.f32 v46, v47;
	v8 =	vmul.f32 v8, v10;
	v4 =	vadd.f32 v5, v4;
	v5 =	vld [tilespmem:s20+$0x80]  }
0xba: {  	v3 =	vadd.f32 v13, v3;
	v10 =	vmul.f32 v14, v43;
	v14 =	vld [tilespmem:s20+$0xFFFFFE90];
	v7 =	vmul.f32 v7, v11  }
0xbb: {  	v12 =	vbroadcast v0, $0x8;
	v6 =	vadd.f32 v8, v6;
	v8 =	vld [tilespmem:s20+$0xFFFFFF90];
	v11 =	vmul.f32 v44, v45  }
0xbc: {  	v13 =	vbroadcast v1, $0x8;
	v3 =	vadd.f32 v10, v3;
	v4 =	vadd.f32 v7, v4;
	v7 =	vld [tilespmem:s20+$0x90]  }
0xbd: {  	v2 =	vbroadcast v2, $0xF;
	v9 =	vmul.f32 v9, v12;
	v6 =	vadd.f32 v11, v6;
	v11 =	vld [tilespmem:s20+$0xFFFFFFA0]  }
0xbe: {  	v56 =	vld [tilespmem:s20+$0xFFFFFEC0];
	v10 =	vbroadcast v0, $0x9;
	v3 =	vadd.f32 v49, v3;
	v5 =	vmul.f32 v5, v13  }
0xbf: {  	v12 =	vbroadcast v0, $0xA;
	v13 =	vmul.f32 v14, v48;
	v4 =	vadd.f32 v9, v4;
	v9 =	vld [tilespmem:s20+$0xA0]  }
0xc0: {  	v58 =	vld [tilespmem:s20+$0xFFFFFED0];
	v14 =	vbroadcast v1, $0xA;
	v8 =	vmul.f32 v8, v10;
	v5 =	vadd.f32 v5, v6  }
0xc1: {  	v3 =	vadd.f32 v13, v3;
	v6 =	vld [tilespmem:s20+$0xFFFFFFB0];
	v13 =	vmul.f32 v51, v52;
	v7 =	vmul.f32 v7, v50  }
0xc2: {  	v10 =	vbroadcast v0, $0xB;
	v4 =	vadd.f32 v8, v4;
	v8 =	vld [tilespmem:s20+$0xB0];
	v11 =	vmul.f32 v11, v12  }
0xc3: {  	v3 =	vadd.f32 v13, v3;
	v13 =	vmul.f32 v53, v54;
	v5 =	vadd.f32 v7, v5;
	v7 =	vld [tilespmem:s20+$0xFFFFFFC0]  }
0xc4: {  	v60 =	vld [tilespmem:s20+$0xD0];
	v12 =	vbroadcast v0, $0xC;
	v9 =	vmul.f32 v9, v14  }
0xc5: {  	v4 =	vadd.f32 v11, v4;
	v11 =	vld [tilespmem:s20+$0xC0];
	v14 =	vbroadcast v1, $0xC;
	v3 =	vadd.f32 v13, v3  }
0xc6: {  	v13 =	vmul.f32 v56, v57;
	v6 =	vmul.f32 v6, v10;
	v5 =	vadd.f32 v9, v5;
	v9 =	vld [tilespmem:s20+$0xFFFFFFD0]  }
0xc7: {  	v10 =	vbroadcast v0, $0xD;
	v8 =	vmul.f32 v8, v55  }
0xc8: {  	v62 =	vld [tilespmem:s20+$0xFFFFFEE0];
	v4 =	vadd.f32 v6, v4;
	v6 =	vbroadcast v0, $0xE;
	v7 =	vmul.f32 v7, v12  }
0xc9: {  	v0 =	vbroadcast v0, $0xF;
	v8 =	vadd.f32 v8, v5;
	v12 =	vadd.f32 v13, v3;
	v3 =	vld [tilespmem:s20+$0xFFFFFFE0]  }
0xca: {  	v11 =	vmul.f32 v11, v14;
	v13 =	vmul.f32 v58, v59;
	v63 =	vadd.f32 v7, v4;
	v4 =	vld [tilespmem:s20+$0xE0]  }
0xcb: {  	v5 =	vld [tilespmem:s20+$0xFFFFFEF0];
	v14 =	vmul.f32 v60, v61;
	v9 =	vmul.f32 v9, v10  }
0xcc: {  	s1 =	simm.s32 $0x9120;
	v7 =	vbroadcast v1, $0xE;
	v11 =	vadd.f32 v11, v8;
	v10 =	vadd.f32 v13, v12;
	v8 =	vld [tilespmem:s20+$0xFFFFFFF0]  }
0xcd: {  	s9 =	simm.s32 $0x160;
	s18 =	simm.s32 $0x0;
	[tilespmem:s1+$0x10] =	vst v15;
	v13 =	vmul.f32 v62, v21;
	v1 =	vbroadcast v1, $0xF;
	v12 =	vadd.f32 v9, v63;
	v9 =	vld [tilespmem:s20+$0xF0]  }
.LBB2_5:
0xce: {  	v15 =	vld [tilespmem:s9+$0x10];
	v3 =	vmul.f32 v3, v6;
	v6 =	vadd.f32 v14, v11;
	s0 =	sadd.s32 $0x40, s0  }
0xcf: {  	s18 =	sadd.s32 $0x4, s18;
	v11 =	vld [tilespmem:s0+$0x10];
	v10 =	vadd.f32 v13, v10;
	v4 =	vmul.f32 v4, v7  }
0xd0: {  	p0 =	slt.u32 s18, $0x7C;
	v7 =	vld [tilespmem:s0+$0xFFFFFFE0];
	v2 =	vmul.f32 v5, v2;
	v3 =	vadd.f32 v3, v12  }
0xd1: {  	s20 =	sadd.s32 $0x400, s20;
	v5 =	vld [tilespmem:s9+$0xFFFFFFF0];
	v0 =	vmul.f32 v8, v0;
	v4 =	vadd.f32 v4, v6  }
0xd2: {  	v6 =	vld [tilespmem:s20+$0x100];
	v2 =	vadd.f32 v2, v10;
	v1 =	vmul.f32 v9, v1  }
0xd3: {  	v8 =	vld [tilespmem:s20+$0x110];
	v0 =	vadd.f32 v0, v3  }
0xd4: {  	v9 =	vld [tilespmem:s0+$0xFFFFFFF0];
	v3 =	vmul.f32 v11, v15;
	[tilespmem:s1+$0xFFFFFFE0] =	vst v2;
	v1 =	vadd.f32 v1, v4  }
0xd5: {  	v2 =	vld [tilespmem:s20+$0x120];
	[tilespmem:s1+$0xFFFFFFF0] =	vst v0  }
0xd6: {  	v4 =	vld [tilespmem:s9+$0x0];
	v0 =	vbroadcast v3, $0x0;
	v10 =	vbroadcast v3, $0x1;
	[tilespmem:s1+$0x0] =	vst v1  }
0xd7: {  	v1 =	vbroadcast v3, $0x2;
	v11 =	vld [tilespmem:s20+$0x130]  }
0xd8: {  	v12 =	vld [tilespmem:s0+$0x0];
	v6 =	vmul.f32 v0, v6;
	v8 =	vmul.f32 v8, v10  }
0xd9: {  	v0 =	vmul.f32 v9, v5;
	v5 =	vld [tilespmem:s20+$0x140]  }
0xda: {  	v9 =	vld [tilespmem:s9+$0xFFFFFFE0];
	v6 =	vadd.f32 v8, v6;
	v1 =	vmul.f32 v2, v1;
	v2 =	vbroadcast v3, $0x3  }
0xdb: {  	v8 =	vbroadcast v0, $0x0;
	v10 =	vbroadcast v0, $0x1;
	v13 =	vld [tilespmem:s20+$0x150]  }
0xdc: {  	v14 =	vld [tilespmem:s20+$0xFFFFFE00];
	v6 =	vadd.f32 v1, v6;
	v2 =	vmul.f32 v11, v2;
	v11 =	vbroadcast v3, $0x4  }
0xdd: {  	v15 =	vbroadcast v0, $0x2;
	v1 =	vmul.f32 v12, v4;
	v4 =	vld [tilespmem:s20+$0x160]  }
0xde: {  	v12 =	vld [tilespmem:s20+$0xFFFFFE10];
	v6 =	vadd.f32 v2, v6;
	v5 =	vmul.f32 v5, v11;
	v11 =	vbroadcast v3, $0x5  }
0xdf: {  	v2 =	vmul.f32 v7, v9;
	v7 =	vbroadcast v1, $0x0;
	v9 =	vld [tilespmem:s20+$0x170]  }
0xe0: {  	v16 =	vld [tilespmem:s20+$0xFFFFFF00];
	v5 =	vadd.f32 v5, v6;
	v6 =	vmul.f32 v13, v11;
	v11 =	vbroadcast v3, $0x6  }
0xe1: {  	v13 =	vbroadcast v2, $0x0;
	v17 =	vbroadcast v2, $0x1;
	v18 =	vld [tilespmem:s20+$0x180]  }
0xe2: {  	v19 =	vld [tilespmem:s20+$0xFFFFFF10];
	v5 =	vadd.f32 v6, v5;
	v4 =	vmul.f32 v4, v11;
	v6 =	vbroadcast v3, $0x7  }
0xe3: {  	v11 =	vmul.f32 v13, v14;
	v13 =	vbroadcast v1, $0x1;
	v14 =	vld [tilespmem:s20+$0x190]  }
0xe4: {  	v20 =	vld [tilespmem:s20+$0x0];
	v4 =	vadd.f32 v4, v5;
	v5 =	vmul.f32 v9, v6;
	v6 =	vbroadcast v3, $0x8  }
0xe5: {  	v9 =	vmul.f32 v12, v17;
	v8 =	vmul.f32 v8, v16;
	v12 =	vld [tilespmem:s20+$0x1A0]  }
0xe6: {  	v16 =	vld [tilespmem:s20+$0x10];
	v4 =	vadd.f32 v5, v4;
	v5 =	vmul.f32 v18, v6;
	v6 =	vbroadcast v3, $0x9  }
0xe7: {  	v9 =	vadd.f32 v9, v11;
	v11 =	vbroadcast v2, $0x2;
	v10 =	vmul.f32 v19, v10;
	v17 =	vld [tilespmem:s20+$0x1B0]  }
0xe8: {  	v18 =	vld [tilespmem:s20+$0xFFFFFE20];
	v4 =	vadd.f32 v5, v4;
	v5 =	vmul.f32 v14, v6;
	v6 =	vbroadcast v3, $0xA  }
0xe9: {  	v8 =	vadd.f32 v10, v8;
	v7 =	vmul.f32 v7, v20;
	v10 =	vbroadcast v1, $0x2;
	v14 =	vld [tilespmem:s20+$0x1C0]  }
0xea: {  	v19 =	vld [tilespmem:s20+$0xFFFFFF20];
	v4 =	vadd.f32 v5, v4;
	v5 =	vmul.f32 v12, v6;
	v6 =	vbroadcast v3, $0xB  }
0xeb: {  	v12 =	vbroadcast v2, $0x3;
	v13 =	vmul.f32 v16, v13;
	v16 =	vld [tilespmem:s20+$0x1D0]  }
0xec: {  	v20 =	vld [tilespmem:s20+$0x20];
	v4 =	vadd.f32 v5, v4;
	v5 =	vmul.f32 v17, v6;
	v6 =	vbroadcast v3, $0xC  }
0xed: {  	v17 =	vbroadcast v0, $0x3;
	v11 =	vmul.f32 v18, v11;
	v7 =	vadd.f32 v13, v7;
	v13 =	vld [tilespmem:s20+$0x1E0]  }
0xee: {  	v18 =	vld [tilespmem:s20+$0xFFFFFE30];
	v4 =	vadd.f32 v5, v4;
	v5 =	vmul.f32 v14, v6;
	v6 =	vbroadcast v3, $0xD  }
0xef: {  	v14 =	vbroadcast v1, $0x3;
	v9 =	vadd.f32 v11, v9;
	v11 =	vmul.f32 v19, v15;
	v15 =	vld [tilespmem:s20+$0x1F0]  }
0xf0: {  	v19 =	vld [tilespmem:s20+$0xFFFFFF30];
	v4 =	vadd.f32 v5, v4;
	v5 =	vmul.f32 v16, v6;
	v6 =	vbroadcast v3, $0xE  }
0xf1: {  	v16 =	vbroadcast v2, $0x4;
	v8 =	vadd.f32 v11, v8;
	v10 =	vmul.f32 v20, v10;
	v11 =	vld [tilespmem:s20+$0x30]  }
0xf2: {  	v3 =	vbroadcast v3, $0xF;
	v20 =	vld [tilespmem:s20+$0xFFFFFE40];
	v4 =	vadd.f32 v5, v4;
	v5 =	vmul.f32 v13, v6  }
0xf3: {  	v13 =	vbroadcast v0, $0x4;
	v6 =	vmul.f32 v18, v12;
	v12 =	vld [tilespmem:s20+$0xFFFFFF40];
	v7 =	vadd.f32 v10, v7  }
0xf4: {  	v18 =	vbroadcast v1, $0x4;
	v10 =	vld [tilespmem:s20+$0x40];
	v4 =	vadd.f32 v5, v4;
	v3 =	vmul.f32 v15, v3  }
0xf5: {  	v5 =	vadd.f32 v6, v9;
	v6 =	vld [tilespmem:s20+$0xFFFFFE50];
	v9 =	vbroadcast v2, $0x5;
	v15 =	vmul.f32 v19, v17  }
0xf6: {  	v19 =	vbroadcast v0, $0x5;
	v17 =	vld [tilespmem:s20+$0xFFFFFF50];
	v11 =	vmul.f32 v11, v14;
	v3 =	vadd.f32 v3, v4  }
0xf7: {  	s1 =	sadd.s32 $0x40, s1;
	v4 =	vmul.f32 v20, v16;
	v8 =	vadd.f32 v15, v8;
	v14 =	vld [tilespmem:s20+$0x50];
	v15 =	vbroadcast v1, $0x5  }
0xf8: {  	v20 =	vbroadcast v2, $0x6;
	v16 =	vld [tilespmem:s20+$0xFFFFFE60];
	v12 =	vmul.f32 v12, v13;
	v7 =	vadd.f32 v11, v7;
	[tilespmem:s1+$0x10] =	vst v3  }
0xf9: {  	v3 =	vadd.f32 v4, v5;
	v4 =	vld [tilespmem:s20+$0xFFFFFF60];
	v5 =	vbroadcast v0, $0x6;
	v10 =	vmul.f32 v10, v18  }
0xfa: {  	v11 =	vbroadcast v1, $0x6;
	v6 =	vmul.f32 v6, v9;
	v8 =	vadd.f32 v12, v8;
	v9 =	vld [tilespmem:s20+$0x60]  }
0xfb: {  	v13 =	vbroadcast v2, $0x7;
	v12 =	vld [tilespmem:s20+$0xFFFFFE70];
	v17 =	vmul.f32 v17, v19;
	v7 =	vadd.f32 v10, v7  }
0xfc: {  	v10 =	vbroadcast v0, $0x7;
	v3 =	vadd.f32 v6, v3;
	v6 =	vld [tilespmem:s20+$0xFFFFFF70];
	v14 =	vmul.f32 v14, v15  }
0xfd: {  	v15 =	vmul.f32 v16, v20;
	v8 =	vadd.f32 v17, v8;
	v16 =	vld [tilespmem:s20+$0x70];
	v17 =	vbroadcast v1, $0x7  }
0xfe: {  	v19 =	vbroadcast v2, $0x8;
	v18 =	vld [tilespmem:s20+$0xFFFFFE80];
	v4 =	vmul.f32 v4, v5;
	v5 =	vadd.f32 v14, v7  }
0xff: {  	v14 =	vbroadcast v0, $0x8;
	v3 =	vadd.f32 v15, v3;
	v7 =	vld [tilespmem:s20+$0xFFFFFF80];
	v9 =	vmul.f32 v9, v11  }
0x100: {  	v11 =	vmul.f32 v12, v13;
	v4 =	vadd.f32 v4, v8;
	v8 =	vld [tilespmem:s20+$0x80];
	v12 =	vbroadcast v1, $0x8  }
0x101: {  	v15 =	vbroadcast v2, $0x9;
	v13 =	vld [tilespmem:s20+$0xFFFFFE90];
	v6 =	vmul.f32 v6, v10;
	v5 =	vadd.f32 v9, v5  }
0x102: {  	v10 =	vbroadcast v0, $0x9;
	v3 =	vadd.f32 v11, v3;
	v9 =	vld [tilespmem:s20+$0xFFFFFF90];
	v11 =	vmul.f32 v16, v17  }
0x103: {  	v17 =	vbroadcast v1, $0x9;
	v16 =	vmul.f32 v18, v19;
	v4 =	vadd.f32 v6, v4;
	v6 =	vld [tilespmem:s20+$0x90]  }
0x104: {  	v19 =	vbroadcast v2, $0xA;
	v18 =	vld [tilespmem:s20+$0xFFFFFEA0];
	v7 =	vmul.f32 v7, v14;
	v5 =	vadd.f32 v11, v5  }
0x105: {  	v14 =	vbroadcast v0, $0xA;
	v3 =	vadd.f32 v16, v3;
	v11 =	vld [tilespmem:s20+$0xFFFFFFA0];
	v8 =	vmul.f32 v8, v12  }
0x106: {  	v12 =	vmul.f32 v13, v15;
	v4 =	vadd.f32 v7, v4;
	v7 =	vld [tilespmem:s20+$0xA0];
	v13 =	vbroadcast v1, $0xA  }
0x107: {  	v16 =	vbroadcast v2, $0xB;
	v15 =	vld [tilespmem:s20+$0xFFFFFEB0];
	v9 =	vmul.f32 v9, v10;
	v5 =	vadd.f32 v8, v5  }
0x108: {  	v10 =	vbroadcast v0, $0xB;
	v3 =	vadd.f32 v12, v3;
	v8 =	vld [tilespmem:s20+$0xFFFFFFB0];
	v6 =	vmul.f32 v6, v17  }
0x109: {  	v17 =	vbroadcast v1, $0xB;
	v12 =	vmul.f32 v18, v19;
	v4 =	vadd.f32 v9, v4;
	v9 =	vld [tilespmem:s20+$0xB0]  }
0x10a: {  	v19 =	vbroadcast v2, $0xC;
	v18 =	vld [tilespmem:s20+$0xFFFFFEC0];
	v11 =	vmul.f32 v11, v14;
	v5 =	vadd.f32 v6, v5  }
0x10b: {  	v3 =	vadd.f32 v12, v3;
	v6 =	vld [tilespmem:s20+$0xFFFFFFC0];
	v12 =	vbroadcast v0, $0xC;
	v7 =	vmul.f32 v7, v13  }
0x10c: {  	v14 =	vbroadcast v1, $0xC;
	v13 =	vmul.f32 v15, v16;
	v4 =	vadd.f32 v11, v4;
	v11 =	vld [tilespmem:s20+$0xC0]  }
0x10d: {  	v16 =	vbroadcast v2, $0xD;
	v15 =	vld [tilespmem:s20+$0xFFFFFED0];
	v8 =	vmul.f32 v8, v10;
	v5 =	vadd.f32 v7, v5  }
0x10e: {  	v3 =	vadd.f32 v13, v3;
	v10 =	vld [tilespmem:s20+$0xFFFFFFD0];
	v13 =	vbroadcast v0, $0xD;
	v7 =	vmul.f32 v9, v17  }
0x10f: {  	v9 =	vmul.f32 v18, v19;
	v4 =	vadd.f32 v8, v4;
	v17 =	vld [tilespmem:s20+$0xD0];
	v18 =	vbroadcast v1, $0xD  }
0x110: {  	v20 =	vbroadcast v2, $0xE;
	v19 =	vld [tilespmem:s20+$0xFFFFFEE0];
	v8 =	vmul.f32 v6, v12;
	v12 =	vadd.f32 v7, v5  }
.Ltmp1:
0x111: {  	v6 =	vbroadcast v0, $0xE;
	v9 =	vadd.f32 v9, v3;
	v3 =	vld [tilespmem:s20+$0xFFFFFFE0];
	v11 =	vmul.f32 v11, v14;
	(pc) =	sbr.rel @p0 .LBB2_5-.Ltmp1, $4  }
0x112: {  	v7 =	vbroadcast v1, $0xE;
	v14 =	vmul.f32 v15, v16;
	v15 =	vadd.f32 v8, v4;
	v4 =	vld [tilespmem:s20+$0xE0]  }
0x113: {  	v2 =	vbroadcast v2, $0xF;
	v5 =	vld [tilespmem:s20+$0xFFFFFEF0];
	v16 =	vmul.f32 v10, v13;
	v11 =	vadd.f32 v11, v12  }
0x114: {  	v0 =	vbroadcast v0, $0xF;
	v10 =	vadd.f32 v14, v9;
	v8 =	vld [tilespmem:s20+$0xFFFFFFF0];
	v14 =	vmul.f32 v17, v18  }
0x115: {  	s9 =	sadd.s32 $0x40, s9;
	v1 =	vbroadcast v1, $0xF;
	v13 =	vmul.f32 v19, v20;
	v12 =	vadd.f32 v16, v15;
	v9 =	vld [tilespmem:s20+$0xF0]  }
0x116: {  	_ = 	snop  }
0x117: {  	v3 =	vmul.f32 v3, v6;
	v63 =	vadd.f32 v14, v11  }
0x118: {  	v10 =	vadd.f32 v13, v10;
	v4 =	vmul.f32 v4, v7;
	v2 =	vmul.f32 v5, v2  }
0x119: {  	v3 =	vadd.f32 v3, v12;
	v0 =	vmul.f32 v8, v0  }
0x11a: {  	v4 =	vadd.f32 v4, v63;
	v2 =	vadd.f32 v2, v10;
	v1 =	vmul.f32 v9, v1  }
0x11b: {  	v0 =	vadd.f32 v0, v3  }
0x11c: {  	s31 =	sadd.s32 $0x1, s31;
	[tilespmem:s1+$0xFFFFFFE0] =	vst v2;
	v1 =	vadd.f32 v1, v4  }
0x11d: {  	p0 =	sne.s32 s31, s13;
	[tilespmem:s1+$0xFFFFFFF0] =	vst v0  }
.Ltmp2:
0x11e: {  	[tilespmem:s1+$0x0] =	vst v1;
	(pc) =	sbr.rel @p0 .LBB2_4-.Ltmp2, $4  }
0x11f: {  	[spmem:s3] =	stream.indirect.scatter.add.f32 [tilespmem:s26], [sflag:$0x2], $0x10, s21, s21, $0xb8;
	[tilespmem:$0x13900] =	vst v63  }
0x120: {  	_ =	swait.ge [sflag:s19], $0x800  }
0x121: {  	[sflag:s19] =	ssyncset.done $0x0  }
0x122: {  	[sflag:s19] =	ssyncadd.s32 $0xFFFFF800  }
0x123: {  	s28 =	sadd.s32 $0x1, s28  }
0x124: {  	p0 =	sne.s32 s28, s17  }
.Ltmp3:
0x125: {  	[bflag:$0x0] =	sbarrier.arrive $0xFFFF;
	(pc) =	sbr.rel @p0 .LBB2_1-.Ltmp3, $4  }
0x126: {  	[hbm:s16], [sflag:s29] =	dma.local [spmem:s30], $0x500  }
0x127: {  	_ =	swait.ge [sflag:s19], $0x500  }
0x128: {  	[sflag:s19] =	ssyncset.done $0x0  }
0x129: {  	s29 =	simm.s32 $0x9900;
	[sflag:s19] =	ssyncadd.s32 $0xFFFFFB00  }
0x12a: {  	_ =	sfence.sel $0x180000  }
0x12b: {  	[bflag:$0x0] =	sbarrier.arrive $0xFFFF  }
0x12c: {  	_ =	strace $0x90000050  }
0x12d: {  	s0 =	stileid.u32;
	[bflag:$0x2] =	sbarrier.arrive $0xFFFF  }
0x12e: {  	p0 =	sne.s32 s0, $0x0;
	s0 =	rddreg [dreg:$0x3]  }
0x12f: {  	s0 =	sadd.s32 @!p0 $0x100000, s0  }
0x130: {  	[sflag:s0] =	ssyncadd.tile.s32 @!p0 $0x1;
	_ =	shalt  }
.Lfunc_end2:
_tile_overlayer_lowered:
.L_overlay_start_2:
0x131: {  	(tag) =	ssettag $0x2  }
0x132: {  	s0 =	rddreg [dreg:$0x0];
	s2 =	stileid.u32  }
0x133: {  	s1 =	rddreg [dreg:$0x1];
	p0 =	sne.s32 s2, $0x0  }
0x134: {  	s3 =	rddreg [dreg:$0x2];
	[bflag:$0x3] =	sbarrier.arrive $0xFFFF;
	s2 =	simm.s32 @!p0 $0x1C02  }
0x135: {  	[timem:s3], [sflag:s2] =	dma.local @!p0 [hbm:s0], s1  }
0x136: {  	s0 =	simm.s32 @!p0 $0x2  }
0x137: {  	_ =	swait.ge @!p0 [sflag:s0], s1  }
0x138: {  	s1 =	ssub.s32 @!p0 $0x0, s1;
	[sflag:s0] =	ssyncset.done @!p0 $0x0  }
0x139: {  	[sflag:s0] =	ssyncadd.s32 @!p0 s1  }
0x13a: {  	[bflag:$0x3] =	sbarrier.arrive $0xFFFF  }
0x13b: {  	_ =	shalt  }

// kernel: kernel.25.cloned.1.call-start
scs
__scs_entry_jumppad:
0x0: {  	(pc) =	sbr.rel $0x88, $3  }
0x1: {  	(tag) =	ssettag $0x0;
	lr =	simm.s32 $0x1  }
0x2: {  	[smem:$0x3F8C] =	sst lr;
	_ =	strace $0xD0000000  }
0x3: {  	_ = 	snop  }
0x4: {  	_ = 	snop  }
0x5: {  	_ = 	snop  }
0x6: {  	_ = 	snop  }
0x7: {  	_ = 	snop  }
__scs_overlays_trampoline_lowered:
0x8: {  	[smem:$0x3F9B] =	sst s0  }
0x9: {  	[smem:$0x3F9C] =	sst s1  }
0xa: {  	[smem:$0x3F9D] =	sst s2  }
0xb: {  	[smem:$0x3F9E] =	sst s3  }
0xc: {  	[smem:$0x3F9F] =	sst s4  }
0xd: {  	[smem:$0x3FA0] =	sst s5  }
0xe: {  	[smem:$0x3FA1] =	sst s6  }
0xf: {  	[smem:$0x3FA2] =	sst s7  }
0x10: {  	[smem:$0x3FA3] =	sst s8  }
0x11: {  	[smem:$0x3FA4] =	sst s9;
	s0 =	simm.s32 @!p0 $0x0  }
0x12: {  	s1 =	sld [smem:$0x3F8A];
	s0 =	simm.s32 @p0 $0x1  }
0x13: {  	[smem:$0x3FA5] =	sst s0;
	s0 =	simm.s32 @!p1 $0x0  }
0x14: {  	s2 =	sld [smem:$0x3F89];
	s0 =	simm.s32 @p1 $0x1  }
0x15: {  	[smem:$0x3FA6] =	sst s0;
	s0 =	simm.s32 @!p2 $0x0  }
0x16: {  	s3 =	sld [smem:$0x3FDB];
	s0 =	simm.s32 @p2 $0x1  }
0x17: {  	s4 =	simm.s32 $0x1BF5;
	[smem:$0x3FA8] =	sst s0  }
0x18: {  	s0 =	sld [smem:$0x3F8B];
	_ =	swait.ge [sflag:s4], $0x0  }
0x19: {  	s7 =	sld [smem:$0x3F8C]  }
0x1a: {  	s8 =	sadd.s32 $0xFFFFE003, lr  }
0x1b: {  	s9 =	sadd.s32 $0xFFFFFEF7, lr;
	s5 =	simm.s32 $0xFFFFFFFF;
	p2 =	slt.u32 s8, $0xFFFFF086  }
0x1c: {  	p1 =	slt.u32 s9, $0xF7A;
	s5 =	simm.s32 @!p2 $0x0  }
0x1d: {  	s5 =	simm.s32 @p1 $0x1;
	p0 =	seq.s32 s7, s2  }
0x1e: {  	s7 =	smul.u32 @!p0 $0xF7A, s2;
	p2 =	seq.s32 @!p0 s5, $0x0  }
0x1f: {  	s9 =	smul.u32 $0xF7A, s1;
	s8 =	simm.s32 @!p0 $0x1BF5;
	p2 =	por !p2, p0  }
0x20: {  	[sflag:s8] =	ssyncset.s32 @!p0 $0xFFFFF086;
	s6 =	sadd.s32 @!p0 s3, s7;
	s7 =	simm.s32 @!p0 $0x108  }
0x21: {  	s3 =	sadd.s32 s3, s9;
	s6 =	sadd.s32 @!p0 $0x88, s6;
	s7 =	simm.s32 @p2 $0x1082  }
0x22: {  	[simem:s7], [sflag:s8] =	dma.local @!p0 [hbm:s6], $0xF7A  }
0x23: {  	s9 =	sor.u32 $0xD0000000, s2;
	s6 =	simm.s32 $0x108;
	_ =	swait.ge @!p0 [sflag:s8], $0x0  }
0x24: {  	s3 =	sadd.s32 $0x88, s3;
	s6 =	simm.s32 @!p1 $0x1082;
	[sflag:s4] =	ssyncset.s32 $0xFFFFF086  }
0x25: {  	[simem:s6], [sflag:s4] =	dma.local [hbm:s3], $0xF7A  }
0x26: {  	[smem:$0x3F8C] =	sst s1;
	(tag) =	ssettag s2;
	_ =	strace s9  }
0x27: {  	s1 =	sld [smem:$0x3F9C]  }
0x28: {  	s2 =	sld [smem:$0x3F9D]  }
0x29: {  	s4 =	sld [smem:$0x3F9F]  }
0x2a: {  	p0 =	seq.s32 s5, $0x0;
	s5 =	sld [smem:$0x3FA0]  }
0x2b: {  	s6 =	sld [smem:$0x3FA1]  }
0x2c: {  	s7 =	sld [smem:$0x3FA2]  }
0x2d: {  	s3 =	simm.s32 $0x108;
	s8 =	sld [smem:$0x3FA3]  }
0x2e: {  	s3 =	simm.s32 @!p0 $0x1082;
	s9 =	sld [smem:$0x3FA4]  }
0x2f: {  	lr =	sadd.s32 s0, s3;
	s0 =	sld [smem:$0x3F9B]  }
0x30: {  	s3 =	sld [smem:$0x3F9E]  }
0x31: {  	[smem:$0x3FA7] =	sst s10  }
0x32: {  	s10 =	sld [smem:$0x3FA5];
	_ =	sdelay $0x3  }
0x33: {  	p0 =	seq.s32 s10, $0x1;
	s10 =	sld [smem:$0x3FA7];
	_ =	sdelay $0x3  }
0x34: {  	[smem:$0x3FA7] =	sst s10  }
0x35: {  	s10 =	sld [smem:$0x3FA6];
	_ =	sdelay $0x3  }
0x36: {  	p1 =	seq.s32 s10, $0x1;
	s10 =	sld [smem:$0x3FA7];
	_ =	sdelay $0x3  }
0x37: {  	[smem:$0x3FA7] =	sst s10  }
0x38: {  	s10 =	sld [smem:$0x3FA8]  }
0x39: {  	_ = 	snop;
	(pc) =	sbr.ind lr, $3  }
0x3a: {  	_ = 	snop  }
0x3b: {  	_ = 	snop  }
0x3c: {  	p2 =	seq.s32 s10, $0x1;
	s10 =	sld [smem:$0x3FA7]  }
0x3d: {  	_ =	shalt  }
0x3e: {  	_ =	shalt  }
0x3f: {  	_ =	shalt  }
0x40: {  	_ =	shalt  }
0x41: {  	_ =	shalt  }
0x42: {  	_ =	shalt  }
0x43: {  	_ =	shalt  }
0x44: {  	_ =	shalt  }
0x45: {  	_ =	shalt  }
0x46: {  	_ =	shalt  }
0x47: {  	_ =	shalt  }
0x48: {  	_ =	shalt  }
0x49: {  	_ =	shalt  }
0x4a: {  	_ =	shalt  }
0x4b: {  	_ =	shalt  }
0x4c: {  	_ =	shalt  }
0x4d: {  	_ =	shalt  }
0x4e: {  	_ =	shalt  }
0x4f: {  	_ =	shalt  }
0x50: {  	_ =	shalt  }
0x51: {  	_ =	shalt  }
0x52: {  	_ =	shalt  }
0x53: {  	_ =	shalt  }
0x54: {  	_ =	shalt  }
0x55: {  	_ =	shalt  }
0x56: {  	_ =	shalt  }
0x57: {  	_ =	shalt  }
0x58: {  	_ =	shalt  }
0x59: {  	_ =	shalt  }
0x5a: {  	_ =	shalt  }
0x5b: {  	_ =	shalt  }
0x5c: {  	_ =	shalt  }
0x5d: {  	_ =	shalt  }
0x5e: {  	_ =	shalt  }
0x5f: {  	_ =	shalt  }
0x60: {  	_ =	shalt  }
0x61: {  	_ =	shalt  }
0x62: {  	_ =	shalt  }
0x63: {  	_ =	shalt  }
0x64: {  	_ =	shalt  }
0x65: {  	_ =	shalt  }
0x66: {  	_ =	shalt  }
0x67: {  	_ =	shalt  }
0x68: {  	_ =	shalt  }
0x69: {  	_ =	shalt  }
0x6a: {  	_ =	shalt  }
0x6b: {  	_ =	shalt  }
0x6c: {  	_ =	shalt  }
0x6d: {  	_ =	shalt  }
0x6e: {  	_ =	shalt  }
0x6f: {  	_ =	shalt  }
0x70: {  	_ =	shalt  }
0x71: {  	_ =	shalt  }
0x72: {  	_ =	shalt  }
0x73: {  	_ =	shalt  }
0x74: {  	_ =	shalt  }
0x75: {  	_ =	shalt  }
0x76: {  	_ =	shalt  }
0x77: {  	_ =	shalt  }
0x78: {  	_ =	shalt  }
0x79: {  	_ =	shalt  }
0x7a: {  	_ =	shalt  }
0x7b: {  	_ =	shalt  }
0x7c: {  	_ =	shalt  }
0x7d: {  	_ =	shalt  }
0x7e: {  	_ =	shalt  }
0x7f: {  	_ =	shalt  }
0x80: {  	_ =	shalt  }
0x81: {  	_ =	shalt  }
0x82: {  	_ =	shalt  }
0x83: {  	_ =	shalt  }
0x84: {  	_ =	shalt  }
0x85: {  	_ =	shalt  }
0x86: {  	_ =	shalt  }
0x87: {  	_ =	shalt  }
.Lfunc_end0:
.L_simem_size_0:
called_computation.4_lowered:
.L_overlay_start_0:
0x88: {  	s2 =	sld [smem:$0x3FD9]  }
0x89: {  	s3 =	sld [smem:$0x3FFE];
	_ =	sdelay $0x1  }
0x8a: {  	s1 =	srdreg.scid  }
0x8b: {  	s0 =	sand.u32 $0x1, s1  }
0x8c: {  	s16 =	sshll.u32 s0, $0xA;
	s2 =	sadd.s32 s3, s2  }
0x8d: {  	s2 =	sadd.s32 s2, s16  }
0x8e: {  	[smem:$0x3FB3] =	sst s2  }
0x8f: {  	_ = 	snop  }
0x90: {  	(tm) =	ssettm $0x1  }
0x91: {  	s17 =	sld [smem:$0x3FFB];
	_ =	sdelay $0x3  }
0x92: {  	_ =	strace s17  }
0x93: {  	s2 =	sld [smem:$0x3FFC];
	_ =	sdelay $0x3  }
0x94: {  	_ =	strace s2  }
0x95: {  	s2 =	sld [smem:$0x3FFD];
	_ =	sdelay $0x3  }
0x96: {  	_ =	strace s2  }
0x97: {  	_ =	strace $0x8FFFFFFF  }
0x98: {  	s18 =	sld [smem:$0x3FDB];
	_ =	sdelay $0x1  }
0x99: {  	s19 =	simm.s32 $_scs_section_size  }
0x9a: {  	s4 =	simm.s32 $_size__tile_overlayer_lowered;
	s5 =	simm.s32 $_tile_overlayer_lowered  }
0x9b: {  	s22 =	simm.s32 $0x1BFF;
	s21 =	sshll.u32 s5, $0x1;
	s2 =	sadd.s32 s19, s18  }
0x9c: {  	s6 =	simm.s32 $0x0;
	s20 =	sshll.u32 s4, $0x1;
	s4 =	sadd.s32 s21, s2  }
0x9d: {  	[timem:s6], [sflag:s22] =	dma.local [hbm:s4], s20  }
0x9e: {  	_ =	swait.ge [sflag:s22], s20  }
0x9f: {  	s3 =	ssub.s32 $0x0, s20;
	[sflag:s22] =	ssyncset.done $0x0  }
0xa0: {  	[sflag:s22] =	ssyncadd.s32 s3;
	_ =	sdelay $0x1  }
0xa1: {  	s23 =	simm.s32 $0x1B8B  }
0xa2: {  	_ =	swait.ge [sflag:s23], $0x1  }
0xa3: {  	[sflag:s23] =	ssyncset.done $0x0  }
0xa4: {  	s25 =	simm.s32 $0x1B8E;
	s24 =	sld [smem:$0x3FFE];
	[sflag:s23] =	ssyncadd.s32 $0xFFFFFFFF  }
0xa5: {  	s26 =	simm.s32 $execute0_lowered;
	[smem:$0x3FD2] =	sst s25  }
0xa6: {  	s4 =	sshll.u32 s26, $0x1;
	_ =	strace $0x80000052;
	[dreg:$0x1] =	wrdreg $0xFFFFFFFF  }
0xa7: {  	s28 =	simm.s32 $_size_execute0_lowered;
	s2 =	sadd.s32 s2, s4;
	[dreg:$0x0] =	wrdreg $0x0  }
0xa8: {  	s4 =	sshll.u32 s28, $0x1;
	[dreg:$0x2] =	wrdreg s2  }
0xa9: {  	[dreg:$0x3] =	wrdreg s4  }
0xaa: {  	[dreg:$0x4] =	wrdreg $0xC0  }
0xab: {  	_ =	task [dreg:s6], $0x5FFFF  }
0xac: {  	[dreg:$0x1] =	wrdreg $0xFFFFFFFF  }
0xad: {  	[dreg:$0x0] =	wrdreg $0x60  }
0xae: {  	[dreg:$0x2] =	wrdreg s24  }
0xaf: {  	[dreg:$0x3] =	wrdreg $0x11000  }
0xb0: {  	[dreg:$0x4] =	wrdreg $0x39000  }
0xb1: {  	[dreg:$0x5] =	wrdreg $0x61000  }
0xb2: {  	[dreg:$0x6] =	wrdreg $0x9  }
0xb3: {  	_ =	task.clear_ibuf [dreg:s6], $0x7FFFF;
	_ =	strace $0x90000052  }
0xb4: {  	s29 =	simm.s32 $0x9;
	_ =	strace $0x80000054  }
0xb5: {  	_ =	swait.ge [sflag:s29], $0x1  }
0xb6: {  	[sflag:s29] =	ssyncadd.s32 $0xFFFFFFFF  }
0xb7: {  	_ =	strace $0x90000054  }
0xb8: {  	_ =	sfence  }
0xb9: {  	s30 =	sld [smem:$0x0];
	_ =	sdelay $0x2  }
0xba: {  	s31 =	sshll.u32 s1, $0xD;
	s1 =	sshrl.u32 s1, $0x2  }
0xbb: {  	s3 =	sand.u32 $0x4000, s31;
	s1 =	sadd.s32 s1, s30  }
0xbc: {  	s0 =	sor.u32 s3, s0;
	s1 =	sshll.u32 s1, $0x11  }
0xbd: {  	s0 =	sor.u32 s1, s0  }
0xbe: {  	s0 =	sadd.s32 $0x8F2B, s0  }
0xbf: {  	[sflag:s0] =	ssyncadd.remote.s32 $0x1  }
0xc0: {  	_ =	sfence.sel $0xFFFF  }
0xc1: {  	[dreg:$0x0] =	wrdreg $0xFFFFFFFF;
	(pc) =	sbr.abs _section_cstart, $3  }
0xc2: {  	[dreg:$0x1] =	wrdreg $0xFFFFFFFF  }
0xc3: {  	_ =	task.clear_ibuf [dreg:s6], $0x2FFFF;
	_ =	strace $0x9FFFFFFF  }
0xc4: {  	(tm) =	ssettm $0x7FFFFFFF  }
0xc5: {  	_ =	shalt  }
tec
execute0_lowered:
.L_overlay_start_1:
0x0: {  	(tag) =	ssettag $0x1  }
0x1: {  	s0 =	rddreg [dreg:$0x0]  }
0x2: {  	s1 =	rddreg [dreg:$0x1]  }
0x3: {  	s3 =	rddreg [dreg:$0x2]  }
0x4: {  	s4 =	rddreg [dreg:$0x3];
	s2 =	stileid.u32  }
0x5: {  	s6 =	srdreg.scid;
	s5 =	simm.s32 $0x0;
	s18 =	simm.s32 $0x1  }
0x6: {  	s21 =	simm.s32 $0x80;
	s22 =	simm.s32 $0x100;
	s23 =	simm.s32 $0x900  }
0x7: {  	s24 =	simm.s32 $0x0;
	s12 =	smul.u32 $0x2800, s2;
	s14 =	sand.u32 $0x1, s6  }
0x8: {  	[smem:$0x7FF] =	sst s5;
	s6 =	sadd.s32 $0x64E00, s0;
	s7 =	sadd.s32 $0x5FE00, s0  }
0x9: {  	s31 =	sshll.u32 s2, $0x6;
	p0 =	seq.s32 s2, $0x0;
	s15 =	sshll.u32 s2, $0x8  }
0xa: {  	s8 =	smul.u32 $0x28000, s14;
	_ =	strace $0x80000053;
	s10 =	ssub.s32 $0x2, s14  }
0xb: {  	s14 =	sshll.u32 s14, $0x7;
	s9 =	sshrl.u32 s12, $0x3;
	s11 =	sshrl.u32 s10, $0x1  }
0xc: {  	s17 =	sadd.s32 s12, s1;
	s19 =	sadd.s32 s12, s3;
	s20 =	sadd.s32 s12, s4  }
0xd: {  	s14 =	sor.u32 s14, s15;
	s8 =	sadd.s32 s12, s8;
	s13 =	sadd.s32 s9, s0  }
0xe: {  	s16 =	ssub.s32 s10, s11;
	s10 =	sor.u32 $0x1C01, s31;
	s17 =	sshrl.u32 s17, $0x3  }
0xf: {  	s19 =	sshrl.u32 s19, $0x3;
	s20 =	sshrl.u32 s20, $0x3;
	s30 =	sshrl.u32 s8, $0x3  }
0x10: {  	s8 =	sadd.s32 $0x78E00, s0;
	s9 =	sadd.s32 $0x55E00, s13;
	s11 =	sadd.s32 $0x5AE00, s13  }
0x11: {  	s12 =	sadd.s32 $0x69E00, s13;
	s13 =	simm.s32 $0x28;
	s0 =	sadd.s32 s30, s0  }
0x12: {  	s16 =	smax.u32 s16, $0x1;
	s13 =	simm.s32 @!p0 $0x27;
	s15 =	sadd.s32 $0x6EE00, s0  }
.LBB2_1:
0x13: {  	[spmem:s17], [sflag:s10] =	dma.local [hbm:s9], $0x500  }
0x14: {  	_ =	swait.ge [sflag:s18], $0x500  }
0x15: {  	[sflag:s18] =	ssyncset.done $0x0  }
0x16: {  	[sflag:s18] =	ssyncadd.s32 $0xFFFFFB00  }
0x17: {  	[spmem:s19], [sflag:s10] =	dma.local [hbm:s11], $0x500  }
0x18: {  	_ =	swait.ge [sflag:s18], $0x500  }
0x19: {  	[sflag:s18] =	ssyncset.done $0x0  }
0x1a: {  	[sflag:s18] =	ssyncadd.s32 $0xFFFFFB00  }
0x1b: {  	[spmem:s20], [sflag:s10] =	dma.local [hbm:s12], $0x500  }
0x1c: {  	_ =	swait.ge [sflag:s18], $0x500  }
0x1d: {  	[sflag:s18] =	ssyncset.done $0x0  }
0x1e: {  	[sflag:s18] =	ssyncadd.s32 $0xFFFFFB00  }
0x1f: {  	s25 =	simm.s32 $0x0;
	[bflag:$0x0] =	sbarrier.arrive $0xFFFF  }
.LBB2_2:
0x20: {  	s0 =	sshll.u32 s25, $0xC  }
0x21: {  	s26 =	sor.u32 s14, s0  }
0x22: {  	s0 =	sshrl.u32 s26, $0x3  }
0x23: {  	s28 =	sadd.s32 s6, s0  }
0x24: {  	[tilespmem:s5], [sflag:$0x1] =	stream.linear.gather [hbm4b:s28+s5], $0x80, $0x38;
	[tilespmem:$0x8900] =	vst v63  }
0x25: {  	_ =	swait.ge [sflag:s18], $0x80  }
0x26: {  	[sflag:s18] =	ssyncset.done $0x0  }
0x27: {  	s0 =	sadd.s32 s7, s0;
	[sflag:s18] =	ssyncadd.s32 $0xFFFFFF80  }
0x28: {  	[tilespmem:s21], [sflag:$0x1] =	stream.linear.gather [hbm4b:s0+s5], $0x80, $0x38;
	[tilespmem:$0x8900] =	vst v63  }
0x29: {  	_ =	swait.ge [sflag:s18], $0x80  }
0x2a: {  	[sflag:s18] =	ssyncset.done $0x0  }
0x2b: {  	[sflag:s18] =	ssyncadd.s32 $0xFFFFFF80  }
0x2c: {  	[tilespmem:s22], [sflag:$0x1] =	stream.indirect.gather [spmem:s1], $0x10, s5, s21, $0xb8;
	[tilespmem:$0x8900] =	vst v63  }
0x2d: {  	_ =	swait.ge [sflag:s18], $0x800  }
0x2e: {  	[sflag:s18] =	ssyncset.done $0x0  }
0x2f: {  	[sflag:s18] =	ssyncadd.s32 $0xFFFFF800  }
0x30: {  	[tilespmem:s23], [sflag:$0x1] =	stream.indirect.gather [spmem:s3], $0x10, s21, s21, $0xb8;
	[tilespmem:$0x8900] =	vst v63  }
0x31: {  	_ =	swait.ge [sflag:s18], $0x800  }
0x32: {  	[sflag:s18] =	ssyncset.done $0x0  }
0x33: {  	s0 =	simm.s32 $0x140;
	[sflag:s18] =	ssyncadd.s32 $0xFFFFF800  }
0x34: {  	s28 =	simm.s32 $0x940;
	v0 =	vld [tilespmem:s0+$0x30]  }
0x35: {  	v1 =	vld [tilespmem:s28+$0x30]  }
0x36: {  	v2 =	vld [tilespmem:s28+$0xFFFFFFC0]  }
0x37: {  	v3 =	vld [tilespmem:s0+$0xFFFFFFD0]  }
0x38: {  	v4 =	vld [tilespmem:s28+$0xFFFFFFD0]  }
0x39: {  	v5 =	vld [tilespmem:s0+$0xFFFFFFE0]  }
0x3a: {  	v6 =	vld [tilespmem:s28+$0xFFFFFFE0]  }
0x3b: {  	v7 =	vld [tilespmem:s0+$0xFFFFFFF0]  }
0x3c: {  	v8 =	vld [tilespmem:s28+$0xFFFFFFF0]  }
0x3d: {  	v9 =	vld [tilespmem:s28+$0x0]  }
0x3e: {  	v11 =	vld [tilespmem:s0+$0x10];
	v0 =	vadd.f32 v1, v0  }
0x3f: {  	v1 =	vld [tilespmem:s0+$0x0]  }
0x40: {  	v13 =	vld [tilespmem:s0+$0xFFFFFFC0];
	v3 =	vadd.f32 v4, v3;
	v10 =	vmul.f32 $1.000000010e-01, v0  }
0x41: {  	v4 =	vld [tilespmem:s28+$0x10];
	v5 =	vadd.f32 v6, v5  }
0x42: {  	v6 =	vld [tilespmem:s0+$0x20];
	v7 =	vadd.f32 v8, v7;
	v0 =	vmax.f32 v0, v10;
	v10 =	vmul.f32 $1.000000010e-01, v3  }
0x43: {  	v8 =	vld [tilespmem:s28+$0x20];
	v12 =	vmul.f32 $1.000000010e-01, v5;
	v0 =	vmul.f32 $1.442695020e+00, v0  }
0x44: {  	s0 =	simm.s32 $0x1C0;
	v1 =	vadd.f32 v9, v1;
	v3 =	vmax.f32 v3, v10;
	v10 =	vmul.f32 $1.000000010e-01, v7  }
0x45: {  	s29 =	simm.s32 $0x9C0;
	v9 =	vld [tilespmem:s0+$0x30];
	(erf) = vpow2.f32 v0;
	v0 =	vmax.f32 v5, v12;
	v3 =	vmul.f32 $1.442695020e+00, v3  }
0x46: {  	v5 =	vld [tilespmem:s29+$0x30];
	v12 =	vmul.f32 $1.442695020e+00, v0;
	v7 =	vmax.f32 v7, v10;
	v10 =	vmul.f32 $1.000000010e-01, v1  }
0x47: {  	v61 =	vld [tilespmem:s29+$0xFFFFFFE0];
	v4 =	vadd.f32 v4, v11;
	v7 =	vmul.f32 $1.442695020e+00, v7;
	(erf) = vpow2.f32 v3  }
0x48: {  	v2 =	vadd.f32 v2, v13;
	v6 =	vadd.f32 v8, v6;
	v8 =	vld [tilespmem:s29+$0xFFFFFFD0];
	(erf) = vpow2.f32 v12  }
0x49: {  	v3 =	vld [tilespmem:s0+$0xFFFFFFD0];
	v1 =	vmax.f32 v1, v10;
	v10 =	vmul.f32 $1.000000010e-01, v4;
	(erf) = vpow2.f32 v7  }
0x4a: {  	v14 =	vld [tilespmem:s29+$0x0];
	v1 =	vmul.f32 $1.442695020e+00, v1;
	v7 =	vmul.f32 $1.000000010e-01, v6  }
0x4b: {  	v11 =	vld [tilespmem:s0+$0xFFFFFFE0];
	v4 =	vmax.f32 v4, v10;
	v5 =	vadd.f32 v5, v9;
	v9 =	vmul.f32 $1.000000010e-01, v2  }
0x4c: {  	v10 =	vld [tilespmem:s0+$0xFFFFFFF0];
	v4 =	vmul.f32 $1.442695020e+00, v4;
	v6 =	vmax.f32 v6, v7;
	(erf) = vpow2.f32 v1  }
0x4d: {  	v7 =	vld [tilespmem:s29+$0xFFFFFFF0];
	v1 =	vmul.f32 $1.000000010e-01, v5;
	v6 =	vmul.f32 $1.442695020e+00, v6  }
0x4e: {  	v62 =	vld [tilespmem:s0+$0x0];
	v2 =	vmax.f32 v2, v9;
	v8 =	vadd.f32 v8, v3;
	(erf) = vpow2.f32 v4  }
0x4f: {  	v0 =	vld [tilespmem:s29+$0xFFFFFFC0];
	v2 =	vmul.f32 $1.442695020e+00, v2;
	v3 =	vpop (erf);
	v4 =	vmax.f32 v5, v1;
	(erf) = vpow2.f32 v6  }
0x50: {  	v9 =	vadd.f32 v61, v11;
	v1 =	vld [tilespmem:s0+$0x10];
	v4 =	vmul.f32 $1.442695020e+00, v4  }
0x51: {  	v5 =	vmul.f32 $1.000000010e-01, v8;
	[tilespmem:s28+$0x30] =	vst v3;
	v3 =	vld [tilespmem:s29+$0x10];
	v6 =	vpop (erf);
	(erf) = vpow2.f32 v2  }
0x52: {  	v11 =	vmul.f32 $1.000000010e-01, v9;
	v2 =	vld [tilespmem:s0+$0x20];
	[tilespmem:s28+$0xFFFFFFD0] =	vst v6;
	v6 =	vadd.f32 v7, v10;
	v7 =	vpop (erf);
	(erf) = vpow2.f32 v4  }
0x53: {  	v8 =	vmax.f32 v8, v5;
	v4 =	vld [tilespmem:s29+$0x20];
	[tilespmem:s28+$0xFFFFFFE0] =	vst v7;
	v63 =	vpop (erf)  }
0x54: {  	s31 =	simm.s32 $0x8;
	s30 =	simm.s32 $0x9C0;
	v5 =	vld [tilespmem:s0+$0xFFFFFFC0];
	s0 =	simm.s32 $0x240;
	v10 =	vmax.f32 v9, v11;
	v7 =	vadd.f32 v14, v62;
	v9 =	vmul.f32 $1.000000010e-01, v6;
	[tilespmem:s28+$0xFFFFFFF0] =	vst v63  }
.LBB2_3:
0x55: {  	v11 =	vld [tilespmem:s0+$0x30];
	v14 =	vmul.f32 $1.442695020e+00, v8;
	v10 =	vmul.f32 $1.442695020e+00, v10;
	s29 =	sadd.s32 $0x80, s29;
	v12 =	vpop (erf)  }
0x56: {  	s31 =	sadd.s32 $0x8, s31;
	v13 =	vld [tilespmem:s29+$0x30];
	v6 =	vmax.f32 v6, v9;
	v9 =	vmul.f32 $1.000000010e-01, v7;
	v1 =	vadd.f32 v3, v1;
	[tilespmem:s28+$0x0] =	vst v12  }
0x57: {  	p0 =	slt.u32 s31, $0x78;
	v3 =	vld [tilespmem:s29+$0xFFFFFFC0];
	v15 =	vmul.f32 $1.442695020e+00, v6;
	(erf) = vpow2.f32 v14;
	v8 =	vpop (erf)  }
0x58: {  	v12 =	vld [tilespmem:s0+$0xFFFFFFD0];
	v7 =	vmax.f32 v7, v9;
	v9 =	vmul.f32 $1.000000010e-01, v1;
	v2 =	vadd.f32 v4, v2;
	[tilespmem:s28+$0x10] =	vst v8;
	v4 =	vpop (erf)  }
0x59: {  	v8 =	vld [tilespmem:s29+$0xFFFFFFD0];
	v5 =	vadd.f32 v0, v5;
	v14 =	vmul.f32 $1.442695020e+00, v7;
	(erf) = vpow2.f32 v10;
	[tilespmem:s28+$0x20] =	vst v4  }
0x5a: {  	v4 =	vld [tilespmem:s0+$0xFFFFFFE0];
	v1 =	vmax.f32 v1, v9;
	v7 =	vmul.f32 $1.000000010e-01, v2;
	(erf) = vpow2.f32 v15;
	v6 =	vpop (erf)  }
0x5b: {  	v9 =	vld [tilespmem:s29+$0xFFFFFFE0];
	v10 =	vadd.f32 v13, v11;
	v11 =	vmul.f32 $1.000000010e-01, v5;
	v1 =	vmul.f32 $1.442695020e+00, v1;
	v13 =	vpop (erf);
	[tilespmem:s28+$0xFFFFFFC0] =	vst v6;
	s28 =	smov.u32 s30;
	s30 =	smov.u32 s29  }
0x5c: {  	v6 =	vld [tilespmem:s0+$0xFFFFFFF0];
	v2 =	vmax.f32 v2, v7;
	[tilespmem:s28+$0x30] =	vst v13;
	(erf) = vpow2.f32 v14;
	v0 =	vmov v3  }
0x5d: {  	v7 =	vld [tilespmem:s29+$0xFFFFFFF0];
	v3 =	vmul.f32 $1.000000010e-01, v10;
	v5 =	vmax.f32 v5, v11;
	v13 =	vmul.f32 $1.442695020e+00, v2  }
0x5e: {  	v8 =	vadd.f32 v8, v12;
	v11 =	vld [tilespmem:s0+$0x0];
	v5 =	vmul.f32 $1.442695020e+00, v5;
	(erf) = vpow2.f32 v1  }
0x5f: {  	v12 =	vld [tilespmem:s29+$0x0];
	v3 =	vmax.f32 v10, v3;
	(erf) = vpow2.f32 v13  }
.Ltmp0:
0x60: {  	v10 =	vmul.f32 $1.000000010e-01, v8;
	v9 =	vadd.f32 v9, v4;
	v1 =	vld [tilespmem:s0+$0x10];
	v4 =	vmul.f32 $1.442695020e+00, v3;
	v2 =	vpop (erf);
	(pc) =	sbr.rel @p0 .LBB2_3-.Ltmp0, $4  }
0x61: {  	v3 =	vld [tilespmem:s29+$0x10];
	[tilespmem:s28+$0xFFFFFFD0] =	vst v2;
	(erf) = vpow2.f32 v5  }
0x62: {  	v13 =	vmul.f32 $1.000000010e-01, v9;
	v6 =	vadd.f32 v7, v6;
	v2 =	vld [tilespmem:s0+$0x20];
	(erf) = vpow2.f32 v4;
	v5 =	vpop (erf)  }
0x63: {  	v8 =	vmax.f32 v8, v10;
	v4 =	vld [tilespmem:s29+$0x20];
	[tilespmem:s28+$0xFFFFFFE0] =	vst v5;
	v14 =	vpop (erf)  }
0x64: {  	v5 =	vld [tilespmem:s0+$0xFFFFFFC0];
	v10 =	vmax.f32 v9, v13;
	v9 =	vmul.f32 $1.000000010e-01, v6;
	v7 =	vadd.f32 v12, v11;
	s0 =	sadd.s32 $0x80, s0;
	[tilespmem:s28+$0xFFFFFFF0] =	vst v14  }
0x65: {  	_ = 	snop  }
0x66: {  	v8 =	vmul.f32 $1.442695020e+00, v8  }
0x67: {  	v10 =	vmul.f32 $1.442695020e+00, v10;
	v6 =	vmax.f32 v6, v9;
	v1 =	vadd.f32 v3, v1  }
0x68: {  	v46 =	vmul.f32 $1.000000010e-01, v7;
	v47 =	vmul.f32 $1.442695020e+00, v6;
	v2 =	vadd.f32 v4, v2  }
0x69: {  	(erf) = vpow2.f32 v8;
	v49 =	vmul.f32 $1.000000010e-01, v1;
	v0 =	vadd.f32 v0, v5  }
0x6a: {  	v48 =	vmax.f32 v7, v46;
	(erf) = vpow2.f32 v10;
	v50 =	vmul.f32 $1.000000010e-01, v2  }
0x6b: {  	v4 =	vmul.f32 $1.442695020e+00, v48;
	v1 =	vmax.f32 v1, v49;
	v51 =	vmul.f32 $1.000000010e-01, v0  }
0x6c: {  	(erf) = vpow2.f32 v47;
	v1 =	vmul.f32 $1.442695020e+00, v1;
	v2 =	vmax.f32 v2, v50  }
0x6d: {  	(erf) = vpow2.f32 v4;
	v0 =	vmax.f32 v0, v51;
	v2 =	vmul.f32 $1.442695020e+00, v2  }
0x6e: {  	v52 =	vpop (erf);
	(erf) = vpow2.f32 v1;
	v0 =	vmul.f32 $1.442695020e+00, v0  }
0x6f: {  	[tilespmem:s28+$0x0] =	vst v52;
	v53 =	vpop (erf);
	(erf) = vpow2.f32 v2  }
0x70: {  	[tilespmem:s28+$0x10] =	vst v53;
	v54 =	vpop (erf);
	(erf) = vpow2.f32 v0  }
0x71: {  	[tilespmem:s28+$0x20] =	vst v54;
	v55 =	vpop (erf)  }
0x72: {  	v56 =	vpop (erf);
	[tilespmem:s28+$0xFFFFFFC0] =	vst v55  }
0x73: {  	[tilespmem:s30+$0x30] =	vst v56;
	v57 =	vpop (erf)  }
0x74: {  	[tilespmem:s30+$0xFFFFFFD0] =	vst v57;
	v58 =	vpop (erf)  }
0x75: {  	[tilespmem:s30+$0xFFFFFFE0] =	vst v58;
	v59 =	vpop (erf)  }
0x76: {  	[tilespmem:s30+$0xFFFFFFF0] =	vst v59;
	v60 =	vpop (erf)  }
0x77: {  	[tilespmem:s30+$0x0] =	vst v60;
	v61 =	vpop (erf)  }
0x78: {  	[tilespmem:s30+$0x10] =	vst v61;
	v62 =	vpop (erf)  }
0x79: {  	s0 =	sshll.u32 s26, $0x1;
	[tilespmem:s30+$0x20] =	vst v62;
	v63 =	vpop (erf)  }
0x7a: {  	s0 =	sadd.s32 s8, s0;
	[tilespmem:s30+$0xFFFFFFC0] =	vst v63  }
0x7b: {  	[hbm4b:s0+s5] =	stream.linear.scatter [tilespmem:s23], [sflag:$0x1], $0x800, $0x38;
	[tilespmem:$0x8900] =	vst v63  }
0x7c: {  	s25 =	sadd.s32 $0x1, s25;
	_ =	swait.ge [sflag:s18], $0x800  }
0x7d: {  	p0 =	sne.s32 s25, s13;
	[sflag:s18] =	ssyncset.done $0x0  }
.Ltmp1:
0x7e: {  	[sflag:s18] =	ssyncadd.s32 $0xFFFFF800;
	(pc) =	sbr.rel @p0 .LBB2_2-.Ltmp1, $4  }
0x7f: {  	[spmem:s4] =	stream.indirect.scatter.add.f32 [tilespmem:s23], [sflag:$0x1], $0x10, s21, s21, $0xb8;
	[tilespmem:$0x8900] =	vst v63  }
0x80: {  	_ =	swait.ge [sflag:s18], $0x800  }
0x81: {  	[sflag:s18] =	ssyncset.done $0x0  }
0x82: {  	[sflag:s18] =	ssyncadd.s32 $0xFFFFF800  }
0x83: {  	s24 =	sadd.s32 $0x1, s24  }
0x84: {  	p0 =	sne.s32 s24, s16  }
.Ltmp2:
0x85: {  	[bflag:$0x0] =	sbarrier.arrive $0xFFFF;
	(pc) =	sbr.rel @p0 .LBB2_1-.Ltmp2, $4  }
0x86: {  	[hbm:s15], [sflag:s10] =	dma.local [spmem:s20], $0x500  }
0x87: {  	_ =	swait.ge [sflag:s18], $0x500  }
0x88: {  	[sflag:s18] =	ssyncset.done $0x0  }
0x89: {  	[sflag:s18] =	ssyncadd.s32 $0xFFFFFB00  }
0x8a: {  	_ =	sfence.sel $0x180000  }
0x8b: {  	[bflag:$0x0] =	sbarrier.arrive $0xFFFF  }
0x8c: {  	_ =	strace $0x90000053  }
0x8d: {  	[bflag:$0x2] =	sbarrier.arrive $0xFFFF  }
0x8e: {  	p0 =	sne.s32 s2, $0x0;
	s0 =	rddreg [dreg:$0x4]  }
0x8f: {  	s0 =	sadd.s32 @!p0 $0x100000, s0  }
0x90: {  	[sflag:s0] =	ssyncadd.tile.s32 @!p0 $0x1;
	_ =	shalt  }
.Lfunc_end2:
_tile_overlayer_lowered:
.L_overlay_start_2:
0x91: {  	(tag) =	ssettag $0x2  }
0x92: {  	s0 =	rddreg [dreg:$0x0];
	s2 =	stileid.u32  }
0x93: {  	s1 =	rddreg [dreg:$0x1];
	p0 =	sne.s32 s2, $0x0  }
0x94: {  	s3 =	rddreg [dreg:$0x2];
	[bflag:$0x3] =	sbarrier.arrive $0xFFFF;
	s2 =	simm.s32 @!p0 $0x1C01  }
0x95: {  	[timem:s3], [sflag:s2] =	dma.local @!p0 [hbm:s0], s1  }
0x96: {  	s0 =	simm.s32 @!p0 $0x1  }
0x97: {  	_ =	swait.ge @!p0 [sflag:s0], s1  }
0x98: {  	s1 =	ssub.s32 @!p0 $0x0, s1;
	[sflag:s0] =	ssyncset.done @!p0 $0x0  }
0x99: {  	[sflag:s0] =	ssyncadd.s32 @!p0 s1  }
0x9a: {  	[bflag:$0x3] =	sbarrier.arrive $0xFFFF  }
0x9b: {  	_ =	shalt  }

// kernel: kernel.28.cloned.1.call-start
scs
__scs_entry_jumppad:
0x0: {  	(pc) =	sbr.rel $0x88, $3  }
0x1: {  	(tag) =	ssettag $0x0;
	lr =	simm.s32 $0x1  }
0x2: {  	[smem:$0x3F8C] =	sst lr;
	_ =	strace $0xD0000000  }
0x3: {  	_ = 	snop  }
0x4: {  	_ = 	snop  }
0x5: {  	_ = 	snop  }
0x6: {  	_ = 	snop  }
0x7: {  	_ = 	snop  }
__scs_overlays_trampoline_lowered:
0x8: {  	[smem:$0x3F9B] =	sst s0  }
0x9: {  	[smem:$0x3F9C] =	sst s1  }
0xa: {  	[smem:$0x3F9D] =	sst s2  }
0xb: {  	[smem:$0x3F9E] =	sst s3  }
0xc: {  	[smem:$0x3F9F] =	sst s4  }
0xd: {  	[smem:$0x3FA0] =	sst s5  }
0xe: {  	[smem:$0x3FA1] =	sst s6  }
0xf: {  	[smem:$0x3FA2] =	sst s7  }
0x10: {  	[smem:$0x3FA3] =	sst s8  }
0x11: {  	[smem:$0x3FA4] =	sst s9;
	s0 =	simm.s32 @!p0 $0x0  }
0x12: {  	s1 =	sld [smem:$0x3F8A];
	s0 =	simm.s32 @p0 $0x1  }
0x13: {  	[smem:$0x3FA5] =	sst s0;
	s0 =	simm.s32 @!p1 $0x0  }
0x14: {  	s2 =	sld [smem:$0x3F89];
	s0 =	simm.s32 @p1 $0x1  }
0x15: {  	[smem:$0x3FA6] =	sst s0;
	s0 =	simm.s32 @!p2 $0x0  }
0x16: {  	s3 =	sld [smem:$0x3FDB];
	s0 =	simm.s32 @p2 $0x1  }
0x17: {  	s4 =	simm.s32 $0x1BF5;
	[smem:$0x3FA8] =	sst s0  }
0x18: {  	s0 =	sld [smem:$0x3F8B];
	_ =	swait.ge [sflag:s4], $0x0  }
0x19: {  	s7 =	sld [smem:$0x3F8C]  }
0x1a: {  	s8 =	sadd.s32 $0xFFFFE003, lr  }
0x1b: {  	s9 =	sadd.s32 $0xFFFFFEF7, lr;
	s5 =	simm.s32 $0xFFFFFFFF;
	p2 =	slt.u32 s8, $0xFFFFF086  }
0x1c: {  	p1 =	slt.u32 s9, $0xF7A;
	s5 =	simm.s32 @!p2 $0x0  }
0x1d: {  	s5 =	simm.s32 @p1 $0x1;
	p0 =	seq.s32 s7, s2  }
0x1e: {  	s7 =	smul.u32 @!p0 $0xF7A, s2;
	p2 =	seq.s32 @!p0 s5, $0x0  }
0x1f: {  	s9 =	smul.u32 $0xF7A, s1;
	s8 =	simm.s32 @!p0 $0x1BF5;
	p2 =	por !p2, p0  }
0x20: {  	[sflag:s8] =	ssyncset.s32 @!p0 $0xFFFFF086;
	s6 =	sadd.s32 @!p0 s3, s7;
	s7 =	simm.s32 @!p0 $0x108  }
0x21: {  	s3 =	sadd.s32 s3, s9;
	s6 =	sadd.s32 @!p0 $0x88, s6;
	s7 =	simm.s32 @p2 $0x1082  }
0x22: {  	[simem:s7], [sflag:s8] =	dma.local @!p0 [hbm:s6], $0xF7A  }
0x23: {  	s9 =	sor.u32 $0xD0000000, s2;
	s6 =	simm.s32 $0x108;
	_ =	swait.ge @!p0 [sflag:s8], $0x0  }
0x24: {  	s3 =	sadd.s32 $0x88, s3;
	s6 =	simm.s32 @!p1 $0x1082;
	[sflag:s4] =	ssyncset.s32 $0xFFFFF086  }
0x25: {  	[simem:s6], [sflag:s4] =	dma.local [hbm:s3], $0xF7A  }
0x26: {  	[smem:$0x3F8C] =	sst s1;
	(tag) =	ssettag s2;
	_ =	strace s9  }
0x27: {  	s1 =	sld [smem:$0x3F9C]  }
0x28: {  	s2 =	sld [smem:$0x3F9D]  }
0x29: {  	s4 =	sld [smem:$0x3F9F]  }
0x2a: {  	p0 =	seq.s32 s5, $0x0;
	s5 =	sld [smem:$0x3FA0]  }
0x2b: {  	s6 =	sld [smem:$0x3FA1]  }
0x2c: {  	s7 =	sld [smem:$0x3FA2]  }
0x2d: {  	s3 =	simm.s32 $0x108;
	s8 =	sld [smem:$0x3FA3]  }
0x2e: {  	s3 =	simm.s32 @!p0 $0x1082;
	s9 =	sld [smem:$0x3FA4]  }
0x2f: {  	lr =	sadd.s32 s0, s3;
	s0 =	sld [smem:$0x3F9B]  }
0x30: {  	s3 =	sld [smem:$0x3F9E]  }
0x31: {  	[smem:$0x3FA7] =	sst s10  }
0x32: {  	s10 =	sld [smem:$0x3FA5];
	_ =	sdelay $0x3  }
0x33: {  	p0 =	seq.s32 s10, $0x1;
	s10 =	sld [smem:$0x3FA7];
	_ =	sdelay $0x3  }
0x34: {  	[smem:$0x3FA7] =	sst s10  }
0x35: {  	s10 =	sld [smem:$0x3FA6];
	_ =	sdelay $0x3  }
0x36: {  	p1 =	seq.s32 s10, $0x1;
	s10 =	sld [smem:$0x3FA7];
	_ =	sdelay $0x3  }
0x37: {  	[smem:$0x3FA7] =	sst s10  }
0x38: {  	s10 =	sld [smem:$0x3FA8]  }
0x39: {  	_ = 	snop;
	(pc) =	sbr.ind lr, $3  }
0x3a: {  	_ = 	snop  }
0x3b: {  	_ = 	snop  }
0x3c: {  	p2 =	seq.s32 s10, $0x1;
	s10 =	sld [smem:$0x3FA7]  }
0x3d: {  	_ =	shalt  }
0x3e: {  	_ =	shalt  }
0x3f: {  	_ =	shalt  }
0x40: {  	_ =	shalt  }
0x41: {  	_ =	shalt  }
0x42: {  	_ =	shalt  }
0x43: {  	_ =	shalt  }
0x44: {  	_ =	shalt  }
0x45: {  	_ =	shalt  }
0x46: {  	_ =	shalt  }
0x47: {  	_ =	shalt  }
0x48: {  	_ =	shalt  }
0x49: {  	_ =	shalt  }
0x4a: {  	_ =	shalt  }
0x4b: {  	_ =	shalt  }
0x4c: {  	_ =	shalt  }
0x4d: {  	_ =	shalt  }
0x4e: {  	_ =	shalt  }
0x4f: {  	_ =	shalt  }
0x50: {  	_ =	shalt  }
0x51: {  	_ =	shalt  }
0x52: {  	_ =	shalt  }
0x53: {  	_ =	shalt  }
0x54: {  	_ =	shalt  }
0x55: {  	_ =	shalt  }
0x56: {  	_ =	shalt  }
0x57: {  	_ =	shalt  }
0x58: {  	_ =	shalt  }
0x59: {  	_ =	shalt  }
0x5a: {  	_ =	shalt  }
0x5b: {  	_ =	shalt  }
0x5c: {  	_ =	shalt  }
0x5d: {  	_ =	shalt  }
0x5e: {  	_ =	shalt  }
0x5f: {  	_ =	shalt  }
0x60: {  	_ =	shalt  }
0x61: {  	_ =	shalt  }
0x62: {  	_ =	shalt  }
0x63: {  	_ =	shalt  }
0x64: {  	_ =	shalt  }
0x65: {  	_ =	shalt  }
0x66: {  	_ =	shalt  }
0x67: {  	_ =	shalt  }
0x68: {  	_ =	shalt  }
0x69: {  	_ =	shalt  }
0x6a: {  	_ =	shalt  }
0x6b: {  	_ =	shalt  }
0x6c: {  	_ =	shalt  }
0x6d: {  	_ =	shalt  }
0x6e: {  	_ =	shalt  }
0x6f: {  	_ =	shalt  }
0x70: {  	_ =	shalt  }
0x71: {  	_ =	shalt  }
0x72: {  	_ =	shalt  }
0x73: {  	_ =	shalt  }
0x74: {  	_ =	shalt  }
0x75: {  	_ =	shalt  }
0x76: {  	_ =	shalt  }
0x77: {  	_ =	shalt  }
0x78: {  	_ =	shalt  }
0x79: {  	_ =	shalt  }
0x7a: {  	_ =	shalt  }
0x7b: {  	_ =	shalt  }
0x7c: {  	_ =	shalt  }
0x7d: {  	_ =	shalt  }
0x7e: {  	_ =	shalt  }
0x7f: {  	_ =	shalt  }
0x80: {  	_ =	shalt  }
0x81: {  	_ =	shalt  }
0x82: {  	_ =	shalt  }
0x83: {  	_ =	shalt  }
0x84: {  	_ =	shalt  }
0x85: {  	_ =	shalt  }
0x86: {  	_ =	shalt  }
0x87: {  	_ =	shalt  }
.Lfunc_end0:
.L_simem_size_0:
called_computation.5_lowered:
.L_overlay_start_0:
0x88: {  	s2 =	sld [smem:$0x3FD9]  }
0x89: {  	s3 =	sld [smem:$0x3FFE];
	_ =	sdelay $0x1  }
0x8a: {  	s1 =	srdreg.scid  }
0x8b: {  	s0 =	sand.u32 $0x1, s1  }
0x8c: {  	s16 =	sshll.u32 s0, $0xA;
	s2 =	sadd.s32 s3, s2  }
0x8d: {  	s2 =	sadd.s32 s2, s16  }
0x8e: {  	[smem:$0x3FB3] =	sst s2  }
0x8f: {  	_ = 	snop  }
0x90: {  	(tm) =	ssettm $0x1  }
0x91: {  	s17 =	sld [smem:$0x3FFB];
	_ =	sdelay $0x3  }
0x92: {  	_ =	strace s17  }
0x93: {  	s2 =	sld [smem:$0x3FFC];
	_ =	sdelay $0x3  }
0x94: {  	_ =	strace s2  }
0x95: {  	s2 =	sld [smem:$0x3FFD];
	_ =	sdelay $0x3  }
0x96: {  	_ =	strace s2  }
0x97: {  	_ =	strace $0x8FFFFFFF  }
0x98: {  	s18 =	sld [smem:$0x3FDB];
	_ =	sdelay $0x1  }
0x99: {  	s19 =	simm.s32 $_scs_section_size  }
0x9a: {  	s4 =	simm.s32 $_size__tile_overlayer_lowered;
	s5 =	simm.s32 $_tile_overlayer_lowered  }
0x9b: {  	s22 =	simm.s32 $0x1BFF;
	s21 =	sshll.u32 s5, $0x1;
	s2 =	sadd.s32 s19, s18  }
0x9c: {  	s6 =	simm.s32 $0x0;
	s20 =	sshll.u32 s4, $0x1;
	s4 =	sadd.s32 s21, s2  }
0x9d: {  	[timem:s6], [sflag:s22] =	dma.local [hbm:s4], s20  }
0x9e: {  	_ =	swait.ge [sflag:s22], s20  }
0x9f: {  	s3 =	ssub.s32 $0x0, s20;
	[sflag:s22] =	ssyncset.done $0x0  }
0xa0: {  	[sflag:s22] =	ssyncadd.s32 s3;
	_ =	sdelay $0x1  }
0xa1: {  	s23 =	simm.s32 $0x1B8B  }
0xa2: {  	_ =	swait.ge [sflag:s23], $0x1  }
0xa3: {  	[sflag:s23] =	ssyncset.done $0x0  }
0xa4: {  	s25 =	simm.s32 $0x1B8E;
	s24 =	sld [smem:$0x3FFE];
	[sflag:s23] =	ssyncadd.s32 $0xFFFFFFFF  }
0xa5: {  	s26 =	simm.s32 $execute0_lowered;
	[smem:$0x3FD2] =	sst s25  }
0xa6: {  	s4 =	sshll.u32 s26, $0x1;
	_ =	strace $0x80000055;
	[dreg:$0x1] =	wrdreg $0xFFFFFFFF  }
0xa7: {  	s28 =	simm.s32 $_size_execute0_lowered;
	s2 =	sadd.s32 s2, s4;
	[dreg:$0x0] =	wrdreg $0x0  }
0xa8: {  	s4 =	sshll.u32 s28, $0x1;
	[dreg:$0x2] =	wrdreg s2  }
0xa9: {  	[dreg:$0x3] =	wrdreg s4  }
0xaa: {  	[dreg:$0x4] =	wrdreg $0xC0  }
0xab: {  	_ =	task [dreg:s6], $0x5FFFF  }
0xac: {  	[dreg:$0x1] =	wrdreg $0xFFFFFFFF  }
0xad: {  	[dreg:$0x0] =	wrdreg $0x60  }
0xae: {  	[dreg:$0x2] =	wrdreg s24  }
0xaf: {  	[dreg:$0x3] =	wrdreg $0xE9000  }
0xb0: {  	[dreg:$0x4] =	wrdreg $0x111000  }
0xb1: {  	[dreg:$0x5] =	wrdreg $0x9  }
0xb2: {  	_ =	task.clear_ibuf [dreg:s6], $0x6FFFF;
	_ =	strace $0x90000055  }
0xb3: {  	s29 =	simm.s32 $0x9;
	_ =	strace $0x80000057  }
0xb4: {  	_ =	swait.ge [sflag:s29], $0x1  }
0xb5: {  	[sflag:s29] =	ssyncadd.s32 $0xFFFFFFFF  }
0xb6: {  	_ =	strace $0x90000057  }
0xb7: {  	_ =	sfence  }
0xb8: {  	s30 =	sld [smem:$0x0];
	_ =	sdelay $0x2  }
0xb9: {  	s31 =	sshll.u32 s1, $0xD;
	s1 =	sshrl.u32 s1, $0x2  }
0xba: {  	s3 =	sand.u32 $0x4000, s31;
	s1 =	sadd.s32 s1, s30  }
0xbb: {  	s0 =	sor.u32 s3, s0;
	s1 =	sshll.u32 s1, $0x11  }
0xbc: {  	s0 =	sor.u32 s1, s0  }
0xbd: {  	s0 =	sadd.s32 $0x8F2B, s0  }
0xbe: {  	[sflag:s0] =	ssyncadd.remote.s32 $0x1  }
0xbf: {  	_ =	sfence.sel $0xFFFF  }
0xc0: {  	[dreg:$0x0] =	wrdreg $0xFFFFFFFF;
	(pc) =	sbr.abs _section_cstart, $3  }
0xc1: {  	[dreg:$0x1] =	wrdreg $0xFFFFFFFF  }
0xc2: {  	_ =	task.clear_ibuf [dreg:s6], $0x2FFFF;
	_ =	strace $0x9FFFFFFF  }
0xc3: {  	(tm) =	ssettm $0x7FFFFFFF  }
tec
execute0_lowered:
.L_overlay_start_1:
0x0: {  	(tag) =	ssettag $0x1  }
0x1: {  	s0 =	rddreg [dreg:$0x0]  }
0x2: {  	s2 =	rddreg [dreg:$0x1]  }
0x3: {  	s3 =	rddreg [dreg:$0x2];
	s15 =	stileid.u32  }
0x4: {  	s1 =	srdreg.scid;
	s4 =	simm.s32 $0x0;
	s13 =	simm.s32 $0x28  }
0x5: {  	s29 =	simm.s32 $0x9900;
	s19 =	simm.s32 $0x2;
	s21 =	simm.s32 $0x80  }
0x6: {  	s22 =	simm.s32 $0x1100;
	s23 =	simm.s32 $0x100;
	s24 =	simm.s32 $0x900  }
0x7: {  	s25 =	simm.s32 $0x1;
	s28 =	simm.s32 $0x0;
	s9 =	smul.u32 $0x2800, s15  }
0x8: {  	s1 =	sand.u32 $0x1, s1;
	[smem:$0x7FF] =	sst s4;
	s5 =	sadd.s32 $0x7C00, s0  }
0x9: {  	s6 =	sadd.s32 $0x78E00, s0;
	s7 =	sadd.s32 $0x64E00, s0;
	s8 =	sadd.s32 $0x5FE00, s0  }
0xa: {  	p0 =	seq.s32 s15, $0x0;
	s31 =	sshll.u32 s15, $0x8;
	s10 =	smul.u32 $0x28000, s1  }
0xb: {  	_ =	strace $0x80000056;
	s12 =	ssub.s32 $0x2, s1;
	s1 =	sshll.u32 s1, $0x7  }
0xc: {  	s13 =	simm.s32 @!p0 $0x27;
	s11 =	sshrl.u32 s9, $0x3;
	s26 =	sshrl.u32 s12, $0x1  }
0xd: {  	s15 =	sor.u32 s1, s31;
	s10 =	sadd.s32 s9, s10;
	s14 =	sadd.s32 s11, s0  }
0xe: {  	s17 =	ssub.s32 s12, s26;
	s11 =	sadd.s32 s9, s2;
	s12 =	sadd.s32 s9, s3  }
0xf: {  	s26 =	simm.s32 $0x9100;
	s10 =	sshrl.u32 s10, $0x3;
	s30 =	sadd.s32 $0x55E00, s14  }
0x10: {  	s17 =	smax.u32 s17, $0x1;
	s0 =	sadd.s32 s10, s0;
	[dreg:$0x4] =	wrdreg s30  }
0x11: {  	s10 =	sadd.s32 $0x5AE00, s14;
	s14 =	sadd.s32 $0x69E00, s14;
	s16 =	sadd.s32 $0x6EE00, s0  }
.LBB2_1:
0x12: {  	s0 =	rddreg [dreg:$0x4]  }
0x13: {  	[tilespmem:s29], [sflag:$0x2] =	stream.linear.gather [hbm4b:s0+s4], $0x2800, $0x38;
	[tilespmem:$0x13900] =	vst v63  }
0x14: {  	_ =	swait.ge [sflag:s19], $0x2800  }
0x15: {  	[sflag:s19] =	ssyncset.done $0x0  }
0x16: {  	s31 =	simm.s32 $0xC100;
	[sflag:s19] =	ssyncadd.s32 $0xFFFFD800  }
0x17: {  	[tilespmem:s31], [sflag:$0x2] =	stream.linear.gather [hbm4b:s10+s4], $0x2800, $0x38;
	[tilespmem:$0x13900] =	vst v63  }
0x18: {  	_ =	swait.ge [sflag:s19], $0x2800  }
0x19: {  	[sflag:s19] =	ssyncset.done $0x0  }
0x1a: {  	s0 =	simm.s32 $0x9940;
	[sflag:s19] =	ssyncadd.s32 $0xFFFFD800  }
0x1b: {  	s1 =	simm.s32 $0xC140;
	v0 =	vld [tilespmem:s0+$0x30]  }
0x1c: {  	v1 =	vld [tilespmem:s1+$0x30]  }
0x1d: {  	v3 =	vld [tilespmem:s0+$0xFFFFFFD0]  }
0x1e: {  	v4 =	vld [tilespmem:s1+$0xFFFFFFD0]  }
0x1f: {  	v5 =	vld [tilespmem:s0+$0xFFFFFFE0]  }
0x20: {  	v6 =	vld [tilespmem:s1+$0xFFFFFFE0]  }
0x21: {  	v7 =	vld [tilespmem:s0+$0xFFFFFFF0]  }
0x22: {  	v8 =	vld [tilespmem:s1+$0xFFFFFFF0]  }
0x23: {  	v9 =	vld [tilespmem:s0+$0x0]  }
0x24: {  	v10 =	vld [tilespmem:s1+$0x0];
	v0 =	vadd.f32 v1, v0  }
0x25: {  	v11 =	vld [tilespmem:s1+$0x10]  }
0x26: {  	v1 =	vld [tilespmem:s0+$0x10];
	v3 =	vadd.f32 v4, v3;
	v0 =	vadd.f32 $1.000000020e-16, v0  }
0x27: {  	v4 =	vld [tilespmem:s0+$0x20]  }
0x28: {  	v5 =	vadd.f32 v6, v5;
	v6 =	vld [tilespmem:s1+$0x20];
	(erf) = vrcp.f32 v0;
	v0 =	vadd.f32 $1.000000020e-16, v3  }
0x29: {  	v2 =	vld [tilespmem:s1+$0xFFFFFFC0]  }
0x2a: {  	s1 =	simm.s32 $0x99C0;
	v5 =	vadd.f32 $1.000000020e-16, v5;
	v3 =	vadd.f32 v8, v7;
	v7 =	vld [tilespmem:s0+$0xFFFFFFC0];
	(erf) = vrcp.f32 v0  }
0x2b: {  	s9 =	simm.s32 $0xC1C0;
	v8 =	vadd.f32 v10, v9;
	v9 =	vld [tilespmem:s1+$0x30]  }
0x2c: {  	v10 =	vld [tilespmem:s9+$0x30];
	v1 =	vadd.f32 v11, v1;
	v3 =	vadd.f32 $1.000000020e-16, v3;
	(erf) = vrcp.f32 v5  }
0x2d: {  	v4 =	vadd.f32 v6, v4;
	v5 =	vadd.f32 $1.000000020e-16, v8;
	v8 =	vld [tilespmem:s1+$0xFFFFFFE0]  }
0x2e: {  	v1 =	vadd.f32 $1.000000020e-16, v1;
	(erf) = vrcp.f32 v3;
	v3 =	vld [tilespmem:s1+$0xFFFFFFD0]  }
0x2f: {  	v4 =	vadd.f32 $1.000000020e-16, v4;
	(erf) = vrcp.f32 v5;
	v5 =	vld [tilespmem:s9+$0xFFFFFFD0];
	v2 =	vadd.f32 v2, v7  }
0x30: {  	(erf) = vrcp.f32 v1;
	v1 =	vld [tilespmem:s9+$0xFFFFFFE0]  }
0x31: {  	v6 =	vld [tilespmem:s1+$0xFFFFFFF0];
	v9 =	vadd.f32 v10, v9;
	v2 =	vadd.f32 $1.000000020e-16, v2  }
0x32: {  	v10 =	vld [tilespmem:s9+$0xFFFFFFF0];
	v7 =	vpop (erf);
	(erf) = vrcp.f32 v4  }
0x33: {  	v12 =	vld [tilespmem:s9+$0x0];
	v9 =	vadd.f32 $1.000000020e-16, v9;
	v4 =	vpop (erf);
	(erf) = vrcp.f32 v2  }
0x34: {  	v11 =	vld [tilespmem:s1+$0x0];
	v7 =	vmul.f32 $6.250000000e-02, v7;
	v3 =	vadd.f32 v5, v3  }
0x35: {  	v0 =	vld [tilespmem:s9+$0xFFFFFFC0];
	v5 =	vadd.f32 v1, v8;
	v2 =	vpop (erf);
	(erf) = vrcp.f32 v9  }
0x36: {  	v1 =	vld [tilespmem:s1+$0x10];
	v4 =	vmul.f32 $6.250000000e-02, v4;
	[tilespmem:s0+$0x30] =	vst v7;
	v8 =	vadd.f32 $1.000000020e-16, v3;
	v7 =	vmul.f32 $6.250000000e-02, v2  }
0x37: {  	v10 =	vadd.f32 v10, v6;
	v3 =	vld [tilespmem:s9+$0x10];
	v2 =	vpop (erf)  }
0x38: {  	v14 =	vadd.f32 $1.000000020e-16, v5;
	[tilespmem:s0+$0xFFFFFFD0] =	vst v4;
	v9 =	vmul.f32 $6.250000000e-02, v2;
	v13 =	vpop (erf);
	v2 =	vld [tilespmem:s1+$0x20];
	(erf) = vrcp.f32 v8  }
0x39: {  	v4 =	vld [tilespmem:s9+$0x20];
	[tilespmem:s0+$0xFFFFFFE0] =	vst v7;
	v6 =	vmul.f32 $6.250000000e-02, v13  }
0x3a: {  	s18 =	simm.s32 $0x8;
	s20 =	simm.s32 $0x9A40;
	v5 =	vld [tilespmem:s1+$0xFFFFFFC0];
	v8 =	vadd.f32 $1.000000020e-16, v10;
	(erf) = vrcp.f32 v14;
	[tilespmem:s0+$0xFFFFFFF0] =	vst v9;
	v9 =	vadd.f32 v12, v11;
	v7 =	vpop (erf)  }
.LBB2_2:
0x3b: {  	v10 =	vld [tilespmem:s20+$0x30];
	s9 =	sadd.s32 $0x80, s9;
	[tilespmem:s0+$0x0] =	vst v6;
	v6 =	vmul.f32 $6.250000000e-02, v7;
	v7 =	vpop (erf)  }
0x3c: {  	s18 =	sadd.s32 $0x8, s18;
	v11 =	vld [tilespmem:s9+$0x30];
	v9 =	vadd.f32 $1.000000020e-16, v9;
	v1 =	vadd.f32 v3, v1;
	(erf) = vrcp.f32 v8;
	v3 =	vpop (erf)  }
0x3d: {  	p0 =	slt.u32 s18, $0x278;
	v8 =	vld [tilespmem:s9+$0xFFFFFFC0];
	v3 =	vmul.f32 $6.250000000e-02, v3;
	[tilespmem:s0+$0x10] =	vst v6;
	v6 =	vmul.f32 $6.250000000e-02, v7  }
0x3e: {  	v7 =	vld [tilespmem:s20+$0xFFFFFFD0];
	v1 =	vadd.f32 $1.000000020e-16, v1;
	v2 =	vadd.f32 v4, v2;
	(erf) = vrcp.f32 v9;
	v4 =	vpop (erf)  }
0x3f: {  	v9 =	vld [tilespmem:s9+$0xFFFFFFD0];
	v12 =	vadd.f32 v0, v5;
	v4 =	vmul.f32 $6.250000000e-02, v4;
	[tilespmem:s0+$0xFFFFFFC0] =	vst v3  }
0x40: {  	v3 =	vld [tilespmem:s20+$0xFFFFFFE0];
	v2 =	vadd.f32 $1.000000020e-16, v2;
	(erf) = vrcp.f32 v1;
	[tilespmem:s0+$0x20] =	vst v6;
	s0 =	smov.u32 s1;
	s1 =	smov.u32 s20  }
0x41: {  	v1 =	vld [tilespmem:s9+$0xFFFFFFE0];
	v5 =	vadd.f32 v11, v10;
	v11 =	vadd.f32 $1.000000020e-16, v12;
	[tilespmem:s0+$0x30] =	vst v4;
	v0 =	vpop (erf)  }
0x42: {  	v4 =	vld [tilespmem:s20+$0xFFFFFFF0];
	v10 =	vmul.f32 $6.250000000e-02, v0;
	(erf) = vrcp.f32 v2;
	v0 =	vmov v8  }
0x43: {  	v2 =	vld [tilespmem:s9+$0xFFFFFFF0];
	v8 =	vadd.f32 $1.000000020e-16, v5;
	(erf) = vrcp.f32 v11;
	v6 =	vpop (erf)  }
0x44: {  	v7 =	vadd.f32 v9, v7;
	v9 =	vld [tilespmem:s20+$0x0];
	[tilespmem:s0+$0xFFFFFFD0] =	vst v10;
	v11 =	vmul.f32 $6.250000000e-02, v6  }
0x45: {  	v10 =	vld [tilespmem:s9+$0x0];
	(erf) = vrcp.f32 v8;
	v5 =	vpop (erf)  }
.Ltmp0:
0x46: {  	v12 =	vadd.f32 $1.000000020e-16, v7;
	v8 =	vadd.f32 v1, v3;
	v1 =	vld [tilespmem:s20+$0x10];
	[tilespmem:s0+$0xFFFFFFE0] =	vst v11;
	v5 =	vmul.f32 $6.250000000e-02, v5;
	(pc) =	sbr.rel @p0 .LBB2_2-.Ltmp0, $4  }
0x47: {  	v3 =	vld [tilespmem:s9+$0x10];
	v6 =	vpop (erf)  }
0x48: {  	v11 =	vadd.f32 $1.000000020e-16, v8;
	v8 =	vadd.f32 v2, v4;
	v2 =	vld [tilespmem:s20+$0x20];
	(erf) = vrcp.f32 v12;
	[tilespmem:s0+$0xFFFFFFF0] =	vst v5  }
0x49: {  	v6 =	vmul.f32 $6.250000000e-02, v6;
	v4 =	vld [tilespmem:s9+$0x20];
	v7 =	vpop (erf)  }
0x4a: {  	s20 =	sadd.s32 $0x80, s20;
	v5 =	vld [tilespmem:s1+$0xFFFFFFC0];
	v8 =	vadd.f32 $1.000000020e-16, v8;
	v9 =	vadd.f32 v10, v9;
	(erf) = vrcp.f32 v11  }
0x4b: {  	_ =	sdelay $0x1  }
0x4c: {  	v1 =	vadd.f32 v3, v1  }
0x4d: {  	v45 =	vadd.f32 $1.000000020e-16, v9;
	v2 =	vadd.f32 v4, v2  }
0x4e: {  	(erf) = vrcp.f32 v8;
	v1 =	vadd.f32 $1.000000020e-16, v1;
	v0 =	vadd.f32 v0, v5  }
0x4f: {  	(erf) = vrcp.f32 v45;
	v2 =	vadd.f32 $1.000000020e-16, v2  }
0x50: {  	v46 =	vpop (erf);
	(erf) = vrcp.f32 v1;
	v0 =	vadd.f32 $1.000000020e-16, v0  }
0x51: {  	v47 =	vpop (erf);
	(erf) = vrcp.f32 v2  }
0x52: {  	v48 =	vmul.f32 $6.250000000e-02, v7;
	v49 =	vpop (erf);
	(erf) = vrcp.f32 v0  }
0x53: {  	[tilespmem:s0+$0x0] =	vst v6;
	v51 =	vmul.f32 $6.250000000e-02, v49  }
0x54: {  	[tilespmem:s0+$0x10] =	vst v48;
	v1 =	vmul.f32 $6.250000000e-02, v46  }
0x55: {  	v50 =	vpop (erf);
	[tilespmem:s1+$0x30] =	vst v51;
	v0 =	vmul.f32 $6.250000000e-02, v47  }
0x56: {  	[tilespmem:s0+$0x20] =	vst v1;
	v53 =	vmul.f32 $6.250000000e-02, v50;
	v52 =	vpop (erf)  }
0x57: {  	[tilespmem:s0+$0xFFFFFFC0] =	vst v0;
	v54 =	vpop (erf);
	v0 =	vmul.f32 $6.250000000e-02, v52  }
0x58: {  	[tilespmem:s1+$0xFFFFFFD0] =	vst v53;
	v56 =	vmul.f32 $6.250000000e-02, v54;
	v55 =	vpop (erf)  }
0x59: {  	[tilespmem:s1+$0xFFFFFFE0] =	vst v0;
	v58 =	vmul.f32 $6.250000000e-02, v55;
	v57 =	vpop (erf)  }
0x5a: {  	[tilespmem:s1+$0xFFFFFFF0] =	vst v56;
	v60 =	vmul.f32 $6.250000000e-02, v57;
	v59 =	vpop (erf)  }
0x5b: {  	[tilespmem:s1+$0x0] =	vst v58;
	v61 =	vpop (erf);
	v63 =	vmul.f32 $6.250000000e-02, v59  }
0x5c: {  	[tilespmem:s1+$0x10] =	vst v60;
	v62 =	vmul.f32 $6.250000000e-02, v61  }
0x5d: {  	[tilespmem:s1+$0x20] =	vst v63  }
0x5e: {  	[tilespmem:s1+$0xFFFFFFC0] =	vst v62  }
0x5f: {  	[spmem:s11] =	stream.linear.scatter [tilespmem:s29], [sflag:$0x2], $0x2800, $0x38;
	[tilespmem:$0x13900] =	vst v63  }
0x60: {  	s20 =	stileid.u32;
	_ =	swait.ge [sflag:s19], $0x2800  }
0x61: {  	s0 =	sshll.u32 s20, $0x6;
	[sflag:s19] =	ssyncset.done $0x0  }
0x62: {  	s30 =	sshrl.u32 s12, $0x3;
	s29 =	sor.u32 $0x1C02, s0;
	[sflag:s19] =	ssyncadd.s32 $0xFFFFD800  }
0x63: {  	[spmem:s30], [sflag:s29] =	dma.local [hbm:s14], $0x500  }
0x64: {  	_ =	swait.ge [sflag:s19], $0x500  }
0x65: {  	[sflag:s19] =	ssyncset.done $0x0  }
0x66: {  	[sflag:s19] =	ssyncadd.s32 $0xFFFFFB00  }
0x67: {  	s31 =	simm.s32 $0x0;
	[bflag:$0x0] =	sbarrier.arrive $0xFFFF  }
.LBB2_4:
0x68: {  	s0 =	sshll.u32 s31, $0xC  }
0x69: {  	s0 =	sor.u32 s15, s0  }
0x6a: {  	s1 =	sshrl.u32 s0, $0x3  }
0x6b: {  	s9 =	sadd.s32 s7, s1  }
0x6c: {  	[tilespmem:s4], [sflag:$0x2] =	stream.linear.gather [hbm4b:s9+s4], $0x80, $0x38;
	[tilespmem:$0x13900] =	vst v63  }
0x6d: {  	_ =	swait.ge [sflag:s19], $0x80  }
0x6e: {  	[sflag:s19] =	ssyncset.done $0x0  }
0x6f: {  	s1 =	sadd.s32 s8, s1;
	[sflag:s19] =	ssyncadd.s32 $0xFFFFFF80  }
0x70: {  	[tilespmem:s21], [sflag:$0x2] =	stream.linear.gather [hbm4b:s1+s4], $0x80, $0x38;
	[tilespmem:$0x13900] =	vst v63  }
0x71: {  	_ =	swait.ge [sflag:s19], $0x80  }
0x72: {  	[sflag:s19] =	ssyncset.done $0x0  }
0x73: {  	s0 =	sshll.u32 s0, $0x1;
	[sflag:s19] =	ssyncadd.s32 $0xFFFFFF80  }
0x74: {  	[tilespmem:s22], [sflag:$0x1] =	stream.indirect.gather [hbm4b:s5+s21], $0x100, s4, s21, $0xb8;
	[tilespmem:$0x13900] =	vst v63  }
0x75: {  	s0 =	sadd.s32 s6, s0  }
0x76: {  	[tilespmem:s23], [sflag:$0x2] =	stream.linear.gather [hbm4b:s0+s4], $0x800, $0x38;
	[tilespmem:$0x13900] =	vst v63  }
0x77: {  	_ =	swait.ge [sflag:s19], $0x800  }
0x78: {  	[sflag:s19] =	ssyncset.done $0x0  }
0x79: {  	[sflag:s19] =	ssyncadd.s32 $0xFFFFF800  }
0x7a: {  	[tilespmem:s24], [sflag:$0x2] =	stream.indirect.gather [spmem:s2], $0x10, s21, s21, $0xb8;
	[tilespmem:$0x13900] =	vst v63  }
0x7b: {  	_ =	swait.ge [sflag:s19], $0x800  }
0x7c: {  	[sflag:s19] =	ssyncset.done $0x0  }
0x7d: {  	[sflag:s19] =	ssyncadd.s32 $0xFFFFF800  }
0x7e: {  	_ =	swait.ge [sflag:s25], $0x8000  }
0x7f: {  	[sflag:s25] =	ssyncset.done $0x0  }
0x80: {  	s18 =	simm.s32 $0x120;
	[sflag:s25] =	ssyncadd.s32 $0xFFFF8000  }
0x81: {  	s0 =	simm.s32 $0x920;
	v0 =	vld [tilespmem:s18+$0x10]  }
0x82: {  	v1 =	vld [tilespmem:s0+$0x10]  }
0x83: {  	v2 =	vld [tilespmem:s0+$0xFFFFFFE0]  }
0x84: {  	s20 =	simm.s32 $0x1300;
	v3 =	vld [tilespmem:s18+$0xFFFFFFF0]  }
0x85: {  	v4 =	vld [tilespmem:s20+$0x100]  }
0x86: {  	v5 =	vld [tilespmem:s20+$0x110]  }
0x87: {  	v6 =	vld [tilespmem:s0+$0xFFFFFFF0]  }
0x88: {  	v8 =	vld [tilespmem:s18+$0x0];
	v7 =	vmul.f32 v1, v0  }
0x89: {  	v1 =	vld [tilespmem:s20+$0x120]  }
0x8a: {  	v11 =	vld [tilespmem:s20+$0x130];
	v0 =	vbroadcast v7, $0x0;
	v9 =	vbroadcast v7, $0x1  }
0x8b: {  	v12 =	vld [tilespmem:s0+$0x0];
	v10 =	vbroadcast v7, $0x2  }
0x8c: {  	v16 =	vld [tilespmem:s20+$0xFFFFFF00];
	v4 =	vmul.f32 v0, v4;
	v5 =	vmul.f32 v5, v9  }
0x8d: {  	v19 =	vld [tilespmem:s20+$0xFFFFFF10];
	v0 =	vmul.f32 v6, v3  }
0x8e: {  	v35 =	vld [tilespmem:s20+$0xFFFFFF30];
	v1 =	vmul.f32 v1, v10;
	v4 =	vadd.f32 v5, v4;
	v5 =	vbroadcast v7, $0x3  }
0x8f: {  	v6 =	vld [tilespmem:s18+$0xFFFFFFE0];
	v9 =	vbroadcast v0, $0x0;
	v10 =	vbroadcast v0, $0x1  }
0x90: {  	v3 =	vld [tilespmem:s20+$0x140];
	v15 =	vbroadcast v0, $0x2;
	v32 =	vbroadcast v0, $0x3  }
0x91: {  	v40 =	vbroadcast v0, $0x5;
	v5 =	vmul.f32 v11, v5  }
0x92: {  	v4 =	vadd.f32 v1, v4;
	v11 =	vbroadcast v7, $0x4;
	v1 =	vmul.f32 v12, v8  }
0x93: {  	v9 =	vmul.f32 v9, v16;
	v10 =	vmul.f32 v19, v10  }
0x94: {  	v13 =	vld [tilespmem:s20+$0x150];
	v38 =	vmul.f32 v35, v32;
	v2 =	vmul.f32 v2, v6  }
0x95: {  	v4 =	vadd.f32 v5, v4;
	v3 =	vmul.f32 v3, v11;
	v5 =	vbroadcast v7, $0x5  }
0x96: {  	v8 =	vld [tilespmem:s20+$0x160];
	v6 =	vbroadcast v1, $0x0;
	v37 =	vbroadcast v1, $0x4  }
0x97: {  	v14 =	vld [tilespmem:s20+$0xFFFFFE00];
	v45 =	vbroadcast v1, $0x7;
	v50 =	vbroadcast v1, $0x9  }
0x98: {  	v11 =	vld [tilespmem:s20+$0x170];
	v55 =	vbroadcast v1, $0xB;
	v61 =	vbroadcast v1, $0xD  }
0x99: {  	v12 =	vld [tilespmem:s20+$0xFFFFFE10];
	v3 =	vadd.f32 v3, v4;
	v4 =	vmul.f32 v13, v5;
	v5 =	vbroadcast v7, $0x6  }
0x9a: {  	v18 =	vld [tilespmem:s20+$0x180];
	v17 =	vbroadcast v2, $0x1;
	v13 =	vbroadcast v2, $0x0  }
0x9b: {  	v20 =	vld [tilespmem:s20+$0x0];
	v3 =	vadd.f32 v4, v3;
	v4 =	vmul.f32 v8, v5;
	v5 =	vbroadcast v7, $0x7  }
0x9c: {  	v27 =	vbroadcast v2, $0x2;
	v8 =	vmul.f32 v13, v14;
	v14 =	vld [tilespmem:s20+$0x190]  }
0x9d: {  	v26 =	vld [tilespmem:s20+$0x10];
	v3 =	vadd.f32 v4, v3;
	v4 =	vmul.f32 v11, v5;
	v5 =	vbroadcast v7, $0x8  }
0x9e: {  	v9 =	vadd.f32 v10, v9;
	v10 =	vbroadcast v2, $0x3;
	v11 =	vmul.f32 v12, v17;
	v12 =	vld [tilespmem:s20+$0x1A0]  }
0x9f: {  	v28 =	vld [tilespmem:s20+$0x1B0];
	v3 =	vadd.f32 v4, v3;
	v4 =	vmul.f32 v18, v5;
	v5 =	vbroadcast v7, $0x9  }
0xa0: {  	v29 =	vld [tilespmem:s20+$0xFFFFFE20];
	v42 =	vbroadcast v2, $0x6;
	v43 =	vbroadcast v2, $0x7  }
0xa1: {  	v30 =	vld [tilespmem:s20+$0xFFFFFF20];
	v3 =	vadd.f32 v4, v3;
	v4 =	vmul.f32 v14, v5;
	v5 =	vbroadcast v7, $0xA  }
0xa2: {  	v47 =	vbroadcast v2, $0x8;
	v13 =	vbroadcast v1, $0x1;
	v14 =	vld [tilespmem:s20+$0x1C0]  }
0xa3: {  	v31 =	vld [tilespmem:s20+$0x20];
	v3 =	vadd.f32 v4, v3;
	v4 =	vmul.f32 v12, v5;
	v5 =	vbroadcast v7, $0xB  }
0xa4: {  	v6 =	vmul.f32 v6, v20;
	v12 =	vmul.f32 v26, v13;
	v13 =	vld [tilespmem:s20+$0x1D0]  }
0xa5: {  	v33 =	vld [tilespmem:s20+$0xFFFFFE30];
	v3 =	vadd.f32 v4, v3;
	v4 =	vmul.f32 v28, v5;
	v5 =	vbroadcast v7, $0xC  }
0xa6: {  	v48 =	vbroadcast v2, $0x9;
	v52 =	vbroadcast v2, $0xA;
	v6 =	vadd.f32 v12, v6;
	v12 =	vld [tilespmem:s20+$0x1E0]  }
0xa7: {  	v34 =	vld [tilespmem:s20+$0x1F0];
	v3 =	vadd.f32 v4, v3;
	v4 =	vmul.f32 v14, v5;
	v5 =	vbroadcast v7, $0xD  }
0xa8: {  	v36 =	vld [tilespmem:s20+$0xFFFFFE40];
	v8 =	vadd.f32 v11, v8;
	v11 =	vbroadcast v1, $0x2;
	v14 =	vmul.f32 v30, v15  }
0xa9: {  	v39 =	vld [tilespmem:s20+$0xFFFFFF50];
	v3 =	vadd.f32 v4, v3;
	v4 =	vmul.f32 v13, v5;
	v5 =	vbroadcast v7, $0xE  }
0xaa: {  	v41 =	vld [tilespmem:s20+$0xFFFFFE60];
	v17 =	vmul.f32 v29, v27;
	v11 =	vmul.f32 v31, v11  }
0xab: {  	v9 =	vadd.f32 v14, v9;
	v14 =	vld [tilespmem:s20+$0x30];
	v3 =	vadd.f32 v4, v3;
	v4 =	vmul.f32 v12, v5  }
0xac: {  	v44 =	vld [tilespmem:s20+$0x70];
	v8 =	vadd.f32 v17, v8;
	v5 =	vbroadcast v7, $0xF;
	v7 =	vmul.f32 v33, v10  }
0xad: {  	v15 =	vbroadcast v1, $0x3;
	v13 =	vbroadcast v2, $0x4;
	v10 =	vld [tilespmem:s20+$0xFFFFFF40]  }
0xae: {  	v3 =	vadd.f32 v4, v3;
	v4 =	vmul.f32 v34, v5;
	v5 =	vadd.f32 v7, v8;
	v7 =	vld [tilespmem:s20+$0xFFFFFE50]  }
0xaf: {  	v54 =	vbroadcast v2, $0xB;
	v57 =	vbroadcast v2, $0xC;
	v6 =	vadd.f32 v11, v6;
	v11 =	vld [tilespmem:s20+$0x40]  }
0xb0: {  	v46 =	vld [tilespmem:s20+$0xFFFFFE80];
	v14 =	vmul.f32 v14, v15;
	v15 =	vadd.f32 v4, v3;
	v3 =	vmul.f32 v36, v13  }
0xb1: {  	v12 =	vbroadcast v0, $0x4;
	v8 =	vbroadcast v2, $0x5;
	v4 =	vadd.f32 v38, v9;
	v9 =	vld [tilespmem:s20+$0x50]  }
0xb2: {  	v59 =	vbroadcast v2, $0xD;
	v18 =	vmul.f32 v39, v40;
	v3 =	vadd.f32 v3, v5;
	v5 =	vld [tilespmem:s20+$0xFFFFFF60]  }
0xb3: {  	v10 =	vmul.f32 v10, v12;
	v6 =	vadd.f32 v14, v6;
	v14 =	vld [tilespmem:s20+$0xFFFFFE70];
	v7 =	vmul.f32 v7, v8  }
0xb4: {  	v11 =	vmul.f32 v11, v37;
	v13 =	vbroadcast v1, $0x5;
	v8 =	vld [tilespmem:s20+$0x60]  }
0xb5: {  	v12 =	vbroadcast v0, $0x6;
	v4 =	vadd.f32 v10, v4;
	v3 =	vadd.f32 v7, v3;
	v7 =	vld [tilespmem:s20+$0xFFFFFF70]  }
0xb6: {  	v51 =	vld [tilespmem:s20+$0xFFFFFEA0];
	v21 =	vbroadcast v2, $0xE;
	v6 =	vadd.f32 v11, v6;
	v9 =	vmul.f32 v9, v13  }
0xb7: {  	v53 =	vld [tilespmem:s20+$0xFFFFFEB0];
	v10 =	vbroadcast v1, $0x6;
	v4 =	vadd.f32 v18, v4;
	v5 =	vmul.f32 v5, v12  }
0xb8: {  	v11 =	vbroadcast v0, $0x7;
	v13 =	vmul.f32 v41, v42;
	v6 =	vadd.f32 v9, v6;
	v9 =	vld [tilespmem:s20+$0xFFFFFF80]  }
0xb9: {  	v49 =	vmul.f32 v46, v47;
	v8 =	vmul.f32 v8, v10;
	v4 =	vadd.f32 v5, v4;
	v5 =	vld [tilespmem:s20+$0x80]  }
0xba: {  	v3 =	vadd.f32 v13, v3;
	v10 =	vmul.f32 v14, v43;
	v14 =	vld [tilespmem:s20+$0xFFFFFE90];
	v7 =	vmul.f32 v7, v11  }
0xbb: {  	v12 =	vbroadcast v0, $0x8;
	v6 =	vadd.f32 v8, v6;
	v8 =	vld [tilespmem:s20+$0xFFFFFF90];
	v11 =	vmul.f32 v44, v45  }
0xbc: {  	v13 =	vbroadcast v1, $0x8;
	v3 =	vadd.f32 v10, v3;
	v4 =	vadd.f32 v7, v4;
	v7 =	vld [tilespmem:s20+$0x90]  }
0xbd: {  	v2 =	vbroadcast v2, $0xF;
	v9 =	vmul.f32 v9, v12;
	v6 =	vadd.f32 v11, v6;
	v11 =	vld [tilespmem:s20+$0xFFFFFFA0]  }
0xbe: {  	v56 =	vld [tilespmem:s20+$0xFFFFFEC0];
	v10 =	vbroadcast v0, $0x9;
	v3 =	vadd.f32 v49, v3;
	v5 =	vmul.f32 v5, v13  }
0xbf: {  	v12 =	vbroadcast v0, $0xA;
	v13 =	vmul.f32 v14, v48;
	v4 =	vadd.f32 v9, v4;
	v9 =	vld [tilespmem:s20+$0xA0]  }
0xc0: {  	v58 =	vld [tilespmem:s20+$0xFFFFFED0];
	v14 =	vbroadcast v1, $0xA;
	v8 =	vmul.f32 v8, v10;
	v5 =	vadd.f32 v5, v6  }
0xc1: {  	v3 =	vadd.f32 v13, v3;
	v6 =	vld [tilespmem:s20+$0xFFFFFFB0];
	v13 =	vmul.f32 v51, v52;
	v7 =	vmul.f32 v7, v50  }
0xc2: {  	v10 =	vbroadcast v0, $0xB;
	v4 =	vadd.f32 v8, v4;
	v8 =	vld [tilespmem:s20+$0xB0];
	v11 =	vmul.f32 v11, v12  }
0xc3: {  	v3 =	vadd.f32 v13, v3;
	v13 =	vmul.f32 v53, v54;
	v5 =	vadd.f32 v7, v5;
	v7 =	vld [tilespmem:s20+$0xFFFFFFC0]  }
0xc4: {  	v60 =	vld [tilespmem:s20+$0xD0];
	v12 =	vbroadcast v0, $0xC;
	v9 =	vmul.f32 v9, v14  }
0xc5: {  	v4 =	vadd.f32 v11, v4;
	v11 =	vld [tilespmem:s20+$0xC0];
	v14 =	vbroadcast v1, $0xC;
	v3 =	vadd.f32 v13, v3  }
0xc6: {  	v13 =	vmul.f32 v56, v57;
	v6 =	vmul.f32 v6, v10;
	v5 =	vadd.f32 v9, v5;
	v9 =	vld [tilespmem:s20+$0xFFFFFFD0]  }
0xc7: {  	v10 =	vbroadcast v0, $0xD;
	v8 =	vmul.f32 v8, v55  }
0xc8: {  	v62 =	vld [tilespmem:s20+$0xFFFFFEE0];
	v4 =	vadd.f32 v6, v4;
	v6 =	vbroadcast v0, $0xE;
	v7 =	vmul.f32 v7, v12  }
0xc9: {  	v0 =	vbroadcast v0, $0xF;
	v8 =	vadd.f32 v8, v5;
	v12 =	vadd.f32 v13, v3;
	v3 =	vld [tilespmem:s20+$0xFFFFFFE0]  }
0xca: {  	v11 =	vmul.f32 v11, v14;
	v13 =	vmul.f32 v58, v59;
	v63 =	vadd.f32 v7, v4;
	v4 =	vld [tilespmem:s20+$0xE0]  }
0xcb: {  	v5 =	vld [tilespmem:s20+$0xFFFFFEF0];
	v14 =	vmul.f32 v60, v61;
	v9 =	vmul.f32 v9, v10  }
0xcc: {  	s1 =	simm.s32 $0x9120;
	v7 =	vbroadcast v1, $0xE;
	v11 =	vadd.f32 v11, v8;
	v10 =	vadd.f32 v13, v12;
	v8 =	vld [tilespmem:s20+$0xFFFFFFF0]  }
0xcd: {  	s9 =	simm.s32 $0x160;
	s18 =	simm.s32 $0x0;
	[tilespmem:s1+$0x10] =	vst v15;
	v13 =	vmul.f32 v62, v21;
	v1 =	vbroadcast v1, $0xF;
	v12 =	vadd.f32 v9, v63;
	v9 =	vld [tilespmem:s20+$0xF0]  }
.LBB2_5:
0xce: {  	v15 =	vld [tilespmem:s9+$0x10];
	v3 =	vmul.f32 v3, v6;
	v6 =	vadd.f32 v14, v11;
	s0 =	sadd.s32 $0x40, s0  }
0xcf: {  	s18 =	sadd.s32 $0x4, s18;
	v11 =	vld [tilespmem:s0+$0x10];
	v10 =	vadd.f32 v13, v10;
	v4 =	vmul.f32 v4, v7  }
0xd0: {  	p0 =	slt.u32 s18, $0x7C;
	v7 =	vld [tilespmem:s0+$0xFFFFFFE0];
	v2 =	vmul.f32 v5, v2;
	v3 =	vadd.f32 v3, v12  }
0xd1: {  	s20 =	sadd.s32 $0x400, s20;
	v5 =	vld [tilespmem:s9+$0xFFFFFFF0];
	v0 =	vmul.f32 v8, v0;
	v4 =	vadd.f32 v4, v6  }
0xd2: {  	v6 =	vld [tilespmem:s20+$0x100];
	v2 =	vadd.f32 v2, v10;
	v1 =	vmul.f32 v9, v1  }
0xd3: {  	v8 =	vld [tilespmem:s20+$0x110];
	v0 =	vadd.f32 v0, v3  }
0xd4: {  	v9 =	vld [tilespmem:s0+$0xFFFFFFF0];
	v3 =	vmul.f32 v11, v15;
	[tilespmem:s1+$0xFFFFFFE0] =	vst v2;
	v1 =	vadd.f32 v1, v4  }
0xd5: {  	v2 =	vld [tilespmem:s20+$0x120];
	[tilespmem:s1+$0xFFFFFFF0] =	vst v0  }
0xd6: {  	v4 =	vld [tilespmem:s9+$0x0];
	v0 =	vbroadcast v3, $0x0;
	v10 =	vbroadcast v3, $0x1;
	[tilespmem:s1+$0x0] =	vst v1  }
0xd7: {  	v1 =	vbroadcast v3, $0x2;
	v11 =	vld [tilespmem:s20+$0x130]  }
0xd8: {  	v12 =	vld [tilespmem:s0+$0x0];
	v6 =	vmul.f32 v0, v6;
	v8 =	vmul.f32 v8, v10  }
0xd9: {  	v0 =	vmul.f32 v9, v5;
	v5 =	vld [tilespmem:s20+$0x140]  }
0xda: {  	v9 =	vld [tilespmem:s9+$0xFFFFFFE0];
	v6 =	vadd.f32 v8, v6;
	v1 =	vmul.f32 v2, v1;
	v2 =	vbroadcast v3, $0x3  }
0xdb: {  	v8 =	vbroadcast v0, $0x0;
	v10 =	vbroadcast v0, $0x1;
	v13 =	vld [tilespmem:s20+$0x150]  }
0xdc: {  	v14 =	vld [tilespmem:s20+$0xFFFFFE00];
	v6 =	vadd.f32 v1, v6;
	v2 =	vmul.f32 v11, v2;
	v11 =	vbroadcast v3, $0x4  }
0xdd: {  	v15 =	vbroadcast v0, $0x2;
	v1 =	vmul.f32 v12, v4;
	v4 =	vld [tilespmem:s20+$0x160]  }
0xde: {  	v12 =	vld [tilespmem:s20+$0xFFFFFE10];
	v6 =	vadd.f32 v2, v6;
	v5 =	vmul.f32 v5, v11;
	v11 =	vbroadcast v3, $0x5  }
0xdf: {  	v2 =	vmul.f32 v7, v9;
	v7 =	vbroadcast v1, $0x0;
	v9 =	vld [tilespmem:s20+$0x170]  }
0xe0: {  	v16 =	vld [tilespmem:s20+$0xFFFFFF00];
	v5 =	vadd.f32 v5, v6;
	v6 =	vmul.f32 v13, v11;
	v11 =	vbroadcast v3, $0x6  }
0xe1: {  	v13 =	vbroadcast v2, $0x0;
	v17 =	vbroadcast v2, $0x1;
	v18 =	vld [tilespmem:s20+$0x180]  }
0xe2: {  	v19 =	vld [tilespmem:s20+$0xFFFFFF10];
	v5 =	vadd.f32 v6, v5;
	v4 =	vmul.f32 v4, v11;
	v6 =	vbroadcast v3, $0x7  }
0xe3: {  	v11 =	vmul.f32 v13, v14;
	v13 =	vbroadcast v1, $0x1;
	v14 =	vld [tilespmem:s20+$0x190]  }
0xe4: {  	v20 =	vld [tilespmem:s20+$0x0];
	v4 =	vadd.f32 v4, v5;
	v5 =	vmul.f32 v9, v6;
	v6 =	vbroadcast v3, $0x8  }
0xe5: {  	v9 =	vmul.f32 v12, v17;
	v8 =	vmul.f32 v8, v16;
	v12 =	vld [tilespmem:s20+$0x1A0]  }
0xe6: {  	v16 =	vld [tilespmem:s20+$0x10];
	v4 =	vadd.f32 v5, v4;
	v5 =	vmul.f32 v18, v6;
	v6 =	vbroadcast v3, $0x9  }
0xe7: {  	v9 =	vadd.f32 v9, v11;
	v11 =	vbroadcast v2, $0x2;
	v10 =	vmul.f32 v19, v10;
	v17 =	vld [tilespmem:s20+$0x1B0]  }
0xe8: {  	v18 =	vld [tilespmem:s20+$0xFFFFFE20];
	v4 =	vadd.f32 v5, v4;
	v5 =	vmul.f32 v14, v6;
	v6 =	vbroadcast v3, $0xA  }
0xe9: {  	v8 =	vadd.f32 v10, v8;
	v7 =	vmul.f32 v7, v20;
	v10 =	vbroadcast v1, $0x2;
	v14 =	vld [tilespmem:s20+$0x1C0]  }
0xea: {  	v19 =	vld [tilespmem:s20+$0xFFFFFF20];
	v4 =	vadd.f32 v5, v4;
	v5 =	vmul.f32 v12, v6;
	v6 =	vbroadcast v3, $0xB  }
0xeb: {  	v12 =	vbroadcast v2, $0x3;
	v13 =	vmul.f32 v16, v13;
	v16 =	vld [tilespmem:s20+$0x1D0]  }
0xec: {  	v20 =	vld [tilespmem:s20+$0x20];
	v4 =	vadd.f32 v5, v4;
	v5 =	vmul.f32 v17, v6;
	v6 =	vbroadcast v3, $0xC  }
0xed: {  	v17 =	vbroadcast v0, $0x3;
	v11 =	vmul.f32 v18, v11;
	v7 =	vadd.f32 v13, v7;
	v13 =	vld [tilespmem:s20+$0x1E0]  }
0xee: {  	v18 =	vld [tilespmem:s20+$0xFFFFFE30];
	v4 =	vadd.f32 v5, v4;
	v5 =	vmul.f32 v14, v6;
	v6 =	vbroadcast v3, $0xD  }
0xef: {  	v14 =	vbroadcast v1, $0x3;
	v9 =	vadd.f32 v11, v9;
	v11 =	vmul.f32 v19, v15;
	v15 =	vld [tilespmem:s20+$0x1F0]  }
0xf0: {  	v19 =	vld [tilespmem:s20+$0xFFFFFF30];
	v4 =	vadd.f32 v5, v4;
	v5 =	vmul.f32 v16, v6;
	v6 =	vbroadcast v3, $0xE  }
0xf1: {  	v16 =	vbroadcast v2, $0x4;
	v8 =	vadd.f32 v11, v8;
	v10 =	vmul.f32 v20, v10;
	v11 =	vld [tilespmem:s20+$0x30]  }
0xf2: {  	v3 =	vbroadcast v3, $0xF;
	v20 =	vld [tilespmem:s20+$0xFFFFFE40];
	v4 =	vadd.f32 v5, v4;
	v5 =	vmul.f32 v13, v6  }
0xf3: {  	v13 =	vbroadcast v0, $0x4;
	v6 =	vmul.f32 v18, v12;
	v12 =	vld [tilespmem:s20+$0xFFFFFF40];
	v7 =	vadd.f32 v10, v7  }
0xf4: {  	v18 =	vbroadcast v1, $0x4;
	v10 =	vld [tilespmem:s20+$0x40];
	v4 =	vadd.f32 v5, v4;
	v3 =	vmul.f32 v15, v3  }
0xf5: {  	v5 =	vadd.f32 v6, v9;
	v6 =	vld [tilespmem:s20+$0xFFFFFE50];
	v9 =	vbroadcast v2, $0x5;
	v15 =	vmul.f32 v19, v17  }
0xf6: {  	v19 =	vbroadcast v0, $0x5;
	v17 =	vld [tilespmem:s20+$0xFFFFFF50];
	v11 =	vmul.f32 v11, v14;
	v3 =	vadd.f32 v3, v4  }
0xf7: {  	s1 =	sadd.s32 $0x40, s1;
	v4 =	vmul.f32 v20, v16;
	v8 =	vadd.f32 v15, v8;
	v14 =	vld [tilespmem:s20+$0x50];
	v15 =	vbroadcast v1, $0x5  }
0xf8: {  	v20 =	vbroadcast v2, $0x6;
	v16 =	vld [tilespmem:s20+$0xFFFFFE60];
	v12 =	vmul.f32 v12, v13;
	v7 =	vadd.f32 v11, v7;
	[tilespmem:s1+$0x10] =	vst v3  }
0xf9: {  	v3 =	vadd.f32 v4, v5;
	v4 =	vld [tilespmem:s20+$0xFFFFFF60];
	v5 =	vbroadcast v0, $0x6;
	v10 =	vmul.f32 v10, v18  }
0xfa: {  	v11 =	vbroadcast v1, $0x6;
	v6 =	vmul.f32 v6, v9;
	v8 =	vadd.f32 v12, v8;
	v9 =	vld [tilespmem:s20+$0x60]  }
0xfb: {  	v13 =	vbroadcast v2, $0x7;
	v12 =	vld [tilespmem:s20+$0xFFFFFE70];
	v17 =	vmul.f32 v17, v19;
	v7 =	vadd.f32 v10, v7  }
0xfc: {  	v10 =	vbroadcast v0, $0x7;
	v3 =	vadd.f32 v6, v3;
	v6 =	vld [tilespmem:s20+$0xFFFFFF70];
	v14 =	vmul.f32 v14, v15  }
0xfd: {  	v15 =	vmul.f32 v16, v20;
	v8 =	vadd.f32 v17, v8;
	v16 =	vld [tilespmem:s20+$0x70];
	v17 =	vbroadcast v1, $0x7  }
0xfe: {  	v19 =	vbroadcast v2, $0x8;
	v18 =	vld [tilespmem:s20+$0xFFFFFE80];
	v4 =	vmul.f32 v4, v5;
	v5 =	vadd.f32 v14, v7  }
0xff: {  	v14 =	vbroadcast v0, $0x8;
	v3 =	vadd.f32 v15, v3;
	v7 =	vld [tilespmem:s20+$0xFFFFFF80];
	v9 =	vmul.f32 v9, v11  }
0x100: {  	v11 =	vmul.f32 v12, v13;
	v4 =	vadd.f32 v4, v8;
	v8 =	vld [tilespmem:s20+$0x80];
	v12 =	vbroadcast v1, $0x8  }
0x101: {  	v15 =	vbroadcast v2, $0x9;
	v13 =	vld [tilespmem:s20+$0xFFFFFE90];
	v6 =	vmul.f32 v6, v10;
	v5 =	vadd.f32 v9, v5  }
0x102: {  	v10 =	vbroadcast v0, $0x9;
	v3 =	vadd.f32 v11, v3;
	v9 =	vld [tilespmem:s20+$0xFFFFFF90];
	v11 =	vmul.f32 v16, v17  }
0x103: {  	v17 =	vbroadcast v1, $0x9;
	v16 =	vmul.f32 v18, v19;
	v4 =	vadd.f32 v6, v4;
	v6 =	vld [tilespmem:s20+$0x90]  }
0x104: {  	v19 =	vbroadcast v2, $0xA;
	v18 =	vld [tilespmem:s20+$0xFFFFFEA0];
	v7 =	vmul.f32 v7, v14;
	v5 =	vadd.f32 v11, v5  }
0x105: {  	v14 =	vbroadcast v0, $0xA;
	v3 =	vadd.f32 v16, v3;
	v11 =	vld [tilespmem:s20+$0xFFFFFFA0];
	v8 =	vmul.f32 v8, v12  }
0x106: {  	v12 =	vmul.f32 v13, v15;
	v4 =	vadd.f32 v7, v4;
	v7 =	vld [tilespmem:s20+$0xA0];
	v13 =	vbroadcast v1, $0xA  }
0x107: {  	v16 =	vbroadcast v2, $0xB;
	v15 =	vld [tilespmem:s20+$0xFFFFFEB0];
	v9 =	vmul.f32 v9, v10;
	v5 =	vadd.f32 v8, v5  }
0x108: {  	v10 =	vbroadcast v0, $0xB;
	v3 =	vadd.f32 v12, v3;
	v8 =	vld [tilespmem:s20+$0xFFFFFFB0];
	v6 =	vmul.f32 v6, v17  }
0x109: {  	v17 =	vbroadcast v1, $0xB;
	v12 =	vmul.f32 v18, v19;
	v4 =	vadd.f32 v9, v4;
	v9 =	vld [tilespmem:s20+$0xB0]  }
0x10a: {  	v19 =	vbroadcast v2, $0xC;
	v18 =	vld [tilespmem:s20+$0xFFFFFEC0];
	v11 =	vmul.f32 v11, v14;
	v5 =	vadd.f32 v6, v5  }
0x10b: {  	v3 =	vadd.f32 v12, v3;
	v6 =	vld [tilespmem:s20+$0xFFFFFFC0];
	v12 =	vbroadcast v0, $0xC;
	v7 =	vmul.f32 v7, v13  }
0x10c: {  	v14 =	vbroadcast v1, $0xC;
	v13 =	vmul.f32 v15, v16;
	v4 =	vadd.f32 v11, v4;
	v11 =	vld [tilespmem:s20+$0xC0]  }
0x10d: {  	v16 =	vbroadcast v2, $0xD;
	v15 =	vld [tilespmem:s20+$0xFFFFFED0];
	v8 =	vmul.f32 v8, v10;
	v5 =	vadd.f32 v7, v5  }
0x10e: {  	v3 =	vadd.f32 v13, v3;
	v10 =	vld [tilespmem:s20+$0xFFFFFFD0];
	v13 =	vbroadcast v0, $0xD;
	v7 =	vmul.f32 v9, v17  }
0x10f: {  	v9 =	vmul.f32 v18, v19;
	v4 =	vadd.f32 v8, v4;
	v17 =	vld [tilespmem:s20+$0xD0];
	v18 =	vbroadcast v1, $0xD  }
0x110: {  	v20 =	vbroadcast v2, $0xE;
	v19 =	vld [tilespmem:s20+$0xFFFFFEE0];
	v8 =	vmul.f32 v6, v12;
	v12 =	vadd.f32 v7, v5  }
.Ltmp1:
0x111: {  	v6 =	vbroadcast v0, $0xE;
	v9 =	vadd.f32 v9, v3;
	v3 =	vld [tilespmem:s20+$0xFFFFFFE0];
	v11 =	vmul.f32 v11, v14;
	(pc) =	sbr.rel @p0 .LBB2_5-.Ltmp1, $4  }
0x112: {  	v7 =	vbroadcast v1, $0xE;
	v14 =	vmul.f32 v15, v16;
	v15 =	vadd.f32 v8, v4;
	v4 =	vld [tilespmem:s20+$0xE0]  }
0x113: {  	v2 =	vbroadcast v2, $0xF;
	v5 =	vld [tilespmem:s20+$0xFFFFFEF0];
	v16 =	vmul.f32 v10, v13;
	v11 =	vadd.f32 v11, v12  }
0x114: {  	v0 =	vbroadcast v0, $0xF;
	v10 =	vadd.f32 v14, v9;
	v8 =	vld [tilespmem:s20+$0xFFFFFFF0];
	v14 =	vmul.f32 v17, v18  }
0x115: {  	s9 =	sadd.s32 $0x40, s9;
	v1 =	vbroadcast v1, $0xF;
	v13 =	vmul.f32 v19, v20;
	v12 =	vadd.f32 v16, v15;
	v9 =	vld [tilespmem:s20+$0xF0]  }
0x116: {  	_ = 	snop  }
0x117: {  	v3 =	vmul.f32 v3, v6;
	v63 =	vadd.f32 v14, v11  }
0x118: {  	v10 =	vadd.f32 v13, v10;
	v4 =	vmul.f32 v4, v7;
	v2 =	vmul.f32 v5, v2  }
0x119: {  	v3 =	vadd.f32 v3, v12;
	v0 =	vmul.f32 v8, v0  }
0x11a: {  	v4 =	vadd.f32 v4, v63;
	v2 =	vadd.f32 v2, v10;
	v1 =	vmul.f32 v9, v1  }
0x11b: {  	v0 =	vadd.f32 v0, v3  }
0x11c: {  	s31 =	sadd.s32 $0x1, s31;
	[tilespmem:s1+$0xFFFFFFE0] =	vst v2;
	v1 =	vadd.f32 v1, v4  }
0x11d: {  	p0 =	sne.s32 s31, s13;
	[tilespmem:s1+$0xFFFFFFF0] =	vst v0  }
.Ltmp2:
0x11e: {  	[tilespmem:s1+$0x0] =	vst v1;
	(pc) =	sbr.rel @p0 .LBB2_4-.Ltmp2, $4  }
0x11f: {  	[spmem:s3] =	stream.indirect.scatter.add.f32 [tilespmem:s26], [sflag:$0x2], $0x10, s21, s21, $0xb8;
	[tilespmem:$0x13900] =	vst v63  }
0x120: {  	_ =	swait.ge [sflag:s19], $0x800  }
0x121: {  	[sflag:s19] =	ssyncset.done $0x0  }
0x122: {  	[sflag:s19] =	ssyncadd.s32 $0xFFFFF800  }
0x123: {  	s28 =	sadd.s32 $0x1, s28  }
0x124: {  	p0 =	sne.s32 s28, s17  }
.Ltmp3:
0x125: {  	[bflag:$0x0] =	sbarrier.arrive $0xFFFF;
	(pc) =	sbr.rel @p0 .LBB2_1-.Ltmp3, $4  }
0x126: {  	[hbm:s16], [sflag:s29] =	dma.local [spmem:s30], $0x500  }
0x127: {  	_ =	swait.ge [sflag:s19], $0x500  }
0x128: {  	[sflag:s19] =	ssyncset.done $0x0  }
0x129: {  	s29 =	simm.s32 $0x9900;
	[sflag:s19] =	ssyncadd.s32 $0xFFFFFB00  }
0x12a: {  	_ =	sfence.sel $0x180000  }
0x12b: {  	[bflag:$0x0] =	sbarrier.arrive $0xFFFF  }
0x12c: {  	_ =	strace $0x90000056  }
0x12d: {  	s0 =	stileid.u32;
	[bflag:$0x2] =	sbarrier.arrive $0xFFFF  }
0x12e: {  	p0 =	sne.s32 s0, $0x0;
	s0 =	rddreg [dreg:$0x3]  }
0x12f: {  	s0 =	sadd.s32 @!p0 $0x100000, s0  }
0x130: {  	[sflag:s0] =	ssyncadd.tile.s32 @!p0 $0x1;
	_ =	shalt  }
.Lfunc_end2:
_tile_overlayer_lowered:
.L_overlay_start_2:
0x131: {  	(tag) =	ssettag $0x2  }
0x132: {  	s0 =	rddreg [dreg:$0x0];
	s2 =	stileid.u32  }
0x133: {  	s1 =	rddreg [dreg:$0x1];
	p0 =	sne.s32 s2, $0x0  }
0x134: {  	s3 =	rddreg [dreg:$0x2];
	[bflag:$0x3] =	sbarrier.arrive $0xFFFF;
	s2 =	simm.s32 @!p0 $0x1C02  }
0x135: {  	[timem:s3], [sflag:s2] =	dma.local @!p0 [hbm:s0], s1  }
0x136: {  	s0 =	simm.s32 @!p0 $0x2  }
0x137: {  	_ =	swait.ge @!p0 [sflag:s0], s1  }
0x138: {  	s1 =	ssub.s32 @!p0 $0x0, s1;
	[sflag:s0] =	ssyncset.done @!p0 $0x0  }
0x139: {  	[sflag:s0] =	ssyncadd.s32 @!p0 s1  }
0x13a: {  	[bflag:$0x3] =	sbarrier.arrive $0xFFFF  }
0x13b: {  	_ =	shalt  }

</sc_bundles>
